<compile_context>
chip_gen: v7x
topology: tpu7x:2x2x1
jax: 0.10.2.dev20260603
libtpu: 0.0.44.dev20260713+nightly
codegen_flags: <defaults>
</compile_context>

<pallas_src>
import functools

import jax
import jax.numpy as jnp
from jax import lax
from jax.experimental import pallas as pl
from jax.experimental.pallas import tpu as pltpu
from jax.experimental.pallas import tpu_sc as plsc

B = 128
N = 8732
NPAD = 8736
FULL = N // 16
TAIL = N - FULL * 16
NWORK = 32
RPW = B // NWORK
NB = 552
NSTEPS = 16


def _lanes():
    return lax.broadcasted_iota(jnp.int32, (16,), 0)


def _ce16(a, b, g):
    s = jnp.where(g == 0, b - a, a - b)
    u = jnp.exp(-jnp.abs(s))
    z = u / (2.0 + u)
    z2 = z * z
    lp = 2.0 * z * (1.0 + z2 * (1.0 / 3.0 + z2 * (
        1.0 / 5.0 + z2 * (1.0 / 7.0 + z2 * (1.0 / 9.0)))))
    return jnp.maximum(s, 0.0) + lp


def _sc_body(pconf_flat, glabel_flat, out_hbm, a_v, b_v, gl_v, closs_v,
             conneg_v, stage_v, sel_s, dma_sem):
    wid = lax.axis_index("s") * 2 + lax.axis_index("c")
    lanes = _lanes()
    zf = jnp.zeros((16,), jnp.float32)
    zi = jnp.zeros((16,), jnp.int32)
    conf_vec = jnp.zeros((16,), jnp.float32)

    for j in range(RPW):
        row = wid * RPW + j
        pbase = pl.multiple_of(row * (2 * N), 8)
        bbase = pl.multiple_of(row * (2 * N) + N - 4, 8)
        graw = row * N
        goff = lax.rem(graw, 8)
        gbase = pl.multiple_of(graw - goff, 8)
        cp_a = pltpu.async_copy(pconf_flat.at[pl.ds(pbase, NPAD)],
                                a_v.at[pl.ds(0, NPAD)], dma_sem)
        cp_b = pltpu.async_copy(pconf_flat.at[pl.ds(bbase, NPAD)],
                                b_v.at[pl.ds(0, NPAD)], dma_sem)
        cp_g = pltpu.async_copy(glabel_flat.at[pl.ds(gbase, NPAD)],
                                gl_v.at[pl.ds(0, NPAD)], dma_sem)
        cp_a.wait()
        cp_b.wait()
        cp_g.wait()

        def loads(i):
            a = a_v[pl.ds(i * 16, 16)]
            b = b_v[pl.ds(i * 16 + 4, 16)]
            g = gl_v[pl.ds(i * 16 + goff, 16)]
            return a, b, g

        def ce_chunk(i, carry):
            tot, pos, npos = carry
            a, b, g = loads(i)
            closs = _ce16(a, b, g)
            posm = g > 0
            return (tot + closs,
                    pos + jnp.where(posm, closs, 0.0),
                    npos + posm.astype(jnp.int32))

        tot, pos, npos = lax.fori_loop(0, FULL, ce_chunk, (zf, zf, zi))
        a, b, g = loads(FULL)
        valid = lanes < TAIL
        closs_t = jnp.where(valid, _ce16(a, b, g), 0.0)
        posm_t = jnp.logical_and(valid, g > 0)
        tot_s = jnp.sum(tot + closs_t)
        pos_s = jnp.sum(pos + jnp.where(posm_t, closs_t, 0.0))
        npos_s = jnp.sum(npos + posm_t.astype(jnp.int32))
        K = jnp.minimum(3 * npos_s, N)

        @pl.when(K >= N)
        def _():
            sel_s[0] = tot_s

        @pl.when(K < N)
        def _():
            def fill_chunk(i, pcnt):
                a, b, g = loads(i)
                closs = _ce16(a, b, g)
                v = jnp.logical_or(i < FULL, lanes < TAIL)
                closs = jnp.where(v, closs, 0.0)
                cn = jnp.where(jnp.logical_or(g > 0, jnp.logical_not(v)),
                               0.0, closs)
                sl = pl.ds(i * 16, 16)
                closs_v[sl] = closs
                conneg_v[sl] = cn
                return pcnt + (cn > 0.0).astype(jnp.int32)

            pcnt_s = jnp.sum(lax.fori_loop(0, FULL + 1, fill_chunk, zi))

            @pl.when(K <= pcnt_s)
            def _():
                def count_gt(t):
                    def cbody(i, acc):
                        bits = plsc.bitcast(conneg_v[pl.ds(i * 16, 16)],
                                            jnp.int32)
                        return acc + (bits > t).astype(jnp.int32)
                    return jnp.sum(lax.fori_loop(0, FULL + 1, cbody, zi))

                def vstep(_, lohi):
                    lo, hi = lohi
                    mid = lo + (hi - lo) // 2
                    take = count_gt(mid) < K
                    return (jnp.where(take, lo, mid + 1),
                            jnp.where(take, mid, hi))

                lo, hi = lax.fori_loop(
                    0, 31, vstep,
                    (jnp.int32(0), jnp.int32((1 << 31) - 1)))
                v = lo

                def gt_sums(i, carry):
                    cnt, sm = carry
                    cn = conneg_v[pl.ds(i * 16, 16)]
                    gt = plsc.bitcast(cn, jnp.int32) > v
                    return (cnt + gt.astype(jnp.int32),
                            sm + jnp.where(gt, cn, 0.0))

                cnt_gt, sum_gt = lax.fori_loop(0, FULL + 1, gt_sums,
                                               (zi, zf))
                cnt_gt_s = jnp.sum(cnt_gt)
                sum_gt_s = jnp.sum(sum_gt)
                thr_vec = plsc.bitcast(jnp.full((16,), v, jnp.int32),
                                       jnp.float32)
                thr_s = jnp.sum(jnp.where(lanes == 0, thr_vec, 0.0))
                ties = (K - cnt_gt_s).astype(jnp.float32)
                sel_s[0] = sum_gt_s + jnp.where(ties > 0, ties * thr_s,
                                                0.0)

            @pl.when(K > pcnt_s)
            def _():
                m = K - pcnt_s

                def count_zlt(p):
                    def cbody(i, acc):
                        cn = conneg_v[pl.ds(i * 16, 16)]
                        idx = i * 16 + lanes
                        ok = jnp.logical_and(cn == 0.0, idx < p)
                        ok = jnp.logical_and(ok, idx < N)
                        return acc + ok.astype(jnp.int32)
                    return jnp.sum(lax.fori_loop(0, FULL + 1, cbody, zi))

                def istep(_, lohi):
                    lo, hi = lohi
                    mid = lo + (hi - lo) // 2
                    take = count_zlt(mid) >= m
                    return (jnp.where(take, lo, mid + 1),
                            jnp.where(take, mid, hi))

                lo, hi = lax.fori_loop(0, 14, istep,
                                       (jnp.int32(0), jnp.int32(N)))
                p = lo

                def zbody(i, acc):
                    sl = pl.ds(i * 16, 16)
                    cn = conneg_v[sl]
                    idx = i * 16 + lanes
                    ok = jnp.logical_and(cn == 0.0, idx < p)
                    ok = jnp.logical_and(ok, idx < N)
                    return acc + jnp.where(ok, closs_v[sl], 0.0)

                zero_part = jnp.sum(lax.fori_loop(0, FULL + 1, zbody, zf))
                sel_s[0] = (tot_s - pos_s) + zero_part

        conf_row = pos_s + sel_s[0]
        nposf = npos_s.astype(jnp.float32)
        conf_vec = jnp.where(lanes == j, conf_row, conf_vec)
        conf_vec = jnp.where(lanes == RPW + j, nposf, conf_vec)

    stage_v[...] = conf_vec
    pltpu.sync_copy(stage_v, out_hbm.at[wid])


SLAB = 273


def _sc_fast_body(pconf_pf, glab_pf, out_hbm, slab_v, gl_v, acc_v, stage_v,
                  dma_sem):
    wid = lax.axis_index("s") * 2 + lax.axis_index("c")
    nlo = wid * SLAB
    nn = jnp.minimum(SLAB, N - nlo)

    pb = pl.multiple_of(nlo * (2 * B), 8)
    gb = pl.multiple_of(nlo * B, 8)

    @pl.when(wid < NWORK - 1)
    def _():
        pltpu.async_copy(pconf_pf.at[pl.ds(pb, SLAB * 2 * B)],
                         slab_v.at[pl.ds(0, SLAB * 2 * B)], dma_sem).wait()
        pltpu.async_copy(glab_pf.at[pl.ds(gb, SLAB * B)],
                         gl_v.at[pl.ds(0, SLAB * B)], dma_sem).wait()

    LAST = N - (NWORK - 1) * SLAB

    @pl.when(wid == NWORK - 1)
    def _():
        pltpu.async_copy(pconf_pf.at[pl.ds(pb, LAST * 2 * B)],
                         slab_v.at[pl.ds(0, LAST * 2 * B)], dma_sem).wait()
        pltpu.async_copy(glab_pf.at[pl.ds(gb, LAST * B)],
                         gl_v.at[pl.ds(0, LAST * B)], dma_sem).wait()

    NCH = B // 16

    def nbody(n, carry):
        pbase = n * (2 * B)
        gbase = n * B
        out = []
        for bc in range(NCH):
            tot, pos, cnt = carry[bc], carry[NCH + bc], carry[2 * NCH + bc]
            a = slab_v[pl.ds(pbase + bc * 16, 16)]
            b = slab_v[pl.ds(pbase + B + bc * 16, 16)]
            g = gl_v[pl.ds(gbase + bc * 16, 16)]
            closs = _ce16(a, b, g)
            posm = g > 0
            out.append((tot + closs, pos + jnp.where(posm, closs, 0.0),
                        cnt + jnp.where(posm, 1.0, 0.0)))
        return tuple(x[0] for x in out) + tuple(x[1] for x in out) + \
            tuple(x[2] for x in out)

    zf = jnp.zeros((16,), jnp.float32)
    accs = lax.fori_loop(0, nn, nbody, (zf,) * (3 * NCH))
    for i in range(3 * NCH):
        acc_v[pl.ds(i * 16, 16)] = accs[i]
    pltpu.sync_copy(acc_v, out_hbm.at[wid])


def _sc_partials(pconf_pf, glab_pf):
    mesh = plsc.VectorSubcoreMesh(core_axis_name="c", subcore_axis_name="s")
    kern = functools.partial(
        pl.kernel,
        out_type=jax.ShapeDtypeStruct((NWORK, 3 * B), jnp.float32),
        mesh=mesh,
        scratch_types=[
            pltpu.VMEM((SLAB * 2 * B,), jnp.float32),
            pltpu.VMEM((SLAB * B,), jnp.int32),
            pltpu.VMEM((3 * B,), jnp.float32),
            pltpu.VMEM((16,), jnp.float32),
            pltpu.SemaphoreType.DMA,
        ],
        compiler_params=pltpu.CompilerParams(needs_layout_passes=False),
    )(_sc_fast_body)
    return kern(pconf_pf, glab_pf)


def _sc_conf(pconf_flat, glabel_flat):
    mesh = plsc.VectorSubcoreMesh(core_axis_name="c", subcore_axis_name="s")
    kern = functools.partial(
        pl.kernel,
        out_type=jax.ShapeDtypeStruct((NWORK, 16), jnp.float32),
        mesh=mesh,
        scratch_types=[
            pltpu.VMEM((NPAD + 16,), jnp.float32),
            pltpu.VMEM((NPAD + 16,), jnp.float32),
            pltpu.VMEM((NPAD + 16,), jnp.int32),
            pltpu.VMEM((NPAD,), jnp.float32),
            pltpu.VMEM((NPAD,), jnp.float32),
            pltpu.VMEM((16,), jnp.float32),
            pltpu.SMEM((1,), jnp.float32),
            pltpu.SemaphoreType.DMA,
        ],
        compiler_params=pltpu.CompilerParams(needs_layout_passes=False),
    )(_sc_body)
    return kern(pconf_flat, glabel_flat)


def _tc_loc_body(ploc_ref, gloc_ref, glabel_ref, dxy_ref, dden_ref, out_ref):
    step = pl.program_id(0)
    nidx = step * NB + lax.broadcasted_iota(jnp.int32, (NB, B), 0)
    glabel = glabel_ref[...]
    maskf = jnp.where((glabel > 0) & (nidx < N), 1.0, 0.0)
    mask3 = maskf.reshape(NB, 1, B)

    g = gloc_ref[...]
    p = ploc_ref[...]
    rec = 1.0 / dden_ref[...]
    t = g * rec
    iswh = lax.broadcasted_iota(jnp.int32, (NB, 4, 1), 1) >= 2
    off = jnp.where(iswh, jnp.log(t), t - dxy_ref[...] * rec)
    ad = jnp.abs(p - off)
    m = jnp.minimum(ad, 1.0)
    l1 = m * (ad - 0.5 * m)
    part = jnp.sum(mask3 * l1, axis=(0, 1)).reshape(1, B)

    @pl.when(step == 0)
    def _():
        out_ref[...] = jnp.zeros((1, B), jnp.float32)

    out_ref[...] += part


def _combine_body(loc_ref, conf_ref, npos_ref, out_ref):
    loc = loc_ref[...]
    conf = conf_ref[...]
    nposf = npos_ref[...]
    total = loc + conf
    num_mask = (nposf > 0).astype(jnp.float32)
    scaled = total * num_mask / jnp.maximum(nposf, 1e-6)
    out_ref[...] = jnp.sum(scaled, axis=(0, 1), keepdims=True) * (1.0 / B)


@jax.jit
def kernel(ploc, pconf, gloc, glabel, dboxes):
    glabel32 = glabel.astype(jnp.int32)

    pconf_pf = jnp.transpose(pconf, (2, 1, 0)).reshape(-1)
    glab_pf = jnp.transpose(glabel32, (1, 0)).reshape(-1)
    part = _sc_partials(pconf_pf, glab_pf)
    tot_g = jnp.sum(part[:, 0:B], axis=0, keepdims=True)
    pos_g = jnp.sum(part[:, B:2 * B], axis=0, keepdims=True)
    npos_g = jnp.sum(part[:, 2 * B:], axis=0, keepdims=True)
    slow = jnp.any(3.0 * npos_g < float(N))

    def _slow_conf():
        sc_out = _sc_conf(pconf.reshape(-1), glabel32.reshape(-1))
        return sc_out[:, :RPW].reshape(1, B)

    conf_r = lax.cond(slow, _slow_conf, lambda: pos_g + tot_g)

    ploc_phys = jnp.transpose(ploc, (2, 1, 0))
    gloc_phys = jnp.transpose(gloc, (1, 2, 0))
    glab_phys = jnp.transpose(glabel32, (1, 0))
    dxy3 = dboxes.reshape(N, 4, 1)
    dden3 = jnp.concatenate([dboxes[:, 2:], dboxes[:, 2:]],
                            axis=1).reshape(N, 4, 1)

    loc = pl.pallas_call(
        _tc_loc_body,
        grid=(NSTEPS,),
        in_specs=[
            pl.BlockSpec((NB, 4, B), lambda i: (i, 0, 0)),
            pl.BlockSpec((NB, 4, B), lambda i: (i, 0, 0)),
            pl.BlockSpec((NB, B), lambda i: (i, 0)),
            pl.BlockSpec((NB, 4, 1), lambda i: (i, 0, 0)),
            pl.BlockSpec((NB, 4, 1), lambda i: (i, 0, 0)),
        ],
        out_specs=pl.BlockSpec((1, B), lambda i: (0, 0)),
        out_shape=jax.ShapeDtypeStruct((1, B), jnp.float32),
        compiler_params=pltpu.CompilerParams(
            dimension_semantics=("arbitrary",)),
    )(ploc_phys, gloc_phys, glab_phys, dxy3, dden3)

    out = pl.pallas_call(
        _combine_body,
        in_specs=[
            pl.BlockSpec((1, B), lambda: (0, 0)),
            pl.BlockSpec((1, B), lambda: (0, 0)),
            pl.BlockSpec((1, B), lambda: (0, 0)),
        ],
        out_specs=pl.BlockSpec((1, 1), lambda: (0, 0)),
        out_shape=jax.ShapeDtypeStruct((1, 1), jnp.float32),
    )(loc, conf_r, npos_g)
    return out[0, 0]

# --- scband reference (transcript-rebuilt; emitter-appended) ---
"""Pipeline reference for scband-multi-box-loss-58926951301823 (READ-ONLY COPY).

The authoritative reference and input builder live on the scoring server;
editing this copy changes nothing except your own understanding.
"""

import jax, jax.numpy as jnp
import numpy as np

B = 128
N = 8732


def point_form(boxes):
    # (cx, cy, w, h) -> (xmin, ymin, xmax, ymax)
    return jnp.concatenate([boxes[:, :2] - boxes[:, 2:] / 2.0,
                            boxes[:, :2] + boxes[:, 2:] / 2.0], axis=1)


def setup_inputs(seed: int = 0) -> dict:
    key = jax.random.key(seed)
    k1, k2, k3, k4, k5, k6 = jax.random.split(key, 6)
    ploc = jax.random.normal(k1, (B, 4, N), dtype=jnp.float32)
    pconf = jax.random.normal(k2, (B, 2, N), dtype=jnp.float32)
    # ground-truth boxes: positive w/h required for log()
    gloc = jax.random.uniform(k3, (B, N, 4), dtype=jnp.float32, minval=1e-3, maxval=1.0)
    glabel = jax.random.randint(k4, (B, N), 0, 2).astype(jnp.int64)
    # default boxes in (cx, cy, w, h), converted by point_form in __init__
    centers = jax.random.uniform(k5, (N, 2), dtype=jnp.float32, minval=0.2, maxval=0.8)
    wh = jax.random.uniform(k6, (N, 2), dtype=jnp.float32, minval=0.1, maxval=0.5)
    dboxes = point_form(jnp.concatenate([centers, wh], axis=1))  # [N, 4]
    return {"ploc": ploc, "pconf": pconf, "gloc": gloc, "glabel": glabel, "dboxes": dboxes}


def reference(ploc, pconf, gloc, glabel, dboxes):
    ploc = jnp.swapaxes(ploc, 1, 2)  # [B, N, 4]
    mask = glabel > 0
    num_pos = mask.sum(axis=1)

    # _to_offsets
    dxy = dboxes[None, :, :2]
    dwh = dboxes[None, :, 2:]
    gxy = (gloc[:, :, :2] - dxy) / dwh
    gwh = jnp.log(gloc[:, :, 2:] / dwh)
    gloc_offset = jnp.concatenate([gxy, gwh], axis=2)

    # SmoothL1 (beta=1, reduction='none')
    diff = ploc - gloc_offset
    ad = jnp.abs(diff)
    loc_loss = jnp.where(ad < 1.0, 0.5 * ad * ad, ad - 0.5)
    loc_loss = loc_loss.sum(axis=2)
    loc_loss = (mask.astype(jnp.float32) * loc_loss).sum(axis=1)

    # CrossEntropy over class dim=1, reduction='none'
    logsm = jax.nn.log_softmax(pconf, axis=1)
    closs = -jnp.take_along_axis(logsm, glabel[:, None, :], axis=1)[:, 0, :]  # [B, N]

    # hard negative mining
    con_neg = jnp.where(mask, 0.0, closs)
    con_idx = jnp.argsort(-con_neg, axis=1)  # descending sort indices
    con_rank = jnp.argsort(con_idx, axis=1)
    neg_num = jnp.clip(3 * num_pos, None, mask.shape[1])[:, None]
    neg_mask = con_rank < neg_num
    con_loss = (closs * (mask.astype(jnp.float32) + neg_mask.astype(jnp.float32))).sum(axis=1)

    total_loss = loc_loss + con_loss
    num_mask = (num_pos > 0).astype(jnp.float32)
    num_posf = jnp.clip(num_pos.astype(jnp.float32), 1e-6, None)
    return (total_loss * num_mask / num_posf).mean(axis=0)

if __name__ == "__main__":
    import jax
    _d = setup_inputs()
    print(jax.jit(kernel)(*tuple(_d.values())))

</pallas_src>

<mosaic_0001>
#map = affine_map<(d0, d1) -> (0)>
#map1 = affine_map<(d0, d1) -> (0, 0)>
module attributes {stable_mosaic.version = 14 : i64} {
  func.func @_sc_fast_body(%arg0: i32, %arg1: i32, %arg2: memref<2235392xf32, #tpu.memory_space<hbm>>, %arg3: memref<1117696xi32, #tpu.memory_space<hbm>>, %arg4: memref<32x384xf32, #tpu.memory_space<hbm>>, %arg5: memref<69888xf32, #tpu.memory_space<vmem>>, %arg6: memref<34944xi32, #tpu.memory_space<vmem>>, %arg7: memref<384xf32, #tpu.memory_space<vmem>>, %arg8: memref<16xf32, #tpu.memory_space<vmem>>, %arg9: memref<!tpu.dma_semaphore, #tpu.memory_space<semaphore_mem>>) attributes {dimension_semantics = [#tpu.dimension_semantics<core_parallel>, #tpu.dimension_semantics<subcore_parallel>], iteration_bounds = array<i64: 2, 16>, scalar_prefetch = 0 : i64, scratch_operands = 5 : i64, tpu.core_type = #tpu.core_type<sc_vector_subcore>, window_params = [{transform_indices = #map}, {transform_indices = #map}, {transform_indices = #map1}]} {
    %mul3A = arith.constant 2 : i32
    %mul3A_0 = arith.muli %arg1, %mul3A : i32
    %add3A = arith.addi %mul3A_0, %arg0 : i32
    %mul3A_1 = arith.constant 273 : i32
    %mul3A_2 = arith.muli %add3A, %mul3A_1 : i32
    %sub3A = arith.constant 8732 : i32
    %sub3A_3 = arith.subi %sub3A, %mul3A_2 : i32
    %min3A = arith.constant 273 : i32
    %min3A_4 = arith.minsi %min3A, %sub3A_3 : i32
    %mul3A_5 = arith.constant 256 : i32
    %mul3A_6 = arith.muli %mul3A_2, %mul3A_5 : i32
    %multiple_of3A = tpu.assume_multiple %mul3A_6, 8 : i32
    %mul3A_7 = arith.constant 128 : i32
    %mul3A_8 = arith.muli %mul3A_2, %mul3A_7 : i32
    %multiple_of3A_9 = tpu.assume_multiple %mul3A_8, 8 : i32
    %lt3A = arith.constant 31 : i32
    %lt3A_10 = arith.cmpi slt, %add3A, %lt3A : i32
    %convert_element_type3A = arith.extui %lt3A_10 : i1 to i32
    %cond3A = arith.constant 0 : i32
    %cond3A_11 = arith.cmpi ne, %convert_element_type3A, %cond3A : i32
    scf.if %cond3A_11 {
      %dma_start3A = arith.constant 0 : i32
      %dma_start3A_74 = tpu.memref_slice %arg5[%dma_start3A] : memref<69888xf32, #tpu.memory_space<vmem>> -> memref<69888xf32, #tpu.memory_space<vmem>>
      %dma_start3A_75 = tpu.memref_slice %arg2[%multiple_of3A] : memref<2235392xf32, #tpu.memory_space<hbm>> -> memref<69888xf32, #tpu.memory_space<hbm>>
      %dma_start3A_76 = arith.constant 0 : i32
      %dma_start3A_77 = tpu.memref_slice %arg5[%dma_start3A_76] : memref<69888xf32, #tpu.memory_space<vmem>> -> memref<69888xf32, #tpu.memory_space<vmem>>
      %dma_start3A_78 = tpu.memref_slice %arg2[%multiple_of3A] : memref<2235392xf32, #tpu.memory_space<hbm>> -> memref<69888xf32, #tpu.memory_space<hbm>>
      tpu.enqueue_dma source(%dma_start3A_78 : memref<69888xf32, #tpu.memory_space<hbm>>) target(%dma_start3A_77 : memref<69888xf32, #tpu.memory_space<vmem>>) target_semaphore(%arg9 : memref<!tpu.dma_semaphore, #tpu.memory_space<semaphore_mem>>)
      %dma_wait3A = arith.constant 0 : i32
      %dma_wait3A_79 = tpu.memref_slice %arg5[%dma_wait3A] : memref<69888xf32, #tpu.memory_space<vmem>> -> memref<69888xf32, #tpu.memory_space<vmem>>
      %dma_wait3A_80 = tpu.memref_slice %arg2[%multiple_of3A] : memref<2235392xf32, #tpu.memory_space<hbm>> -> memref<69888xf32, #tpu.memory_space<hbm>>
      %dma_wait3A_81 = arith.constant 0 : i32
      %dma_wait3A_82 = tpu.memref_slice %arg5[%dma_wait3A_81] : memref<69888xf32, #tpu.memory_space<vmem>> -> memref<69888xf32, #tpu.memory_space<vmem>>
      %dma_wait3A_83 = tpu.memref_slice %arg2[%multiple_of3A] : memref<2235392xf32, #tpu.memory_space<hbm>> -> memref<69888xf32, #tpu.memory_space<hbm>>
      tpu.wait_dma2 semaphore(%arg9 : memref<!tpu.dma_semaphore, #tpu.memory_space<semaphore_mem>>) src(%dma_wait3A_83 : memref<69888xf32, #tpu.memory_space<hbm>>) dst(%dma_wait3A_82 : memref<69888xf32, #tpu.memory_space<vmem>>)
      %dma_start3A_84 = arith.constant 0 : i32
      %dma_start3A_85 = tpu.memref_slice %arg6[%dma_start3A_84] : memref<34944xi32, #tpu.memory_space<vmem>> -> memref<34944xi32, #tpu.memory_space<vmem>>
      %dma_start3A_86 = tpu.memref_slice %arg3[%multiple_of3A_9] : memref<1117696xi32, #tpu.memory_space<hbm>> -> memref<34944xi32, #tpu.memory_space<hbm>>
      %dma_start3A_87 = arith.constant 0 : i32
      %dma_start3A_88 = tpu.memref_slice %arg6[%dma_start3A_87] : memref<34944xi32, #tpu.memory_space<vmem>> -> memref<34944xi32, #tpu.memory_space<vmem>>
      %dma_start3A_89 = tpu.memref_slice %arg3[%multiple_of3A_9] : memref<1117696xi32, #tpu.memory_space<hbm>> -> memref<34944xi32, #tpu.memory_space<hbm>>
      tpu.enqueue_dma source(%dma_start3A_89 : memref<34944xi32, #tpu.memory_space<hbm>>) target(%dma_start3A_88 : memref<34944xi32, #tpu.memory_space<vmem>>) target_semaphore(%arg9 : memref<!tpu.dma_semaphore, #tpu.memory_space<semaphore_mem>>)
      %dma_wait3A_90 = arith.constant 0 : i32
      %dma_wait3A_91 = tpu.memref_slice %arg6[%dma_wait3A_90] : memref<34944xi32, #tpu.memory_space<vmem>> -> memref<34944xi32, #tpu.memory_space<vmem>>
      %dma_wait3A_92 = tpu.memref_slice %arg3[%multiple_of3A_9] : memref<1117696xi32, #tpu.memory_space<hbm>> -> memref<34944xi32, #tpu.memory_space<hbm>>
      %dma_wait3A_93 = arith.constant 0 : i32
      %dma_wait3A_94 = tpu.memref_slice %arg6[%dma_wait3A_93] : memref<34944xi32, #tpu.memory_space<vmem>> -> memref<34944xi32, #tpu.memory_space<vmem>>
      %dma_wait3A_95 = tpu.memref_slice %arg3[%multiple_of3A_9] : memref<1117696xi32, #tpu.memory_space<hbm>> -> memref<34944xi32, #tpu.memory_space<hbm>>
      tpu.wait_dma2 semaphore(%arg9 : memref<!tpu.dma_semaphore, #tpu.memory_space<semaphore_mem>>) src(%dma_wait3A_95 : memref<34944xi32, #tpu.memory_space<hbm>>) dst(%dma_wait3A_94 : memref<34944xi32, #tpu.memory_space<vmem>>)
    } else {
    }
    %eq3A = arith.constant 31 : i32
    %eq3A_12 = arith.cmpi eq, %add3A, %eq3A : i32
    %convert_element_type3A_13 = arith.extui %eq3A_12 : i1 to i32
    %cond3A_14 = arith.constant 0 : i32
    %cond3A_15 = arith.cmpi ne, %convert_element_type3A_13, %cond3A_14 : i32
    scf.if %cond3A_15 {
      %dma_start3A = arith.constant 0 : i32
      %dma_start3A_74 = tpu.memref_slice %arg5[%dma_start3A] : memref<69888xf32, #tpu.memory_space<vmem>> -> memref<68864xf32, #tpu.memory_space<vmem>>
      %dma_start3A_75 = tpu.memref_slice %arg2[%multiple_of3A] : memref<2235392xf32, #tpu.memory_space<hbm>> -> memref<68864xf32, #tpu.memory_space<hbm>>
      %dma_start3A_76 = arith.constant 0 : i32
      %dma_start3A_77 = tpu.memref_slice %arg5[%dma_start3A_76] : memref<69888xf32, #tpu.memory_space<vmem>> -> memref<68864xf32, #tpu.memory_space<vmem>>
      %dma_start3A_78 = tpu.memref_slice %arg2[%multiple_of3A] : memref<2235392xf32, #tpu.memory_space<hbm>> -> memref<68864xf32, #tpu.memory_space<hbm>>
      tpu.enqueue_dma source(%dma_start3A_78 : memref<68864xf32, #tpu.memory_space<hbm>>) target(%dma_start3A_77 : memref<68864xf32, #tpu.memory_space<vmem>>) target_semaphore(%arg9 : memref<!tpu.dma_semaphore, #tpu.memory_space<semaphore_mem>>)
      %dma_wait3A = arith.constant 0 : i32
      %dma_wait3A_79 = tpu.memref_slice %arg5[%dma_wait3A] : memref<69888xf32, #tpu.memory_space<vmem>> -> memref<68864xf32, #tpu.memory_space<vmem>>
      %dma_wait3A_80 = tpu.memref_slice %arg2[%multiple_of3A] : memref<2235392xf32, #tpu.memory_space<hbm>> -> memref<68864xf32, #tpu.memory_space<hbm>>
      %dma_wait3A_81 = arith.constant 0 : i32
      %dma_wait3A_82 = tpu.memref_slice %arg5[%dma_wait3A_81] : memref<69888xf32, #tpu.memory_space<vmem>> -> memref<68864xf32, #tpu.memory_space<vmem>>
      %dma_wait3A_83 = tpu.memref_slice %arg2[%multiple_of3A] : memref<2235392xf32, #tpu.memory_space<hbm>> -> memref<68864xf32, #tpu.memory_space<hbm>>
      tpu.wait_dma2 semaphore(%arg9 : memref<!tpu.dma_semaphore, #tpu.memory_space<semaphore_mem>>) src(%dma_wait3A_83 : memref<68864xf32, #tpu.memory_space<hbm>>) dst(%dma_wait3A_82 : memref<68864xf32, #tpu.memory_space<vmem>>)
      %dma_start3A_84 = arith.constant 0 : i32
      %dma_start3A_85 = tpu.memref_slice %arg6[%dma_start3A_84] : memref<34944xi32, #tpu.memory_space<vmem>> -> memref<34432xi32, #tpu.memory_space<vmem>>
      %dma_start3A_86 = tpu.memref_slice %arg3[%multiple_of3A_9] : memref<1117696xi32, #tpu.memory_space<hbm>> -> memref<34432xi32, #tpu.memory_space<hbm>>
      %dma_start3A_87 = arith.constant 0 : i32
      %dma_start3A_88 = tpu.memref_slice %arg6[%dma_start3A_87] : memref<34944xi32, #tpu.memory_space<vmem>> -> memref<34432xi32, #tpu.memory_space<vmem>>
      %dma_start3A_89 = tpu.memref_slice %arg3[%multiple_of3A_9] : memref<1117696xi32, #tpu.memory_space<hbm>> -> memref<34432xi32, #tpu.memory_space<hbm>>
      tpu.enqueue_dma source(%dma_start3A_89 : memref<34432xi32, #tpu.memory_space<hbm>>) target(%dma_start3A_88 : memref<34432xi32, #tpu.memory_space<vmem>>) target_semaphore(%arg9 : memref<!tpu.dma_semaphore, #tpu.memory_space<semaphore_mem>>)
      %dma_wait3A_90 = arith.constant 0 : i32
      %dma_wait3A_91 = tpu.memref_slice %arg6[%dma_wait3A_90] : memref<34944xi32, #tpu.memory_space<vmem>> -> memref<34432xi32, #tpu.memory_space<vmem>>
      %dma_wait3A_92 = tpu.memref_slice %arg3[%multiple_of3A_9] : memref<1117696xi32, #tpu.memory_space<hbm>> -> memref<34432xi32, #tpu.memory_space<hbm>>
      %dma_wait3A_93 = arith.constant 0 : i32
      %dma_wait3A_94 = tpu.memref_slice %arg6[%dma_wait3A_93] : memref<34944xi32, #tpu.memory_space<vmem>> -> memref<34432xi32, #tpu.memory_space<vmem>>
      %dma_wait3A_95 = tpu.memref_slice %arg3[%multiple_of3A_9] : memref<1117696xi32, #tpu.memory_space<hbm>> -> memref<34432xi32, #tpu.memory_space<hbm>>
      tpu.wait_dma2 semaphore(%arg9 : memref<!tpu.dma_semaphore, #tpu.memory_space<semaphore_mem>>) src(%dma_wait3A_95 : memref<34432xi32, #tpu.memory_space<hbm>>) dst(%dma_wait3A_94 : memref<34432xi32, #tpu.memory_space<vmem>>)
    } else {
    }
    %broadcast_in_dim3A = arith.constant 0.000000e+00 : f32
    %broadcast_in_dim3A_16 = vector.broadcast %broadcast_in_dim3A : f32 to vector<16xf32>
    %while3A = arith.constant 0 : i32
    %while3A_17 = arith.subi %min3A_4, %while3A : i32
    %while3A_18 = arith.addi %while3A, %while3A_17 : i32
    %while3A_19 = arith.constant 1 : i32
    %while3A_20 = arith.divsi %while3A_17, %while3A_19 : i32
    %while3A_21 = arith.muli %while3A_20, %while3A_19 : i32
    %while3A_22 = arith.addi %while3A, %while3A_21 : i32
    %while3A_23 = arith.constant 1 : i32
    %while3A_24:24 = scf.for %while3A_74 = %while3A to %while3A_22 step %while3A_23 iter_args(%while3A_75 = %broadcast_in_dim3A_16, %while3A_76 = %broadcast_in_dim3A_16, %while3A_77 = %broadcast_in_dim3A_16, %while3A_78 = %broadcast_in_dim3A_16, %while3A_79 = %broadcast_in_dim3A_16, %while3A_80 = %broadcast_in_dim3A_16, %while3A_81 = %broadcast_in_dim3A_16, %while3A_82 = %broadcast_in_dim3A_16, %while3A_83 = %broadcast_in_dim3A_16, %while3A_84 = %broadcast_in_dim3A_16, %while3A_85 = %broadcast_in_dim3A_16, %while3A_86 = %broadcast_in_dim3A_16, %while3A_87 = %broadcast_in_dim3A_16, %while3A_88 = %broadcast_in_dim3A_16, %while3A_89 = %broadcast_in_dim3A_16, %while3A_90 = %broadcast_in_dim3A_16, %while3A_91 = %broadcast_in_dim3A_16, %while3A_92 = %broadcast_in_dim3A_16, %while3A_93 = %broadcast_in_dim3A_16, %while3A_94 = %broadcast_in_dim3A_16, %while3A_95 = %broadcast_in_dim3A_16, %while3A_96 = %broadcast_in_dim3A_16, %while3A_97 = %broadcast_in_dim3A_16, %while3A_98 = %broadcast_in_dim3A_16) -> (vector<16xf32>, vector<16xf32>, vector<16xf32>, vector<16xf32>, vector<16xf32>, vector<16xf32>, vector<16xf32>, vector<16xf32>, vector<16xf32>, vector<16xf32>, vector<16xf32>, vector<16xf32>, vector<16xf32>, vector<16xf32>, vector<16xf32>, vector<16xf32>, vector<16xf32>, vector<16xf32>, vector<16xf32>, vector<16xf32>, vector<16xf32>, vector<16xf32>, vector<16xf32>, vector<16xf32>)  : i32 {
      %mul3A_99 = arith.constant 256 : i32
      %mul3A_100 = arith.muli %while3A_74, %mul3A_99 : i32
      %mul3A_101 = arith.constant 128 : i32
      %mul3A_102 = arith.muli %while3A_74, %mul3A_101 : i32
      %add3A_103 = arith.constant 0 : i32
      %add3A_104 = arith.addi %mul3A_100, %add3A_103 : i32
      %get3A = arith.index_cast %add3A_104 : i32 to index
      %get3A_105 = tpu.vector_load %arg5[%get3A] {strides = array<i32>} : memref<69888xf32, #tpu.memory_space<vmem>>, vector<16xf32>,
      %add3A_106 = arith.constant 128 : i32
      %add3A_107 = arith.addi %mul3A_100, %add3A_106 : i32
      %add3A_108 = arith.constant 0 : i32
      %add3A_109 = arith.addi %add3A_107, %add3A_108 : i32
      %get3A_110 = arith.index_cast %add3A_109 : i32 to index
      %get3A_111 = tpu.vector_load %arg5[%get3A_110] {strides = array<i32>} : memref<69888xf32, #tpu.memory_space<vmem>>, vector<16xf32>,
      %add3A_112 = arith.constant 0 : i32
      %add3A_113 = arith.addi %mul3A_102, %add3A_112 : i32
      %get3A_114 = arith.index_cast %add3A_113 : i32 to index
      %get3A_115 = tpu.vector_load %arg6[%get3A_114] {strides = array<i32>} : memref<34944xi32, #tpu.memory_space<vmem>>, vector<16xi32>,
      %eq3A_116 = arith.constant 0 : i32
      %eq3A_117 = vector.broadcast %eq3A_116 : i32 to vector<16xi32>
      %eq3A_118 = arith.cmpi eq, %get3A_115, %eq3A_117 : vector<16xi32>
      %sub3A_119 = arith.subf %get3A_111, %get3A_105 : vector<16xf32>
      %sub3A_120 = arith.subf %get3A_105, %get3A_111 : vector<16xf32>
      %select_n3A = arith.select %eq3A_118, %sub3A_119, %sub3A_120 : vector<16xi1>, vector<16xf32>
      %abs3A = math.absf %select_n3A : vector<16xf32>
      %neg3A = arith.constant 0.000000e+00 : f32
      %neg3A_121 = vector.broadcast %neg3A : f32 to vector<16xf32>
      %neg3A_122 = arith.subf %neg3A_121, %abs3A : vector<16xf32>
      %exp3A = math.exp %neg3A_122 : vector<16xf32>
      %add3A_123 = arith.constant 2.000000e+00 : f32
      %add3A_124 = vector.broadcast %add3A_123 : f32 to vector<16xf32>
      %add3A_125 = arith.addf %add3A_124, %exp3A : vector<16xf32>
      %div3A = arith.divf %exp3A, %add3A_125 : vector<16xf32>
      %mul3A_126 = arith.mulf %div3A, %div3A : vector<16xf32>
      %mul3A_127 = arith.constant 2.000000e+00 : f32
      %mul3A_128 = vector.broadcast %mul3A_127 : f32 to vector<16xf32>
      %mul3A_129 = arith.mulf %mul3A_128, %div3A : vector<16xf32>
      %mul3A_130 = arith.constant 0.111111112 : f32
      %mul3A_131 = vector.broadcast %mul3A_130 : f32 to vector<16xf32>
      %mul3A_132 = arith.mulf %mul3A_126, %mul3A_131 : vector<16xf32>
      %add3A_133 = arith.constant 0.142857149 : f32
      %add3A_134 = vector.broadcast %add3A_133 : f32 to vector<16xf32>
      %add3A_135 = arith.addf %add3A_134, %mul3A_132 : vector<16xf32>
      %mul3A_136 = arith.mulf %mul3A_126, %add3A_135 : vector<16xf32>
      %add3A_137 = arith.constant 2.000000e-01 : f32
      %add3A_138 = vector.broadcast %add3A_137 : f32 to vector<16xf32>
      %add3A_139 = arith.addf %add3A_138, %mul3A_136 : vector<16xf32>
      %mul3A_140 = arith.mulf %mul3A_126, %add3A_139 : vector<16xf32>
      %add3A_141 = arith.constant 0.333333343 : f32
      %add3A_142 = vector.broadcast %add3A_141 : f32 to vector<16xf32>
      %add3A_143 = arith.addf %add3A_142, %mul3A_140 : vector<16xf32>
      %mul3A_144 = arith.mulf %mul3A_126, %add3A_143 : vector<16xf32>
      %add3A_145 = arith.constant 1.000000e+00 : f32
      %add3A_146 = vector.broadcast %add3A_145 : f32 to vector<16xf32>
      %add3A_147 = arith.addf %add3A_146, %mul3A_144 : vector<16xf32>
      %mul3A_148 = arith.mulf %mul3A_129, %add3A_147 : vector<16xf32>
      %max3A = arith.constant 0.000000e+00 : f32
      %max3A_149 = vector.broadcast %max3A : f32 to vector<16xf32>
      %max3A_150 = arith.maximumf %select_n3A, %max3A_149 : vector<16xf32>
      %add3A_151 = arith.addf %max3A_150, %mul3A_148 : vector<16xf32>
      %gt3A = arith.constant 0 : i32
      %gt3A_152 = vector.broadcast %gt3A : i32 to vector<16xi32>
      %gt3A_153 = arith.cmpi sgt, %get3A_115, %gt3A_152 : vector<16xi32>
      %add3A_154 = arith.addf %while3A_75, %add3A_151 : vector<16xf32>
      %jit3A = arith.constant 0.000000e+00 : f32
      %broadcast_in_dim3A_155 = vector.broadcast %jit3A : f32 to vector<16xf32>
      %select_n3A_156 = arith.select %gt3A_153, %add3A_151, %broadcast_in_dim3A_155 : vector<16xi1>, vector<16xf32>
      %add3A_157 = arith.addf %while3A_83, %select_n3A_156 : vector<16xf32>
      %jit3A_158 = arith.constant 1.000000e+00 : f32
      %jit3A_159 = arith.constant 0.000000e+00 : f32
      %broadcast_in_dim3A_160 = vector.broadcast %jit3A_158 : f32 to vector<16xf32>
      %broadcast_in_dim3A_161 = vector.broadcast %jit3A_159 : f32 to vector<16xf32>
      %select_n3A_162 = arith.select %gt3A_153, %broadcast_in_dim3A_160, %broadcast_in_dim3A_161 : vector<16xi1>, vector<16xf32>
      %add3A_163 = arith.addf %while3A_91, %select_n3A_162 : vector<16xf32>
      %add3A_164 = arith.constant 16 : i32
      %add3A_165 = arith.addi %mul3A_100, %add3A_164 : i32
      %get3A_166 = arith.index_cast %add3A_165 : i32 to index
      %get3A_167 = tpu.vector_load %arg5[%get3A_166] {strides = array<i32>} : memref<69888xf32, #tpu.memory_space<vmem>>, vector<16xf32>,
      %add3A_168 = arith.constant 128 : i32
      %add3A_169 = arith.addi %mul3A_100, %add3A_168 : i32
      %add3A_170 = arith.constant 16 : i32
      %add3A_171 = arith.addi %add3A_169, %add3A_170 : i32
      %get3A_172 = arith.index_cast %add3A_171 : i32 to index
      %get3A_173 = tpu.vector_load %arg5[%get3A_172] {strides = array<i32>} : memref<69888xf32, #tpu.memory_space<vmem>>, vector<16xf32>,
      %add3A_174 = arith.constant 16 : i32
      %add3A_175 = arith.addi %mul3A_102, %add3A_174 : i32
      %get3A_176 = arith.index_cast %add3A_175 : i32 to index
      %get3A_177 = tpu.vector_load %arg6[%get3A_176] {strides = array<i32>} : memref<34944xi32, #tpu.memory_space<vmem>>, vector<16xi32>,
      %eq3A_178 = arith.constant 0 : i32
      %eq3A_179 = vector.broadcast %eq3A_178 : i32 to vector<16xi32>
      %eq3A_180 = arith.cmpi eq, %get3A_177, %eq3A_179 : vector<16xi32>
      %sub3A_181 = arith.subf %get3A_173, %get3A_167 : vector<16xf32>
      %sub3A_182 = arith.subf %get3A_167, %get3A_173 : vector<16xf32>
      %select_n3A_183 = arith.select %eq3A_180, %sub3A_181, %sub3A_182 : vector<16xi1>, vector<16xf32>
      %abs3A_184 = math.absf %select_n3A_183 : vector<16xf32>
      %neg3A_185 = arith.constant 0.000000e+00 : f32
      %neg3A_186 = vector.broadcast %neg3A_185 : f32 to vector<16xf32>
      %neg3A_187 = arith.subf %neg3A_186, %abs3A_184 : vector<16xf32>
      %exp3A_188 = math.exp %neg3A_187 : vector<16xf32>
      %add3A_189 = arith.constant 2.000000e+00 : f32
      %add3A_190 = vector.broadcast %add3A_189 : f32 to vector<16xf32>
      %add3A_191 = arith.addf %add3A_190, %exp3A_188 : vector<16xf32>
      %div3A_192 = arith.divf %exp3A_188, %add3A_191 : vector<16xf32>
      %mul3A_193 = arith.mulf %div3A_192, %div3A_192 : vector<16xf32>
      %mul3A_194 = arith.constant 2.000000e+00 : f32
      %mul3A_195 = vector.broadcast %mul3A_194 : f32 to vector<16xf32>
      %mul3A_196 = arith.mulf %mul3A_195, %div3A_192 : vector<16xf32>
      %mul3A_197 = arith.constant 0.111111112 : f32
      %mul3A_198 = vector.broadcast %mul3A_197 : f32 to vector<16xf32>
      %mul3A_199 = arith.mulf %mul3A_193, %mul3A_198 : vector<16xf32>
      %add3A_200 = arith.constant 0.142857149 : f32
      %add3A_201 = vector.broadcast %add3A_200 : f32 to vector<16xf32>
      %add3A_202 = arith.addf %add3A_201, %mul3A_199 : vector<16xf32>
      %mul3A_203 = arith.mulf %mul3A_193, %add3A_202 : vector<16xf32>
      %add3A_204 = arith.constant 2.000000e-01 : f32
      %add3A_205 = vector.broadcast %add3A_204 : f32 to vector<16xf32>
      %add3A_206 = arith.addf %add3A_205, %mul3A_203 : vector<16xf32>
      %mul3A_207 = arith.mulf %mul3A_193, %add3A_206 : vector<16xf32>
      %add3A_208 = arith.constant 0.333333343 : f32
      %add3A_209 = vector.broadcast %add3A_208 : f32 to vector<16xf32>
      %add3A_210 = arith.addf %add3A_209, %mul3A_207 : vector<16xf32>
      %mul3A_211 = arith.mulf %mul3A_193, %add3A_210 : vector<16xf32>
      %add3A_212 = arith.constant 1.000000e+00 : f32
      %add3A_213 = vector.broadcast %add3A_212 : f32 to vector<16xf32>
      %add3A_214 = arith.addf %add3A_213, %mul3A_211 : vector<16xf32>
      %mul3A_215 = arith.mulf %mul3A_196, %add3A_214 : vector<16xf32>
      %max3A_216 = arith.constant 0.000000e+00 : f32
      %max3A_217 = vector.broadcast %max3A_216 : f32 to vector<16xf32>
      %max3A_218 = arith.maximumf %select_n3A_183, %max3A_217 : vector<16xf32>
      %add3A_219 = arith.addf %max3A_218, %mul3A_215 : vector<16xf32>
      %gt3A_220 = arith.constant 0 : i32
      %gt3A_221 = vector.broadcast %gt3A_220 : i32 to vector<16xi32>
      %gt3A_222 = arith.cmpi sgt, %get3A_177, %gt3A_221 : vector<16xi32>
      %add3A_223 = arith.addf %while3A_76, %add3A_219 : vector<16xf32>
      %jit3A_224 = arith.constant 0.000000e+00 : f32
      %broadcast_in_dim3A_225 = vector.broadcast %jit3A_224 : f32 to vector<16xf32>
      %select_n3A_226 = arith.select %gt3A_222, %add3A_219, %broadcast_in_dim3A_225 : vector<16xi1>, vector<16xf32>
      %add3A_227 = arith.addf %while3A_84, %select_n3A_226 : vector<16xf32>
      %jit3A_228 = arith.constant 1.000000e+00 : f32
      %jit3A_229 = arith.constant 0.000000e+00 : f32
      %broadcast_in_dim3A_230 = vector.broadcast %jit3A_228 : f32 to vector<16xf32>
      %broadcast_in_dim3A_231 = vector.broadcast %jit3A_229 : f32 to vector<16xf32>
      %select_n3A_232 = arith.select %gt3A_222, %broadcast_in_dim3A_230, %broadcast_in_dim3A_231 : vector<16xi1>, vector<16xf32>
      %add3A_233 = arith.addf %while3A_92, %select_n3A_232 : vector<16xf32>
      %add3A_234 = arith.constant 32 : i32
      %add3A_235 = arith.addi %mul3A_100, %add3A_234 : i32
      %get3A_236 = arith.index_cast %add3A_235 : i32 to index
      %get3A_237 = tpu.vector_load %arg5[%get3A_236] {strides = array<i32>} : memref<69888xf32, #tpu.memory_space<vmem>>, vector<16xf32>,
      %add3A_238 = arith.constant 128 : i32
      %add3A_239 = arith.addi %mul3A_100, %add3A_238 : i32
      %add3A_240 = arith.constant 32 : i32
      %add3A_241 = arith.addi %add3A_239, %add3A_240 : i32
      %get3A_242 = arith.index_cast %add3A_241 : i32 to index
      %get3A_243 = tpu.vector_load %arg5[%get3A_242] {strides = array<i32>} : memref<69888xf32, #tpu.memory_space<vmem>>, vector<16xf32>,
      %add3A_244 = arith.constant 32 : i32
      %add3A_245 = arith.addi %mul3A_102, %add3A_244 : i32
      %get3A_246 = arith.index_cast %add3A_245 : i32 to index
      %get3A_247 = tpu.vector_load %arg6[%get3A_246] {strides = array<i32>} : memref<34944xi32, #tpu.memory_space<vmem>>, vector<16xi32>,
      %eq3A_248 = arith.constant 0 : i32
      %eq3A_249 = vector.broadcast %eq3A_248 : i32 to vector<16xi32>
      %eq3A_250 = arith.cmpi eq, %get3A_247, %eq3A_249 : vector<16xi32>
      %sub3A_251 = arith.subf %get3A_243, %get3A_237 : vector<16xf32>
      %sub3A_252 = arith.subf %get3A_237, %get3A_243 : vector<16xf32>
      %select_n3A_253 = arith.select %eq3A_250, %sub3A_251, %sub3A_252 : vector<16xi1>, vector<16xf32>
      %abs3A_254 = math.absf %select_n3A_253 : vector<16xf32>
      %neg3A_255 = arith.constant 0.000000e+00 : f32
      %neg3A_256 = vector.broadcast %neg3A_255 : f32 to vector<16xf32>
      %neg3A_257 = arith.subf %neg3A_256, %abs3A_254 : vector<16xf32>
      %exp3A_258 = math.exp %neg3A_257 : vector<16xf32>
      %add3A_259 = arith.constant 2.000000e+00 : f32
      %add3A_260 = vector.broadcast %add3A_259 : f32 to vector<16xf32>
      %add3A_261 = arith.addf %add3A_260, %exp3A_258 : vector<16xf32>
      %div3A_262 = arith.divf %exp3A_258, %add3A_261 : vector<16xf32>
      %mul3A_263 = arith.mulf %div3A_262, %div3A_262 : vector<16xf32>
      %mul3A_264 = arith.constant 2.000000e+00 : f32
      %mul3A_265 = vector.broadcast %mul3A_264 : f32 to vector<16xf32>
      %mul3A_266 = arith.mulf %mul3A_265, %div3A_262 : vector<16xf32>
      %mul3A_267 = arith.constant 0.111111112 : f32
      %mul3A_268 = vector.broadcast %mul3A_267 : f32 to vector<16xf32>
      %mul3A_269 = arith.mulf %mul3A_263, %mul3A_268 : vector<16xf32>
      %add3A_270 = arith.constant 0.142857149 : f32
      %add3A_271 = vector.broadcast %add3A_270 : f32 to vector<16xf32>
      %add3A_272 = arith.addf %add3A_271, %mul3A_269 : vector<16xf32>
      %mul3A_273 = arith.mulf %mul3A_263, %add3A_272 : vector<16xf32>
      %add3A_274 = arith.constant 2.000000e-01 : f32
      %add3A_275 = vector.broadcast %add3A_274 : f32 to vector<16xf32>
      %add3A_276 = arith.addf %add3A_275, %mul3A_273 : vector<16xf32>
      %mul3A_277 = arith.mulf %mul3A_263, %add3A_276 : vector<16xf32>
      %add3A_278 = arith.constant 0.333333343 : f32
      %add3A_279 = vector.broadcast %add3A_278 : f32 to vector<16xf32>
      %add3A_280 = arith.addf %add3A_279, %mul3A_277 : vector<16xf32>
      %mul3A_281 = arith.mulf %mul3A_263, %add3A_280 : vector<16xf32>
      %add3A_282 = arith.constant 1.000000e+00 : f32
      %add3A_283 = vector.broadcast %add3A_282 : f32 to vector<16xf32>
      %add3A_284 = arith.addf %add3A_283, %mul3A_281 : vector<16xf32>
      %mul3A_285 = arith.mulf %mul3A_266, %add3A_284 : vector<16xf32>
      %max3A_286 = arith.constant 0.000000e+00 : f32
      %max3A_287 = vector.broadcast %max3A_286 : f32 to vector<16xf32>
      %max3A_288 = arith.maximumf %select_n3A_253, %max3A_287 : vector<16xf32>
      %add3A_289 = arith.addf %max3A_288, %mul3A_285 : vector<16xf32>
      %gt3A_290 = arith.constant 0 : i32
      %gt3A_291 = vector.broadcast %gt3A_290 : i32 to vector<16xi32>
      %gt3A_292 = arith.cmpi sgt, %get3A_247, %gt3A_291 : vector<16xi32>
      %add3A_293 = arith.addf %while3A_77, %add3A_289 : vector<16xf32>
      %jit3A_294 = arith.constant 0.000000e+00 : f32
      %broadcast_in_dim3A_295 = vector.broadcast %jit3A_294 : f32 to vector<16xf32>
      %select_n3A_296 = arith.select %gt3A_292, %add3A_289, %broadcast_in_dim3A_295 : vector<16xi1>, vector<16xf32>
      %add3A_297 = arith.addf %while3A_85, %select_n3A_296 : vector<16xf32>
      %jit3A_298 = arith.constant 1.000000e+00 : f32
      %jit3A_299 = arith.constant 0.000000e+00 : f32
      %broadcast_in_dim3A_300 = vector.broadcast %jit3A_298 : f32 to vector<16xf32>
      %broadcast_in_dim3A_301 = vector.broadcast %jit3A_299 : f32 to vector<16xf32>
      %select_n3A_302 = arith.select %gt3A_292, %broadcast_in_dim3A_300, %broadcast_in_dim3A_301 : vector<16xi1>, vector<16xf32>
      %add3A_303 = arith.addf %while3A_93, %select_n3A_302 : vector<16xf32>
      %add3A_304 = arith.constant 48 : i32
      %add3A_305 = arith.addi %mul3A_100, %add3A_304 : i32
      %get3A_306 = arith.index_cast %add3A_305 : i32 to index
      %get3A_307 = tpu.vector_load %arg5[%get3A_306] {strides = array<i32>} : memref<69888xf32, #tpu.memory_space<vmem>>, vector<16xf32>,
      %add3A_308 = arith.constant 128 : i32
      %add3A_309 = arith.addi %mul3A_100, %add3A_308 : i32
      %add3A_310 = arith.constant 48 : i32
      %add3A_311 = arith.addi %add3A_309, %add3A_310 : i32
      %get3A_312 = arith.index_cast %add3A_311 : i32 to index
      %get3A_313 = tpu.vector_load %arg5[%get3A_312] {strides = array<i32>} : memref<69888xf32, #tpu.memory_space<vmem>>, vector<16xf32>,
      %add3A_314 = arith.constant 48 : i32
      %add3A_315 = arith.addi %mul3A_102, %add3A_314 : i32
      %get3A_316 = arith.index_cast %add3A_315 : i32 to index
      %get3A_317 = tpu.vector_load %arg6[%get3A_316] {strides = array<i32>} : memref<34944xi32, #tpu.memory_space<vmem>>, vector<16xi32>,
      %eq3A_318 = arith.constant 0 : i32
      %eq3A_319 = vector.broadcast %eq3A_318 : i32 to vector<16xi32>
      %eq3A_320 = arith.cmpi eq, %get3A_317, %eq3A_319 : vector<16xi32>
      %sub3A_321 = arith.subf %get3A_313, %get3A_307 : vector<16xf32>
      %sub3A_322 = arith.subf %get3A_307, %get3A_313 : vector<16xf32>
      %select_n3A_323 = arith.select %eq3A_320, %sub3A_321, %sub3A_322 : vector<16xi1>, vector<16xf32>
      %abs3A_324 = math.absf %select_n3A_323 : vector<16xf32>
      %neg3A_325 = arith.constant 0.000000e+00 : f32
      %neg3A_326 = vector.broadcast %neg3A_325 : f32 to vector<16xf32>
      %neg3A_327 = arith.subf %neg3A_326, %abs3A_324 : vector<16xf32>
      %exp3A_328 = math.exp %neg3A_327 : vector<16xf32>
      %add3A_329 = arith.constant 2.000000e+00 : f32
      %add3A_330 = vector.broadcast %add3A_329 : f32 to vector<16xf32>
      %add3A_331 = arith.addf %add3A_330, %exp3A_328 : vector<16xf32>
      %div3A_332 = arith.divf %exp3A_328, %add3A_331 : vector<16xf32>
      %mul3A_333 = arith.mulf %div3A_332, %div3A_332 : vector<16xf32>
      %mul3A_334 = arith.constant 2.000000e+00 : f32
      %mul3A_335 = vector.broadcast %mul3A_334 : f32 to vector<16xf32>
      %mul3A_336 = arith.mulf %mul3A_335, %div3A_332 : vector<16xf32>
      %mul3A_337 = arith.constant 0.111111112 : f32
      %mul3A_338 = vector.broadcast %mul3A_337 : f32 to vector<16xf32>
      %mul3A_339 = arith.mulf %mul3A_333, %mul3A_338 : vector<16xf32>
      %add3A_340 = arith.constant 0.142857149 : f32
      %add3A_341 = vector.broadcast %add3A_340 : f32 to vector<16xf32>
      %add3A_342 = arith.addf %add3A_341, %mul3A_339 : vector<16xf32>
      %mul3A_343 = arith.mulf %mul3A_333, %add3A_342 : vector<16xf32>
      %add3A_344 = arith.constant 2.000000e-01 : f32
      %add3A_345 = vector.broadcast %add3A_344 : f32 to vector<16xf32>
      %add3A_346 = arith.addf %add3A_345, %mul3A_343 : vector<16xf32>
      %mul3A_347 = arith.mulf %mul3A_333, %add3A_346 : vector<16xf32>
      %add3A_348 = arith.constant 0.333333343 : f32
      %add3A_349 = vector.broadcast %add3A_348 : f32 to vector<16xf32>
      %add3A_350 = arith.addf %add3A_349, %mul3A_347 : vector<16xf32>
      %mul3A_351 = arith.mulf %mul3A_333, %add3A_350 : vector<16xf32>
      %add3A_352 = arith.constant 1.000000e+00 : f32
      %add3A_353 = vector.broadcast %add3A_352 : f32 to vector<16xf32>
      %add3A_354 = arith.addf %add3A_353, %mul3A_351 : vector<16xf32>
      %mul3A_355 = arith.mulf %mul3A_336, %add3A_354 : vector<16xf32>
      %max3A_356 = arith.constant 0.000000e+00 : f32
      %max3A_357 = vector.broadcast %max3A_356 : f32 to vector<16xf32>
      %max3A_358 = arith.maximumf %select_n3A_323, %max3A_357 : vector<16xf32>
      %add3A_359 = arith.addf %max3A_358, %mul3A_355 : vector<16xf32>
      %gt3A_360 = arith.constant 0 : i32
      %gt3A_361 = vector.broadcast %gt3A_360 : i32 to vector<16xi32>
      %gt3A_362 = arith.cmpi sgt, %get3A_317, %gt3A_361 : vector<16xi32>
      %add3A_363 = arith.addf %while3A_78, %add3A_359 : vector<16xf32>
      %jit3A_364 = arith.constant 0.000000e+00 : f32
      %broadcast_in_dim3A_365 = vector.broadcast %jit3A_364 : f32 to vector<16xf32>
      %select_n3A_366 = arith.select %gt3A_362, %add3A_359, %broadcast_in_dim3A_365 : vector<16xi1>, vector<16xf32>
      %add3A_367 = arith.addf %while3A_86, %select_n3A_366 : vector<16xf32>
      %jit3A_368 = arith.constant 1.000000e+00 : f32
      %jit3A_369 = arith.constant 0.000000e+00 : f32
      %broadcast_in_dim3A_370 = vector.broadcast %jit3A_368 : f32 to vector<16xf32>
      %broadcast_in_dim3A_371 = vector.broadcast %jit3A_369 : f32 to vector<16xf32>
      %select_n3A_372 = arith.select %gt3A_362, %broadcast_in_dim3A_370, %broadcast_in_dim3A_371 : vector<16xi1>, vector<16xf32>
      %add3A_373 = arith.addf %while3A_94, %select_n3A_372 : vector<16xf32>
      %add3A_374 = arith.constant 64 : i32
      %add3A_375 = arith.addi %mul3A_100, %add3A_374 : i32
      %get3A_376 = arith.index_cast %add3A_375 : i32 to index
      %get3A_377 = tpu.vector_load %arg5[%get3A_376] {strides = array<i32>} : memref<69888xf32, #tpu.memory_space<vmem>>, vector<16xf32>,
      %add3A_378 = arith.constant 128 : i32
      %add3A_379 = arith.addi %mul3A_100, %add3A_378 : i32
      %add3A_380 = arith.constant 64 : i32
      %add3A_381 = arith.addi %add3A_379, %add3A_380 : i32
      %get3A_382 = arith.index_cast %add3A_381 : i32 to index
      %get3A_383 = tpu.vector_load %arg5[%get3A_382] {strides = array<i32>} : memref<69888xf32, #tpu.memory_space<vmem>>, vector<16xf32>,
      %add3A_384 = arith.constant 64 : i32
      %add3A_385 = arith.addi %mul3A_102, %add3A_384 : i32
      %get3A_386 = arith.index_cast %add3A_385 : i32 to index
      %get3A_387 = tpu.vector_load %arg6[%get3A_386] {strides = array<i32>} : memref<34944xi32, #tpu.memory_space<vmem>>, vector<16xi32>,
      %eq3A_388 = arith.constant 0 : i32
      %eq3A_389 = vector.broadcast %eq3A_388 : i32 to vector<16xi32>
      %eq3A_390 = arith.cmpi eq, %get3A_387, %eq3A_389 : vector<16xi32>
      %sub3A_391 = arith.subf %get3A_383, %get3A_377 : vector<16xf32>
      %sub3A_392 = arith.subf %get3A_377, %get3A_383 : vector<16xf32>
      %select_n3A_393 = arith.select %eq3A_390, %sub3A_391, %sub3A_392 : vector<16xi1>, vector<16xf32>
      %abs3A_394 = math.absf %select_n3A_393 : vector<16xf32>
      %neg3A_395 = arith.constant 0.000000e+00 : f32
      %neg3A_396 = vector.broadcast %neg3A_395 : f32 to vector<16xf32>
      %neg3A_397 = arith.subf %neg3A_396, %abs3A_394 : vector<16xf32>
      %exp3A_398 = math.exp %neg3A_397 : vector<16xf32>
      %add3A_399 = arith.constant 2.000000e+00 : f32
      %add3A_400 = vector.broadcast %add3A_399 : f32 to vector<16xf32>
      %add3A_401 = arith.addf %add3A_400, %exp3A_398 : vector<16xf32>
      %div3A_402 = arith.divf %exp3A_398, %add3A_401 : vector<16xf32>
      %mul3A_403 = arith.mulf %div3A_402, %div3A_402 : vector<16xf32>
      %mul3A_404 = arith.constant 2.000000e+00 : f32
      %mul3A_405 = vector.broadcast %mul3A_404 : f32 to vector<16xf32>
      %mul3A_406 = arith.mulf %mul3A_405, %div3A_402 : vector<16xf32>
      %mul3A_407 = arith.constant 0.111111112 : f32
      %mul3A_408 = vector.broadcast %mul3A_407 : f32 to vector<16xf32>
      %mul3A_409 = arith.mulf %mul3A_403, %mul3A_408 : vector<16xf32>
      %add3A_410 = arith.constant 0.142857149 : f32
      %add3A_411 = vector.broadcast %add3A_410 : f32 to vector<16xf32>
      %add3A_412 = arith.addf %add3A_411, %mul3A_409 : vector<16xf32>
      %mul3A_413 = arith.mulf %mul3A_403, %add3A_412 : vector<16xf32>
      %add3A_414 = arith.constant 2.000000e-01 : f32
      %add3A_415 = vector.broadcast %add3A_414 : f32 to vector<16xf32>
      %add3A_416 = arith.addf %add3A_415, %mul3A_413 : vector<16xf32>
      %mul3A_417 = arith.mulf %mul3A_403, %add3A_416 : vector<16xf32>
      %add3A_418 = arith.constant 0.333333343 : f32
      %add3A_419 = vector.broadcast %add3A_418 : f32 to vector<16xf32>
      %add3A_420 = arith.addf %add3A_419, %mul3A_417 : vector<16xf32>
      %mul3A_421 = arith.mulf %mul3A_403, %add3A_420 : vector<16xf32>
      %add3A_422 = arith.constant 1.000000e+00 : f32
      %add3A_423 = vector.broadcast %add3A_422 : f32 to vector<16xf32>
      %add3A_424 = arith.addf %add3A_423, %mul3A_421 : vector<16xf32>
      %mul3A_425 = arith.mulf %mul3A_406, %add3A_424 : vector<16xf32>
      %max3A_426 = arith.constant 0.000000e+00 : f32
      %max3A_427 = vector.broadcast %max3A_426 : f32 to vector<16xf32>
      %max3A_428 = arith.maximumf %select_n3A_393, %max3A_427 : vector<16xf32>
      %add3A_429 = arith.addf %max3A_428, %mul3A_425 : vector<16xf32>
      %gt3A_430 = arith.constant 0 : i32
      %gt3A_431 = vector.broadcast %gt3A_430 : i32 to vector<16xi32>
      %gt3A_432 = arith.cmpi sgt, %get3A_387, %gt3A_431 : vector<16xi32>
      %add3A_433 = arith.addf %while3A_79, %add3A_429 : vector<16xf32>
      %jit3A_434 = arith.constant 0.000000e+00 : f32
      %broadcast_in_dim3A_435 = vector.broadcast %jit3A_434 : f32 to vector<16xf32>
      %select_n3A_436 = arith.select %gt3A_432, %add3A_429, %broadcast_in_dim3A_435 : vector<16xi1>, vector<16xf32>
      %add3A_437 = arith.addf %while3A_87, %select_n3A_436 : vector<16xf32>
      %jit3A_438 = arith.constant 1.000000e+00 : f32
      %jit3A_439 = arith.constant 0.000000e+00 : f32
      %broadcast_in_dim3A_440 = vector.broadcast %jit3A_438 : f32 to vector<16xf32>
      %broadcast_in_dim3A_441 = vector.broadcast %jit3A_439 : f32 to vector<16xf32>
      %select_n3A_442 = arith.select %gt3A_432, %broadcast_in_dim3A_440, %broadcast_in_dim3A_441 : vector<16xi1>, vector<16xf32>
      %add3A_443 = arith.addf %while3A_95, %select_n3A_442 : vector<16xf32>
      %add3A_444 = arith.constant 80 : i32
      %add3A_445 = arith.addi %mul3A_100, %add3A_444 : i32
      %get3A_446 = arith.index_cast %add3A_445 : i32 to index
      %get3A_447 = tpu.vector_load %arg5[%get3A_446] {strides = array<i32>} : memref<69888xf32, #tpu.memory_space<vmem>>, vector<16xf32>,
      %add3A_448 = arith.constant 128 : i32
      %add3A_449 = arith.addi %mul3A_100, %add3A_448 : i32
      %add3A_450 = arith.constant 80 : i32
      %add3A_451 = arith.addi %add3A_449, %add3A_450 : i32
      %get3A_452 = arith.index_cast %add3A_451 : i32 to index
      %get3A_453 = tpu.vector_load %arg5[%get3A_452] {strides = array<i32>} : memref<69888xf32, #tpu.memory_space<vmem>>, vector<16xf32>,
      %add3A_454 = arith.constant 80 : i32
      %add3A_455 = arith.addi %mul3A_102, %add3A_454 : i32
      %get3A_456 = arith.index_cast %add3A_455 : i32 to index
      %get3A_457 = tpu.vector_load %arg6[%get3A_456] {strides = array<i32>} : memref<34944xi32, #tpu.memory_space<vmem>>, vector<16xi32>,
      %eq3A_458 = arith.constant 0 : i32
      %eq3A_459 = vector.broadcast %eq3A_458 : i32 to vector<16xi32>
      %eq3A_460 = arith.cmpi eq, %get3A_457, %eq3A_459 : vector<16xi32>
      %sub3A_461 = arith.subf %get3A_453, %get3A_447 : vector<16xf32>
      %sub3A_462 = arith.subf %get3A_447, %get3A_453 : vector<16xf32>
      %select_n3A_463 = arith.select %eq3A_460, %sub3A_461, %sub3A_462 : vector<16xi1>, vector<16xf32>
      %abs3A_464 = math.absf %select_n3A_463 : vector<16xf32>
      %neg3A_465 = arith.constant 0.000000e+00 : f32
      %neg3A_466 = vector.broadcast %neg3A_465 : f32 to vector<16xf32>
      %neg3A_467 = arith.subf %neg3A_466, %abs3A_464 : vector<16xf32>
      %exp3A_468 = math.exp %neg3A_467 : vector<16xf32>
      %add3A_469 = arith.constant 2.000000e+00 : f32
      %add3A_470 = vector.broadcast %add3A_469 : f32 to vector<16xf32>
      %add3A_471 = arith.addf %add3A_470, %exp3A_468 : vector<16xf32>
      %div3A_472 = arith.divf %exp3A_468, %add3A_471 : vector<16xf32>
      %mul3A_473 = arith.mulf %div3A_472, %div3A_472 : vector<16xf32>
      %mul3A_474 = arith.constant 2.000000e+00 : f32
      %mul3A_475 = vector.broadcast %mul3A_474 : f32 to vector<16xf32>
      %mul3A_476 = arith.mulf %mul3A_475, %div3A_472 : vector<16xf32>
      %mul3A_477 = arith.constant 0.111111112 : f32
      %mul3A_478 = vector.broadcast %mul3A_477 : f32 to vector<16xf32>
      %mul3A_479 = arith.mulf %mul3A_473, %mul3A_478 : vector<16xf32>
      %add3A_480 = arith.constant 0.142857149 : f32
      %add3A_481 = vector.broadcast %add3A_480 : f32 to vector<16xf32>
      %add3A_482 = arith.addf %add3A_481, %mul3A_479 : vector<16xf32>
      %mul3A_483 = arith.mulf %mul3A_473, %add3A_482 : vector<16xf32>
      %add3A_484 = arith.constant 2.000000e-01 : f32
      %add3A_485 = vector.broadcast %add3A_484 : f32 to vector<16xf32>
      %add3A_486 = arith.addf %add3A_485, %mul3A_483 : vector<16xf32>
      %mul3A_487 = arith.mulf %mul3A_473, %add3A_486 : vector<16xf32>
      %add3A_488 = arith.constant 0.333333343 : f32
      %add3A_489 = vector.broadcast %add3A_488 : f32 to vector<16xf32>
      %add3A_490 = arith.addf %add3A_489, %mul3A_487 : vector<16xf32>
      %mul3A_491 = arith.mulf %mul3A_473, %add3A_490 : vector<16xf32>
      %add3A_492 = arith.constant 1.000000e+00 : f32
      %add3A_493 = vector.broadcast %add3A_492 : f32 to vector<16xf32>
      %add3A_494 = arith.addf %add3A_493, %mul3A_491 : vector<16xf32>
      %mul3A_495 = arith.mulf %mul3A_476, %add3A_494 : vector<16xf32>
      %max3A_496 = arith.constant 0.000000e+00 : f32
      %max3A_497 = vector.broadcast %max3A_496 : f32 to vector<16xf32>
      %max3A_498 = arith.maximumf %select_n3A_463, %max3A_497 : vector<16xf32>
      %add3A_499 = arith.addf %max3A_498, %mul3A_495 : vector<16xf32>
      %gt3A_500 = arith.constant 0 : i32
      %gt3A_501 = vector.broadcast %gt3A_500 : i32 to vector<16xi32>
      %gt3A_502 = arith.cmpi sgt, %get3A_457, %gt3A_501 : vector<16xi32>
      %add3A_503 = arith.addf %while3A_80, %add3A_499 : vector<16xf32>
      %jit3A_504 = arith.constant 0.000000e+00 : f32
      %broadcast_in_dim3A_505 = vector.broadcast %jit3A_504 : f32 to vector<16xf32>
      %select_n3A_506 = arith.select %gt3A_502, %add3A_499, %broadcast_in_dim3A_505 : vector<16xi1>, vector<16xf32>
      %add3A_507 = arith.addf %while3A_88, %select_n3A_506 : vector<16xf32>
      %jit3A_508 = arith.constant 1.000000e+00 : f32
      %jit3A_509 = arith.constant 0.000000e+00 : f32
      %broadcast_in_dim3A_510 = vector.broadcast %jit3A_508 : f32 to vector<16xf32>
      %broadcast_in_dim3A_511 = vector.broadcast %jit3A_509 : f32 to vector<16xf32>
      %select_n3A_512 = arith.select %gt3A_502, %broadcast_in_dim3A_510, %broadcast_in_dim3A_511 : vector<16xi1>, vector<16xf32>
      %add3A_513 = arith.addf %while3A_96, %select_n3A_512 : vector<16xf32>
      %add3A_514 = arith.constant 96 : i32
      %add3A_515 = arith.addi %mul3A_100, %add3A_514 : i32
      %get3A_516 = arith.index_cast %add3A_515 : i32 to index
      %get3A_517 = tpu.vector_load %arg5[%get3A_516] {strides = array<i32>} : memref<69888xf32, #tpu.memory_space<vmem>>, vector<16xf32>,
      %add3A_518 = arith.constant 128 : i32
      %add3A_519 = arith.addi %mul3A_100, %add3A_518 : i32
      %add3A_520 = arith.constant 96 : i32
      %add3A_521 = arith.addi %add3A_519, %add3A_520 : i32
      %get3A_522 = arith.index_cast %add3A_521 : i32 to index
      %get3A_523 = tpu.vector_load %arg5[%get3A_522] {strides = array<i32>} : memref<69888xf32, #tpu.memory_space<vmem>>, vector<16xf32>,
      %add3A_524 = arith.constant 96 : i32
      %add3A_525 = arith.addi %mul3A_102, %add3A_524 : i32
      %get3A_526 = arith.index_cast %add3A_525 : i32 to index
      %get3A_527 = tpu.vector_load %arg6[%get3A_526] {strides = array<i32>} : memref<34944xi32, #tpu.memory_space<vmem>>, vector<16xi32>,
      %eq3A_528 = arith.constant 0 : i32
      %eq3A_529 = vector.broadcast %eq3A_528 : i32 to vector<16xi32>
      %eq3A_530 = arith.cmpi eq, %get3A_527, %eq3A_529 : vector<16xi32>
      %sub3A_531 = arith.subf %get3A_523, %get3A_517 : vector<16xf32>
      %sub3A_532 = arith.subf %get3A_517, %get3A_523 : vector<16xf32>
      %select_n3A_533 = arith.select %eq3A_530, %sub3A_531, %sub3A_532 : vector<16xi1>, vector<16xf32>
      %abs3A_534 = math.absf %select_n3A_533 : vector<16xf32>
      %neg3A_535 = arith.constant 0.000000e+00 : f32
      %neg3A_536 = vector.broadcast %neg3A_535 : f32 to vector<16xf32>
      %neg3A_537 = arith.subf %neg3A_536, %abs3A_534 : vector<16xf32>
      %exp3A_538 = math.exp %neg3A_537 : vector<16xf32>
      %add3A_539 = arith.constant 2.000000e+00 : f32
      %add3A_540 = vector.broadcast %add3A_539 : f32 to vector<16xf32>
      %add3A_541 = arith.addf %add3A_540, %exp3A_538 : vector<16xf32>
      %div3A_542 = arith.divf %exp3A_538, %add3A_541 : vector<16xf32>
      %mul3A_543 = arith.mulf %div3A_542, %div3A_542 : vector<16xf32>
      %mul3A_544 = arith.constant 2.000000e+00 : f32
      %mul3A_545 = vector.broadcast %mul3A_544 : f32 to vector<16xf32>
      %mul3A_546 = arith.mulf %mul3A_545, %div3A_542 : vector<16xf32>
      %mul3A_547 = arith.constant 0.111111112 : f32
      %mul3A_548 = vector.broadcast %mul3A_547 : f32 to vector<16xf32>
      %mul3A_549 = arith.mulf %mul3A_543, %mul3A_548 : vector<16xf32>
      %add3A_550 = arith.constant 0.142857149 : f32
      %add3A_551 = vector.broadcast %add3A_550 : f32 to vector<16xf32>
      %add3A_552 = arith.addf %add3A_551, %mul3A_549 : vector<16xf32>
      %mul3A_553 = arith.mulf %mul3A_543, %add3A_552 : vector<16xf32>
      %add3A_554 = arith.constant 2.000000e-01 : f32
      %add3A_555 = vector.broadcast %add3A_554 : f32 to vector<16xf32>
      %add3A_556 = arith.addf %add3A_555, %mul3A_553 : vector<16xf32>
      %mul3A_557 = arith.mulf %mul3A_543, %add3A_556 : vector<16xf32>
      %add3A_558 = arith.constant 0.333333343 : f32
      %add3A_559 = vector.broadcast %add3A_558 : f32 to vector<16xf32>
      %add3A_560 = arith.addf %add3A_559, %mul3A_557 : vector<16xf32>
      %mul3A_561 = arith.mulf %mul3A_543, %add3A_560 : vector<16xf32>
      %add3A_562 = arith.constant 1.000000e+00 : f32
      %add3A_563 = vector.broadcast %add3A_562 : f32 to vector<16xf32>
      %add3A_564 = arith.addf %add3A_563, %mul3A_561 : vector<16xf32>
      %mul3A_565 = arith.mulf %mul3A_546, %add3A_564 : vector<16xf32>
      %max3A_566 = arith.constant 0.000000e+00 : f32
      %max3A_567 = vector.broadcast %max3A_566 : f32 to vector<16xf32>
      %max3A_568 = arith.maximumf %select_n3A_533, %max3A_567 : vector<16xf32>
      %add3A_569 = arith.addf %max3A_568, %mul3A_565 : vector<16xf32>
      %gt3A_570 = arith.constant 0 : i32
      %gt3A_571 = vector.broadcast %gt3A_570 : i32 to vector<16xi32>
      %gt3A_572 = arith.cmpi sgt, %get3A_527, %gt3A_571 : vector<16xi32>
      %add3A_573 = arith.addf %while3A_81, %add3A_569 : vector<16xf32>
      %jit3A_574 = arith.constant 0.000000e+00 : f32
      %broadcast_in_dim3A_575 = vector.broadcast %jit3A_574 : f32 to vector<16xf32>
      %select_n3A_576 = arith.select %gt3A_572, %add3A_569, %broadcast_in_dim3A_575 : vector<16xi1>, vector<16xf32>
      %add3A_577 = arith.addf %while3A_89, %select_n3A_576 : vector<16xf32>
      %jit3A_578 = arith.constant 1.000000e+00 : f32
      %jit3A_579 = arith.constant 0.000000e+00 : f32
      %broadcast_in_dim3A_580 = vector.broadcast %jit3A_578 : f32 to vector<16xf32>
      %broadcast_in_dim3A_581 = vector.broadcast %jit3A_579 : f32 to vector<16xf32>
      %select_n3A_582 = arith.select %gt3A_572, %broadcast_in_dim3A_580, %broadcast_in_dim3A_581 : vector<16xi1>, vector<16xf32>
      %add3A_583 = arith.addf %while3A_97, %select_n3A_582 : vector<16xf32>
      %add3A_584 = arith.constant 112 : i32
      %add3A_585 = arith.addi %mul3A_100, %add3A_584 : i32
      %get3A_586 = arith.index_cast %add3A_585 : i32 to index
      %get3A_587 = tpu.vector_load %arg5[%get3A_586] {strides = array<i32>} : memref<69888xf32, #tpu.memory_space<vmem>>, vector<16xf32>,
      %add3A_588 = arith.constant 128 : i32
      %add3A_589 = arith.addi %mul3A_100, %add3A_588 : i32
      %add3A_590 = arith.constant 112 : i32
      %add3A_591 = arith.addi %add3A_589, %add3A_590 : i32
      %get3A_592 = arith.index_cast %add3A_591 : i32 to index
      %get3A_593 = tpu.vector_load %arg5[%get3A_592] {strides = array<i32>} : memref<69888xf32, #tpu.memory_space<vmem>>, vector<16xf32>,
      %add3A_594 = arith.constant 112 : i32
      %add3A_595 = arith.addi %mul3A_102, %add3A_594 : i32
      %get3A_596 = arith.index_cast %add3A_595 : i32 to index
      %get3A_597 = tpu.vector_load %arg6[%get3A_596] {strides = array<i32>} : memref<34944xi32, #tpu.memory_space<vmem>>, vector<16xi32>,
      %eq3A_598 = arith.constant 0 : i32
      %eq3A_599 = vector.broadcast %eq3A_598 : i32 to vector<16xi32>
      %eq3A_600 = arith.cmpi eq, %get3A_597, %eq3A_599 : vector<16xi32>
      %sub3A_601 = arith.subf %get3A_593, %get3A_587 : vector<16xf32>
      %sub3A_602 = arith.subf %get3A_587, %get3A_593 : vector<16xf32>
      %select_n3A_603 = arith.select %eq3A_600, %sub3A_601, %sub3A_602 : vector<16xi1>, vector<16xf32>
      %abs3A_604 = math.absf %select_n3A_603 : vector<16xf32>
      %neg3A_605 = arith.constant 0.000000e+00 : f32
      %neg3A_606 = vector.broadcast %neg3A_605 : f32 to vector<16xf32>
      %neg3A_607 = arith.subf %neg3A_606, %abs3A_604 : vector<16xf32>
      %exp3A_608 = math.exp %neg3A_607 : vector<16xf32>
      %add3A_609 = arith.constant 2.000000e+00 : f32
      %add3A_610 = vector.broadcast %add3A_609 : f32 to vector<16xf32>
      %add3A_611 = arith.addf %add3A_610, %exp3A_608 : vector<16xf32>
      %div3A_612 = arith.divf %exp3A_608, %add3A_611 : vector<16xf32>
      %mul3A_613 = arith.mulf %div3A_612, %div3A_612 : vector<16xf32>
      %mul3A_614 = arith.constant 2.000000e+00 : f32
      %mul3A_615 = vector.broadcast %mul3A_614 : f32 to vector<16xf32>
      %mul3A_616 = arith.mulf %mul3A_615, %div3A_612 : vector<16xf32>
      %mul3A_617 = arith.constant 0.111111112 : f32
      %mul3A_618 = vector.broadcast %mul3A_617 : f32 to vector<16xf32>
      %mul3A_619 = arith.mulf %mul3A_613, %mul3A_618 : vector<16xf32>
      %add3A_620 = arith.constant 0.142857149 : f32
      %add3A_621 = vector.broadcast %add3A_620 : f32 to vector<16xf32>
      %add3A_622 = arith.addf %add3A_621, %mul3A_619 : vector<16xf32>
      %mul3A_623 = arith.mulf %mul3A_613, %add3A_622 : vector<16xf32>
      %add3A_624 = arith.constant 2.000000e-01 : f32
      %add3A_625 = vector.broadcast %add3A_624 : f32 to vector<16xf32>
      %add3A_626 = arith.addf %add3A_625, %mul3A_623 : vector<16xf32>
      %mul3A_627 = arith.mulf %mul3A_613, %add3A_626 : vector<16xf32>
      %add3A_628 = arith.constant 0.333333343 : f32
      %add3A_629 = vector.broadcast %add3A_628 : f32 to vector<16xf32>
      %add3A_630 = arith.addf %add3A_629, %mul3A_627 : vector<16xf32>
      %mul3A_631 = arith.mulf %mul3A_613, %add3A_630 : vector<16xf32>
      %add3A_632 = arith.constant 1.000000e+00 : f32
      %add3A_633 = vector.broadcast %add3A_632 : f32 to vector<16xf32>
      %add3A_634 = arith.addf %add3A_633, %mul3A_631 : vector<16xf32>
      %mul3A_635 = arith.mulf %mul3A_616, %add3A_634 : vector<16xf32>
      %max3A_636 = arith.constant 0.000000e+00 : f32
      %max3A_637 = vector.broadcast %max3A_636 : f32 to vector<16xf32>
      %max3A_638 = arith.maximumf %select_n3A_603, %max3A_637 : vector<16xf32>
      %add3A_639 = arith.addf %max3A_638, %mul3A_635 : vector<16xf32>
      %gt3A_640 = arith.constant 0 : i32
      %gt3A_641 = vector.broadcast %gt3A_640 : i32 to vector<16xi32>
      %gt3A_642 = arith.cmpi sgt, %get3A_597, %gt3A_641 : vector<16xi32>
      %add3A_643 = arith.addf %while3A_82, %add3A_639 : vector<16xf32>
      %jit3A_644 = arith.constant 0.000000e+00 : f32
      %broadcast_in_dim3A_645 = vector.broadcast %jit3A_644 : f32 to vector<16xf32>
      %select_n3A_646 = arith.select %gt3A_642, %add3A_639, %broadcast_in_dim3A_645 : vector<16xi1>, vector<16xf32>
      %add3A_647 = arith.addf %while3A_90, %select_n3A_646 : vector<16xf32>
      %jit3A_648 = arith.constant 1.000000e+00 : f32
      %jit3A_649 = arith.constant 0.000000e+00 : f32
      %broadcast_in_dim3A_650 = vector.broadcast %jit3A_648 : f32 to vector<16xf32>
      %broadcast_in_dim3A_651 = vector.broadcast %jit3A_649 : f32 to vector<16xf32>
      %select_n3A_652 = arith.select %gt3A_642, %broadcast_in_dim3A_650, %broadcast_in_dim3A_651 : vector<16xi1>, vector<16xf32>
      %add3A_653 = arith.addf %while3A_98, %select_n3A_652 : vector<16xf32>
      scf.yield %add3A_154, %add3A_223, %add3A_293, %add3A_363, %add3A_433, %add3A_503, %add3A_573, %add3A_643, %add3A_157, %add3A_227, %add3A_297, %add3A_367, %add3A_437, %add3A_507, %add3A_577, %add3A_647, %add3A_163, %add3A_233, %add3A_303, %add3A_373, %add3A_443, %add3A_513, %add3A_583, %add3A_653 : vector<16xf32>, vector<16xf32>, vector<16xf32>, vector<16xf32>, vector<16xf32>, vector<16xf32>, vector<16xf32>, vector<16xf32>, vector<16xf32>, vector<16xf32>, vector<16xf32>, vector<16xf32>, vector<16xf32>, vector<16xf32>, vector<16xf32>, vector<16xf32>, vector<16xf32>, vector<16xf32>, vector<16xf32>, vector<16xf32>, vector<16xf32>, vector<16xf32>, vector<16xf32>, vector<16xf32>
    }
    %while3A_25 = arith.constant 1 : i32
    %while3A_26:24 = scf.for %while3A_74 = %while3A_22 to %while3A_18 step %while3A_25 iter_args(%while3A_75 = %while3A_24#0, %while3A_76 = %while3A_24#1, %while3A_77 = %while3A_24#2, %while3A_78 = %while3A_24#3, %while3A_79 = %while3A_24#4, %while3A_80 = %while3A_24#5, %while3A_81 = %while3A_24#6, %while3A_82 = %while3A_24#7, %while3A_83 = %while3A_24#8, %while3A_84 = %while3A_24#9, %while3A_85 = %while3A_24#10, %while3A_86 = %while3A_24#11, %while3A_87 = %while3A_24#12, %while3A_88 = %while3A_24#13, %while3A_89 = %while3A_24#14, %while3A_90 = %while3A_24#15, %while3A_91 = %while3A_24#16, %while3A_92 = %while3A_24#17, %while3A_93 = %while3A_24#18, %while3A_94 = %while3A_24#19, %while3A_95 = %while3A_24#20, %while3A_96 = %while3A_24#21, %while3A_97 = %while3A_24#22, %while3A_98 = %while3A_24#23) -> (vector<16xf32>, vector<16xf32>, vector<16xf32>, vector<16xf32>, vector<16xf32>, vector<16xf32>, vector<16xf32>, vector<16xf32>, vector<16xf32>, vector<16xf32>, vector<16xf32>, vector<16xf32>, vector<16xf32>, vector<16xf32>, vector<16xf32>, vector<16xf32>, vector<16xf32>, vector<16xf32>, vector<16xf32>, vector<16xf32>, vector<16xf32>, vector<16xf32>, vector<16xf32>, vector<16xf32>)  : i32 {
      %mul3A_99 = arith.constant 256 : i32
      %mul3A_100 = arith.muli %while3A_74, %mul3A_99 : i32
      %mul3A_101 = arith.constant 128 : i32
      %mul3A_102 = arith.muli %while3A_74, %mul3A_101 : i32
      %add3A_103 = arith.constant 0 : i32
      %add3A_104 = arith.addi %mul3A_100, %add3A_103 : i32
      %get3A = arith.index_cast %add3A_104 : i32 to index
      %get3A_105 = tpu.vector_load %arg5[%get3A] {strides = array<i32>} : memref<69888xf32, #tpu.memory_space<vmem>>, vector<16xf32>,
      %add3A_106 = arith.constant 128 : i32
      %add3A_107 = arith.addi %mul3A_100, %add3A_106 : i32
      %add3A_108 = arith.constant 0 : i32
      %add3A_109 = arith.addi %add3A_107, %add3A_108 : i32
      %get3A_110 = arith.index_cast %add3A_109 : i32 to index
      %get3A_111 = tpu.vector_load %arg5[%get3A_110] {strides = array<i32>} : memref<69888xf32, #tpu.memory_space<vmem>>, vector<16xf32>,
      %add3A_112 = arith.constant 0 : i32
      %add3A_113 = arith.addi %mul3A_102, %add3A_112 : i32
      %get3A_114 = arith.index_cast %add3A_113 : i32 to index
      %get3A_115 = tpu.vector_load %arg6[%get3A_114] {strides = array<i32>} : memref<34944xi32, #tpu.memory_space<vmem>>, vector<16xi32>,
      %eq3A_116 = arith.constant 0 : i32
      %eq3A_117 = vector.broadcast %eq3A_116 : i32 to vector<16xi32>
      %eq3A_118 = arith.cmpi eq, %get3A_115, %eq3A_117 : vector<16xi32>
      %sub3A_119 = arith.subf %get3A_111, %get3A_105 : vector<16xf32>
      %sub3A_120 = arith.subf %get3A_105, %get3A_111 : vector<16xf32>
      %select_n3A = arith.select %eq3A_118, %sub3A_119, %sub3A_120 : vector<16xi1>, vector<16xf32>
      %abs3A = math.absf %select_n3A : vector<16xf32>
      %neg3A = arith.constant 0.000000e+00 : f32
      %neg3A_121 = vector.broadcast %neg3A : f32 to vector<16xf32>
      %neg3A_122 = arith.subf %neg3A_121, %abs3A : vector<16xf32>
      %exp3A = math.exp %neg3A_122 : vector<16xf32>
      %add3A_123 = arith.constant 2.000000e+00 : f32
      %add3A_124 = vector.broadcast %add3A_123 : f32 to vector<16xf32>
      %add3A_125 = arith.addf %add3A_124, %exp3A : vector<16xf32>
      %div3A = arith.divf %exp3A, %add3A_125 : vector<16xf32>
      %mul3A_126 = arith.mulf %div3A, %div3A : vector<16xf32>
      %mul3A_127 = arith.constant 2.000000e+00 : f32
      %mul3A_128 = vector.broadcast %mul3A_127 : f32 to vector<16xf32>
      %mul3A_129 = arith.mulf %mul3A_128, %div3A : vector<16xf32>
      %mul3A_130 = arith.constant 0.111111112 : f32
      %mul3A_131 = vector.broadcast %mul3A_130 : f32 to vector<16xf32>
      %mul3A_132 = arith.mulf %mul3A_126, %mul3A_131 : vector<16xf32>
      %add3A_133 = arith.constant 0.142857149 : f32
      %add3A_134 = vector.broadcast %add3A_133 : f32 to vector<16xf32>
      %add3A_135 = arith.addf %add3A_134, %mul3A_132 : vector<16xf32>
      %mul3A_136 = arith.mulf %mul3A_126, %add3A_135 : vector<16xf32>
      %add3A_137 = arith.constant 2.000000e-01 : f32
      %add3A_138 = vector.broadcast %add3A_137 : f32 to vector<16xf32>
      %add3A_139 = arith.addf %add3A_138, %mul3A_136 : vector<16xf32>
      %mul3A_140 = arith.mulf %mul3A_126, %add3A_139 : vector<16xf32>
      %add3A_141 = arith.constant 0.333333343 : f32
      %add3A_142 = vector.broadcast %add3A_141 : f32 to vector<16xf32>
      %add3A_143 = arith.addf %add3A_142, %mul3A_140 : vector<16xf32>
      %mul3A_144 = arith.mulf %mul3A_126, %add3A_143 : vector<16xf32>
      %add3A_145 = arith.constant 1.000000e+00 : f32
      %add3A_146 = vector.broadcast %add3A_145 : f32 to vector<16xf32>
      %add3A_147 = arith.addf %add3A_146, %mul3A_144 : vector<16xf32>
      %mul3A_148 = arith.mulf %mul3A_129, %add3A_147 : vector<16xf32>
      %max3A = arith.constant 0.000000e+00 : f32
      %max3A_149 = vector.broadcast %max3A : f32 to vector<16xf32>
      %max3A_150 = arith.maximumf %select_n3A, %max3A_149 : vector<16xf32>
      %add3A_151 = arith.addf %max3A_150, %mul3A_148 : vector<16xf32>
      %gt3A = arith.constant 0 : i32
      %gt3A_152 = vector.broadcast %gt3A : i32 to vector<16xi32>
      %gt3A_153 = arith.cmpi sgt, %get3A_115, %gt3A_152 : vector<16xi32>
      %add3A_154 = arith.addf %while3A_75, %add3A_151 : vector<16xf32>
      %jit3A = arith.constant 0.000000e+00 : f32
      %broadcast_in_dim3A_155 = vector.broadcast %jit3A : f32 to vector<16xf32>
      %select_n3A_156 = arith.select %gt3A_153, %add3A_151, %broadcast_in_dim3A_155 : vector<16xi1>, vector<16xf32>
      %add3A_157 = arith.addf %while3A_83, %select_n3A_156 : vector<16xf32>
      %jit3A_158 = arith.constant 1.000000e+00 : f32
      %jit3A_159 = arith.constant 0.000000e+00 : f32
      %broadcast_in_dim3A_160 = vector.broadcast %jit3A_158 : f32 to vector<16xf32>
      %broadcast_in_dim3A_161 = vector.broadcast %jit3A_159 : f32 to vector<16xf32>
      %select_n3A_162 = arith.select %gt3A_153, %broadcast_in_dim3A_160, %broadcast_in_dim3A_161 : vector<16xi1>, vector<16xf32>
      %add3A_163 = arith.addf %while3A_91, %select_n3A_162 : vector<16xf32>
      %add3A_164 = arith.constant 16 : i32
      %add3A_165 = arith.addi %mul3A_100, %add3A_164 : i32
      %get3A_166 = arith.index_cast %add3A_165 : i32 to index
      %get3A_167 = tpu.vector_load %arg5[%get3A_166] {strides = array<i32>} : memref<69888xf32, #tpu.memory_space<vmem>>, vector<16xf32>,
      %add3A_168 = arith.constant 128 : i32
      %add3A_169 = arith.addi %mul3A_100, %add3A_168 : i32
      %add3A_170 = arith.constant 16 : i32
      %add3A_171 = arith.addi %add3A_169, %add3A_170 : i32
      %get3A_172 = arith.index_cast %add3A_171 : i32 to index
      %get3A_173 = tpu.vector_load %arg5[%get3A_172] {strides = array<i32>} : memref<69888xf32, #tpu.memory_space<vmem>>, vector<16xf32>,
      %add3A_174 = arith.constant 16 : i32
      %add3A_175 = arith.addi %mul3A_102, %add3A_174 : i32
      %get3A_176 = arith.index_cast %add3A_175 : i32 to index
      %get3A_177 = tpu.vector_load %arg6[%get3A_176] {strides = array<i32>} : memref<34944xi32, #tpu.memory_space<vmem>>, vector<16xi32>,
      %eq3A_178 = arith.constant 0 : i32
      %eq3A_179 = vector.broadcast %eq3A_178 : i32 to vector<16xi32>
      %eq3A_180 = arith.cmpi eq, %get3A_177, %eq3A_179 : vector<16xi32>
      %sub3A_181 = arith.subf %get3A_173, %get3A_167 : vector<16xf32>
      %sub3A_182 = arith.subf %get3A_167, %get3A_173 : vector<16xf32>
      %select_n3A_183 = arith.select %eq3A_180, %sub3A_181, %sub3A_182 : vector<16xi1>, vector<16xf32>
      %abs3A_184 = math.absf %select_n3A_183 : vector<16xf32>
      %neg3A_185 = arith.constant 0.000000e+00 : f32
      %neg3A_186 = vector.broadcast %neg3A_185 : f32 to vector<16xf32>
      %neg3A_187 = arith.subf %neg3A_186, %abs3A_184 : vector<16xf32>
      %exp3A_188 = math.exp %neg3A_187 : vector<16xf32>
      %add3A_189 = arith.constant 2.000000e+00 : f32
      %add3A_190 = vector.broadcast %add3A_189 : f32 to vector<16xf32>
      %add3A_191 = arith.addf %add3A_190, %exp3A_188 : vector<16xf32>
      %div3A_192 = arith.divf %exp3A_188, %add3A_191 : vector<16xf32>
      %mul3A_193 = arith.mulf %div3A_192, %div3A_192 : vector<16xf32>
      %mul3A_194 = arith.constant 2.000000e+00 : f32
      %mul3A_195 = vector.broadcast %mul3A_194 : f32 to vector<16xf32>
      %mul3A_196 = arith.mulf %mul3A_195, %div3A_192 : vector<16xf32>
      %mul3A_197 = arith.constant 0.111111112 : f32
      %mul3A_198 = vector.broadcast %mul3A_197 : f32 to vector<16xf32>
      %mul3A_199 = arith.mulf %mul3A_193, %mul3A_198 : vector<16xf32>
      %add3A_200 = arith.constant 0.142857149 : f32
      %add3A_201 = vector.broadcast %add3A_200 : f32 to vector<16xf32>
      %add3A_202 = arith.addf %add3A_201, %mul3A_199 : vector<16xf32>
      %mul3A_203 = arith.mulf %mul3A_193, %add3A_202 : vector<16xf32>
      %add3A_204 = arith.constant 2.000000e-01 : f32
      %add3A_205 = vector.broadcast %add3A_204 : f32 to vector<16xf32>
      %add3A_206 = arith.addf %add3A_205, %mul3A_203 : vector<16xf32>
      %mul3A_207 = arith.mulf %mul3A_193, %add3A_206 : vector<16xf32>
      %add3A_208 = arith.constant 0.333333343 : f32
      %add3A_209 = vector.broadcast %add3A_208 : f32 to vector<16xf32>
      %add3A_210 = arith.addf %add3A_209, %mul3A_207 : vector<16xf32>
      %mul3A_211 = arith.mulf %mul3A_193, %add3A_210 : vector<16xf32>
      %add3A_212 = arith.constant 1.000000e+00 : f32
      %add3A_213 = vector.broadcast %add3A_212 : f32 to vector<16xf32>
      %add3A_214 = arith.addf %add3A_213, %mul3A_211 : vector<16xf32>
      %mul3A_215 = arith.mulf %mul3A_196, %add3A_214 : vector<16xf32>
      %max3A_216 = arith.constant 0.000000e+00 : f32
      %max3A_217 = vector.broadcast %max3A_216 : f32 to vector<16xf32>
      %max3A_218 = arith.maximumf %select_n3A_183, %max3A_217 : vector<16xf32>
      %add3A_219 = arith.addf %max3A_218, %mul3A_215 : vector<16xf32>
      %gt3A_220 = arith.constant 0 : i32
      %gt3A_221 = vector.broadcast %gt3A_220 : i32 to vector<16xi32>
      %gt3A_222 = arith.cmpi sgt, %get3A_177, %gt3A_221 : vector<16xi32>
      %add3A_223 = arith.addf %while3A_76, %add3A_219 : vector<16xf32>
      %jit3A_224 = arith.constant 0.000000e+00 : f32
      %broadcast_in_dim3A_225 = vector.broadcast %jit3A_224 : f32 to vector<16xf32>
      %select_n3A_226 = arith.select %gt3A_222, %add3A_219, %broadcast_in_dim3A_225 : vector<16xi1>, vector<16xf32>
      %add3A_227 = arith.addf %while3A_84, %select_n3A_226 : vector<16xf32>
      %jit3A_228 = arith.constant 1.000000e+00 : f32
      %jit3A_229 = arith.constant 0.000000e+00 : f32
      %broadcast_in_dim3A_230 = vector.broadcast %jit3A_228 : f32 to vector<16xf32>
      %broadcast_in_dim3A_231 = vector.broadcast %jit3A_229 : f32 to vector<16xf32>
      %select_n3A_232 = arith.select %gt3A_222, %broadcast_in_dim3A_230, %broadcast_in_dim3A_231 : vector<16xi1>, vector<16xf32>
      %add3A_233 = arith.addf %while3A_92, %select_n3A_232 : vector<16xf32>
      %add3A_234 = arith.constant 32 : i32
      %add3A_235 = arith.addi %mul3A_100, %add3A_234 : i32
      %get3A_236 = arith.index_cast %add3A_235 : i32 to index
      %get3A_237 = tpu.vector_load %arg5[%get3A_236] {strides = array<i32>} : memref<69888xf32, #tpu.memory_space<vmem>>, vector<16xf32>,
      %add3A_238 = arith.constant 128 : i32
      %add3A_239 = arith.addi %mul3A_100, %add3A_238 : i32
      %add3A_240 = arith.constant 32 : i32
      %add3A_241 = arith.addi %add3A_239, %add3A_240 : i32
      %get3A_242 = arith.index_cast %add3A_241 : i32 to index
      %get3A_243 = tpu.vector_load %arg5[%get3A_242] {strides = array<i32>} : memref<69888xf32, #tpu.memory_space<vmem>>, vector<16xf32>,
      %add3A_244 = arith.constant 32 : i32
      %add3A_245 = arith.addi %mul3A_102, %add3A_244 : i32
      %get3A_246 = arith.index_cast %add3A_245 : i32 to index
      %get3A_247 = tpu.vector_load %arg6[%get3A_246] {strides = array<i32>} : memref<34944xi32, #tpu.memory_space<vmem>>, vector<16xi32>,
      %eq3A_248 = arith.constant 0 : i32
      %eq3A_249 = vector.broadcast %eq3A_248 : i32 to vector<16xi32>
      %eq3A_250 = arith.cmpi eq, %get3A_247, %eq3A_249 : vector<16xi32>
      %sub3A_251 = arith.subf %get3A_243, %get3A_237 : vector<16xf32>
      %sub3A_252 = arith.subf %get3A_237, %get3A_243 : vector<16xf32>
      %select_n3A_253 = arith.select %eq3A_250, %sub3A_251, %sub3A_252 : vector<16xi1>, vector<16xf32>
      %abs3A_254 = math.absf %select_n3A_253 : vector<16xf32>
      %neg3A_255 = arith.constant 0.000000e+00 : f32
      %neg3A_256 = vector.broadcast %neg3A_255 : f32 to vector<16xf32>
      %neg3A_257 = arith.subf %neg3A_256, %abs3A_254 : vector<16xf32>
      %exp3A_258 = math.exp %neg3A_257 : vector<16xf32>
      %add3A_259 = arith.constant 2.000000e+00 : f32
      %add3A_260 = vector.broadcast %add3A_259 : f32 to vector<16xf32>
      %add3A_261 = arith.addf %add3A_260, %exp3A_258 : vector<16xf32>
      %div3A_262 = arith.divf %exp3A_258, %add3A_261 : vector<16xf32>
      %mul3A_263 = arith.mulf %div3A_262, %div3A_262 : vector<16xf32>
      %mul3A_264 = arith.constant 2.000000e+00 : f32
      %mul3A_265 = vector.broadcast %mul3A_264 : f32 to vector<16xf32>
      %mul3A_266 = arith.mulf %mul3A_265, %div3A_262 : vector<16xf32>
      %mul3A_267 = arith.constant 0.111111112 : f32
      %mul3A_268 = vector.broadcast %mul3A_267 : f32 to vector<16xf32>
      %mul3A_269 = arith.mulf %mul3A_263, %mul3A_268 : vector<16xf32>
      %add3A_270 = arith.constant 0.142857149 : f32
      %add3A_271 = vector.broadcast %add3A_270 : f32 to vector<16xf32>
      %add3A_272 = arith.addf %add3A_271, %mul3A_269 : vector<16xf32>
      %mul3A_273 = arith.mulf %mul3A_263, %add3A_272 : vector<16xf32>
      %add3A_274 = arith.constant 2.000000e-01 : f32
      %add3A_275 = vector.broadcast %add3A_274 : f32 to vector<16xf32>
      %add3A_276 = arith.addf %add3A_275, %mul3A_273 : vector<16xf32>
      %mul3A_277 = arith.mulf %mul3A_263, %add3A_276 : vector<16xf32>
      %add3A_278 = arith.constant 0.333333343 : f32
      %add3A_279 = vector.broadcast %add3A_278 : f32 to vector<16xf32>
      %add3A_280 = arith.addf %add3A_279, %mul3A_277 : vector<16xf32>
      %mul3A_281 = arith.mulf %mul3A_263, %add3A_280 : vector<16xf32>
      %add3A_282 = arith.constant 1.000000e+00 : f32
      %add3A_283 = vector.broadcast %add3A_282 : f32 to vector<16xf32>
      %add3A_284 = arith.addf %add3A_283, %mul3A_281 : vector<16xf32>
      %mul3A_285 = arith.mulf %mul3A_266, %add3A_284 : vector<16xf32>
      %max3A_286 = arith.constant 0.000000e+00 : f32
      %max3A_287 = vector.broadcast %max3A_286 : f32 to vector<16xf32>
      %max3A_288 = arith.maximumf %select_n3A_253, %max3A_287 : vector<16xf32>
      %add3A_289 = arith.addf %max3A_288, %mul3A_285 : vector<16xf32>
      %gt3A_290 = arith.constant 0 : i32
      %gt3A_291 = vector.broadcast %gt3A_290 : i32 to vector<16xi32>
      %gt3A_292 = arith.cmpi sgt, %get3A_247, %gt3A_291 : vector<16xi32>
      %add3A_293 = arith.addf %while3A_77, %add3A_289 : vector<16xf32>
      %jit3A_294 = arith.constant 0.000000e+00 : f32
      %broadcast_in_dim3A_295 = vector.broadcast %jit3A_294 : f32 to vector<16xf32>
      %select_n3A_296 = arith.select %gt3A_292, %add3A_289, %broadcast_in_dim3A_295 : vector<16xi1>, vector<16xf32>
      %add3A_297 = arith.addf %while3A_85, %select_n3A_296 : vector<16xf32>
      %jit3A_298 = arith.constant 1.000000e+00 : f32
      %jit3A_299 = arith.constant 0.000000e+00 : f32
      %broadcast_in_dim3A_300 = vector.broadcast %jit3A_298 : f32 to vector<16xf32>
      %broadcast_in_dim3A_301 = vector.broadcast %jit3A_299 : f32 to vector<16xf32>
      %select_n3A_302 = arith.select %gt3A_292, %broadcast_in_dim3A_300, %broadcast_in_dim3A_301 : vector<16xi1>, vector<16xf32>
      %add3A_303 = arith.addf %while3A_93, %select_n3A_302 : vector<16xf32>
      %add3A_304 = arith.constant 48 : i32
      %add3A_305 = arith.addi %mul3A_100, %add3A_304 : i32
      %get3A_306 = arith.index_cast %add3A_305 : i32 to index
      %get3A_307 = tpu.vector_load %arg5[%get3A_306] {strides = array<i32>} : memref<69888xf32, #tpu.memory_space<vmem>>, vector<16xf32>,
      %add3A_308 = arith.constant 128 : i32
      %add3A_309 = arith.addi %mul3A_100, %add3A_308 : i32
      %add3A_310 = arith.constant 48 : i32
      %add3A_311 = arith.addi %add3A_309, %add3A_310 : i32
      %get3A_312 = arith.index_cast %add3A_311 : i32 to index
      %get3A_313 = tpu.vector_load %arg5[%get3A_312] {strides = array<i32>} : memref<69888xf32, #tpu.memory_space<vmem>>, vector<16xf32>,
      %add3A_314 = arith.constant 48 : i32
      %add3A_315 = arith.addi %mul3A_102, %add3A_314 : i32
      %get3A_316 = arith.index_cast %add3A_315 : i32 to index
      %get3A_317 = tpu.vector_load %arg6[%get3A_316] {strides = array<i32>} : memref<34944xi32, #tpu.memory_space<vmem>>, vector<16xi32>,
      %eq3A_318 = arith.constant 0 : i32
      %eq3A_319 = vector.broadcast %eq3A_318 : i32 to vector<16xi32>
      %eq3A_320 = arith.cmpi eq, %get3A_317, %eq3A_319 : vector<16xi32>
      %sub3A_321 = arith.subf %get3A_313, %get3A_307 : vector<16xf32>
      %sub3A_322 = arith.subf %get3A_307, %get3A_313 : vector<16xf32>
      %select_n3A_323 = arith.select %eq3A_320, %sub3A_321, %sub3A_322 : vector<16xi1>, vector<16xf32>
      %abs3A_324 = math.absf %select_n3A_323 : vector<16xf32>
      %neg3A_325 = arith.constant 0.000000e+00 : f32
      %neg3A_326 = vector.broadcast %neg3A_325 : f32 to vector<16xf32>
      %neg3A_327 = arith.subf %neg3A_326, %abs3A_324 : vector<16xf32>
      %exp3A_328 = math.exp %neg3A_327 : vector<16xf32>
      %add3A_329 = arith.constant 2.000000e+00 : f32
      %add3A_330 = vector.broadcast %add3A_329 : f32 to vector<16xf32>
      %add3A_331 = arith.addf %add3A_330, %exp3A_328 : vector<16xf32>
      %div3A_332 = arith.divf %exp3A_328, %add3A_331 : vector<16xf32>
      %mul3A_333 = arith.mulf %div3A_332, %div3A_332 : vector<16xf32>
      %mul3A_334 = arith.constant 2.000000e+00 : f32
      %mul3A_335 = vector.broadcast %mul3A_334 : f32 to vector<16xf32>
      %mul3A_336 = arith.mulf %mul3A_335, %div3A_332 : vector<16xf32>
      %mul3A_337 = arith.constant 0.111111112 : f32
      %mul3A_338 = vector.broadcast %mul3A_337 : f32 to vector<16xf32>
      %mul3A_339 = arith.mulf %mul3A_333, %mul3A_338 : vector<16xf32>
      %add3A_340 = arith.constant 0.142857149 : f32
      %add3A_341 = vector.broadcast %add3A_340 : f32 to vector<16xf32>
      %add3A_342 = arith.addf %add3A_341, %mul3A_339 : vector<16xf32>
      %mul3A_343 = arith.mulf %mul3A_333, %add3A_342 : vector<16xf32>
      %add3A_344 = arith.constant 2.000000e-01 : f32
      %add3A_345 = vector.broadcast %add3A_344 : f32 to vector<16xf32>
      %add3A_346 = arith.addf %add3A_345, %mul3A_343 : vector<16xf32>
      %mul3A_347 = arith.mulf %mul3A_333, %add3A_346 : vector<16xf32>
      %add3A_348 = arith.constant 0.333333343 : f32
      %add3A_349 = vector.broadcast %add3A_348 : f32 to vector<16xf32>
      %add3A_350 = arith.addf %add3A_349, %mul3A_347 : vector<16xf32>
      %mul3A_351 = arith.mulf %mul3A_333, %add3A_350 : vector<16xf32>
      %add3A_352 = arith.constant 1.000000e+00 : f32
      %add3A_353 = vector.broadcast %add3A_352 : f32 to vector<16xf32>
      %add3A_354 = arith.addf %add3A_353, %mul3A_351 : vector<16xf32>
      %mul3A_355 = arith.mulf %mul3A_336, %add3A_354 : vector<16xf32>
      %max3A_356 = arith.constant 0.000000e+00 : f32
      %max3A_357 = vector.broadcast %max3A_356 : f32 to vector<16xf32>
      %max3A_358 = arith.maximumf %select_n3A_323, %max3A_357 : vector<16xf32>
      %add3A_359 = arith.addf %max3A_358, %mul3A_355 : vector<16xf32>
      %gt3A_360 = arith.constant 0 : i32
      %gt3A_361 = vector.broadcast %gt3A_360 : i32 to vector<16xi32>
      %gt3A_362 = arith.cmpi sgt, %get3A_317, %gt3A_361 : vector<16xi32>
      %add3A_363 = arith.addf %while3A_78, %add3A_359 : vector<16xf32>
      %jit3A_364 = arith.constant 0.000000e+00 : f32
      %broadcast_in_dim3A_365 = vector.broadcast %jit3A_364 : f32 to vector<16xf32>
      %select_n3A_366 = arith.select %gt3A_362, %add3A_359, %broadcast_in_dim3A_365 : vector<16xi1>, vector<16xf32>
      %add3A_367 = arith.addf %while3A_86, %select_n3A_366 : vector<16xf32>
      %jit3A_368 = arith.constant 1.000000e+00 : f32
      %jit3A_369 = arith.constant 0.000000e+00 : f32
      %broadcast_in_dim3A_370 = vector.broadcast %jit3A_368 : f32 to vector<16xf32>
      %broadcast_in_dim3A_371 = vector.broadcast %jit3A_369 : f32 to vector<16xf32>
      %select_n3A_372 = arith.select %gt3A_362, %broadcast_in_dim3A_370, %broadcast_in_dim3A_371 : vector<16xi1>, vector<16xf32>
      %add3A_373 = arith.addf %while3A_94, %select_n3A_372 : vector<16xf32>
      %add3A_374 = arith.constant 64 : i32
      %add3A_375 = arith.addi %mul3A_100, %add3A_374 : i32
      %get3A_376 = arith.index_cast %add3A_375 : i32 to index
      %get3A_377 = tpu.vector_load %arg5[%get3A_376] {strides = array<i32>} : memref<69888xf32, #tpu.memory_space<vmem>>, vector<16xf32>,
      %add3A_378 = arith.constant 128 : i32
      %add3A_379 = arith.addi %mul3A_100, %add3A_378 : i32
      %add3A_380 = arith.constant 64 : i32
      %add3A_381 = arith.addi %add3A_379, %add3A_380 : i32
      %get3A_382 = arith.index_cast %add3A_381 : i32 to index
      %get3A_383 = tpu.vector_load %arg5[%get3A_382] {strides = array<i32>} : memref<69888xf32, #tpu.memory_space<vmem>>, vector<16xf32>,
      %add3A_384 = arith.constant 64 : i32
      %add3A_385 = arith.addi %mul3A_102, %add3A_384 : i32
      %get3A_386 = arith.index_cast %add3A_385 : i32 to index
      %get3A_387 = tpu.vector_load %arg6[%get3A_386] {strides = array<i32>} : memref<34944xi32, #tpu.memory_space<vmem>>, vector<16xi32>,
      %eq3A_388 = arith.constant 0 : i32
      %eq3A_389 = vector.broadcast %eq3A_388 : i32 to vector<16xi32>
      %eq3A_390 = arith.cmpi eq, %get3A_387, %eq3A_389 : vector<16xi32>
      %sub3A_391 = arith.subf %get3A_383, %get3A_377 : vector<16xf32>
      %sub3A_392 = arith.subf %get3A_377, %get3A_383 : vector<16xf32>
      %select_n3A_393 = arith.select %eq3A_390, %sub3A_391, %sub3A_392 : vector<16xi1>, vector<16xf32>
      %abs3A_394 = math.absf %select_n3A_393 : vector<16xf32>
      %neg3A_395 = arith.constant 0.000000e+00 : f32
      %neg3A_396 = vector.broadcast %neg3A_395 : f32 to vector<16xf32>
      %neg3A_397 = arith.subf %neg3A_396, %abs3A_394 : vector<16xf32>
      %exp3A_398 = math.exp %neg3A_397 : vector<16xf32>
      %add3A_399 = arith.constant 2.000000e+00 : f32
      %add3A_400 = vector.broadcast %add3A_399 : f32 to vector<16xf32>
      %add3A_401 = arith.addf %add3A_400, %exp3A_398 : vector<16xf32>
      %div3A_402 = arith.divf %exp3A_398, %add3A_401 : vector<16xf32>
      %mul3A_403 = arith.mulf %div3A_402, %div3A_402 : vector<16xf32>
      %mul3A_404 = arith.constant 2.000000e+00 : f32
      %mul3A_405 = vector.broadcast %mul3A_404 : f32 to vector<16xf32>
      %mul3A_406 = arith.mulf %mul3A_405, %div3A_402 : vector<16xf32>
      %mul3A_407 = arith.constant 0.111111112 : f32
      %mul3A_408 = vector.broadcast %mul3A_407 : f32 to vector<16xf32>
      %mul3A_409 = arith.mulf %mul3A_403, %mul3A_408 : vector<16xf32>
      %add3A_410 = arith.constant 0.142857149 : f32
      %add3A_411 = vector.broadcast %add3A_410 : f32 to vector<16xf32>
      %add3A_412 = arith.addf %add3A_411, %mul3A_409 : vector<16xf32>
      %mul3A_413 = arith.mulf %mul3A_403, %add3A_412 : vector<16xf32>
      %add3A_414 = arith.constant 2.000000e-01 : f32
      %add3A_415 = vector.broadcast %add3A_414 : f32 to vector<16xf32>
      %add3A_416 = arith.addf %add3A_415, %mul3A_413 : vector<16xf32>
      %mul3A_417 = arith.mulf %mul3A_403, %add3A_416 : vector<16xf32>
      %add3A_418 = arith.constant 0.333333343 : f32
      %add3A_419 = vector.broadcast %add3A_418 : f32 to vector<16xf32>
      %add3A_420 = arith.addf %add3A_419, %mul3A_417 : vector<16xf32>
      %mul3A_421 = arith.mulf %mul3A_403, %add3A_420 : vector<16xf32>
      %add3A_422 = arith.constant 1.000000e+00 : f32
      %add3A_423 = vector.broadcast %add3A_422 : f32 to vector<16xf32>
      %add3A_424 = arith.addf %add3A_423, %mul3A_421 : vector<16xf32>
      %mul3A_425 = arith.mulf %mul3A_406, %add3A_424 : vector<16xf32>
      %max3A_426 = arith.constant 0.000000e+00 : f32
      %max3A_427 = vector.broadcast %max3A_426 : f32 to vector<16xf32>
      %max3A_428 = arith.maximumf %select_n3A_393, %max3A_427 : vector<16xf32>
      %add3A_429 = arith.addf %max3A_428, %mul3A_425 : vector<16xf32>
      %gt3A_430 = arith.constant 0 : i32
      %gt3A_431 = vector.broadcast %gt3A_430 : i32 to vector<16xi32>
      %gt3A_432 = arith.cmpi sgt, %get3A_387, %gt3A_431 : vector<16xi32>
      %add3A_433 = arith.addf %while3A_79, %add3A_429 : vector<16xf32>
      %jit3A_434 = arith.constant 0.000000e+00 : f32
      %broadcast_in_dim3A_435 = vector.broadcast %jit3A_434 : f32 to vector<16xf32>
      %select_n3A_436 = arith.select %gt3A_432, %add3A_429, %broadcast_in_dim3A_435 : vector<16xi1>, vector<16xf32>
      %add3A_437 = arith.addf %while3A_87, %select_n3A_436 : vector<16xf32>
      %jit3A_438 = arith.constant 1.000000e+00 : f32
      %jit3A_439 = arith.constant 0.000000e+00 : f32
      %broadcast_in_dim3A_440 = vector.broadcast %jit3A_438 : f32 to vector<16xf32>
      %broadcast_in_dim3A_441 = vector.broadcast %jit3A_439 : f32 to vector<16xf32>
      %select_n3A_442 = arith.select %gt3A_432, %broadcast_in_dim3A_440, %broadcast_in_dim3A_441 : vector<16xi1>, vector<16xf32>
      %add3A_443 = arith.addf %while3A_95, %select_n3A_442 : vector<16xf32>
      %add3A_444 = arith.constant 80 : i32
      %add3A_445 = arith.addi %mul3A_100, %add3A_444 : i32
      %get3A_446 = arith.index_cast %add3A_445 : i32 to index
      %get3A_447 = tpu.vector_load %arg5[%get3A_446] {strides = array<i32>} : memref<69888xf32, #tpu.memory_space<vmem>>, vector<16xf32>,
      %add3A_448 = arith.constant 128 : i32
      %add3A_449 = arith.addi %mul3A_100, %add3A_448 : i32
      %add3A_450 = arith.constant 80 : i32
      %add3A_451 = arith.addi %add3A_449, %add3A_450 : i32
      %get3A_452 = arith.index_cast %add3A_451 : i32 to index
      %get3A_453 = tpu.vector_load %arg5[%get3A_452] {strides = array<i32>} : memref<69888xf32, #tpu.memory_space<vmem>>, vector<16xf32>,
      %add3A_454 = arith.constant 80 : i32
      %add3A_455 = arith.addi %mul3A_102, %add3A_454 : i32
      %get3A_456 = arith.index_cast %add3A_455 : i32 to index
      %get3A_457 = tpu.vector_load %arg6[%get3A_456] {strides = array<i32>} : memref<34944xi32, #tpu.memory_space<vmem>>, vector<16xi32>,
      %eq3A_458 = arith.constant 0 : i32
      %eq3A_459 = vector.broadcast %eq3A_458 : i32 to vector<16xi32>
      %eq3A_460 = arith.cmpi eq, %get3A_457, %eq3A_459 : vector<16xi32>
      %sub3A_461 = arith.subf %get3A_453, %get3A_447 : vector<16xf32>
      %sub3A_462 = arith.subf %get3A_447, %get3A_453 : vector<16xf32>
      %select_n3A_463 = arith.select %eq3A_460, %sub3A_461, %sub3A_462 : vector<16xi1>, vector<16xf32>
      %abs3A_464 = math.absf %select_n3A_463 : vector<16xf32>
      %neg3A_465 = arith.constant 0.000000e+00 : f32
      %neg3A_466 = vector.broadcast %neg3A_465 : f32 to vector<16xf32>
      %neg3A_467 = arith.subf %neg3A_466, %abs3A_464 : vector<16xf32>
      %exp3A_468 = math.exp %neg3A_467 : vector<16xf32>
      %add3A_469 = arith.constant 2.000000e+00 : f32
      %add3A_470 = vector.broadcast %add3A_469 : f32 to vector<16xf32>
      %add3A_471 = arith.addf %add3A_470, %exp3A_468 : vector<16xf32>
      %div3A_472 = arith.divf %exp3A_468, %add3A_471 : vector<16xf32>
      %mul3A_473 = arith.mulf %div3A_472, %div3A_472 : vector<16xf32>
      %mul3A_474 = arith.constant 2.000000e+00 : f32
      %mul3A_475 = vector.broadcast %mul3A_474 : f32 to vector<16xf32>
      %mul3A_476 = arith.mulf %mul3A_475, %div3A_472 : vector<16xf32>
      %mul3A_477 = arith.constant 0.111111112 : f32
      %mul3A_478 = vector.broadcast %mul3A_477 : f32 to vector<16xf32>
      %mul3A_479 = arith.mulf %mul3A_473, %mul3A_478 : vector<16xf32>
      %add3A_480 = arith.constant 0.142857149 : f32
      %add3A_481 = vector.broadcast %add3A_480 : f32 to vector<16xf32>
      %add3A_482 = arith.addf %add3A_481, %mul3A_479 : vector<16xf32>
      %mul3A_483 = arith.mulf %mul3A_473, %add3A_482 : vector<16xf32>
      %add3A_484 = arith.constant 2.000000e-01 : f32
      %add3A_485 = vector.broadcast %add3A_484 : f32 to vector<16xf32>
      %add3A_486 = arith.addf %add3A_485, %mul3A_483 : vector<16xf32>
      %mul3A_487 = arith.mulf %mul3A_473, %add3A_486 : vector<16xf32>
      %add3A_488 = arith.constant 0.333333343 : f32
      %add3A_489 = vector.broadcast %add3A_488 : f32 to vector<16xf32>
      %add3A_490 = arith.addf %add3A_489, %mul3A_487 : vector<16xf32>
      %mul3A_491 = arith.mulf %mul3A_473, %add3A_490 : vector<16xf32>
      %add3A_492 = arith.constant 1.000000e+00 : f32
      %add3A_493 = vector.broadcast %add3A_492 : f32 to vector<16xf32>
      %add3A_494 = arith.addf %add3A_493, %mul3A_491 : vector<16xf32>
      %mul3A_495 = arith.mulf %mul3A_476, %add3A_494 : vector<16xf32>
      %max3A_496 = arith.constant 0.000000e+00 : f32
      %max3A_497 = vector.broadcast %max3A_496 : f32 to vector<16xf32>
      %max3A_498 = arith.maximumf %select_n3A_463, %max3A_497 : vector<16xf32>
      %add3A_499 = arith.addf %max3A_498, %mul3A_495 : vector<16xf32>
      %gt3A_500 = arith.constant 0 : i32
      %gt3A_501 = vector.broadcast %gt3A_500 : i32 to vector<16xi32>
      %gt3A_502 = arith.cmpi sgt, %get3A_457, %gt3A_501 : vector<16xi32>
      %add3A_503 = arith.addf %while3A_80, %add3A_499 : vector<16xf32>
      %jit3A_504 = arith.constant 0.000000e+00 : f32
      %broadcast_in_dim3A_505 = vector.broadcast %jit3A_504 : f32 to vector<16xf32>
      %select_n3A_506 = arith.select %gt3A_502, %add3A_499, %broadcast_in_dim3A_505 : vector<16xi1>, vector<16xf32>
      %add3A_507 = arith.addf %while3A_88, %select_n3A_506 : vector<16xf32>
      %jit3A_508 = arith.constant 1.000000e+00 : f32
      %jit3A_509 = arith.constant 0.000000e+00 : f32
      %broadcast_in_dim3A_510 = vector.broadcast %jit3A_508 : f32 to vector<16xf32>
      %broadcast_in_dim3A_511 = vector.broadcast %jit3A_509 : f32 to vector<16xf32>
      %select_n3A_512 = arith.select %gt3A_502, %broadcast_in_dim3A_510, %broadcast_in_dim3A_511 : vector<16xi1>, vector<16xf32>
      %add3A_513 = arith.addf %while3A_96, %select_n3A_512 : vector<16xf32>
      %add3A_514 = arith.constant 96 : i32
      %add3A_515 = arith.addi %mul3A_100, %add3A_514 : i32
      %get3A_516 = arith.index_cast %add3A_515 : i32 to index
      %get3A_517 = tpu.vector_load %arg5[%get3A_516] {strides = array<i32>} : memref<69888xf32, #tpu.memory_space<vmem>>, vector<16xf32>,
      %add3A_518 = arith.constant 128 : i32
      %add3A_519 = arith.addi %mul3A_100, %add3A_518 : i32
      %add3A_520 = arith.constant 96 : i32
      %add3A_521 = arith.addi %add3A_519, %add3A_520 : i32
      %get3A_522 = arith.index_cast %add3A_521 : i32 to index
      %get3A_523 = tpu.vector_load %arg5[%get3A_522] {strides = array<i32>} : memref<69888xf32, #tpu.memory_space<vmem>>, vector<16xf32>,
      %add3A_524 = arith.constant 96 : i32
      %add3A_525 = arith.addi %mul3A_102, %add3A_524 : i32
      %get3A_526 = arith.index_cast %add3A_525 : i32 to index
      %get3A_527 = tpu.vector_load %arg6[%get3A_526] {strides = array<i32>} : memref<34944xi32, #tpu.memory_space<vmem>>, vector<16xi32>,
      %eq3A_528 = arith.constant 0 : i32
      %eq3A_529 = vector.broadcast %eq3A_528 : i32 to vector<16xi32>
      %eq3A_530 = arith.cmpi eq, %get3A_527, %eq3A_529 : vector<16xi32>
      %sub3A_531 = arith.subf %get3A_523, %get3A_517 : vector<16xf32>
      %sub3A_532 = arith.subf %get3A_517, %get3A_523 : vector<16xf32>
      %select_n3A_533 = arith.select %eq3A_530, %sub3A_531, %sub3A_532 : vector<16xi1>, vector<16xf32>
      %abs3A_534 = math.absf %select_n3A_533 : vector<16xf32>
      %neg3A_535 = arith.constant 0.000000e+00 : f32
      %neg3A_536 = vector.broadcast %neg3A_535 : f32 to vector<16xf32>
      %neg3A_537 = arith.subf %neg3A_536, %abs3A_534 : vector<16xf32>
      %exp3A_538 = math.exp %neg3A_537 : vector<16xf32>
      %add3A_539 = arith.constant 2.000000e+00 : f32
      %add3A_540 = vector.broadcast %add3A_539 : f32 to vector<16xf32>
      %add3A_541 = arith.addf %add3A_540, %exp3A_538 : vector<16xf32>
      %div3A_542 = arith.divf %exp3A_538, %add3A_541 : vector<16xf32>
      %mul3A_543 = arith.mulf %div3A_542, %div3A_542 : vector<16xf32>
      %mul3A_544 = arith.constant 2.000000e+00 : f32
      %mul3A_545 = vector.broadcast %mul3A_544 : f32 to vector<16xf32>
      %mul3A_546 = arith.mulf %mul3A_545, %div3A_542 : vector<16xf32>
      %mul3A_547 = arith.constant 0.111111112 : f32
      %mul3A_548 = vector.broadcast %mul3A_547 : f32 to vector<16xf32>
      %mul3A_549 = arith.mulf %mul3A_543, %mul3A_548 : vector<16xf32>
      %add3A_550 = arith.constant 0.142857149 : f32
      %add3A_551 = vector.broadcast %add3A_550 : f32 to vector<16xf32>
      %add3A_552 = arith.addf %add3A_551, %mul3A_549 : vector<16xf32>
      %mul3A_553 = arith.mulf %mul3A_543, %add3A_552 : vector<16xf32>
      %add3A_554 = arith.constant 2.000000e-01 : f32
      %add3A_555 = vector.broadcast %add3A_554 : f32 to vector<16xf32>
      %add3A_556 = arith.addf %add3A_555, %mul3A_553 : vector<16xf32>
      %mul3A_557 = arith.mulf %mul3A_543, %add3A_556 : vector<16xf32>
      %add3A_558 = arith.constant 0.333333343 : f32
      %add3A_559 = vector.broadcast %add3A_558 : f32 to vector<16xf32>
      %add3A_560 = arith.addf %add3A_559, %mul3A_557 : vector<16xf32>
      %mul3A_561 = arith.mulf %mul3A_543, %add3A_560 : vector<16xf32>
      %add3A_562 = arith.constant 1.000000e+00 : f32
      %add3A_563 = vector.broadcast %add3A_562 : f32 to vector<16xf32>
      %add3A_564 = arith.addf %add3A_563, %mul3A_561 : vector<16xf32>
      %mul3A_565 = arith.mulf %mul3A_546, %add3A_564 : vector<16xf32>
      %max3A_566 = arith.constant 0.000000e+00 : f32
      %max3A_567 = vector.broadcast %max3A_566 : f32 to vector<16xf32>
      %max3A_568 = arith.maximumf %select_n3A_533, %max3A_567 : vector<16xf32>
      %add3A_569 = arith.addf %max3A_568, %mul3A_565 : vector<16xf32>
      %gt3A_570 = arith.constant 0 : i32
      %gt3A_571 = vector.broadcast %gt3A_570 : i32 to vector<16xi32>
      %gt3A_572 = arith.cmpi sgt, %get3A_527, %gt3A_571 : vector<16xi32>
      %add3A_573 = arith.addf %while3A_81, %add3A_569 : vector<16xf32>
      %jit3A_574 = arith.constant 0.000000e+00 : f32
      %broadcast_in_dim3A_575 = vector.broadcast %jit3A_574 : f32 to vector<16xf32>
      %select_n3A_576 = arith.select %gt3A_572, %add3A_569, %broadcast_in_dim3A_575 : vector<16xi1>, vector<16xf32>
      %add3A_577 = arith.addf %while3A_89, %select_n3A_576 : vector<16xf32>
      %jit3A_578 = arith.constant 1.000000e+00 : f32
      %jit3A_579 = arith.constant 0.000000e+00 : f32
      %broadcast_in_dim3A_580 = vector.broadcast %jit3A_578 : f32 to vector<16xf32>
      %broadcast_in_dim3A_581 = vector.broadcast %jit3A_579 : f32 to vector<16xf32>
      %select_n3A_582 = arith.select %gt3A_572, %broadcast_in_dim3A_580, %broadcast_in_dim3A_581 : vector<16xi1>, vector<16xf32>
      %add3A_583 = arith.addf %while3A_97, %select_n3A_582 : vector<16xf32>
      %add3A_584 = arith.constant 112 : i32
      %add3A_585 = arith.addi %mul3A_100, %add3A_584 : i32
      %get3A_586 = arith.index_cast %add3A_585 : i32 to index
      %get3A_587 = tpu.vector_load %arg5[%get3A_586] {strides = array<i32>} : memref<69888xf32, #tpu.memory_space<vmem>>, vector<16xf32>,
      %add3A_588 = arith.constant 128 : i32
      %add3A_589 = arith.addi %mul3A_100, %add3A_588 : i32
      %add3A_590 = arith.constant 112 : i32
      %add3A_591 = arith.addi %add3A_589, %add3A_590 : i32
      %get3A_592 = arith.index_cast %add3A_591 : i32 to index
      %get3A_593 = tpu.vector_load %arg5[%get3A_592] {strides = array<i32>} : memref<69888xf32, #tpu.memory_space<vmem>>, vector<16xf32>,
      %add3A_594 = arith.constant 112 : i32
      %add3A_595 = arith.addi %mul3A_102, %add3A_594 : i32
      %get3A_596 = arith.index_cast %add3A_595 : i32 to index
      %get3A_597 = tpu.vector_load %arg6[%get3A_596] {strides = array<i32>} : memref<34944xi32, #tpu.memory_space<vmem>>, vector<16xi32>,
      %eq3A_598 = arith.constant 0 : i32
      %eq3A_599 = vector.broadcast %eq3A_598 : i32 to vector<16xi32>
      %eq3A_600 = arith.cmpi eq, %get3A_597, %eq3A_599 : vector<16xi32>
      %sub3A_601 = arith.subf %get3A_593, %get3A_587 : vector<16xf32>
      %sub3A_602 = arith.subf %get3A_587, %get3A_593 : vector<16xf32>
      %select_n3A_603 = arith.select %eq3A_600, %sub3A_601, %sub3A_602 : vector<16xi1>, vector<16xf32>
      %abs3A_604 = math.absf %select_n3A_603 : vector<16xf32>
      %neg3A_605 = arith.constant 0.000000e+00 : f32
      %neg3A_606 = vector.broadcast %neg3A_605 : f32 to vector<16xf32>
      %neg3A_607 = arith.subf %neg3A_606, %abs3A_604 : vector<16xf32>
      %exp3A_608 = math.exp %neg3A_607 : vector<16xf32>
      %add3A_609 = arith.constant 2.000000e+00 : f32
      %add3A_610 = vector.broadcast %add3A_609 : f32 to vector<16xf32>
      %add3A_611 = arith.addf %add3A_610, %exp3A_608 : vector<16xf32>
      %div3A_612 = arith.divf %exp3A_608, %add3A_611 : vector<16xf32>
      %mul3A_613 = arith.mulf %div3A_612, %div3A_612 : vector<16xf32>
      %mul3A_614 = arith.constant 2.000000e+00 : f32
      %mul3A_615 = vector.broadcast %mul3A_614 : f32 to vector<16xf32>
      %mul3A_616 = arith.mulf %mul3A_615, %div3A_612 : vector<16xf32>
      %mul3A_617 = arith.constant 0.111111112 : f32
      %mul3A_618 = vector.broadcast %mul3A_617 : f32 to vector<16xf32>
      %mul3A_619 = arith.mulf %mul3A_613, %mul3A_618 : vector<16xf32>
      %add3A_620 = arith.constant 0.142857149 : f32
      %add3A_621 = vector.broadcast %add3A_620 : f32 to vector<16xf32>
      %add3A_622 = arith.addf %add3A_621, %mul3A_619 : vector<16xf32>
      %mul3A_623 = arith.mulf %mul3A_613, %add3A_622 : vector<16xf32>
      %add3A_624 = arith.constant 2.000000e-01 : f32
      %add3A_625 = vector.broadcast %add3A_624 : f32 to vector<16xf32>
      %add3A_626 = arith.addf %add3A_625, %mul3A_623 : vector<16xf32>
      %mul3A_627 = arith.mulf %mul3A_613, %add3A_626 : vector<16xf32>
      %add3A_628 = arith.constant 0.333333343 : f32
      %add3A_629 = vector.broadcast %add3A_628 : f32 to vector<16xf32>
      %add3A_630 = arith.addf %add3A_629, %mul3A_627 : vector<16xf32>
      %mul3A_631 = arith.mulf %mul3A_613, %add3A_630 : vector<16xf32>
      %add3A_632 = arith.constant 1.000000e+00 : f32
      %add3A_633 = vector.broadcast %add3A_632 : f32 to vector<16xf32>
      %add3A_634 = arith.addf %add3A_633, %mul3A_631 : vector<16xf32>
      %mul3A_635 = arith.mulf %mul3A_616, %add3A_634 : vector<16xf32>
      %max3A_636 = arith.constant 0.000000e+00 : f32
      %max3A_637 = vector.broadcast %max3A_636 : f32 to vector<16xf32>
      %max3A_638 = arith.maximumf %select_n3A_603, %max3A_637 : vector<16xf32>
      %add3A_639 = arith.addf %max3A_638, %mul3A_635 : vector<16xf32>
      %gt3A_640 = arith.constant 0 : i32
      %gt3A_641 = vector.broadcast %gt3A_640 : i32 to vector<16xi32>
      %gt3A_642 = arith.cmpi sgt, %get3A_597, %gt3A_641 : vector<16xi32>
      %add3A_643 = arith.addf %while3A_82, %add3A_639 : vector<16xf32>
      %jit3A_644 = arith.constant 0.000000e+00 : f32
      %broadcast_in_dim3A_645 = vector.broadcast %jit3A_644 : f32 to vector<16xf32>
      %select_n3A_646 = arith.select %gt3A_642, %add3A_639, %broadcast_in_dim3A_645 : vector<16xi1>, vector<16xf32>
      %add3A_647 = arith.addf %while3A_90, %select_n3A_646 : vector<16xf32>
      %jit3A_648 = arith.constant 1.000000e+00 : f32
      %jit3A_649 = arith.constant 0.000000e+00 : f32
      %broadcast_in_dim3A_650 = vector.broadcast %jit3A_648 : f32 to vector<16xf32>
      %broadcast_in_dim3A_651 = vector.broadcast %jit3A_649 : f32 to vector<16xf32>
      %select_n3A_652 = arith.select %gt3A_642, %broadcast_in_dim3A_650, %broadcast_in_dim3A_651 : vector<16xi1>, vector<16xf32>
      %add3A_653 = arith.addf %while3A_98, %select_n3A_652 : vector<16xf32>
      scf.yield %add3A_154, %add3A_223, %add3A_293, %add3A_363, %add3A_433, %add3A_503, %add3A_573, %add3A_643, %add3A_157, %add3A_227, %add3A_297, %add3A_367, %add3A_437, %add3A_507, %add3A_577, %add3A_647, %add3A_163, %add3A_233, %add3A_303, %add3A_373, %add3A_443, %add3A_513, %add3A_583, %add3A_653 : vector<16xf32>, vector<16xf32>, vector<16xf32>, vector<16xf32>, vector<16xf32>, vector<16xf32>, vector<16xf32>, vector<16xf32>, vector<16xf32>, vector<16xf32>, vector<16xf32>, vector<16xf32>, vector<16xf32>, vector<16xf32>, vector<16xf32>, vector<16xf32>, vector<16xf32>, vector<16xf32>, vector<16xf32>, vector<16xf32>, vector<16xf32>, vector<16xf32>, vector<16xf32>, vector<16xf32>
    }
    %swap3A = arith.constant 0 : index
    %swap3A_27 = tpu.vector_load %arg7[%swap3A] {strides = array<i32>} : memref<384xf32, #tpu.memory_space<vmem>>, vector<16xf32>,
    tpu.vector_store %arg7[%swap3A], %while3A_26#0 {strides = array<i32>} : memref<384xf32, #tpu.memory_space<vmem>>, vector<16xf32>,
    %swap3A_28 = arith.constant 16 : index
    %swap3A_29 = tpu.vector_load %arg7[%swap3A_28] {strides = array<i32>} : memref<384xf32, #tpu.memory_space<vmem>>, vector<16xf32>,
    tpu.vector_store %arg7[%swap3A_28], %while3A_26#1 {strides = array<i32>} : memref<384xf32, #tpu.memory_space<vmem>>, vector<16xf32>,
    %swap3A_30 = arith.constant 32 : index
    %swap3A_31 = tpu.vector_load %arg7[%swap3A_30] {strides = array<i32>} : memref<384xf32, #tpu.memory_space<vmem>>, vector<16xf32>,
    tpu.vector_store %arg7[%swap3A_30], %while3A_26#2 {strides = array<i32>} : memref<384xf32, #tpu.memory_space<vmem>>, vector<16xf32>,
    %swap3A_32 = arith.constant 48 : index
    %swap3A_33 = tpu.vector_load %arg7[%swap3A_32] {strides = array<i32>} : memref<384xf32, #tpu.memory_space<vmem>>, vector<16xf32>,
    tpu.vector_store %arg7[%swap3A_32], %while3A_26#3 {strides = array<i32>} : memref<384xf32, #tpu.memory_space<vmem>>, vector<16xf32>,
    %swap3A_34 = arith.constant 64 : index
    %swap3A_35 = tpu.vector_load %arg7[%swap3A_34] {strides = array<i32>} : memref<384xf32, #tpu.memory_space<vmem>>, vector<16xf32>,
    tpu.vector_store %arg7[%swap3A_34], %while3A_26#4 {strides = array<i32>} : memref<384xf32, #tpu.memory_space<vmem>>, vector<16xf32>,
    %swap3A_36 = arith.constant 80 : index
    %swap3A_37 = tpu.vector_load %arg7[%swap3A_36] {strides = array<i32>} : memref<384xf32, #tpu.memory_space<vmem>>, vector<16xf32>,
    tpu.vector_store %arg7[%swap3A_36], %while3A_26#5 {strides = array<i32>} : memref<384xf32, #tpu.memory_space<vmem>>, vector<16xf32>,
    %swap3A_38 = arith.constant 96 : index
    %swap3A_39 = tpu.vector_load %arg7[%swap3A_38] {strides = array<i32>} : memref<384xf32, #tpu.memory_space<vmem>>, vector<16xf32>,
    tpu.vector_store %arg7[%swap3A_38], %while3A_26#6 {strides = array<i32>} : memref<384xf32, #tpu.memory_space<vmem>>, vector<16xf32>,
    %swap3A_40 = arith.constant 112 : index
    %swap3A_41 = tpu.vector_load %arg7[%swap3A_40] {strides = array<i32>} : memref<384xf32, #tpu.memory_space<vmem>>, vector<16xf32>,
    tpu.vector_store %arg7[%swap3A_40], %while3A_26#7 {strides = array<i32>} : memref<384xf32, #tpu.memory_space<vmem>>, vector<16xf32>,
    %swap3A_42 = arith.constant 128 : index
    %swap3A_43 = tpu.vector_load %arg7[%swap3A_42] {strides = array<i32>} : memref<384xf32, #tpu.memory_space<vmem>>, vector<16xf32>,
    tpu.vector_store %arg7[%swap3A_42], %while3A_26#8 {strides = array<i32>} : memref<384xf32, #tpu.memory_space<vmem>>, vector<16xf32>,
    %swap3A_44 = arith.constant 144 : index
    %swap3A_45 = tpu.vector_load %arg7[%swap3A_44] {strides = array<i32>} : memref<384xf32, #tpu.memory_space<vmem>>, vector<16xf32>,
    tpu.vector_store %arg7[%swap3A_44], %while3A_26#9 {strides = array<i32>} : memref<384xf32, #tpu.memory_space<vmem>>, vector<16xf32>,
    %swap3A_46 = arith.constant 160 : index
    %swap3A_47 = tpu.vector_load %arg7[%swap3A_46] {strides = array<i32>} : memref<384xf32, #tpu.memory_space<vmem>>, vector<16xf32>,
    tpu.vector_store %arg7[%swap3A_46], %while3A_26#10 {strides = array<i32>} : memref<384xf32, #tpu.memory_space<vmem>>, vector<16xf32>,
    %swap3A_48 = arith.constant 176 : index
    %swap3A_49 = tpu.vector_load %arg7[%swap3A_48] {strides = array<i32>} : memref<384xf32, #tpu.memory_space<vmem>>, vector<16xf32>,
    tpu.vector_store %arg7[%swap3A_48], %while3A_26#11 {strides = array<i32>} : memref<384xf32, #tpu.memory_space<vmem>>, vector<16xf32>,
    %swap3A_50 = arith.constant 192 : index
    %swap3A_51 = tpu.vector_load %arg7[%swap3A_50] {strides = array<i32>} : memref<384xf32, #tpu.memory_space<vmem>>, vector<16xf32>,
    tpu.vector_store %arg7[%swap3A_50], %while3A_26#12 {strides = array<i32>} : memref<384xf32, #tpu.memory_space<vmem>>, vector<16xf32>,
    %swap3A_52 = arith.constant 208 : index
    %swap3A_53 = tpu.vector_load %arg7[%swap3A_52] {strides = array<i32>} : memref<384xf32, #tpu.memory_space<vmem>>, vector<16xf32>,
    tpu.vector_store %arg7[%swap3A_52], %while3A_26#13 {strides = array<i32>} : memref<384xf32, #tpu.memory_space<vmem>>, vector<16xf32>,
    %swap3A_54 = arith.constant 224 : index
    %swap3A_55 = tpu.vector_load %arg7[%swap3A_54] {strides = array<i32>} : memref<384xf32, #tpu.memory_space<vmem>>, vector<16xf32>,
    tpu.vector_store %arg7[%swap3A_54], %while3A_26#14 {strides = array<i32>} : memref<384xf32, #tpu.memory_space<vmem>>, vector<16xf32>,
    %swap3A_56 = arith.constant 240 : index
    %swap3A_57 = tpu.vector_load %arg7[%swap3A_56] {strides = array<i32>} : memref<384xf32, #tpu.memory_space<vmem>>, vector<16xf32>,
    tpu.vector_store %arg7[%swap3A_56], %while3A_26#15 {strides = array<i32>} : memref<384xf32, #tpu.memory_space<vmem>>, vector<16xf32>,
    %swap3A_58 = arith.constant 256 : index
    %swap3A_59 = tpu.vector_load %arg7[%swap3A_58] {strides = array<i32>} : memref<384xf32, #tpu.memory_space<vmem>>, vector<16xf32>,
    tpu.vector_store %arg7[%swap3A_58], %while3A_26#16 {strides = array<i32>} : memref<384xf32, #tpu.memory_space<vmem>>, vector<16xf32>,
    %swap3A_60 = arith.constant 272 : index
    %swap3A_61 = tpu.vector_load %arg7[%swap3A_60] {strides = array<i32>} : memref<384xf32, #tpu.memory_space<vmem>>, vector<16xf32>,
    tpu.vector_store %arg7[%swap3A_60], %while3A_26#17 {strides = array<i32>} : memref<384xf32, #tpu.memory_space<vmem>>, vector<16xf32>,
    %swap3A_62 = arith.constant 288 : index
    %swap3A_63 = tpu.vector_load %arg7[%swap3A_62] {strides = array<i32>} : memref<384xf32, #tpu.memory_space<vmem>>, vector<16xf32>,
    tpu.vector_store %arg7[%swap3A_62], %while3A_26#18 {strides = array<i32>} : memref<384xf32, #tpu.memory_space<vmem>>, vector<16xf32>,
    %swap3A_64 = arith.constant 304 : index
    %swap3A_65 = tpu.vector_load %arg7[%swap3A_64] {strides = array<i32>} : memref<384xf32, #tpu.memory_space<vmem>>, vector<16xf32>,
    tpu.vector_store %arg7[%swap3A_64], %while3A_26#19 {strides = array<i32>} : memref<384xf32, #tpu.memory_space<vmem>>, vector<16xf32>,
    %swap3A_66 = arith.constant 320 : index
    %swap3A_67 = tpu.vector_load %arg7[%swap3A_66] {strides = array<i32>} : memref<384xf32, #tpu.memory_space<vmem>>, vector<16xf32>,
    tpu.vector_store %arg7[%swap3A_66], %while3A_26#20 {strides = array<i32>} : memref<384xf32, #tpu.memory_space<vmem>>, vector<16xf32>,
    %swap3A_68 = arith.constant 336 : index
    %swap3A_69 = tpu.vector_load %arg7[%swap3A_68] {strides = array<i32>} : memref<384xf32, #tpu.memory_space<vmem>>, vector<16xf32>,
    tpu.vector_store %arg7[%swap3A_68], %while3A_26#21 {strides = array<i32>} : memref<384xf32, #tpu.memory_space<vmem>>, vector<16xf32>,
    %swap3A_70 = arith.constant 352 : index
    %swap3A_71 = tpu.vector_load %arg7[%swap3A_70] {strides = array<i32>} : memref<384xf32, #tpu.memory_space<vmem>>, vector<16xf32>,
    tpu.vector_store %arg7[%swap3A_70], %while3A_26#22 {strides = array<i32>} : memref<384xf32, #tpu.memory_space<vmem>>, vector<16xf32>,
    %swap3A_72 = arith.constant 368 : index
    %swap3A_73 = tpu.vector_load %arg7[%swap3A_72] {strides = array<i32>} : memref<384xf32, #tpu.memory_space<vmem>>, vector<16xf32>,
    tpu.vector_store %arg7[%swap3A_72], %while3A_26#23 {strides = array<i32>} : memref<384xf32, #tpu.memory_space<vmem>>, vector<16xf32>,
    "tpu.region"() ({
      %run_scoped3A = tpu.sem_alloc : memref<!tpu.dma_semaphore, #tpu.memory_space<semaphore_mem>>
      %dma_start3A = arith.constant 0 : i32
      %dma_start3A_74 = tpu.memref_slice %arg4[%add3A, %dma_start3A] : memref<32x384xf32, #tpu.memory_space<hbm>> -> memref<1x384xf32, #tpu.memory_space<hbm>>
      %dma_start3A_75 = tpu.memref_squeeze %dma_start3A_74 : memref<1x384xf32, #tpu.memory_space<hbm>> -> memref<384xf32, #tpu.memory_space<hbm>>
      %dma_start3A_76 = arith.constant 0 : i32
      %dma_start3A_77 = tpu.memref_slice %arg4[%add3A, %dma_start3A_76] : memref<32x384xf32, #tpu.memory_space<hbm>> -> memref<1x384xf32, #tpu.memory_space<hbm>>
      %dma_start3A_78 = tpu.memref_squeeze %dma_start3A_77 : memref<1x384xf32, #tpu.memory_space<hbm>> -> memref<384xf32, #tpu.memory_space<hbm>>
      tpu.enqueue_dma source(%arg7 : memref<384xf32, #tpu.memory_space<vmem>>) target(%dma_start3A_78 : memref<384xf32, #tpu.memory_space<hbm>>) target_semaphore(%run_scoped3A : memref<!tpu.dma_semaphore, #tpu.memory_space<semaphore_mem>>)
      %dma_wait3A = arith.constant 0 : i32
      %dma_wait3A_79 = tpu.memref_slice %arg4[%add3A, %dma_wait3A] : memref<32x384xf32, #tpu.memory_space<hbm>> -> memref<1x384xf32, #tpu.memory_space<hbm>>
      %dma_wait3A_80 = tpu.memref_squeeze %dma_wait3A_79 : memref<1x384xf32, #tpu.memory_space<hbm>> -> memref<384xf32, #tpu.memory_space<hbm>>
      %dma_wait3A_81 = arith.constant 0 : i32
      %dma_wait3A_82 = tpu.memref_slice %arg4[%add3A, %dma_wait3A_81] : memref<32x384xf32, #tpu.memory_space<hbm>> -> memref<1x384xf32, #tpu.memory_space<hbm>>
      %dma_wait3A_83 = tpu.memref_squeeze %dma_wait3A_82 : memref<1x384xf32, #tpu.memory_space<hbm>> -> memref<384xf32, #tpu.memory_space<hbm>>
      tpu.wait_dma2 semaphore(%run_scoped3A : memref<!tpu.dma_semaphore, #tpu.memory_space<semaphore_mem>>) src(%arg7 : memref<384xf32, #tpu.memory_space<vmem>>) dst(%dma_wait3A_83 : memref<384xf32, #tpu.memory_space<hbm>>)
      tpu.yield
    }) : () -> ()
    return
  }
}

#map = affine_map<(d0, d1) -> (0)>
#map1 = affine_map<(d0, d1) -> (0, 0)>
module attributes {stable_mosaic.version = 14 : i64} {
  func.func @_sc_body(%arg0: i32, %arg1: i32, %arg2: memref<2235392xf32, #tpu.memory_space<hbm>>, %arg3: memref<1117696xi32, #tpu.memory_space<hbm>>, %arg4: memref<32x16xf32, #tpu.memory_space<hbm>>, %arg5: memref<8752xf32, #tpu.memory_space<vmem>>, %arg6: memref<8752xf32, #tpu.memory_space<vmem>>, %arg7: memref<8752xi32, #tpu.memory_space<vmem>>, %arg8: memref<8736xf32, #tpu.memory_space<vmem>>, %arg9: memref<8736xf32, #tpu.memory_space<vmem>>, %arg10: memref<16xf32, #tpu.memory_space<vmem>>, %arg11: memref<1xf32, #tpu.memory_space<smem>>, %arg12: memref<!tpu.dma_semaphore, #tpu.memory_space<semaphore_mem>>) attributes {dimension_semantics = [#tpu.dimension_semantics<core_parallel>, #tpu.dimension_semantics<subcore_parallel>], iteration_bounds = array<i64: 2, 16>, scalar_prefetch = 0 : i64, scratch_operands = 8 : i64, tpu.core_type = #tpu.core_type<sc_vector_subcore>, window_params = [{transform_indices = #map}, {transform_indices = #map}, {transform_indices = #map1}]} {
    %mul3A = arith.constant 2 : i32
    %mul3A_0 = arith.muli %arg1, %mul3A : i32
    %add3A = arith.addi %mul3A_0, %arg0 : i32
    %iota3A = tpu.iota {dimensions = array<i32: 0>} : vector<16xi32>
    %broadcast_in_dim3A = arith.constant 0.000000e+00 : f32
    %broadcast_in_dim3A_1 = vector.broadcast %broadcast_in_dim3A : f32 to vector<16xf32>
    %broadcast_in_dim3A_2 = arith.constant 0 : i32
    %broadcast_in_dim3A_3 = vector.broadcast %broadcast_in_dim3A_2 : i32 to vector<16xi32>
    %broadcast_in_dim3A_4 = arith.constant 0.000000e+00 : f32
    %broadcast_in_dim3A_5 = vector.broadcast %broadcast_in_dim3A_4 : f32 to vector<16xf32>
    %mul3A_6 = arith.constant 4 : i32
    %mul3A_7 = arith.muli %add3A, %mul3A_6 : i32
    %add3A_8 = arith.constant 0 : i32
    %add3A_9 = arith.addi %mul3A_7, %add3A_8 : i32
    %mul3A_10 = arith.constant 17464 : i32
    %mul3A_11 = arith.muli %add3A_9, %mul3A_10 : i32
    %multiple_of3A = tpu.assume_multiple %mul3A_11, 8 : i32
    %mul3A_12 = arith.constant 17464 : i32
    %mul3A_13 = arith.muli %add3A_9, %mul3A_12 : i32
    %add3A_14 = arith.constant 8732 : i32
    %add3A_15 = arith.addi %mul3A_13, %add3A_14 : i32
    %sub3A = arith.constant 4 : i32
    %sub3A_16 = arith.subi %add3A_15, %sub3A : i32
    %multiple_of3A_17 = tpu.assume_multiple %sub3A_16, 8 : i32
    %mul3A_18 = arith.constant 8732 : i32
    %mul3A_19 = arith.muli %add3A_9, %mul3A_18 : i32
    %rem3A = arith.constant 8 : i32
    %rem3A_20 = arith.remsi %mul3A_19, %rem3A : i32
    %sub3A_21 = arith.subi %mul3A_19, %rem3A_20 : i32
    %multiple_of3A_22 = tpu.assume_multiple %sub3A_21, 8 : i32
    %dma_start3A = arith.constant 0 : i32
    %dma_start3A_23 = tpu.memref_slice %arg5[%dma_start3A] : memref<8752xf32, #tpu.memory_space<vmem>> -> memref<8736xf32, #tpu.memory_space<vmem>>
    %dma_start3A_24 = tpu.memref_slice %arg2[%multiple_of3A] : memref<2235392xf32, #tpu.memory_space<hbm>> -> memref<8736xf32, #tpu.memory_space<hbm>>
    %dma_start3A_25 = arith.constant 0 : i32
    %dma_start3A_26 = tpu.memref_slice %arg5[%dma_start3A_25] : memref<8752xf32, #tpu.memory_space<vmem>> -> memref<8736xf32, #tpu.memory_space<vmem>>
    %dma_start3A_27 = tpu.memref_slice %arg2[%multiple_of3A] : memref<2235392xf32, #tpu.memory_space<hbm>> -> memref<8736xf32, #tpu.memory_space<hbm>>
    tpu.enqueue_dma source(%dma_start3A_27 : memref<8736xf32, #tpu.memory_space<hbm>>) target(%dma_start3A_26 : memref<8736xf32, #tpu.memory_space<vmem>>) target_semaphore(%arg12 : memref<!tpu.dma_semaphore, #tpu.memory_space<semaphore_mem>>)
    %dma_start3A_28 = arith.constant 0 : i32
    %dma_start3A_29 = tpu.memref_slice %arg6[%dma_start3A_28] : memref<8752xf32, #tpu.memory_space<vmem>> -> memref<8736xf32, #tpu.memory_space<vmem>>
    %dma_start3A_30 = tpu.memref_slice %arg2[%multiple_of3A_17] : memref<2235392xf32, #tpu.memory_space<hbm>> -> memref<8736xf32, #tpu.memory_space<hbm>>
    %dma_start3A_31 = arith.constant 0 : i32
    %dma_start3A_32 = tpu.memref_slice %arg6[%dma_start3A_31] : memref<8752xf32, #tpu.memory_space<vmem>> -> memref<8736xf32, #tpu.memory_space<vmem>>
    %dma_start3A_33 = tpu.memref_slice %arg2[%multiple_of3A_17] : memref<2235392xf32, #tpu.memory_space<hbm>> -> memref<8736xf32, #tpu.memory_space<hbm>>
    tpu.enqueue_dma source(%dma_start3A_33 : memref<8736xf32, #tpu.memory_space<hbm>>) target(%dma_start3A_32 : memref<8736xf32, #tpu.memory_space<vmem>>) target_semaphore(%arg12 : memref<!tpu.dma_semaphore, #tpu.memory_space<semaphore_mem>>)
    %dma_start3A_34 = arith.constant 0 : i32
    %dma_start3A_35 = tpu.memref_slice %arg7[%dma_start3A_34] : memref<8752xi32, #tpu.memory_space<vmem>> -> memref<8736xi32, #tpu.memory_space<vmem>>
    %dma_start3A_36 = tpu.memref_slice %arg3[%multiple_of3A_22] : memref<1117696xi32, #tpu.memory_space<hbm>> -> memref<8736xi32, #tpu.memory_space<hbm>>
    %dma_start3A_37 = arith.constant 0 : i32
    %dma_start3A_38 = tpu.memref_slice %arg7[%dma_start3A_37] : memref<8752xi32, #tpu.memory_space<vmem>> -> memref<8736xi32, #tpu.memory_space<vmem>>
    %dma_start3A_39 = tpu.memref_slice %arg3[%multiple_of3A_22] : memref<1117696xi32, #tpu.memory_space<hbm>> -> memref<8736xi32, #tpu.memory_space<hbm>>
    tpu.enqueue_dma source(%dma_start3A_39 : memref<8736xi32, #tpu.memory_space<hbm>>) target(%dma_start3A_38 : memref<8736xi32, #tpu.memory_space<vmem>>) target_semaphore(%arg12 : memref<!tpu.dma_semaphore, #tpu.memory_space<semaphore_mem>>)
    %dma_wait3A = arith.constant 0 : i32
    %dma_wait3A_40 = tpu.memref_slice %arg5[%dma_wait3A] : memref<8752xf32, #tpu.memory_space<vmem>> -> memref<8736xf32, #tpu.memory_space<vmem>>
    %dma_wait3A_41 = tpu.memref_slice %arg2[%multiple_of3A] : memref<2235392xf32, #tpu.memory_space<hbm>> -> memref<8736xf32, #tpu.memory_space<hbm>>
    %dma_wait3A_42 = arith.constant 0 : i32
    %dma_wait3A_43 = tpu.memref_slice %arg5[%dma_wait3A_42] : memref<8752xf32, #tpu.memory_space<vmem>> -> memref<8736xf32, #tpu.memory_space<vmem>>
    %dma_wait3A_44 = tpu.memref_slice %arg2[%multiple_of3A] : memref<2235392xf32, #tpu.memory_space<hbm>> -> memref<8736xf32, #tpu.memory_space<hbm>>
    tpu.wait_dma2 semaphore(%arg12 : memref<!tpu.dma_semaphore, #tpu.memory_space<semaphore_mem>>) src(%dma_wait3A_44 : memref<8736xf32, #tpu.memory_space<hbm>>) dst(%dma_wait3A_43 : memref<8736xf32, #tpu.memory_space<vmem>>)
    %dma_wait3A_45 = arith.constant 0 : i32
    %dma_wait3A_46 = tpu.memref_slice %arg6[%dma_wait3A_45] : memref<8752xf32, #tpu.memory_space<vmem>> -> memref<8736xf32, #tpu.memory_space<vmem>>
    %dma_wait3A_47 = tpu.memref_slice %arg2[%multiple_of3A_17] : memref<2235392xf32, #tpu.memory_space<hbm>> -> memref<8736xf32, #tpu.memory_space<hbm>>
    %dma_wait3A_48 = arith.constant 0 : i32
    %dma_wait3A_49 = tpu.memref_slice %arg6[%dma_wait3A_48] : memref<8752xf32, #tpu.memory_space<vmem>> -> memref<8736xf32, #tpu.memory_space<vmem>>
    %dma_wait3A_50 = tpu.memref_slice %arg2[%multiple_of3A_17] : memref<2235392xf32, #tpu.memory_space<hbm>> -> memref<8736xf32, #tpu.memory_space<hbm>>
    tpu.wait_dma2 semaphore(%arg12 : memref<!tpu.dma_semaphore, #tpu.memory_space<semaphore_mem>>) src(%dma_wait3A_50 : memref<8736xf32, #tpu.memory_space<hbm>>) dst(%dma_wait3A_49 : memref<8736xf32, #tpu.memory_space<vmem>>)
    %dma_wait3A_51 = arith.constant 0 : i32
    %dma_wait3A_52 = tpu.memref_slice %arg7[%dma_wait3A_51] : memref<8752xi32, #tpu.memory_space<vmem>> -> memref<8736xi32, #tpu.memory_space<vmem>>
    %dma_wait3A_53 = tpu.memref_slice %arg3[%multiple_of3A_22] : memref<1117696xi32, #tpu.memory_space<hbm>> -> memref<8736xi32, #tpu.memory_space<hbm>>
    %dma_wait3A_54 = arith.constant 0 : i32
    %dma_wait3A_55 = tpu.memref_slice %arg7[%dma_wait3A_54] : memref<8752xi32, #tpu.memory_space<vmem>> -> memref<8736xi32, #tpu.memory_space<vmem>>
    %dma_wait3A_56 = tpu.memref_slice %arg3[%multiple_of3A_22] : memref<1117696xi32, #tpu.memory_space<hbm>> -> memref<8736xi32, #tpu.memory_space<hbm>>
    tpu.wait_dma2 semaphore(%arg12 : memref<!tpu.dma_semaphore, #tpu.memory_space<semaphore_mem>>) src(%dma_wait3A_56 : memref<8736xi32, #tpu.memory_space<hbm>>) dst(%dma_wait3A_55 : memref<8736xi32, #tpu.memory_space<vmem>>)
    %scan3A = arith.constant 0 : i32
    %scan3A_57 = arith.constant 545 : i32
    %scan3A_58 = arith.addi %scan3A, %scan3A_57 : i32
    %scan3A_59 = arith.constant 1 : i32
    %scan3A_60:3 = scf.for %scan3A_664 = %scan3A to %scan3A_58 step %scan3A_59 iter_args(%scan3A_665 = %broadcast_in_dim3A_1, %scan3A_666 = %broadcast_in_dim3A_1, %scan3A_667 = %broadcast_in_dim3A_3) -> (vector<16xf32>, vector<16xf32>, vector<16xi32>)  : i32 {
      %mul3A_668 = arith.constant 16 : i32
      %mul3A_669 = arith.muli %scan3A_664, %mul3A_668 : i32
      %get3A_670 = arith.index_cast %mul3A_669 : i32 to index
      %get3A_671 = tpu.vector_load %arg5[%get3A_670] {strides = array<i32>} : memref<8752xf32, #tpu.memory_space<vmem>>, vector<16xf32>,
      %mul3A_672 = arith.constant 16 : i32
      %mul3A_673 = arith.muli %scan3A_664, %mul3A_672 : i32
      %add3A_674 = arith.constant 4 : i32
      %add3A_675 = arith.addi %mul3A_673, %add3A_674 : i32
      %get3A_676 = arith.index_cast %add3A_675 : i32 to index
      %get3A_677 = tpu.vector_load %arg6[%get3A_676] {strides = array<i32>} : memref<8752xf32, #tpu.memory_space<vmem>>, vector<16xf32>,
      %mul3A_678 = arith.constant 16 : i32
      %mul3A_679 = arith.muli %scan3A_664, %mul3A_678 : i32
      %add3A_680 = arith.addi %mul3A_679, %rem3A_20 : i32
      %get3A_681 = arith.index_cast %add3A_680 : i32 to index
      %get3A_682 = tpu.vector_load %arg7[%get3A_681] {strides = array<i32>} : memref<8752xi32, #tpu.memory_space<vmem>>, vector<16xi32>,
      %eq3A_683 = arith.constant 0 : i32
      %eq3A_684 = vector.broadcast %eq3A_683 : i32 to vector<16xi32>
      %eq3A_685 = arith.cmpi eq, %get3A_682, %eq3A_684 : vector<16xi32>
      %sub3A_686 = arith.subf %get3A_677, %get3A_671 : vector<16xf32>
      %sub3A_687 = arith.subf %get3A_671, %get3A_677 : vector<16xf32>
      %select_n3A_688 = arith.select %eq3A_685, %sub3A_686, %sub3A_687 : vector<16xi1>, vector<16xf32>
      %abs3A_689 = math.absf %select_n3A_688 : vector<16xf32>
      %neg3A_690 = arith.constant 0.000000e+00 : f32
      %neg3A_691 = vector.broadcast %neg3A_690 : f32 to vector<16xf32>
      %neg3A_692 = arith.subf %neg3A_691, %abs3A_689 : vector<16xf32>
      %exp3A_693 = math.exp %neg3A_692 : vector<16xf32>
      %add3A_694 = arith.constant 2.000000e+00 : f32
      %add3A_695 = vector.broadcast %add3A_694 : f32 to vector<16xf32>
      %add3A_696 = arith.addf %add3A_695, %exp3A_693 : vector<16xf32>
      %div3A_697 = arith.divf %exp3A_693, %add3A_696 : vector<16xf32>
      %mul3A_698 = arith.mulf %div3A_697, %div3A_697 : vector<16xf32>
      %mul3A_699 = arith.constant 2.000000e+00 : f32
      %mul3A_700 = vector.broadcast %mul3A_699 : f32 to vector<16xf32>
      %mul3A_701 = arith.mulf %mul3A_700, %div3A_697 : vector<16xf32>
      %mul3A_702 = arith.constant 0.111111112 : f32
      %mul3A_703 = vector.broadcast %mul3A_702 : f32 to vector<16xf32>
      %mul3A_704 = arith.mulf %mul3A_698, %mul3A_703 : vector<16xf32>
      %add3A_705 = arith.constant 0.142857149 : f32
      %add3A_706 = vector.broadcast %add3A_705 : f32 to vector<16xf32>
      %add3A_707 = arith.addf %add3A_706, %mul3A_704 : vector<16xf32>
      %mul3A_708 = arith.mulf %mul3A_698, %add3A_707 : vector<16xf32>
      %add3A_709 = arith.constant 2.000000e-01 : f32
      %add3A_710 = vector.broadcast %add3A_709 : f32 to vector<16xf32>
      %add3A_711 = arith.addf %add3A_710, %mul3A_708 : vector<16xf32>
      %mul3A_712 = arith.mulf %mul3A_698, %add3A_711 : vector<16xf32>
      %add3A_713 = arith.constant 0.333333343 : f32
      %add3A_714 = vector.broadcast %add3A_713 : f32 to vector<16xf32>
      %add3A_715 = arith.addf %add3A_714, %mul3A_712 : vector<16xf32>
      %mul3A_716 = arith.mulf %mul3A_698, %add3A_715 : vector<16xf32>
      %add3A_717 = arith.constant 1.000000e+00 : f32
      %add3A_718 = vector.broadcast %add3A_717 : f32 to vector<16xf32>
      %add3A_719 = arith.addf %add3A_718, %mul3A_716 : vector<16xf32>
      %mul3A_720 = arith.mulf %mul3A_701, %add3A_719 : vector<16xf32>
      %max3A_721 = arith.constant 0.000000e+00 : f32
      %max3A_722 = vector.broadcast %max3A_721 : f32 to vector<16xf32>
      %max3A_723 = arith.maximumf %select_n3A_688, %max3A_722 : vector<16xf32>
      %add3A_724 = arith.addf %max3A_723, %mul3A_720 : vector<16xf32>
      %gt3A_725 = arith.constant 0 : i32
      %gt3A_726 = vector.broadcast %gt3A_725 : i32 to vector<16xi32>
      %gt3A_727 = arith.cmpi sgt, %get3A_682, %gt3A_726 : vector<16xi32>
      %add3A_728 = arith.addf %scan3A_665, %add3A_724 : vector<16xf32>
      %jit3A_729 = arith.constant 0.000000e+00 : f32
      %broadcast_in_dim3A_730 = vector.broadcast %jit3A_729 : f32 to vector<16xf32>
      %select_n3A_731 = arith.select %gt3A_727, %add3A_724, %broadcast_in_dim3A_730 : vector<16xi1>, vector<16xf32>
      %add3A_732 = arith.addf %scan3A_666, %select_n3A_731 : vector<16xf32>
      %convert_element_type3A_733 = arith.extui %gt3A_727 : vector<16xi1> to vector<16xi32>
      %add3A_734 = arith.addi %scan3A_667, %convert_element_type3A_733 : vector<16xi32>
      scf.yield %add3A_728, %add3A_732, %add3A_734 : vector<16xf32>, vector<16xf32>, vector<16xi32>
    }
    %scan3A_61 = arith.constant 545 : i32
    %get3A = arith.constant 8720 : index
    %get3A_62 = tpu.vector_load %arg5[%get3A] {strides = array<i32>} : memref<8752xf32, #tpu.memory_space<vmem>>, vector<16xf32>,
    %get3A_63 = arith.constant 8724 : index
    %get3A_64 = tpu.vector_load %arg6[%get3A_63] {strides = array<i32>} : memref<8752xf32, #tpu.memory_space<vmem>>, vector<16xf32>,
    %add3A_65 = arith.constant 8720 : i32
    %add3A_66 = arith.addi %add3A_65, %rem3A_20 : i32
    %get3A_67 = arith.index_cast %add3A_66 : i32 to index
    %get3A_68 = tpu.vector_load %arg7[%get3A_67] {strides = array<i32>} : memref<8752xi32, #tpu.memory_space<vmem>>, vector<16xi32>,
    %lt3A = arith.constant 12 : i32
    %lt3A_69 = vector.broadcast %lt3A : i32 to vector<16xi32>
    %lt3A_70 = arith.cmpi slt, %iota3A, %lt3A_69 : vector<16xi32>
    %eq3A = arith.constant 0 : i32
    %eq3A_71 = vector.broadcast %eq3A : i32 to vector<16xi32>
    %eq3A_72 = arith.cmpi eq, %get3A_68, %eq3A_71 : vector<16xi32>
    %sub3A_73 = arith.subf %get3A_64, %get3A_62 : vector<16xf32>
    %sub3A_74 = arith.subf %get3A_62, %get3A_64 : vector<16xf32>
    %select_n3A = arith.select %eq3A_72, %sub3A_73, %sub3A_74 : vector<16xi1>, vector<16xf32>
    %abs3A = math.absf %select_n3A : vector<16xf32>
    %neg3A = arith.constant 0.000000e+00 : f32
    %neg3A_75 = vector.broadcast %neg3A : f32 to vector<16xf32>
    %neg3A_76 = arith.subf %neg3A_75, %abs3A : vector<16xf32>
    %exp3A = math.exp %neg3A_76 : vector<16xf32>
    %add3A_77 = arith.constant 2.000000e+00 : f32
    %add3A_78 = vector.broadcast %add3A_77 : f32 to vector<16xf32>
    %add3A_79 = arith.addf %add3A_78, %exp3A : vector<16xf32>
    %div3A = arith.divf %exp3A, %add3A_79 : vector<16xf32>
    %mul3A_80 = arith.mulf %div3A, %div3A : vector<16xf32>
    %mul3A_81 = arith.constant 2.000000e+00 : f32
    %mul3A_82 = vector.broadcast %mul3A_81 : f32 to vector<16xf32>
    %mul3A_83 = arith.mulf %mul3A_82, %div3A : vector<16xf32>
    %mul3A_84 = arith.constant 0.111111112 : f32
    %mul3A_85 = vector.broadcast %mul3A_84 : f32 to vector<16xf32>
    %mul3A_86 = arith.mulf %mul3A_80, %mul3A_85 : vector<16xf32>
    %add3A_87 = arith.constant 0.142857149 : f32
    %add3A_88 = vector.broadcast %add3A_87 : f32 to vector<16xf32>
    %add3A_89 = arith.addf %add3A_88, %mul3A_86 : vector<16xf32>
    %mul3A_90 = arith.mulf %mul3A_80, %add3A_89 : vector<16xf32>
    %add3A_91 = arith.constant 2.000000e-01 : f32
    %add3A_92 = vector.broadcast %add3A_91 : f32 to vector<16xf32>
    %add3A_93 = arith.addf %add3A_92, %mul3A_90 : vector<16xf32>
    %mul3A_94 = arith.mulf %mul3A_80, %add3A_93 : vector<16xf32>
    %add3A_95 = arith.constant 0.333333343 : f32
    %add3A_96 = vector.broadcast %add3A_95 : f32 to vector<16xf32>
    %add3A_97 = arith.addf %add3A_96, %mul3A_94 : vector<16xf32>
    %mul3A_98 = arith.mulf %mul3A_80, %add3A_97 : vector<16xf32>
    %add3A_99 = arith.constant 1.000000e+00 : f32
    %add3A_100 = vector.broadcast %add3A_99 : f32 to vector<16xf32>
    %add3A_101 = arith.addf %add3A_100, %mul3A_98 : vector<16xf32>
    %mul3A_102 = arith.mulf %mul3A_83, %add3A_101 : vector<16xf32>
    %max3A = arith.constant 0.000000e+00 : f32
    %max3A_103 = vector.broadcast %max3A : f32 to vector<16xf32>
    %max3A_104 = arith.maximumf %select_n3A, %max3A_103 : vector<16xf32>
    %add3A_105 = arith.addf %max3A_104, %mul3A_102 : vector<16xf32>
    %jit3A = arith.constant 0.000000e+00 : f32
    %broadcast_in_dim3A_106 = vector.broadcast %jit3A : f32 to vector<16xf32>
    %select_n3A_107 = arith.select %lt3A_70, %add3A_105, %broadcast_in_dim3A_106 : vector<16xi1>, vector<16xf32>
    %gt3A = arith.constant 0 : i32
    %gt3A_108 = vector.broadcast %gt3A : i32 to vector<16xi32>
    %gt3A_109 = arith.cmpi sgt, %get3A_68, %gt3A_108 : vector<16xi32>
    %and3A = arith.andi %lt3A_70, %gt3A_109 : vector<16xi1>
    %add3A_110 = arith.addf %scan3A_60#0, %select_n3A_107 : vector<16xf32>
    %reduce_sum3A = arith.constant true
    %reduce_sum3A_111 = vector.broadcast %reduce_sum3A : i1 to vector<16xi1>
    %reduce_sum3A_112 = tpu.scan <sum>, %add3A_110 masked %reduce_sum3A_111 : vector<16xf32>, vector<16xi1> -> vector<16xf32>
    %reduce_sum3A_113 = vector.extract %reduce_sum3A_112[15] : f32 from vector<16xf32>
    %jit3A_114 = arith.constant 0.000000e+00 : f32
    %broadcast_in_dim3A_115 = vector.broadcast %jit3A_114 : f32 to vector<16xf32>
    %select_n3A_116 = arith.select %and3A, %select_n3A_107, %broadcast_in_dim3A_115 : vector<16xi1>, vector<16xf32>
    %add3A_117 = arith.addf %scan3A_60#1, %select_n3A_116 : vector<16xf32>
    %reduce_sum3A_118 = arith.constant true
    %reduce_sum3A_119 = vector.broadcast %reduce_sum3A_118 : i1 to vector<16xi1>
    %reduce_sum3A_120 = tpu.scan <sum>, %add3A_117 masked %reduce_sum3A_119 : vector<16xf32>, vector<16xi1> -> vector<16xf32>
    %reduce_sum3A_121 = vector.extract %reduce_sum3A_120[15] : f32 from vector<16xf32>
    %convert_element_type3A = arith.extui %and3A : vector<16xi1> to vector<16xi32>
    %add3A_122 = arith.addi %scan3A_60#2, %convert_element_type3A : vector<16xi32>
    %reduce_sum3A_123 = arith.constant true
    %reduce_sum3A_124 = vector.broadcast %reduce_sum3A_123 : i1 to vector<16xi1>
    %reduce_sum3A_125 = tpu.scan <sum>, %add3A_122 masked %reduce_sum3A_124 : vector<16xi32>, vector<16xi1> -> vector<16xi32>
    %reduce_sum3A_126 = vector.extract %reduce_sum3A_125[15] : i32 from vector<16xi32>
    %mul3A_127 = arith.constant 3 : i32
    %mul3A_128 = arith.muli %mul3A_127, %reduce_sum3A_126 : i32
    %min3A = arith.constant 8732 : i32
    %min3A_129 = arith.minsi %mul3A_128, %min3A : i32
    %ge3A = arith.constant 8732 : i32
    %ge3A_130 = arith.cmpi sge, %min3A_129, %ge3A : i32
    %convert_element_type3A_131 = arith.extui %ge3A_130 : i1 to i32
    %cond3A = arith.constant 0 : i32
    %cond3A_132 = arith.cmpi ne, %convert_element_type3A_131, %cond3A : i32
    scf.if %cond3A_132 {
      %swap3A_664 = arith.constant 0 : i32
      %swap3A_665 = arith.index_cast %swap3A_664 : i32 to index
      %swap3A_666 = memref.load %arg11[%swap3A_665] : memref<1xf32, #tpu.memory_space<smem>>
      memref.store %reduce_sum3A_113, %arg11[%swap3A_665] : memref<1xf32, #tpu.memory_space<smem>>
    } else {
    }
    %lt3A_133 = arith.constant 8732 : i32
    %lt3A_134 = arith.cmpi slt, %min3A_129, %lt3A_133 : i32
    %convert_element_type3A_135 = arith.extui %lt3A_134 : i1 to i32
    %cond3A_136 = arith.constant 0 : i32
    %cond3A_137 = arith.cmpi ne, %convert_element_type3A_135, %cond3A_136 : i32
    scf.if %cond3A_137 {
      %scan3A_664 = arith.constant 0 : i32
      %scan3A_665 = arith.constant 546 : i32
      %scan3A_666 = arith.addi %scan3A_664, %scan3A_665 : i32
      %scan3A_667 = arith.constant 1 : i32
      %scan3A_668 = scf.for %scan3A_681 = %scan3A_664 to %scan3A_666 step %scan3A_667 iter_args(%scan3A_682 = %broadcast_in_dim3A_3) -> (vector<16xi32>)  : i32 {
        %mul3A_683 = arith.constant 16 : i32
        %mul3A_684 = arith.muli %scan3A_681, %mul3A_683 : i32
        %get3A_685 = arith.index_cast %mul3A_684 : i32 to index
        %get3A_686 = tpu.vector_load %arg5[%get3A_685] {strides = array<i32>} : memref<8752xf32, #tpu.memory_space<vmem>>, vector<16xf32>,
        %mul3A_687 = arith.constant 16 : i32
        %mul3A_688 = arith.muli %scan3A_681, %mul3A_687 : i32
        %add3A_689 = arith.constant 4 : i32
        %add3A_690 = arith.addi %mul3A_688, %add3A_689 : i32
        %get3A_691 = arith.index_cast %add3A_690 : i32 to index
        %get3A_692 = tpu.vector_load %arg6[%get3A_691] {strides = array<i32>} : memref<8752xf32, #tpu.memory_space<vmem>>, vector<16xf32>,
        %mul3A_693 = arith.constant 16 : i32
        %mul3A_694 = arith.muli %scan3A_681, %mul3A_693 : i32
        %add3A_695 = arith.addi %mul3A_694, %rem3A_20 : i32
        %get3A_696 = arith.index_cast %add3A_695 : i32 to index
        %get3A_697 = tpu.vector_load %arg7[%get3A_696] {strides = array<i32>} : memref<8752xi32, #tpu.memory_space<vmem>>, vector<16xi32>,
        %eq3A_698 = arith.constant 0 : i32
        %eq3A_699 = vector.broadcast %eq3A_698 : i32 to vector<16xi32>
        %eq3A_700 = arith.cmpi eq, %get3A_697, %eq3A_699 : vector<16xi32>
        %sub3A_701 = arith.subf %get3A_692, %get3A_686 : vector<16xf32>
        %sub3A_702 = arith.subf %get3A_686, %get3A_692 : vector<16xf32>
        %select_n3A_703 = arith.select %eq3A_700, %sub3A_701, %sub3A_702 : vector<16xi1>, vector<16xf32>
        %abs3A_704 = math.absf %select_n3A_703 : vector<16xf32>
        %neg3A_705 = arith.constant 0.000000e+00 : f32
        %neg3A_706 = vector.broadcast %neg3A_705 : f32 to vector<16xf32>
        %neg3A_707 = arith.subf %neg3A_706, %abs3A_704 : vector<16xf32>
        %exp3A_708 = math.exp %neg3A_707 : vector<16xf32>
        %add3A_709 = arith.constant 2.000000e+00 : f32
        %add3A_710 = vector.broadcast %add3A_709 : f32 to vector<16xf32>
        %add3A_711 = arith.addf %add3A_710, %exp3A_708 : vector<16xf32>
        %div3A_712 = arith.divf %exp3A_708, %add3A_711 : vector<16xf32>
        %mul3A_713 = arith.mulf %div3A_712, %div3A_712 : vector<16xf32>
        %mul3A_714 = arith.constant 2.000000e+00 : f32
        %mul3A_715 = vector.broadcast %mul3A_714 : f32 to vector<16xf32>
        %mul3A_716 = arith.mulf %mul3A_715, %div3A_712 : vector<16xf32>
        %mul3A_717 = arith.constant 0.111111112 : f32
        %mul3A_718 = vector.broadcast %mul3A_717 : f32 to vector<16xf32>
        %mul3A_719 = arith.mulf %mul3A_713, %mul3A_718 : vector<16xf32>
        %add3A_720 = arith.constant 0.142857149 : f32
        %add3A_721 = vector.broadcast %add3A_720 : f32 to vector<16xf32>
        %add3A_722 = arith.addf %add3A_721, %mul3A_719 : vector<16xf32>
        %mul3A_723 = arith.mulf %mul3A_713, %add3A_722 : vector<16xf32>
        %add3A_724 = arith.constant 2.000000e-01 : f32
        %add3A_725 = vector.broadcast %add3A_724 : f32 to vector<16xf32>
        %add3A_726 = arith.addf %add3A_725, %mul3A_723 : vector<16xf32>
        %mul3A_727 = arith.mulf %mul3A_713, %add3A_726 : vector<16xf32>
        %add3A_728 = arith.constant 0.333333343 : f32
        %add3A_729 = vector.broadcast %add3A_728 : f32 to vector<16xf32>
        %add3A_730 = arith.addf %add3A_729, %mul3A_727 : vector<16xf32>
        %mul3A_731 = arith.mulf %mul3A_713, %add3A_730 : vector<16xf32>
        %add3A_732 = arith.constant 1.000000e+00 : f32
        %add3A_733 = vector.broadcast %add3A_732 : f32 to vector<16xf32>
        %add3A_734 = arith.addf %add3A_733, %mul3A_731 : vector<16xf32>
        %mul3A_735 = arith.mulf %mul3A_716, %add3A_734 : vector<16xf32>
        %max3A_736 = arith.constant 0.000000e+00 : f32
        %max3A_737 = vector.broadcast %max3A_736 : f32 to vector<16xf32>
        %max3A_738 = arith.maximumf %select_n3A_703, %max3A_737 : vector<16xf32>
        %add3A_739 = arith.addf %max3A_738, %mul3A_735 : vector<16xf32>
        %lt3A_740 = arith.constant 545 : i32
        %lt3A_741 = arith.cmpi slt, %scan3A_681, %lt3A_740 : i32
        %lt3A_742 = arith.constant 12 : i32
        %lt3A_743 = vector.broadcast %lt3A_742 : i32 to vector<16xi32>
        %lt3A_744 = arith.cmpi slt, %iota3A, %lt3A_743 : vector<16xi32>
        %or3A = vector.broadcast %lt3A_741 : i1 to vector<16xi1>
        %or3A_745 = arith.ori %or3A, %lt3A_744 : vector<16xi1>
        %jit3A_746 = arith.constant 0.000000e+00 : f32
        %broadcast_in_dim3A_747 = vector.broadcast %jit3A_746 : f32 to vector<16xf32>
        %select_n3A_748 = arith.select %or3A_745, %add3A_739, %broadcast_in_dim3A_747 : vector<16xi1>, vector<16xf32>
        %gt3A_749 = arith.constant 0 : i32
        %gt3A_750 = vector.broadcast %gt3A_749 : i32 to vector<16xi32>
        %gt3A_751 = arith.cmpi sgt, %get3A_697, %gt3A_750 : vector<16xi32>
        %not3A = arith.constant dense<true> : vector<16xi1>
        %not3A_752 = arith.xori %or3A_745, %not3A : vector<16xi1>
        %or3A_753 = arith.ori %gt3A_751, %not3A_752 : vector<16xi1>
        %jit3A_754 = arith.constant 0.000000e+00 : f32
        %broadcast_in_dim3A_755 = vector.broadcast %jit3A_754 : f32 to vector<16xf32>
        %select_n3A_756 = arith.select %or3A_753, %broadcast_in_dim3A_755, %select_n3A_748 : vector<16xi1>, vector<16xf32>
        %mul3A_757 = arith.constant 16 : i32
        %mul3A_758 = arith.muli %scan3A_681, %mul3A_757 : i32
        %swap3A_759 = arith.index_cast %mul3A_758 : i32 to index
        %swap3A_760 = tpu.vector_load %arg8[%swap3A_759] {strides = array<i32>} : memref<8736xf32, #tpu.memory_space<vmem>>, vector<16xf32>,
        tpu.vector_store %arg8[%swap3A_759], %select_n3A_748 {strides = array<i32>} : memref<8736xf32, #tpu.memory_space<vmem>>, vector<16xf32>,
        %swap3A_761 = arith.index_cast %mul3A_758 : i32 to index
        %swap3A_762 = tpu.vector_load %arg9[%swap3A_761] {strides = array<i32>} : memref<8736xf32, #tpu.memory_space<vmem>>, vector<16xf32>,
        tpu.vector_store %arg9[%swap3A_761], %select_n3A_756 {strides = array<i32>} : memref<8736xf32, #tpu.memory_space<vmem>>, vector<16xf32>,
        %gt3A_763 = arith.constant 0.000000e+00 : f32
        %gt3A_764 = vector.broadcast %gt3A_763 : f32 to vector<16xf32>
        %gt3A_765 = arith.cmpf ogt, %select_n3A_756, %gt3A_764 : vector<16xf32>
        %convert_element_type3A_766 = arith.extui %gt3A_765 : vector<16xi1> to vector<16xi32>
        %add3A_767 = arith.addi %scan3A_682, %convert_element_type3A_766 : vector<16xi32>
        scf.yield %add3A_767 : vector<16xi32>
      }
      %scan3A_669 = arith.constant 546 : i32
      %reduce_sum3A_670 = arith.constant true
      %reduce_sum3A_671 = vector.broadcast %reduce_sum3A_670 : i1 to vector<16xi1>
      %reduce_sum3A_672 = tpu.scan <sum>, %scan3A_668 masked %reduce_sum3A_671 : vector<16xi32>, vector<16xi1> -> vector<16xi32>
      %reduce_sum3A_673 = vector.extract %reduce_sum3A_672[15] : i32 from vector<16xi32>
      %le3A = arith.cmpi sle, %min3A_129, %reduce_sum3A_673 : i32
      %convert_element_type3A_674 = arith.extui %le3A : i1 to i32
      %cond3A_675 = arith.constant 0 : i32
      %cond3A_676 = arith.cmpi ne, %convert_element_type3A_674, %cond3A_675 : i32
      scf.if %cond3A_676 {
        %scan3A_681 = arith.constant 0 : i32
        %scan3A_682 = arith.constant 2147483647 : i32
        %scan3A_683 = arith.constant 0 : i32
        %scan3A_684 = arith.constant 31 : i32
        %scan3A_685 = arith.addi %scan3A_683, %scan3A_684 : i32
        %scan3A_686 = arith.constant 1 : i32
        %scan3A_687:2 = scf.for %scan3A_725 = %scan3A_683 to %scan3A_685 step %scan3A_686 iter_args(%scan3A_726 = %scan3A_681, %scan3A_727 = %scan3A_682) -> (i32, i32)  : i32 {
          %sub3A_728 = arith.subi %scan3A_727, %scan3A_726 : i32
          %jit3A_729 = arith.constant 2 : i32
          %div3A_730 = arith.divsi %sub3A_728, %jit3A_729 : i32
          %sign3A = arith.constant 0 : i32
          %sign3A_731 = arith.cmpi sgt, %sub3A_728, %sign3A : i32
          %sign3A_732 = arith.extui %sign3A_731 : i1 to i32
          %sign3A_733 = arith.constant 0 : i32
          %sign3A_734 = arith.cmpi slt, %sub3A_728, %sign3A_733 : i32
          %sign3A_735 = arith.extui %sign3A_734 : i1 to i32
          %sign3A_736 = arith.subi %sign3A_732, %sign3A_735 : i32
          %sign3A_737 = arith.constant 0 : i32
          %sign3A_738 = arith.cmpi sgt, %jit3A_729, %sign3A_737 : i32
          %sign3A_739 = arith.extui %sign3A_738 : i1 to i32
          %sign3A_740 = arith.constant 0 : i32
          %sign3A_741 = arith.cmpi slt, %jit3A_729, %sign3A_740 : i32
          %sign3A_742 = arith.extui %sign3A_741 : i1 to i32
          %sign3A_743 = arith.subi %sign3A_739, %sign3A_742 : i32
          %ne3A = arith.cmpi ne, %sign3A_736, %sign3A_743 : i32
          %rem3A_744 = arith.remsi %sub3A_728, %jit3A_729 : i32
          %ne3A_745 = arith.constant 0 : i32
          %ne3A_746 = arith.cmpi ne, %rem3A_744, %ne3A_745 : i32
          %and3A_747 = arith.andi %ne3A, %ne3A_746 : i1
          %sub3A_748 = arith.constant 1 : i32
          %sub3A_749 = arith.subi %div3A_730, %sub3A_748 : i32
          %select_n3A_750 = arith.select %and3A_747, %sub3A_749, %div3A_730 : i32
          %add3A_751 = arith.addi %scan3A_726, %select_n3A_750 : i32
          %scan3A_752 = arith.constant 0 : i32
          %scan3A_753 = arith.constant 546 : i32
          %scan3A_754 = arith.addi %scan3A_752, %scan3A_753 : i32
          %scan3A_755 = arith.constant 1 : i32
          %scan3A_756 = scf.for %scan3A_767 = %scan3A_752 to %scan3A_754 step %scan3A_755 iter_args(%scan3A_768 = %broadcast_in_dim3A_3) -> (vector<16xi32>)  : i32 {
            %mul3A_769 = arith.constant 16 : i32
            %mul3A_770 = arith.muli %scan3A_767, %mul3A_769 : i32
            %get3A_771 = arith.index_cast %mul3A_770 : i32 to index
            %get3A_772 = tpu.vector_load %arg9[%get3A_771] {strides = array<i32>} : memref<8736xf32, #tpu.memory_space<vmem>>, vector<16xf32>,
            %bitcast3A_773 = vector.bitcast %get3A_772 : vector<16xf32> to vector<16xi32>
            %gt3A_774 = vector.broadcast %add3A_751 : i32 to vector<16xi32>
            %gt3A_775 = arith.cmpi sgt, %bitcast3A_773, %gt3A_774 : vector<16xi32>
            %convert_element_type3A_776 = arith.extui %gt3A_775 : vector<16xi1> to vector<16xi32>
            %add3A_777 = arith.addi %scan3A_768, %convert_element_type3A_776 : vector<16xi32>
            scf.yield %add3A_777 : vector<16xi32>
          }
          %scan3A_757 = arith.constant 546 : i32
          %reduce_sum3A_758 = arith.constant true
          %reduce_sum3A_759 = vector.broadcast %reduce_sum3A_758 : i1 to vector<16xi1>
          %reduce_sum3A_760 = tpu.scan <sum>, %scan3A_756 masked %reduce_sum3A_759 : vector<16xi32>, vector<16xi1> -> vector<16xi32>
          %reduce_sum3A_761 = vector.extract %reduce_sum3A_760[15] : i32 from vector<16xi32>
          %lt3A_762 = arith.cmpi slt, %reduce_sum3A_761, %min3A_129 : i32
          %add3A_763 = arith.constant 1 : i32
          %add3A_764 = arith.addi %add3A_751, %add3A_763 : i32
          %select_n3A_765 = arith.select %lt3A_762, %scan3A_726, %add3A_764 : i32
          %select_n3A_766 = arith.select %lt3A_762, %add3A_751, %scan3A_727 : i32
          scf.yield %select_n3A_765, %select_n3A_766 : i32, i32
        }
        %scan3A_688 = arith.constant 31 : i32
        %scan3A_689 = arith.constant 0 : i32
        %scan3A_690 = arith.constant 546 : i32
        %scan3A_691 = arith.addi %scan3A_689, %scan3A_690 : i32
        %scan3A_692 = arith.constant 1 : i32
        %scan3A_693:2 = scf.for %scan3A_725 = %scan3A_689 to %scan3A_691 step %scan3A_692 iter_args(%scan3A_726 = %broadcast_in_dim3A_3, %scan3A_727 = %broadcast_in_dim3A_1) -> (vector<16xi32>, vector<16xf32>)  : i32 {
          %mul3A_728 = arith.constant 16 : i32
          %mul3A_729 = arith.muli %scan3A_725, %mul3A_728 : i32
          %get3A_730 = arith.index_cast %mul3A_729 : i32 to index
          %get3A_731 = tpu.vector_load %arg9[%get3A_730] {strides = array<i32>} : memref<8736xf32, #tpu.memory_space<vmem>>, vector<16xf32>,
          %bitcast3A_732 = vector.bitcast %get3A_731 : vector<16xf32> to vector<16xi32>
          %gt3A_733 = vector.broadcast %scan3A_687#0 : i32 to vector<16xi32>
          %gt3A_734 = arith.cmpi sgt, %bitcast3A_732, %gt3A_733 : vector<16xi32>
          %convert_element_type3A_735 = arith.extui %gt3A_734 : vector<16xi1> to vector<16xi32>
          %add3A_736 = arith.addi %scan3A_726, %convert_element_type3A_735 : vector<16xi32>
          %jit3A_737 = arith.constant 0.000000e+00 : f32
          %broadcast_in_dim3A_738 = vector.broadcast %jit3A_737 : f32 to vector<16xf32>
          %select_n3A_739 = arith.select %gt3A_734, %get3A_731, %broadcast_in_dim3A_738 : vector<16xi1>, vector<16xf32>
          %add3A_740 = arith.addf %scan3A_727, %select_n3A_739 : vector<16xf32>
          scf.yield %add3A_736, %add3A_740 : vector<16xi32>, vector<16xf32>
        }
        %scan3A_694 = arith.constant 546 : i32
        %reduce_sum3A_695 = arith.constant true
        %reduce_sum3A_696 = vector.broadcast %reduce_sum3A_695 : i1 to vector<16xi1>
        %reduce_sum3A_697 = tpu.scan <sum>, %scan3A_693#0 masked %reduce_sum3A_696 : vector<16xi32>, vector<16xi1> -> vector<16xi32>
        %reduce_sum3A_698 = vector.extract %reduce_sum3A_697[15] : i32 from vector<16xi32>
        %reduce_sum3A_699 = arith.constant true
        %reduce_sum3A_700 = vector.broadcast %reduce_sum3A_699 : i1 to vector<16xi1>
        %reduce_sum3A_701 = tpu.scan <sum>, %scan3A_693#1 masked %reduce_sum3A_700 : vector<16xf32>, vector<16xi1> -> vector<16xf32>
        %reduce_sum3A_702 = vector.extract %reduce_sum3A_701[15] : f32 from vector<16xf32>
        %broadcast_in_dim3A_703 = vector.broadcast %scan3A_687#0 : i32 to vector<16xi32>
        %bitcast3A = vector.bitcast %broadcast_in_dim3A_703 : vector<16xi32> to vector<16xf32>
        %eq3A_704 = arith.constant 0 : i32
        %eq3A_705 = vector.broadcast %eq3A_704 : i32 to vector<16xi32>
        %eq3A_706 = arith.cmpi eq, %iota3A, %eq3A_705 : vector<16xi32>
        %jit3A_707 = arith.constant 0.000000e+00 : f32
        %broadcast_in_dim3A_708 = vector.broadcast %jit3A_707 : f32 to vector<16xf32>
        %select_n3A_709 = arith.select %eq3A_706, %bitcast3A, %broadcast_in_dim3A_708 : vector<16xi1>, vector<16xf32>
        %reduce_sum3A_710 = arith.constant true
        %reduce_sum3A_711 = vector.broadcast %reduce_sum3A_710 : i1 to vector<16xi1>
        %reduce_sum3A_712 = tpu.scan <sum>, %select_n3A_709 masked %reduce_sum3A_711 : vector<16xf32>, vector<16xi1> -> vector<16xf32>
        %reduce_sum3A_713 = vector.extract %reduce_sum3A_712[15] : f32 from vector<16xf32>
        %sub3A_714 = arith.subi %min3A_129, %reduce_sum3A_698 : i32
        %convert_element_type3A_715 = arith.sitofp %sub3A_714 : i32 to f32
        %gt3A_716 = arith.constant 0.000000e+00 : f32
        %gt3A_717 = arith.cmpf ogt, %convert_element_type3A_715, %gt3A_716 : f32
        %mul3A_718 = arith.mulf %convert_element_type3A_715, %reduce_sum3A_713 : f32
        %jit3A_719 = arith.constant 0.000000e+00 : f32
        %select_n3A_720 = arith.select %gt3A_717, %mul3A_718, %jit3A_719 : f32
        %add3A_721 = arith.addf %reduce_sum3A_702, %select_n3A_720 : f32
        %swap3A_722 = arith.constant 0 : i32
        %swap3A_723 = arith.index_cast %swap3A_722 : i32 to index
        %swap3A_724 = memref.load %arg11[%swap3A_723] : memref<1xf32, #tpu.memory_space<smem>>
        memref.store %add3A_721, %arg11[%swap3A_723] : memref<1xf32, #tpu.memory_space<smem>>
      } else {
      }
      %gt3A_677 = arith.cmpi sgt, %min3A_129, %reduce_sum3A_673 : i32
      %convert_element_type3A_678 = arith.extui %gt3A_677 : i1 to i32
      %cond3A_679 = arith.constant 0 : i32
      %cond3A_680 = arith.cmpi ne, %convert_element_type3A_678, %cond3A_679 : i32
      scf.if %cond3A_680 {
        %sub3A_681 = arith.subi %min3A_129, %reduce_sum3A_673 : i32
        %scan3A_682 = arith.constant 0 : i32
        %scan3A_683 = arith.constant 8732 : i32
        %scan3A_684 = arith.constant 0 : i32
        %scan3A_685 = arith.constant 14 : i32
        %scan3A_686 = arith.addi %scan3A_684, %scan3A_685 : i32
        %scan3A_687 = arith.constant 1 : i32
        %scan3A_688:2 = scf.for %scan3A_705 = %scan3A_684 to %scan3A_686 step %scan3A_687 iter_args(%scan3A_706 = %scan3A_682, %scan3A_707 = %scan3A_683) -> (i32, i32)  : i32 {
          %sub3A_708 = arith.subi %scan3A_707, %scan3A_706 : i32
          %jit3A_709 = arith.constant 2 : i32
          %div3A_710 = arith.divsi %sub3A_708, %jit3A_709 : i32
          %sign3A = arith.constant 0 : i32
          %sign3A_711 = arith.cmpi sgt, %sub3A_708, %sign3A : i32
          %sign3A_712 = arith.extui %sign3A_711 : i1 to i32
          %sign3A_713 = arith.constant 0 : i32
          %sign3A_714 = arith.cmpi slt, %sub3A_708, %sign3A_713 : i32
          %sign3A_715 = arith.extui %sign3A_714 : i1 to i32
          %sign3A_716 = arith.subi %sign3A_712, %sign3A_715 : i32
          %sign3A_717 = arith.constant 0 : i32
          %sign3A_718 = arith.cmpi sgt, %jit3A_709, %sign3A_717 : i32
          %sign3A_719 = arith.extui %sign3A_718 : i1 to i32
          %sign3A_720 = arith.constant 0 : i32
          %sign3A_721 = arith.cmpi slt, %jit3A_709, %sign3A_720 : i32
          %sign3A_722 = arith.extui %sign3A_721 : i1 to i32
          %sign3A_723 = arith.subi %sign3A_719, %sign3A_722 : i32
          %ne3A = arith.cmpi ne, %sign3A_716, %sign3A_723 : i32
          %rem3A_724 = arith.remsi %sub3A_708, %jit3A_709 : i32
          %ne3A_725 = arith.constant 0 : i32
          %ne3A_726 = arith.cmpi ne, %rem3A_724, %ne3A_725 : i32
          %and3A_727 = arith.andi %ne3A, %ne3A_726 : i1
          %sub3A_728 = arith.constant 1 : i32
          %sub3A_729 = arith.subi %div3A_710, %sub3A_728 : i32
          %select_n3A_730 = arith.select %and3A_727, %sub3A_729, %div3A_710 : i32
          %add3A_731 = arith.addi %scan3A_706, %select_n3A_730 : i32
          %scan3A_732 = arith.constant 0 : i32
          %scan3A_733 = arith.constant 546 : i32
          %scan3A_734 = arith.addi %scan3A_732, %scan3A_733 : i32
          %scan3A_735 = arith.constant 1 : i32
          %scan3A_736 = scf.for %scan3A_747 = %scan3A_732 to %scan3A_734 step %scan3A_735 iter_args(%scan3A_748 = %broadcast_in_dim3A_3) -> (vector<16xi32>)  : i32 {
            %mul3A_749 = arith.constant 16 : i32
            %mul3A_750 = arith.muli %scan3A_747, %mul3A_749 : i32
            %get3A_751 = arith.index_cast %mul3A_750 : i32 to index
            %get3A_752 = tpu.vector_load %arg9[%get3A_751] {strides = array<i32>} : memref<8736xf32, #tpu.memory_space<vmem>>, vector<16xf32>,
            %mul3A_753 = arith.constant 16 : i32
            %mul3A_754 = arith.muli %scan3A_747, %mul3A_753 : i32
            %add3A_755 = vector.broadcast %mul3A_754 : i32 to vector<16xi32>
            %add3A_756 = arith.addi %add3A_755, %iota3A : vector<16xi32>
            %eq3A_757 = arith.constant 0.000000e+00 : f32
            %eq3A_758 = vector.broadcast %eq3A_757 : f32 to vector<16xf32>
            %eq3A_759 = arith.cmpf oeq, %get3A_752, %eq3A_758 : vector<16xf32>
            %lt3A_760 = vector.broadcast %add3A_731 : i32 to vector<16xi32>
            %lt3A_761 = arith.cmpi slt, %add3A_756, %lt3A_760 : vector<16xi32>
            %and3A_762 = arith.andi %eq3A_759, %lt3A_761 : vector<16xi1>
            %lt3A_763 = arith.constant 8732 : i32
            %lt3A_764 = vector.broadcast %lt3A_763 : i32 to vector<16xi32>
            %lt3A_765 = arith.cmpi slt, %add3A_756, %lt3A_764 : vector<16xi32>
            %and3A_766 = arith.andi %and3A_762, %lt3A_765 : vector<16xi1>
            %convert_element_type3A_767 = arith.extui %and3A_766 : vector<16xi1> to vector<16xi32>
            %add3A_768 = arith.addi %scan3A_748, %convert_element_type3A_767 : vector<16xi32>
            scf.yield %add3A_768 : vector<16xi32>
          }
          %scan3A_737 = arith.constant 546 : i32
          %reduce_sum3A_738 = arith.constant true
          %reduce_sum3A_739 = vector.broadcast %reduce_sum3A_738 : i1 to vector<16xi1>
          %reduce_sum3A_740 = tpu.scan <sum>, %scan3A_736 masked %reduce_sum3A_739 : vector<16xi32>, vector<16xi1> -> vector<16xi32>
          %reduce_sum3A_741 = vector.extract %reduce_sum3A_740[15] : i32 from vector<16xi32>
          %ge3A_742 = arith.cmpi sge, %reduce_sum3A_741, %sub3A_681 : i32
          %add3A_743 = arith.constant 1 : i32
          %add3A_744 = arith.addi %add3A_731, %add3A_743 : i32
          %select_n3A_745 = arith.select %ge3A_742, %scan3A_706, %add3A_744 : i32
          %select_n3A_746 = arith.select %ge3A_742, %add3A_731, %scan3A_707 : i32
          scf.yield %select_n3A_745, %select_n3A_746 : i32, i32
        }
        %scan3A_689 = arith.constant 14 : i32
        %scan3A_690 = arith.constant 0 : i32
        %scan3A_691 = arith.constant 546 : i32
        %scan3A_692 = arith.addi %scan3A_690, %scan3A_691 : i32
        %scan3A_693 = arith.constant 1 : i32
        %scan3A_694 = scf.for %scan3A_705 = %scan3A_690 to %scan3A_692 step %scan3A_693 iter_args(%scan3A_706 = %broadcast_in_dim3A_1) -> (vector<16xf32>)  : i32 {
          %mul3A_707 = arith.constant 16 : i32
          %mul3A_708 = arith.muli %scan3A_705, %mul3A_707 : i32
          %get3A_709 = arith.index_cast %mul3A_708 : i32 to index
          %get3A_710 = tpu.vector_load %arg9[%get3A_709] {strides = array<i32>} : memref<8736xf32, #tpu.memory_space<vmem>>, vector<16xf32>,
          %mul3A_711 = arith.constant 16 : i32
          %mul3A_712 = arith.muli %scan3A_705, %mul3A_711 : i32
          %add3A_713 = vector.broadcast %mul3A_712 : i32 to vector<16xi32>
          %add3A_714 = arith.addi %add3A_713, %iota3A : vector<16xi32>
          %eq3A_715 = arith.constant 0.000000e+00 : f32
          %eq3A_716 = vector.broadcast %eq3A_715 : f32 to vector<16xf32>
          %eq3A_717 = arith.cmpf oeq, %get3A_710, %eq3A_716 : vector<16xf32>
          %lt3A_718 = vector.broadcast %scan3A_688#0 : i32 to vector<16xi32>
          %lt3A_719 = arith.cmpi slt, %add3A_714, %lt3A_718 : vector<16xi32>
          %and3A_720 = arith.andi %eq3A_717, %lt3A_719 : vector<16xi1>
          %lt3A_721 = arith.constant 8732 : i32
          %lt3A_722 = vector.broadcast %lt3A_721 : i32 to vector<16xi32>
          %lt3A_723 = arith.cmpi slt, %add3A_714, %lt3A_722 : vector<16xi32>
          %and3A_724 = arith.andi %and3A_720, %lt3A_723 : vector<16xi1>
          %get3A_725 = arith.index_cast %mul3A_708 : i32 to index
          %get3A_726 = tpu.vector_load %arg8[%get3A_725] {strides = array<i32>} : memref<8736xf32, #tpu.memory_space<vmem>>, vector<16xf32>,
          %jit3A_727 = arith.constant 0.000000e+00 : f32
          %broadcast_in_dim3A_728 = vector.broadcast %jit3A_727 : f32 to vector<16xf32>
          %select_n3A_729 = arith.select %and3A_724, %get3A_726, %broadcast_in_dim3A_728 : vector<16xi1>, vector<16xf32>
          %add3A_730 = arith.addf %scan3A_706, %select_n3A_729 : vector<16xf32>
          scf.yield %add3A_730 : vector<16xf32>
        }
        %scan3A_695 = arith.constant 546 : i32
        %reduce_sum3A_696 = arith.constant true
        %reduce_sum3A_697 = vector.broadcast %reduce_sum3A_696 : i1 to vector<16xi1>
        %reduce_sum3A_698 = tpu.scan <sum>, %scan3A_694 masked %reduce_sum3A_697 : vector<16xf32>, vector<16xi1> -> vector<16xf32>
        %reduce_sum3A_699 = vector.extract %reduce_sum3A_698[15] : f32 from vector<16xf32>
        %sub3A_700 = arith.subf %reduce_sum3A_113, %reduce_sum3A_121 : f32
        %add3A_701 = arith.addf %sub3A_700, %reduce_sum3A_699 : f32
        %swap3A_702 = arith.constant 0 : i32
        %swap3A_703 = arith.index_cast %swap3A_702 : i32 to index
        %swap3A_704 = memref.load %arg11[%swap3A_703] : memref<1xf32, #tpu.memory_space<smem>>
        memref.store %add3A_701, %arg11[%swap3A_703] : memref<1xf32, #tpu.memory_space<smem>>
      } else {
      }
    } else {
    }
    %get3A_138 = arith.constant 0 : i32
    %get3A_139 = arith.index_cast %get3A_138 : i32 to index
    %get3A_140 = memref.load %arg11[%get3A_139] : memref<1xf32, #tpu.memory_space<smem>>
    %add3A_141 = arith.addf %reduce_sum3A_121, %get3A_140 : f32
    %convert_element_type3A_142 = arith.sitofp %reduce_sum3A_126 : i32 to f32
    %eq3A_143 = arith.constant 0 : i32
    %eq3A_144 = vector.broadcast %eq3A_143 : i32 to vector<16xi32>
    %eq3A_145 = arith.cmpi eq, %iota3A, %eq3A_144 : vector<16xi32>
    %broadcast_in_dim3A_146 = vector.broadcast %add3A_141 : f32 to vector<16xf32>
    %select_n3A_147 = arith.select %eq3A_145, %broadcast_in_dim3A_146, %broadcast_in_dim3A_5 : vector<16xi1>, vector<16xf32>
    %eq3A_148 = arith.constant 4 : i32
    %eq3A_149 = vector.broadcast %eq3A_148 : i32 to vector<16xi32>
    %eq3A_150 = arith.cmpi eq, %iota3A, %eq3A_149 : vector<16xi32>
    %broadcast_in_dim3A_151 = vector.broadcast %convert_element_type3A_142 : f32 to vector<16xf32>
    %select_n3A_152 = arith.select %eq3A_150, %broadcast_in_dim3A_151, %select_n3A_147 : vector<16xi1>, vector<16xf32>
    %mul3A_153 = arith.constant 4 : i32
    %mul3A_154 = arith.muli %add3A, %mul3A_153 : i32
    %add3A_155 = arith.constant 1 : i32
    %add3A_156 = arith.addi %mul3A_154, %add3A_155 : i32
    %mul3A_157 = arith.constant 17464 : i32
    %mul3A_158 = arith.muli %add3A_156, %mul3A_157 : i32
    %multiple_of3A_159 = tpu.assume_multiple %mul3A_158, 8 : i32
    %mul3A_160 = arith.constant 17464 : i32
    %mul3A_161 = arith.muli %add3A_156, %mul3A_160 : i32
    %add3A_162 = arith.constant 8732 : i32
    %add3A_163 = arith.addi %mul3A_161, %add3A_162 : i32
    %sub3A_164 = arith.constant 4 : i32
    %sub3A_165 = arith.subi %add3A_163, %sub3A_164 : i32
    %multiple_of3A_166 = tpu.assume_multiple %sub3A_165, 8 : i32
    %mul3A_167 = arith.constant 8732 : i32
    %mul3A_168 = arith.muli %add3A_156, %mul3A_167 : i32
    %rem3A_169 = arith.constant 8 : i32
    %rem3A_170 = arith.remsi %mul3A_168, %rem3A_169 : i32
    %sub3A_171 = arith.subi %mul3A_168, %rem3A_170 : i32
    %multiple_of3A_172 = tpu.assume_multiple %sub3A_171, 8 : i32
    %dma_start3A_173 = arith.constant 0 : i32
    %dma_start3A_174 = tpu.memref_slice %arg5[%dma_start3A_173] : memref<8752xf32, #tpu.memory_space<vmem>> -> memref<8736xf32, #tpu.memory_space<vmem>>
    %dma_start3A_175 = tpu.memref_slice %arg2[%multiple_of3A_159] : memref<2235392xf32, #tpu.memory_space<hbm>> -> memref<8736xf32, #tpu.memory_space<hbm>>
    %dma_start3A_176 = arith.constant 0 : i32
    %dma_start3A_177 = tpu.memref_slice %arg5[%dma_start3A_176] : memref<8752xf32, #tpu.memory_space<vmem>> -> memref<8736xf32, #tpu.memory_space<vmem>>
    %dma_start3A_178 = tpu.memref_slice %arg2[%multiple_of3A_159] : memref<2235392xf32, #tpu.memory_space<hbm>> -> memref<8736xf32, #tpu.memory_space<hbm>>
    tpu.enqueue_dma source(%dma_start3A_178 : memref<8736xf32, #tpu.memory_space<hbm>>) target(%dma_start3A_177 : memref<8736xf32, #tpu.memory_space<vmem>>) target_semaphore(%arg12 : memref<!tpu.dma_semaphore, #tpu.memory_space<semaphore_mem>>)
    %dma_start3A_179 = arith.constant 0 : i32
    %dma_start3A_180 = tpu.memref_slice %arg6[%dma_start3A_179] : memref<8752xf32, #tpu.memory_space<vmem>> -> memref<8736xf32, #tpu.memory_space<vmem>>
    %dma_start3A_181 = tpu.memref_slice %arg2[%multiple_of3A_166] : memref<2235392xf32, #tpu.memory_space<hbm>> -> memref<8736xf32, #tpu.memory_space<hbm>>
    %dma_start3A_182 = arith.constant 0 : i32
    %dma_start3A_183 = tpu.memref_slice %arg6[%dma_start3A_182] : memref<8752xf32, #tpu.memory_space<vmem>> -> memref<8736xf32, #tpu.memory_space<vmem>>
    %dma_start3A_184 = tpu.memref_slice %arg2[%multiple_of3A_166] : memref<2235392xf32, #tpu.memory_space<hbm>> -> memref<8736xf32, #tpu.memory_space<hbm>>
    tpu.enqueue_dma source(%dma_start3A_184 : memref<8736xf32, #tpu.memory_space<hbm>>) target(%dma_start3A_183 : memref<8736xf32, #tpu.memory_space<vmem>>) target_semaphore(%arg12 : memref<!tpu.dma_semaphore, #tpu.memory_space<semaphore_mem>>)
    %dma_start3A_185 = arith.constant 0 : i32
    %dma_start3A_186 = tpu.memref_slice %arg7[%dma_start3A_185] : memref<8752xi32, #tpu.memory_space<vmem>> -> memref<8736xi32, #tpu.memory_space<vmem>>
    %dma_start3A_187 = tpu.memref_slice %arg3[%multiple_of3A_172] : memref<1117696xi32, #tpu.memory_space<hbm>> -> memref<8736xi32, #tpu.memory_space<hbm>>
    %dma_start3A_188 = arith.constant 0 : i32
    %dma_start3A_189 = tpu.memref_slice %arg7[%dma_start3A_188] : memref<8752xi32, #tpu.memory_space<vmem>> -> memref<8736xi32, #tpu.memory_space<vmem>>
    %dma_start3A_190 = tpu.memref_slice %arg3[%multiple_of3A_172] : memref<1117696xi32, #tpu.memory_space<hbm>> -> memref<8736xi32, #tpu.memory_space<hbm>>
    tpu.enqueue_dma source(%dma_start3A_190 : memref<8736xi32, #tpu.memory_space<hbm>>) target(%dma_start3A_189 : memref<8736xi32, #tpu.memory_space<vmem>>) target_semaphore(%arg12 : memref<!tpu.dma_semaphore, #tpu.memory_space<semaphore_mem>>)
    %dma_wait3A_191 = arith.constant 0 : i32
    %dma_wait3A_192 = tpu.memref_slice %arg5[%dma_wait3A_191] : memref<8752xf32, #tpu.memory_space<vmem>> -> memref<8736xf32, #tpu.memory_space<vmem>>
    %dma_wait3A_193 = tpu.memref_slice %arg2[%multiple_of3A_159] : memref<2235392xf32, #tpu.memory_space<hbm>> -> memref<8736xf32, #tpu.memory_space<hbm>>
    %dma_wait3A_194 = arith.constant 0 : i32
    %dma_wait3A_195 = tpu.memref_slice %arg5[%dma_wait3A_194] : memref<8752xf32, #tpu.memory_space<vmem>> -> memref<8736xf32, #tpu.memory_space<vmem>>
    %dma_wait3A_196 = tpu.memref_slice %arg2[%multiple_of3A_159] : memref<2235392xf32, #tpu.memory_space<hbm>> -> memref<8736xf32, #tpu.memory_space<hbm>>
    tpu.wait_dma2 semaphore(%arg12 : memref<!tpu.dma_semaphore, #tpu.memory_space<semaphore_mem>>) src(%dma_wait3A_196 : memref<8736xf32, #tpu.memory_space<hbm>>) dst(%dma_wait3A_195 : memref<8736xf32, #tpu.memory_space<vmem>>)
    %dma_wait3A_197 = arith.constant 0 : i32
    %dma_wait3A_198 = tpu.memref_slice %arg6[%dma_wait3A_197] : memref<8752xf32, #tpu.memory_space<vmem>> -> memref<8736xf32, #tpu.memory_space<vmem>>
    %dma_wait3A_199 = tpu.memref_slice %arg2[%multiple_of3A_166] : memref<2235392xf32, #tpu.memory_space<hbm>> -> memref<8736xf32, #tpu.memory_space<hbm>>
    %dma_wait3A_200 = arith.constant 0 : i32
    %dma_wait3A_201 = tpu.memref_slice %arg6[%dma_wait3A_200] : memref<8752xf32, #tpu.memory_space<vmem>> -> memref<8736xf32, #tpu.memory_space<vmem>>
    %dma_wait3A_202 = tpu.memref_slice %arg2[%multiple_of3A_166] : memref<2235392xf32, #tpu.memory_space<hbm>> -> memref<8736xf32, #tpu.memory_space<hbm>>
    tpu.wait_dma2 semaphore(%arg12 : memref<!tpu.dma_semaphore, #tpu.memory_space<semaphore_mem>>) src(%dma_wait3A_202 : memref<8736xf32, #tpu.memory_space<hbm>>) dst(%dma_wait3A_201 : memref<8736xf32, #tpu.memory_space<vmem>>)
    %dma_wait3A_203 = arith.constant 0 : i32
    %dma_wait3A_204 = tpu.memref_slice %arg7[%dma_wait3A_203] : memref<8752xi32, #tpu.memory_space<vmem>> -> memref<8736xi32, #tpu.memory_space<vmem>>
    %dma_wait3A_205 = tpu.memref_slice %arg3[%multiple_of3A_172] : memref<1117696xi32, #tpu.memory_space<hbm>> -> memref<8736xi32, #tpu.memory_space<hbm>>
    %dma_wait3A_206 = arith.constant 0 : i32
    %dma_wait3A_207 = tpu.memref_slice %arg7[%dma_wait3A_206] : memref<8752xi32, #tpu.memory_space<vmem>> -> memref<8736xi32, #tpu.memory_space<vmem>>
    %dma_wait3A_208 = tpu.memref_slice %arg3[%multiple_of3A_172] : memref<1117696xi32, #tpu.memory_space<hbm>> -> memref<8736xi32, #tpu.memory_space<hbm>>
    tpu.wait_dma2 semaphore(%arg12 : memref<!tpu.dma_semaphore, #tpu.memory_space<semaphore_mem>>) src(%dma_wait3A_208 : memref<8736xi32, #tpu.memory_space<hbm>>) dst(%dma_wait3A_207 : memref<8736xi32, #tpu.memory_space<vmem>>)
    %scan3A_209 = arith.constant 0 : i32
    %scan3A_210 = arith.constant 545 : i32
    %scan3A_211 = arith.addi %scan3A_209, %scan3A_210 : i32
    %scan3A_212 = arith.constant 1 : i32
    %scan3A_213:3 = scf.for %scan3A_664 = %scan3A_209 to %scan3A_211 step %scan3A_212 iter_args(%scan3A_665 = %broadcast_in_dim3A_1, %scan3A_666 = %broadcast_in_dim3A_1, %scan3A_667 = %broadcast_in_dim3A_3) -> (vector<16xf32>, vector<16xf32>, vector<16xi32>)  : i32 {
      %mul3A_668 = arith.constant 16 : i32
      %mul3A_669 = arith.muli %scan3A_664, %mul3A_668 : i32
      %get3A_670 = arith.index_cast %mul3A_669 : i32 to index
      %get3A_671 = tpu.vector_load %arg5[%get3A_670] {strides = array<i32>} : memref<8752xf32, #tpu.memory_space<vmem>>, vector<16xf32>,
      %mul3A_672 = arith.constant 16 : i32
      %mul3A_673 = arith.muli %scan3A_664, %mul3A_672 : i32
      %add3A_674 = arith.constant 4 : i32
      %add3A_675 = arith.addi %mul3A_673, %add3A_674 : i32
      %get3A_676 = arith.index_cast %add3A_675 : i32 to index
      %get3A_677 = tpu.vector_load %arg6[%get3A_676] {strides = array<i32>} : memref<8752xf32, #tpu.memory_space<vmem>>, vector<16xf32>,
      %mul3A_678 = arith.constant 16 : i32
      %mul3A_679 = arith.muli %scan3A_664, %mul3A_678 : i32
      %add3A_680 = arith.addi %mul3A_679, %rem3A_170 : i32
      %get3A_681 = arith.index_cast %add3A_680 : i32 to index
      %get3A_682 = tpu.vector_load %arg7[%get3A_681] {strides = array<i32>} : memref<8752xi32, #tpu.memory_space<vmem>>, vector<16xi32>,
      %eq3A_683 = arith.constant 0 : i32
      %eq3A_684 = vector.broadcast %eq3A_683 : i32 to vector<16xi32>
      %eq3A_685 = arith.cmpi eq, %get3A_682, %eq3A_684 : vector<16xi32>
      %sub3A_686 = arith.subf %get3A_677, %get3A_671 : vector<16xf32>
      %sub3A_687 = arith.subf %get3A_671, %get3A_677 : vector<16xf32>
      %select_n3A_688 = arith.select %eq3A_685, %sub3A_686, %sub3A_687 : vector<16xi1>, vector<16xf32>
      %abs3A_689 = math.absf %select_n3A_688 : vector<16xf32>
      %neg3A_690 = arith.constant 0.000000e+00 : f32
      %neg3A_691 = vector.broadcast %neg3A_690 : f32 to vector<16xf32>
      %neg3A_692 = arith.subf %neg3A_691, %abs3A_689 : vector<16xf32>
      %exp3A_693 = math.exp %neg3A_692 : vector<16xf32>
      %add3A_694 = arith.constant 2.000000e+00 : f32
      %add3A_695 = vector.broadcast %add3A_694 : f32 to vector<16xf32>
      %add3A_696 = arith.addf %add3A_695, %exp3A_693 : vector<16xf32>
      %div3A_697 = arith.divf %exp3A_693, %add3A_696 : vector<16xf32>
      %mul3A_698 = arith.mulf %div3A_697, %div3A_697 : vector<16xf32>
      %mul3A_699 = arith.constant 2.000000e+00 : f32
      %mul3A_700 = vector.broadcast %mul3A_699 : f32 to vector<16xf32>
      %mul3A_701 = arith.mulf %mul3A_700, %div3A_697 : vector<16xf32>
      %mul3A_702 = arith.constant 0.111111112 : f32
      %mul3A_703 = vector.broadcast %mul3A_702 : f32 to vector<16xf32>
      %mul3A_704 = arith.mulf %mul3A_698, %mul3A_703 : vector<16xf32>
      %add3A_705 = arith.constant 0.142857149 : f32
      %add3A_706 = vector.broadcast %add3A_705 : f32 to vector<16xf32>
      %add3A_707 = arith.addf %add3A_706, %mul3A_704 : vector<16xf32>
      %mul3A_708 = arith.mulf %mul3A_698, %add3A_707 : vector<16xf32>
      %add3A_709 = arith.constant 2.000000e-01 : f32
      %add3A_710 = vector.broadcast %add3A_709 : f32 to vector<16xf32>
      %add3A_711 = arith.addf %add3A_710, %mul3A_708 : vector<16xf32>
      %mul3A_712 = arith.mulf %mul3A_698, %add3A_711 : vector<16xf32>
      %add3A_713 = arith.constant 0.333333343 : f32
      %add3A_714 = vector.broadcast %add3A_713 : f32 to vector<16xf32>
      %add3A_715 = arith.addf %add3A_714, %mul3A_712 : vector<16xf32>
      %mul3A_716 = arith.mulf %mul3A_698, %add3A_715 : vector<16xf32>
      %add3A_717 = arith.constant 1.000000e+00 : f32
      %add3A_718 = vector.broadcast %add3A_717 : f32 to vector<16xf32>
      %add3A_719 = arith.addf %add3A_718, %mul3A_716 : vector<16xf32>
      %mul3A_720 = arith.mulf %mul3A_701, %add3A_719 : vector<16xf32>
      %max3A_721 = arith.constant 0.000000e+00 : f32
      %max3A_722 = vector.broadcast %max3A_721 : f32 to vector<16xf32>
      %max3A_723 = arith.maximumf %select_n3A_688, %max3A_722 : vector<16xf32>
      %add3A_724 = arith.addf %max3A_723, %mul3A_720 : vector<16xf32>
      %gt3A_725 = arith.constant 0 : i32
      %gt3A_726 = vector.broadcast %gt3A_725 : i32 to vector<16xi32>
      %gt3A_727 = arith.cmpi sgt, %get3A_682, %gt3A_726 : vector<16xi32>
      %add3A_728 = arith.addf %scan3A_665, %add3A_724 : vector<16xf32>
      %jit3A_729 = arith.constant 0.000000e+00 : f32
      %broadcast_in_dim3A_730 = vector.broadcast %jit3A_729 : f32 to vector<16xf32>
      %select_n3A_731 = arith.select %gt3A_727, %add3A_724, %broadcast_in_dim3A_730 : vector<16xi1>, vector<16xf32>
      %add3A_732 = arith.addf %scan3A_666, %select_n3A_731 : vector<16xf32>
      %convert_element_type3A_733 = arith.extui %gt3A_727 : vector<16xi1> to vector<16xi32>
      %add3A_734 = arith.addi %scan3A_667, %convert_element_type3A_733 : vector<16xi32>
      scf.yield %add3A_728, %add3A_732, %add3A_734 : vector<16xf32>, vector<16xf32>, vector<16xi32>
    }
    %scan3A_214 = arith.constant 545 : i32
    %get3A_215 = arith.constant 8720 : index
    %get3A_216 = tpu.vector_load %arg5[%get3A_215] {strides = array<i32>} : memref<8752xf32, #tpu.memory_space<vmem>>, vector<16xf32>,
    %get3A_217 = arith.constant 8724 : index
    %get3A_218 = tpu.vector_load %arg6[%get3A_217] {strides = array<i32>} : memref<8752xf32, #tpu.memory_space<vmem>>, vector<16xf32>,
    %add3A_219 = arith.constant 8720 : i32
    %add3A_220 = arith.addi %add3A_219, %rem3A_170 : i32
    %get3A_221 = arith.index_cast %add3A_220 : i32 to index
    %get3A_222 = tpu.vector_load %arg7[%get3A_221] {strides = array<i32>} : memref<8752xi32, #tpu.memory_space<vmem>>, vector<16xi32>,
    %lt3A_223 = arith.constant 12 : i32
    %lt3A_224 = vector.broadcast %lt3A_223 : i32 to vector<16xi32>
    %lt3A_225 = arith.cmpi slt, %iota3A, %lt3A_224 : vector<16xi32>
    %eq3A_226 = arith.constant 0 : i32
    %eq3A_227 = vector.broadcast %eq3A_226 : i32 to vector<16xi32>
    %eq3A_228 = arith.cmpi eq, %get3A_222, %eq3A_227 : vector<16xi32>
    %sub3A_229 = arith.subf %get3A_218, %get3A_216 : vector<16xf32>
    %sub3A_230 = arith.subf %get3A_216, %get3A_218 : vector<16xf32>
    %select_n3A_231 = arith.select %eq3A_228, %sub3A_229, %sub3A_230 : vector<16xi1>, vector<16xf32>
    %abs3A_232 = math.absf %select_n3A_231 : vector<16xf32>
    %neg3A_233 = arith.constant 0.000000e+00 : f32
    %neg3A_234 = vector.broadcast %neg3A_233 : f32 to vector<16xf32>
    %neg3A_235 = arith.subf %neg3A_234, %abs3A_232 : vector<16xf32>
    %exp3A_236 = math.exp %neg3A_235 : vector<16xf32>
    %add3A_237 = arith.constant 2.000000e+00 : f32
    %add3A_238 = vector.broadcast %add3A_237 : f32 to vector<16xf32>
    %add3A_239 = arith.addf %add3A_238, %exp3A_236 : vector<16xf32>
    %div3A_240 = arith.divf %exp3A_236, %add3A_239 : vector<16xf32>
    %mul3A_241 = arith.mulf %div3A_240, %div3A_240 : vector<16xf32>
    %mul3A_242 = arith.constant 2.000000e+00 : f32
    %mul3A_243 = vector.broadcast %mul3A_242 : f32 to vector<16xf32>
    %mul3A_244 = arith.mulf %mul3A_243, %div3A_240 : vector<16xf32>
    %mul3A_245 = arith.constant 0.111111112 : f32
    %mul3A_246 = vector.broadcast %mul3A_245 : f32 to vector<16xf32>
    %mul3A_247 = arith.mulf %mul3A_241, %mul3A_246 : vector<16xf32>
    %add3A_248 = arith.constant 0.142857149 : f32
    %add3A_249 = vector.broadcast %add3A_248 : f32 to vector<16xf32>
    %add3A_250 = arith.addf %add3A_249, %mul3A_247 : vector<16xf32>
    %mul3A_251 = arith.mulf %mul3A_241, %add3A_250 : vector<16xf32>
    %add3A_252 = arith.constant 2.000000e-01 : f32
    %add3A_253 = vector.broadcast %add3A_252 : f32 to vector<16xf32>
    %add3A_254 = arith.addf %add3A_253, %mul3A_251 : vector<16xf32>
    %mul3A_255 = arith.mulf %mul3A_241, %add3A_254 : vector<16xf32>
    %add3A_256 = arith.constant 0.333333343 : f32
    %add3A_257 = vector.broadcast %add3A_256 : f32 to vector<16xf32>
    %add3A_258 = arith.addf %add3A_257, %mul3A_255 : vector<16xf32>
    %mul3A_259 = arith.mulf %mul3A_241, %add3A_258 : vector<16xf32>
    %add3A_260 = arith.constant 1.000000e+00 : f32
    %add3A_261 = vector.broadcast %add3A_260 : f32 to vector<16xf32>
    %add3A_262 = arith.addf %add3A_261, %mul3A_259 : vector<16xf32>
    %mul3A_263 = arith.mulf %mul3A_244, %add3A_262 : vector<16xf32>
    %max3A_264 = arith.constant 0.000000e+00 : f32
    %max3A_265 = vector.broadcast %max3A_264 : f32 to vector<16xf32>
    %max3A_266 = arith.maximumf %select_n3A_231, %max3A_265 : vector<16xf32>
    %add3A_267 = arith.addf %max3A_266, %mul3A_263 : vector<16xf32>
    %jit3A_268 = arith.constant 0.000000e+00 : f32
    %broadcast_in_dim3A_269 = vector.broadcast %jit3A_268 : f32 to vector<16xf32>
    %select_n3A_270 = arith.select %lt3A_225, %add3A_267, %broadcast_in_dim3A_269 : vector<16xi1>, vector<16xf32>
    %gt3A_271 = arith.constant 0 : i32
    %gt3A_272 = vector.broadcast %gt3A_271 : i32 to vector<16xi32>
    %gt3A_273 = arith.cmpi sgt, %get3A_222, %gt3A_272 : vector<16xi32>
    %and3A_274 = arith.andi %lt3A_225, %gt3A_273 : vector<16xi1>
    %add3A_275 = arith.addf %scan3A_213#0, %select_n3A_270 : vector<16xf32>
    %reduce_sum3A_276 = arith.constant true
    %reduce_sum3A_277 = vector.broadcast %reduce_sum3A_276 : i1 to vector<16xi1>
    %reduce_sum3A_278 = tpu.scan <sum>, %add3A_275 masked %reduce_sum3A_277 : vector<16xf32>, vector<16xi1> -> vector<16xf32>
    %reduce_sum3A_279 = vector.extract %reduce_sum3A_278[15] : f32 from vector<16xf32>
    %jit3A_280 = arith.constant 0.000000e+00 : f32
    %broadcast_in_dim3A_281 = vector.broadcast %jit3A_280 : f32 to vector<16xf32>
    %select_n3A_282 = arith.select %and3A_274, %select_n3A_270, %broadcast_in_dim3A_281 : vector<16xi1>, vector<16xf32>
    %add3A_283 = arith.addf %scan3A_213#1, %select_n3A_282 : vector<16xf32>
    %reduce_sum3A_284 = arith.constant true
    %reduce_sum3A_285 = vector.broadcast %reduce_sum3A_284 : i1 to vector<16xi1>
    %reduce_sum3A_286 = tpu.scan <sum>, %add3A_283 masked %reduce_sum3A_285 : vector<16xf32>, vector<16xi1> -> vector<16xf32>
    %reduce_sum3A_287 = vector.extract %reduce_sum3A_286[15] : f32 from vector<16xf32>
    %convert_element_type3A_288 = arith.extui %and3A_274 : vector<16xi1> to vector<16xi32>
    %add3A_289 = arith.addi %scan3A_213#2, %convert_element_type3A_288 : vector<16xi32>
    %reduce_sum3A_290 = arith.constant true
    %reduce_sum3A_291 = vector.broadcast %reduce_sum3A_290 : i1 to vector<16xi1>
    %reduce_sum3A_292 = tpu.scan <sum>, %add3A_289 masked %reduce_sum3A_291 : vector<16xi32>, vector<16xi1> -> vector<16xi32>
    %reduce_sum3A_293 = vector.extract %reduce_sum3A_292[15] : i32 from vector<16xi32>
    %mul3A_294 = arith.constant 3 : i32
    %mul3A_295 = arith.muli %mul3A_294, %reduce_sum3A_293 : i32
    %min3A_296 = arith.constant 8732 : i32
    %min3A_297 = arith.minsi %mul3A_295, %min3A_296 : i32
    %ge3A_298 = arith.constant 8732 : i32
    %ge3A_299 = arith.cmpi sge, %min3A_297, %ge3A_298 : i32
    %convert_element_type3A_300 = arith.extui %ge3A_299 : i1 to i32
    %cond3A_301 = arith.constant 0 : i32
    %cond3A_302 = arith.cmpi ne, %convert_element_type3A_300, %cond3A_301 : i32
    scf.if %cond3A_302 {
      %swap3A_664 = arith.constant 0 : i32
      %swap3A_665 = arith.index_cast %swap3A_664 : i32 to index
      %swap3A_666 = memref.load %arg11[%swap3A_665] : memref<1xf32, #tpu.memory_space<smem>>
      memref.store %reduce_sum3A_279, %arg11[%swap3A_665] : memref<1xf32, #tpu.memory_space<smem>>
    } else {
    }
    %lt3A_303 = arith.constant 8732 : i32
    %lt3A_304 = arith.cmpi slt, %min3A_297, %lt3A_303 : i32
    %convert_element_type3A_305 = arith.extui %lt3A_304 : i1 to i32
    %cond3A_306 = arith.constant 0 : i32
    %cond3A_307 = arith.cmpi ne, %convert_element_type3A_305, %cond3A_306 : i32
    scf.if %cond3A_307 {
      %scan3A_664 = arith.constant 0 : i32
      %scan3A_665 = arith.constant 546 : i32
      %scan3A_666 = arith.addi %scan3A_664, %scan3A_665 : i32
      %scan3A_667 = arith.constant 1 : i32
      %scan3A_668 = scf.for %scan3A_681 = %scan3A_664 to %scan3A_666 step %scan3A_667 iter_args(%scan3A_682 = %broadcast_in_dim3A_3) -> (vector<16xi32>)  : i32 {
        %mul3A_683 = arith.constant 16 : i32
        %mul3A_684 = arith.muli %scan3A_681, %mul3A_683 : i32
        %get3A_685 = arith.index_cast %mul3A_684 : i32 to index
        %get3A_686 = tpu.vector_load %arg5[%get3A_685] {strides = array<i32>} : memref<8752xf32, #tpu.memory_space<vmem>>, vector<16xf32>,
        %mul3A_687 = arith.constant 16 : i32
        %mul3A_688 = arith.muli %scan3A_681, %mul3A_687 : i32
        %add3A_689 = arith.constant 4 : i32
        %add3A_690 = arith.addi %mul3A_688, %add3A_689 : i32
        %get3A_691 = arith.index_cast %add3A_690 : i32 to index
        %get3A_692 = tpu.vector_load %arg6[%get3A_691] {strides = array<i32>} : memref<8752xf32, #tpu.memory_space<vmem>>, vector<16xf32>,
        %mul3A_693 = arith.constant 16 : i32
        %mul3A_694 = arith.muli %scan3A_681, %mul3A_693 : i32
        %add3A_695 = arith.addi %mul3A_694, %rem3A_170 : i32
        %get3A_696 = arith.index_cast %add3A_695 : i32 to index
        %get3A_697 = tpu.vector_load %arg7[%get3A_696] {strides = array<i32>} : memref<8752xi32, #tpu.memory_space<vmem>>, vector<16xi32>,
        %eq3A_698 = arith.constant 0 : i32
        %eq3A_699 = vector.broadcast %eq3A_698 : i32 to vector<16xi32>
        %eq3A_700 = arith.cmpi eq, %get3A_697, %eq3A_699 : vector<16xi32>
        %sub3A_701 = arith.subf %get3A_692, %get3A_686 : vector<16xf32>
        %sub3A_702 = arith.subf %get3A_686, %get3A_692 : vector<16xf32>
        %select_n3A_703 = arith.select %eq3A_700, %sub3A_701, %sub3A_702 : vector<16xi1>, vector<16xf32>
        %abs3A_704 = math.absf %select_n3A_703 : vector<16xf32>
        %neg3A_705 = arith.constant 0.000000e+00 : f32
        %neg3A_706 = vector.broadcast %neg3A_705 : f32 to vector<16xf32>
        %neg3A_707 = arith.subf %neg3A_706, %abs3A_704 : vector<16xf32>
        %exp3A_708 = math.exp %neg3A_707 : vector<16xf32>
        %add3A_709 = arith.constant 2.000000e+00 : f32
        %add3A_710 = vector.broadcast %add3A_709 : f32 to vector<16xf32>
        %add3A_711 = arith.addf %add3A_710, %exp3A_708 : vector<16xf32>
        %div3A_712 = arith.divf %exp3A_708, %add3A_711 : vector<16xf32>
        %mul3A_713 = arith.mulf %div3A_712, %div3A_712 : vector<16xf32>
        %mul3A_714 = arith.constant 2.000000e+00 : f32
        %mul3A_715 = vector.broadcast %mul3A_714 : f32 to vector<16xf32>
        %mul3A_716 = arith.mulf %mul3A_715, %div3A_712 : vector<16xf32>
        %mul3A_717 = arith.constant 0.111111112 : f32
        %mul3A_718 = vector.broadcast %mul3A_717 : f32 to vector<16xf32>
        %mul3A_719 = arith.mulf %mul3A_713, %mul3A_718 : vector<16xf32>
        %add3A_720 = arith.constant 0.142857149 : f32
        %add3A_721 = vector.broadcast %add3A_720 : f32 to vector<16xf32>
        %add3A_722 = arith.addf %add3A_721, %mul3A_719 : vector<16xf32>
        %mul3A_723 = arith.mulf %mul3A_713, %add3A_722 : vector<16xf32>
        %add3A_724 = arith.constant 2.000000e-01 : f32
        %add3A_725 = vector.broadcast %add3A_724 : f32 to vector<16xf32>
        %add3A_726 = arith.addf %add3A_725, %mul3A_723 : vector<16xf32>
        %mul3A_727 = arith.mulf %mul3A_713, %add3A_726 : vector<16xf32>
        %add3A_728 = arith.constant 0.333333343 : f32
        %add3A_729 = vector.broadcast %add3A_728 : f32 to vector<16xf32>
        %add3A_730 = arith.addf %add3A_729, %mul3A_727 : vector<16xf32>
        %mul3A_731 = arith.mulf %mul3A_713, %add3A_730 : vector<16xf32>
        %add3A_732 = arith.constant 1.000000e+00 : f32
        %add3A_733 = vector.broadcast %add3A_732 : f32 to vector<16xf32>
        %add3A_734 = arith.addf %add3A_733, %mul3A_731 : vector<16xf32>
        %mul3A_735 = arith.mulf %mul3A_716, %add3A_734 : vector<16xf32>
        %max3A_736 = arith.constant 0.000000e+00 : f32
        %max3A_737 = vector.broadcast %max3A_736 : f32 to vector<16xf32>
        %max3A_738 = arith.maximumf %select_n3A_703, %max3A_737 : vector<16xf32>
        %add3A_739 = arith.addf %max3A_738, %mul3A_735 : vector<16xf32>
        %lt3A_740 = arith.constant 545 : i32
        %lt3A_741 = arith.cmpi slt, %scan3A_681, %lt3A_740 : i32
        %lt3A_742 = arith.constant 12 : i32
        %lt3A_743 = vector.broadcast %lt3A_742 : i32 to vector<16xi32>
        %lt3A_744 = arith.cmpi slt, %iota3A, %lt3A_743 : vector<16xi32>
        %or3A = vector.broadcast %lt3A_741 : i1 to vector<16xi1>
        %or3A_745 = arith.ori %or3A, %lt3A_744 : vector<16xi1>
        %jit3A_746 = arith.constant 0.000000e+00 : f32
        %broadcast_in_dim3A_747 = vector.broadcast %jit3A_746 : f32 to vector<16xf32>
        %select_n3A_748 = arith.select %or3A_745, %add3A_739, %broadcast_in_dim3A_747 : vector<16xi1>, vector<16xf32>
        %gt3A_749 = arith.constant 0 : i32
        %gt3A_750 = vector.broadcast %gt3A_749 : i32 to vector<16xi32>
        %gt3A_751 = arith.cmpi sgt, %get3A_697, %gt3A_750 : vector<16xi32>
        %not3A = arith.constant dense<true> : vector<16xi1>
        %not3A_752 = arith.xori %or3A_745, %not3A : vector<16xi1>
        %or3A_753 = arith.ori %gt3A_751, %not3A_752 : vector<16xi1>
        %jit3A_754 = arith.constant 0.000000e+00 : f32
        %broadcast_in_dim3A_755 = vector.broadcast %jit3A_754 : f32 to vector<16xf32>
        %select_n3A_756 = arith.select %or3A_753, %broadcast_in_dim3A_755, %select_n3A_748 : vector<16xi1>, vector<16xf32>
        %mul3A_757 = arith.constant 16 : i32
        %mul3A_758 = arith.muli %scan3A_681, %mul3A_757 : i32
        %swap3A_759 = arith.index_cast %mul3A_758 : i32 to index
        %swap3A_760 = tpu.vector_load %arg8[%swap3A_759] {strides = array<i32>} : memref<8736xf32, #tpu.memory_space<vmem>>, vector<16xf32>,
        tpu.vector_store %arg8[%swap3A_759], %select_n3A_748 {strides = array<i32>} : memref<8736xf32, #tpu.memory_space<vmem>>, vector<16xf32>,
        %swap3A_761 = arith.index_cast %mul3A_758 : i32 to index
        %swap3A_762 = tpu.vector_load %arg9[%swap3A_761] {strides = array<i32>} : memref<8736xf32, #tpu.memory_space<vmem>>, vector<16xf32>,
        tpu.vector_store %arg9[%swap3A_761], %select_n3A_756 {strides = array<i32>} : memref<8736xf32, #tpu.memory_space<vmem>>, vector<16xf32>,
        %gt3A_763 = arith.constant 0.000000e+00 : f32
        %gt3A_764 = vector.broadcast %gt3A_763 : f32 to vector<16xf32>
        %gt3A_765 = arith.cmpf ogt, %select_n3A_756, %gt3A_764 : vector<16xf32>
        %convert_element_type3A_766 = arith.extui %gt3A_765 : vector<16xi1> to vector<16xi32>
        %add3A_767 = arith.addi %scan3A_682, %convert_element_type3A_766 : vector<16xi32>
        scf.yield %add3A_767 : vector<16xi32>
      }
      %scan3A_669 = arith.constant 546 : i32
      %reduce_sum3A_670 = arith.constant true
      %reduce_sum3A_671 = vector.broadcast %reduce_sum3A_670 : i1 to vector<16xi1>
      %reduce_sum3A_672 = tpu.scan <sum>, %scan3A_668 masked %reduce_sum3A_671 : vector<16xi32>, vector<16xi1> -> vector<16xi32>
      %reduce_sum3A_673 = vector.extract %reduce_sum3A_672[15] : i32 from vector<16xi32>
      %le3A = arith.cmpi sle, %min3A_297, %reduce_sum3A_673 : i32
      %convert_element_type3A_674 = arith.extui %le3A : i1 to i32
      %cond3A_675 = arith.constant 0 : i32
      %cond3A_676 = arith.cmpi ne, %convert_element_type3A_674, %cond3A_675 : i32
      scf.if %cond3A_676 {
        %scan3A_681 = arith.constant 0 : i32
        %scan3A_682 = arith.constant 2147483647 : i32
        %scan3A_683 = arith.constant 0 : i32
        %scan3A_684 = arith.constant 31 : i32
        %scan3A_685 = arith.addi %scan3A_683, %scan3A_684 : i32
        %scan3A_686 = arith.constant 1 : i32
        %scan3A_687:2 = scf.for %scan3A_725 = %scan3A_683 to %scan3A_685 step %scan3A_686 iter_args(%scan3A_726 = %scan3A_681, %scan3A_727 = %scan3A_682) -> (i32, i32)  : i32 {
          %sub3A_728 = arith.subi %scan3A_727, %scan3A_726 : i32
          %jit3A_729 = arith.constant 2 : i32
          %div3A_730 = arith.divsi %sub3A_728, %jit3A_729 : i32
          %sign3A = arith.constant 0 : i32
          %sign3A_731 = arith.cmpi sgt, %sub3A_728, %sign3A : i32
          %sign3A_732 = arith.extui %sign3A_731 : i1 to i32
          %sign3A_733 = arith.constant 0 : i32
          %sign3A_734 = arith.cmpi slt, %sub3A_728, %sign3A_733 : i32
          %sign3A_735 = arith.extui %sign3A_734 : i1 to i32
          %sign3A_736 = arith.subi %sign3A_732, %sign3A_735 : i32
          %sign3A_737 = arith.constant 0 : i32
          %sign3A_738 = arith.cmpi sgt, %jit3A_729, %sign3A_737 : i32
          %sign3A_739 = arith.extui %sign3A_738 : i1 to i32
          %sign3A_740 = arith.constant 0 : i32
          %sign3A_741 = arith.cmpi slt, %jit3A_729, %sign3A_740 : i32
          %sign3A_742 = arith.extui %sign3A_741 : i1 to i32
          %sign3A_743 = arith.subi %sign3A_739, %sign3A_742 : i32
          %ne3A = arith.cmpi ne, %sign3A_736, %sign3A_743 : i32
          %rem3A_744 = arith.remsi %sub3A_728, %jit3A_729 : i32
          %ne3A_745 = arith.constant 0 : i32
          %ne3A_746 = arith.cmpi ne, %rem3A_744, %ne3A_745 : i32
          %and3A_747 = arith.andi %ne3A, %ne3A_746 : i1
          %sub3A_748 = arith.constant 1 : i32
          %sub3A_749 = arith.subi %div3A_730, %sub3A_748 : i32
          %select_n3A_750 = arith.select %and3A_747, %sub3A_749, %div3A_730 : i32
          %add3A_751 = arith.addi %scan3A_726, %select_n3A_750 : i32
          %scan3A_752 = arith.constant 0 : i32
          %scan3A_753 = arith.constant 546 : i32
          %scan3A_754 = arith.addi %scan3A_752, %scan3A_753 : i32
          %scan3A_755 = arith.constant 1 : i32
          %scan3A_756 = scf.for %scan3A_767 = %scan3A_752 to %scan3A_754 step %scan3A_755 iter_args(%scan3A_768 = %broadcast_in_dim3A_3) -> (vector<16xi32>)  : i32 {
            %mul3A_769 = arith.constant 16 : i32
            %mul3A_770 = arith.muli %scan3A_767, %mul3A_769 : i32
            %get3A_771 = arith.index_cast %mul3A_770 : i32 to index
            %get3A_772 = tpu.vector_load %arg9[%get3A_771] {strides = array<i32>} : memref<8736xf32, #tpu.memory_space<vmem>>, vector<16xf32>,
            %bitcast3A_773 = vector.bitcast %get3A_772 : vector<16xf32> to vector<16xi32>
            %gt3A_774 = vector.broadcast %add3A_751 : i32 to vector<16xi32>
            %gt3A_775 = arith.cmpi sgt, %bitcast3A_773, %gt3A_774 : vector<16xi32>
            %convert_element_type3A_776 = arith.extui %gt3A_775 : vector<16xi1> to vector<16xi32>
            %add3A_777 = arith.addi %scan3A_768, %convert_element_type3A_776 : vector<16xi32>
            scf.yield %add3A_777 : vector<16xi32>
          }
          %scan3A_757 = arith.constant 546 : i32
          %reduce_sum3A_758 = arith.constant true
          %reduce_sum3A_759 = vector.broadcast %reduce_sum3A_758 : i1 to vector<16xi1>
          %reduce_sum3A_760 = tpu.scan <sum>, %scan3A_756 masked %reduce_sum3A_759 : vector<16xi32>, vector<16xi1> -> vector<16xi32>
          %reduce_sum3A_761 = vector.extract %reduce_sum3A_760[15] : i32 from vector<16xi32>
          %lt3A_762 = arith.cmpi slt, %reduce_sum3A_761, %min3A_297 : i32
          %add3A_763 = arith.constant 1 : i32
          %add3A_764 = arith.addi %add3A_751, %add3A_763 : i32
          %select_n3A_765 = arith.select %lt3A_762, %scan3A_726, %add3A_764 : i32
          %select_n3A_766 = arith.select %lt3A_762, %add3A_751, %scan3A_727 : i32
          scf.yield %select_n3A_765, %select_n3A_766 : i32, i32
        }
        %scan3A_688 = arith.constant 31 : i32
        %scan3A_689 = arith.constant 0 : i32
        %scan3A_690 = arith.constant 546 : i32
        %scan3A_691 = arith.addi %scan3A_689, %scan3A_690 : i32
        %scan3A_692 = arith.constant 1 : i32
        %scan3A_693:2 = scf.for %scan3A_725 = %scan3A_689 to %scan3A_691 step %scan3A_692 iter_args(%scan3A_726 = %broadcast_in_dim3A_3, %scan3A_727 = %broadcast_in_dim3A_1) -> (vector<16xi32>, vector<16xf32>)  : i32 {
          %mul3A_728 = arith.constant 16 : i32
          %mul3A_729 = arith.muli %scan3A_725, %mul3A_728 : i32
          %get3A_730 = arith.index_cast %mul3A_729 : i32 to index
          %get3A_731 = tpu.vector_load %arg9[%get3A_730] {strides = array<i32>} : memref<8736xf32, #tpu.memory_space<vmem>>, vector<16xf32>,
          %bitcast3A_732 = vector.bitcast %get3A_731 : vector<16xf32> to vector<16xi32>
          %gt3A_733 = vector.broadcast %scan3A_687#0 : i32 to vector<16xi32>
          %gt3A_734 = arith.cmpi sgt, %bitcast3A_732, %gt3A_733 : vector<16xi32>
          %convert_element_type3A_735 = arith.extui %gt3A_734 : vector<16xi1> to vector<16xi32>
          %add3A_736 = arith.addi %scan3A_726, %convert_element_type3A_735 : vector<16xi32>
          %jit3A_737 = arith.constant 0.000000e+00 : f32
          %broadcast_in_dim3A_738 = vector.broadcast %jit3A_737 : f32 to vector<16xf32>
          %select_n3A_739 = arith.select %gt3A_734, %get3A_731, %broadcast_in_dim3A_738 : vector<16xi1>, vector<16xf32>
          %add3A_740 = arith.addf %scan3A_727, %select_n3A_739 : vector<16xf32>
          scf.yield %add3A_736, %add3A_740 : vector<16xi32>, vector<16xf32>
        }
        %scan3A_694 = arith.constant 546 : i32
        %reduce_sum3A_695 = arith.constant true
        %reduce_sum3A_696 = vector.broadcast %reduce_sum3A_695 : i1 to vector<16xi1>
        %reduce_sum3A_697 = tpu.scan <sum>, %scan3A_693#0 masked %reduce_sum3A_696 : vector<16xi32>, vector<16xi1> -> vector<16xi32>
        %reduce_sum3A_698 = vector.extract %reduce_sum3A_697[15] : i32 from vector<16xi32>
        %reduce_sum3A_699 = arith.constant true
        %reduce_sum3A_700 = vector.broadcast %reduce_sum3A_699 : i1 to vector<16xi1>
        %reduce_sum3A_701 = tpu.scan <sum>, %scan3A_693#1 masked %reduce_sum3A_700 : vector<16xf32>, vector<16xi1> -> vector<16xf32>
        %reduce_sum3A_702 = vector.extract %reduce_sum3A_701[15] : f32 from vector<16xf32>
        %broadcast_in_dim3A_703 = vector.broadcast %scan3A_687#0 : i32 to vector<16xi32>
        %bitcast3A = vector.bitcast %broadcast_in_dim3A_703 : vector<16xi32> to vector<16xf32>
        %eq3A_704 = arith.constant 0 : i32
        %eq3A_705 = vector.broadcast %eq3A_704 : i32 to vector<16xi32>
        %eq3A_706 = arith.cmpi eq, %iota3A, %eq3A_705 : vector<16xi32>
        %jit3A_707 = arith.constant 0.000000e+00 : f32
        %broadcast_in_dim3A_708 = vector.broadcast %jit3A_707 : f32 to vector<16xf32>
        %select_n3A_709 = arith.select %eq3A_706, %bitcast3A, %broadcast_in_dim3A_708 : vector<16xi1>, vector<16xf32>
        %reduce_sum3A_710 = arith.constant true
        %reduce_sum3A_711 = vector.broadcast %reduce_sum3A_710 : i1 to vector<16xi1>
        %reduce_sum3A_712 = tpu.scan <sum>, %select_n3A_709 masked %reduce_sum3A_711 : vector<16xf32>, vector<16xi1> -> vector<16xf32>
        %reduce_sum3A_713 = vector.extract %reduce_sum3A_712[15] : f32 from vector<16xf32>
        %sub3A_714 = arith.subi %min3A_297, %reduce_sum3A_698 : i32
        %convert_element_type3A_715 = arith.sitofp %sub3A_714 : i32 to f32
        %gt3A_716 = arith.constant 0.000000e+00 : f32
        %gt3A_717 = arith.cmpf ogt, %convert_element_type3A_715, %gt3A_716 : f32
        %mul3A_718 = arith.mulf %convert_element_type3A_715, %reduce_sum3A_713 : f32
        %jit3A_719 = arith.constant 0.000000e+00 : f32
        %select_n3A_720 = arith.select %gt3A_717, %mul3A_718, %jit3A_719 : f32
        %add3A_721 = arith.addf %reduce_sum3A_702, %select_n3A_720 : f32
        %swap3A_722 = arith.constant 0 : i32
        %swap3A_723 = arith.index_cast %swap3A_722 : i32 to index
        %swap3A_724 = memref.load %arg11[%swap3A_723] : memref<1xf32, #tpu.memory_space<smem>>
        memref.store %add3A_721, %arg11[%swap3A_723] : memref<1xf32, #tpu.memory_space<smem>>
      } else {
      }
      %gt3A_677 = arith.cmpi sgt, %min3A_297, %reduce_sum3A_673 : i32
      %convert_element_type3A_678 = arith.extui %gt3A_677 : i1 to i32
      %cond3A_679 = arith.constant 0 : i32
      %cond3A_680 = arith.cmpi ne, %convert_element_type3A_678, %cond3A_679 : i32
      scf.if %cond3A_680 {
        %sub3A_681 = arith.subi %min3A_297, %reduce_sum3A_673 : i32
        %scan3A_682 = arith.constant 0 : i32
        %scan3A_683 = arith.constant 8732 : i32
        %scan3A_684 = arith.constant 0 : i32
        %scan3A_685 = arith.constant 14 : i32
        %scan3A_686 = arith.addi %scan3A_684, %scan3A_685 : i32
        %scan3A_687 = arith.constant 1 : i32
        %scan3A_688:2 = scf.for %scan3A_705 = %scan3A_684 to %scan3A_686 step %scan3A_687 iter_args(%scan3A_706 = %scan3A_682, %scan3A_707 = %scan3A_683) -> (i32, i32)  : i32 {
          %sub3A_708 = arith.subi %scan3A_707, %scan3A_706 : i32
          %jit3A_709 = arith.constant 2 : i32
          %div3A_710 = arith.divsi %sub3A_708, %jit3A_709 : i32
          %sign3A = arith.constant 0 : i32
          %sign3A_711 = arith.cmpi sgt, %sub3A_708, %sign3A : i32
          %sign3A_712 = arith.extui %sign3A_711 : i1 to i32
          %sign3A_713 = arith.constant 0 : i32
          %sign3A_714 = arith.cmpi slt, %sub3A_708, %sign3A_713 : i32
          %sign3A_715 = arith.extui %sign3A_714 : i1 to i32
          %sign3A_716 = arith.subi %sign3A_712, %sign3A_715 : i32
          %sign3A_717 = arith.constant 0 : i32
          %sign3A_718 = arith.cmpi sgt, %jit3A_709, %sign3A_717 : i32
          %sign3A_719 = arith.extui %sign3A_718 : i1 to i32
          %sign3A_720 = arith.constant 0 : i32
          %sign3A_721 = arith.cmpi slt, %jit3A_709, %sign3A_720 : i32
          %sign3A_722 = arith.extui %sign3A_721 : i1 to i32
          %sign3A_723 = arith.subi %sign3A_719, %sign3A_722 : i32
          %ne3A = arith.cmpi ne, %sign3A_716, %sign3A_723 : i32
          %rem3A_724 = arith.remsi %sub3A_708, %jit3A_709 : i32
          %ne3A_725 = arith.constant 0 : i32
          %ne3A_726 = arith.cmpi ne, %rem3A_724, %ne3A_725 : i32
          %and3A_727 = arith.andi %ne3A, %ne3A_726 : i1
          %sub3A_728 = arith.constant 1 : i32
          %sub3A_729 = arith.subi %div3A_710, %sub3A_728 : i32
          %select_n3A_730 = arith.select %and3A_727, %sub3A_729, %div3A_710 : i32
          %add3A_731 = arith.addi %scan3A_706, %select_n3A_730 : i32
          %scan3A_732 = arith.constant 0 : i32
          %scan3A_733 = arith.constant 546 : i32
          %scan3A_734 = arith.addi %scan3A_732, %scan3A_733 : i32
          %scan3A_735 = arith.constant 1 : i32
          %scan3A_736 = scf.for %scan3A_747 = %scan3A_732 to %scan3A_734 step %scan3A_735 iter_args(%scan3A_748 = %broadcast_in_dim3A_3) -> (vector<16xi32>)  : i32 {
            %mul3A_749 = arith.constant 16 : i32
            %mul3A_750 = arith.muli %scan3A_747, %mul3A_749 : i32
            %get3A_751 = arith.index_cast %mul3A_750 : i32 to index
            %get3A_752 = tpu.vector_load %arg9[%get3A_751] {strides = array<i32>} : memref<8736xf32, #tpu.memory_space<vmem>>, vector<16xf32>,
            %mul3A_753 = arith.constant 16 : i32
            %mul3A_754 = arith.muli %scan3A_747, %mul3A_753 : i32
            %add3A_755 = vector.broadcast %mul3A_754 : i32 to vector<16xi32>
            %add3A_756 = arith.addi %add3A_755, %iota3A : vector<16xi32>
            %eq3A_757 = arith.constant 0.000000e+00 : f32
            %eq3A_758 = vector.broadcast %eq3A_757 : f32 to vector<16xf32>
            %eq3A_759 = arith.cmpf oeq, %get3A_752, %eq3A_758 : vector<16xf32>
            %lt3A_760 = vector.broadcast %add3A_731 : i32 to vector<16xi32>
            %lt3A_761 = arith.cmpi slt, %add3A_756, %lt3A_760 : vector<16xi32>
            %and3A_762 = arith.andi %eq3A_759, %lt3A_761 : vector<16xi1>
            %lt3A_763 = arith.constant 8732 : i32
            %lt3A_764 = vector.broadcast %lt3A_763 : i32 to vector<16xi32>
            %lt3A_765 = arith.cmpi slt, %add3A_756, %lt3A_764 : vector<16xi32>
            %and3A_766 = arith.andi %and3A_762, %lt3A_765 : vector<16xi1>
            %convert_element_type3A_767 = arith.extui %and3A_766 : vector<16xi1> to vector<16xi32>
            %add3A_768 = arith.addi %scan3A_748, %convert_element_type3A_767 : vector<16xi32>
            scf.yield %add3A_768 : vector<16xi32>
          }
          %scan3A_737 = arith.constant 546 : i32
          %reduce_sum3A_738 = arith.constant true
          %reduce_sum3A_739 = vector.broadcast %reduce_sum3A_738 : i1 to vector<16xi1>
          %reduce_sum3A_740 = tpu.scan <sum>, %scan3A_736 masked %reduce_sum3A_739 : vector<16xi32>, vector<16xi1> -> vector<16xi32>
          %reduce_sum3A_741 = vector.extract %reduce_sum3A_740[15] : i32 from vector<16xi32>
          %ge3A_742 = arith.cmpi sge, %reduce_sum3A_741, %sub3A_681 : i32
          %add3A_743 = arith.constant 1 : i32
          %add3A_744 = arith.addi %add3A_731, %add3A_743 : i32
          %select_n3A_745 = arith.select %ge3A_742, %scan3A_706, %add3A_744 : i32
          %select_n3A_746 = arith.select %ge3A_742, %add3A_731, %scan3A_707 : i32
          scf.yield %select_n3A_745, %select_n3A_746 : i32, i32
        }
        %scan3A_689 = arith.constant 14 : i32
        %scan3A_690 = arith.constant 0 : i32
        %scan3A_691 = arith.constant 546 : i32
        %scan3A_692 = arith.addi %scan3A_690, %scan3A_691 : i32
        %scan3A_693 = arith.constant 1 : i32
        %scan3A_694 = scf.for %scan3A_705 = %scan3A_690 to %scan3A_692 step %scan3A_693 iter_args(%scan3A_706 = %broadcast_in_dim3A_1) -> (vector<16xf32>)  : i32 {
          %mul3A_707 = arith.constant 16 : i32
          %mul3A_708 = arith.muli %scan3A_705, %mul3A_707 : i32
          %get3A_709 = arith.index_cast %mul3A_708 : i32 to index
          %get3A_710 = tpu.vector_load %arg9[%get3A_709] {strides = array<i32>} : memref<8736xf32, #tpu.memory_space<vmem>>, vector<16xf32>,
          %mul3A_711 = arith.constant 16 : i32
          %mul3A_712 = arith.muli %scan3A_705, %mul3A_711 : i32
          %add3A_713 = vector.broadcast %mul3A_712 : i32 to vector<16xi32>
          %add3A_714 = arith.addi %add3A_713, %iota3A : vector<16xi32>
          %eq3A_715 = arith.constant 0.000000e+00 : f32
          %eq3A_716 = vector.broadcast %eq3A_715 : f32 to vector<16xf32>
          %eq3A_717 = arith.cmpf oeq, %get3A_710, %eq3A_716 : vector<16xf32>
          %lt3A_718 = vector.broadcast %scan3A_688#0 : i32 to vector<16xi32>
          %lt3A_719 = arith.cmpi slt, %add3A_714, %lt3A_718 : vector<16xi32>
          %and3A_720 = arith.andi %eq3A_717, %lt3A_719 : vector<16xi1>
          %lt3A_721 = arith.constant 8732 : i32
          %lt3A_722 = vector.broadcast %lt3A_721 : i32 to vector<16xi32>
          %lt3A_723 = arith.cmpi slt, %add3A_714, %lt3A_722 : vector<16xi32>
          %and3A_724 = arith.andi %and3A_720, %lt3A_723 : vector<16xi1>
          %get3A_725 = arith.index_cast %mul3A_708 : i32 to index
          %get3A_726 = tpu.vector_load %arg8[%get3A_725] {strides = array<i32>} : memref<8736xf32, #tpu.memory_space<vmem>>, vector<16xf32>,
          %jit3A_727 = arith.constant 0.000000e+00 : f32
          %broadcast_in_dim3A_728 = vector.broadcast %jit3A_727 : f32 to vector<16xf32>
          %select_n3A_729 = arith.select %and3A_724, %get3A_726, %broadcast_in_dim3A_728 : vector<16xi1>, vector<16xf32>
          %add3A_730 = arith.addf %scan3A_706, %select_n3A_729 : vector<16xf32>
          scf.yield %add3A_730 : vector<16xf32>
        }
        %scan3A_695 = arith.constant 546 : i32
        %reduce_sum3A_696 = arith.constant true
        %reduce_sum3A_697 = vector.broadcast %reduce_sum3A_696 : i1 to vector<16xi1>
        %reduce_sum3A_698 = tpu.scan <sum>, %scan3A_694 masked %reduce_sum3A_697 : vector<16xf32>, vector<16xi1> -> vector<16xf32>
        %reduce_sum3A_699 = vector.extract %reduce_sum3A_698[15] : f32 from vector<16xf32>
        %sub3A_700 = arith.subf %reduce_sum3A_279, %reduce_sum3A_287 : f32
        %add3A_701 = arith.addf %sub3A_700, %reduce_sum3A_699 : f32
        %swap3A_702 = arith.constant 0 : i32
        %swap3A_703 = arith.index_cast %swap3A_702 : i32 to index
        %swap3A_704 = memref.load %arg11[%swap3A_703] : memref<1xf32, #tpu.memory_space<smem>>
        memref.store %add3A_701, %arg11[%swap3A_703] : memref<1xf32, #tpu.memory_space<smem>>
      } else {
      }
    } else {
    }
    %get3A_308 = arith.constant 0 : i32
    %get3A_309 = arith.index_cast %get3A_308 : i32 to index
    %get3A_310 = memref.load %arg11[%get3A_309] : memref<1xf32, #tpu.memory_space<smem>>
    %add3A_311 = arith.addf %reduce_sum3A_287, %get3A_310 : f32
    %convert_element_type3A_312 = arith.sitofp %reduce_sum3A_293 : i32 to f32
    %eq3A_313 = arith.constant 1 : i32
    %eq3A_314 = vector.broadcast %eq3A_313 : i32 to vector<16xi32>
    %eq3A_315 = arith.cmpi eq, %iota3A, %eq3A_314 : vector<16xi32>
    %broadcast_in_dim3A_316 = vector.broadcast %add3A_311 : f32 to vector<16xf32>
    %select_n3A_317 = arith.select %eq3A_315, %broadcast_in_dim3A_316, %select_n3A_152 : vector<16xi1>, vector<16xf32>
    %eq3A_318 = arith.constant 5 : i32
    %eq3A_319 = vector.broadcast %eq3A_318 : i32 to vector<16xi32>
    %eq3A_320 = arith.cmpi eq, %iota3A, %eq3A_319 : vector<16xi32>
    %broadcast_in_dim3A_321 = vector.broadcast %convert_element_type3A_312 : f32 to vector<16xf32>
    %select_n3A_322 = arith.select %eq3A_320, %broadcast_in_dim3A_321, %select_n3A_317 : vector<16xi1>, vector<16xf32>
    %mul3A_323 = arith.constant 4 : i32
    %mul3A_324 = arith.muli %add3A, %mul3A_323 : i32
    %add3A_325 = arith.constant 2 : i32
    %add3A_326 = arith.addi %mul3A_324, %add3A_325 : i32
    %mul3A_327 = arith.constant 17464 : i32
    %mul3A_328 = arith.muli %add3A_326, %mul3A_327 : i32
    %multiple_of3A_329 = tpu.assume_multiple %mul3A_328, 8 : i32
    %mul3A_330 = arith.constant 17464 : i32
    %mul3A_331 = arith.muli %add3A_326, %mul3A_330 : i32
    %add3A_332 = arith.constant 8732 : i32
    %add3A_333 = arith.addi %mul3A_331, %add3A_332 : i32
    %sub3A_334 = arith.constant 4 : i32
    %sub3A_335 = arith.subi %add3A_333, %sub3A_334 : i32
    %multiple_of3A_336 = tpu.assume_multiple %sub3A_335, 8 : i32
    %mul3A_337 = arith.constant 8732 : i32
    %mul3A_338 = arith.muli %add3A_326, %mul3A_337 : i32
    %rem3A_339 = arith.constant 8 : i32
    %rem3A_340 = arith.remsi %mul3A_338, %rem3A_339 : i32
    %sub3A_341 = arith.subi %mul3A_338, %rem3A_340 : i32
    %multiple_of3A_342 = tpu.assume_multiple %sub3A_341, 8 : i32
    %dma_start3A_343 = arith.constant 0 : i32
    %dma_start3A_344 = tpu.memref_slice %arg5[%dma_start3A_343] : memref<8752xf32, #tpu.memory_space<vmem>> -> memref<8736xf32, #tpu.memory_space<vmem>>
    %dma_start3A_345 = tpu.memref_slice %arg2[%multiple_of3A_329] : memref<2235392xf32, #tpu.memory_space<hbm>> -> memref<8736xf32, #tpu.memory_space<hbm>>
    %dma_start3A_346 = arith.constant 0 : i32
    %dma_start3A_347 = tpu.memref_slice %arg5[%dma_start3A_346] : memref<8752xf32, #tpu.memory_space<vmem>> -> memref<8736xf32, #tpu.memory_space<vmem>>
    %dma_start3A_348 = tpu.memref_slice %arg2[%multiple_of3A_329] : memref<2235392xf32, #tpu.memory_space<hbm>> -> memref<8736xf32, #tpu.memory_space<hbm>>
    tpu.enqueue_dma source(%dma_start3A_348 : memref<8736xf32, #tpu.memory_space<hbm>>) target(%dma_start3A_347 : memref<8736xf32, #tpu.memory_space<vmem>>) target_semaphore(%arg12 : memref<!tpu.dma_semaphore, #tpu.memory_space<semaphore_mem>>)
    %dma_start3A_349 = arith.constant 0 : i32
    %dma_start3A_350 = tpu.memref_slice %arg6[%dma_start3A_349] : memref<8752xf32, #tpu.memory_space<vmem>> -> memref<8736xf32, #tpu.memory_space<vmem>>
    %dma_start3A_351 = tpu.memref_slice %arg2[%multiple_of3A_336] : memref<2235392xf32, #tpu.memory_space<hbm>> -> memref<8736xf32, #tpu.memory_space<hbm>>
    %dma_start3A_352 = arith.constant 0 : i32
    %dma_start3A_353 = tpu.memref_slice %arg6[%dma_start3A_352] : memref<8752xf32, #tpu.memory_space<vmem>> -> memref<8736xf32, #tpu.memory_space<vmem>>
    %dma_start3A_354 = tpu.memref_slice %arg2[%multiple_of3A_336] : memref<2235392xf32, #tpu.memory_space<hbm>> -> memref<8736xf32, #tpu.memory_space<hbm>>
    tpu.enqueue_dma source(%dma_start3A_354 : memref<8736xf32, #tpu.memory_space<hbm>>) target(%dma_start3A_353 : memref<8736xf32, #tpu.memory_space<vmem>>) target_semaphore(%arg12 : memref<!tpu.dma_semaphore, #tpu.memory_space<semaphore_mem>>)
    %dma_start3A_355 = arith.constant 0 : i32
    %dma_start3A_356 = tpu.memref_slice %arg7[%dma_start3A_355] : memref<8752xi32, #tpu.memory_space<vmem>> -> memref<8736xi32, #tpu.memory_space<vmem>>
    %dma_start3A_357 = tpu.memref_slice %arg3[%multiple_of3A_342] : memref<1117696xi32, #tpu.memory_space<hbm>> -> memref<8736xi32, #tpu.memory_space<hbm>>
    %dma_start3A_358 = arith.constant 0 : i32
    %dma_start3A_359 = tpu.memref_slice %arg7[%dma_start3A_358] : memref<8752xi32, #tpu.memory_space<vmem>> -> memref<8736xi32, #tpu.memory_space<vmem>>
    %dma_start3A_360 = tpu.memref_slice %arg3[%multiple_of3A_342] : memref<1117696xi32, #tpu.memory_space<hbm>> -> memref<8736xi32, #tpu.memory_space<hbm>>
    tpu.enqueue_dma source(%dma_start3A_360 : memref<8736xi32, #tpu.memory_space<hbm>>) target(%dma_start3A_359 : memref<8736xi32, #tpu.memory_space<vmem>>) target_semaphore(%arg12 : memref<!tpu.dma_semaphore, #tpu.memory_space<semaphore_mem>>)
    %dma_wait3A_361 = arith.constant 0 : i32
    %dma_wait3A_362 = tpu.memref_slice %arg5[%dma_wait3A_361] : memref<8752xf32, #tpu.memory_space<vmem>> -> memref<8736xf32, #tpu.memory_space<vmem>>
    %dma_wait3A_363 = tpu.memref_slice %arg2[%multiple_of3A_329] : memref<2235392xf32, #tpu.memory_space<hbm>> -> memref<8736xf32, #tpu.memory_space<hbm>>
    %dma_wait3A_364 = arith.constant 0 : i32
    %dma_wait3A_365 = tpu.memref_slice %arg5[%dma_wait3A_364] : memref<8752xf32, #tpu.memory_space<vmem>> -> memref<8736xf32, #tpu.memory_space<vmem>>
    %dma_wait3A_366 = tpu.memref_slice %arg2[%multiple_of3A_329] : memref<2235392xf32, #tpu.memory_space<hbm>> -> memref<8736xf32, #tpu.memory_space<hbm>>
    tpu.wait_dma2 semaphore(%arg12 : memref<!tpu.dma_semaphore, #tpu.memory_space<semaphore_mem>>) src(%dma_wait3A_366 : memref<8736xf32, #tpu.memory_space<hbm>>) dst(%dma_wait3A_365 : memref<8736xf32, #tpu.memory_space<vmem>>)
    %dma_wait3A_367 = arith.constant 0 : i32
    %dma_wait3A_368 = tpu.memref_slice %arg6[%dma_wait3A_367] : memref<8752xf32, #tpu.memory_space<vmem>> -> memref<8736xf32, #tpu.memory_space<vmem>>
    %dma_wait3A_369 = tpu.memref_slice %arg2[%multiple_of3A_336] : memref<2235392xf32, #tpu.memory_space<hbm>> -> memref<8736xf32, #tpu.memory_space<hbm>>
    %dma_wait3A_370 = arith.constant 0 : i32
    %dma_wait3A_371 = tpu.memref_slice %arg6[%dma_wait3A_370] : memref<8752xf32, #tpu.memory_space<vmem>> -> memref<8736xf32, #tpu.memory_space<vmem>>
    %dma_wait3A_372 = tpu.memref_slice %arg2[%multiple_of3A_336] : memref<2235392xf32, #tpu.memory_space<hbm>> -> memref<8736xf32, #tpu.memory_space<hbm>>
    tpu.wait_dma2 semaphore(%arg12 : memref<!tpu.dma_semaphore, #tpu.memory_space<semaphore_mem>>) src(%dma_wait3A_372 : memref<8736xf32, #tpu.memory_space<hbm>>) dst(%dma_wait3A_371 : memref<8736xf32, #tpu.memory_space<vmem>>)
    %dma_wait3A_373 = arith.constant 0 : i32
    %dma_wait3A_374 = tpu.memref_slice %arg7[%dma_wait3A_373] : memref<8752xi32, #tpu.memory_space<vmem>> -> memref<8736xi32, #tpu.memory_space<vmem>>
    %dma_wait3A_375 = tpu.memref_slice %arg3[%multiple_of3A_342] : memref<1117696xi32, #tpu.memory_space<hbm>> -> memref<8736xi32, #tpu.memory_space<hbm>>
    %dma_wait3A_376 = arith.constant 0 : i32
    %dma_wait3A_377 = tpu.memref_slice %arg7[%dma_wait3A_376] : memref<8752xi32, #tpu.memory_space<vmem>> -> memref<8736xi32, #tpu.memory_space<vmem>>
    %dma_wait3A_378 = tpu.memref_slice %arg3[%multiple_of3A_342] : memref<1117696xi32, #tpu.memory_space<hbm>> -> memref<8736xi32, #tpu.memory_space<hbm>>
    tpu.wait_dma2 semaphore(%arg12 : memref<!tpu.dma_semaphore, #tpu.memory_space<semaphore_mem>>) src(%dma_wait3A_378 : memref<8736xi32, #tpu.memory_space<hbm>>) dst(%dma_wait3A_377 : memref<8736xi32, #tpu.memory_space<vmem>>)
    %scan3A_379 = arith.constant 0 : i32
    %scan3A_380 = arith.constant 545 : i32
    %scan3A_381 = arith.addi %scan3A_379, %scan3A_380 : i32
    %scan3A_382 = arith.constant 1 : i32
    %scan3A_383:3 = scf.for %scan3A_664 = %scan3A_379 to %scan3A_381 step %scan3A_382 iter_args(%scan3A_665 = %broadcast_in_dim3A_1, %scan3A_666 = %broadcast_in_dim3A_1, %scan3A_667 = %broadcast_in_dim3A_3) -> (vector<16xf32>, vector<16xf32>, vector<16xi32>)  : i32 {
      %mul3A_668 = arith.constant 16 : i32
      %mul3A_669 = arith.muli %scan3A_664, %mul3A_668 : i32
      %get3A_670 = arith.index_cast %mul3A_669 : i32 to index
      %get3A_671 = tpu.vector_load %arg5[%get3A_670] {strides = array<i32>} : memref<8752xf32, #tpu.memory_space<vmem>>, vector<16xf32>,
      %mul3A_672 = arith.constant 16 : i32
      %mul3A_673 = arith.muli %scan3A_664, %mul3A_672 : i32
      %add3A_674 = arith.constant 4 : i32
      %add3A_675 = arith.addi %mul3A_673, %add3A_674 : i32
      %get3A_676 = arith.index_cast %add3A_675 : i32 to index
      %get3A_677 = tpu.vector_load %arg6[%get3A_676] {strides = array<i32>} : memref<8752xf32, #tpu.memory_space<vmem>>, vector<16xf32>,
      %mul3A_678 = arith.constant 16 : i32
      %mul3A_679 = arith.muli %scan3A_664, %mul3A_678 : i32
      %add3A_680 = arith.addi %mul3A_679, %rem3A_340 : i32
      %get3A_681 = arith.index_cast %add3A_680 : i32 to index
      %get3A_682 = tpu.vector_load %arg7[%get3A_681] {strides = array<i32>} : memref<8752xi32, #tpu.memory_space<vmem>>, vector<16xi32>,
      %eq3A_683 = arith.constant 0 : i32
      %eq3A_684 = vector.broadcast %eq3A_683 : i32 to vector<16xi32>
      %eq3A_685 = arith.cmpi eq, %get3A_682, %eq3A_684 : vector<16xi32>
      %sub3A_686 = arith.subf %get3A_677, %get3A_671 : vector<16xf32>
      %sub3A_687 = arith.subf %get3A_671, %get3A_677 : vector<16xf32>
      %select_n3A_688 = arith.select %eq3A_685, %sub3A_686, %sub3A_687 : vector<16xi1>, vector<16xf32>
      %abs3A_689 = math.absf %select_n3A_688 : vector<16xf32>
      %neg3A_690 = arith.constant 0.000000e+00 : f32
      %neg3A_691 = vector.broadcast %neg3A_690 : f32 to vector<16xf32>
      %neg3A_692 = arith.subf %neg3A_691, %abs3A_689 : vector<16xf32>
      %exp3A_693 = math.exp %neg3A_692 : vector<16xf32>
      %add3A_694 = arith.constant 2.000000e+00 : f32
      %add3A_695 = vector.broadcast %add3A_694 : f32 to vector<16xf32>
      %add3A_696 = arith.addf %add3A_695, %exp3A_693 : vector<16xf32>
      %div3A_697 = arith.divf %exp3A_693, %add3A_696 : vector<16xf32>
      %mul3A_698 = arith.mulf %div3A_697, %div3A_697 : vector<16xf32>
      %mul3A_699 = arith.constant 2.000000e+00 : f32
      %mul3A_700 = vector.broadcast %mul3A_699 : f32 to vector<16xf32>
      %mul3A_701 = arith.mulf %mul3A_700, %div3A_697 : vector<16xf32>
      %mul3A_702 = arith.constant 0.111111112 : f32
      %mul3A_703 = vector.broadcast %mul3A_702 : f32 to vector<16xf32>
      %mul3A_704 = arith.mulf %mul3A_698, %mul3A_703 : vector<16xf32>
      %add3A_705 = arith.constant 0.142857149 : f32
      %add3A_706 = vector.broadcast %add3A_705 : f32 to vector<16xf32>
      %add3A_707 = arith.addf %add3A_706, %mul3A_704 : vector<16xf32>
      %mul3A_708 = arith.mulf %mul3A_698, %add3A_707 : vector<16xf32>
      %add3A_709 = arith.constant 2.000000e-01 : f32
      %add3A_710 = vector.broadcast %add3A_709 : f32 to vector<16xf32>
      %add3A_711 = arith.addf %add3A_710, %mul3A_708 : vector<16xf32>
      %mul3A_712 = arith.mulf %mul3A_698, %add3A_711 : vector<16xf32>
      %add3A_713 = arith.constant 0.333333343 : f32
      %add3A_714 = vector.broadcast %add3A_713 : f32 to vector<16xf32>
      %add3A_715 = arith.addf %add3A_714, %mul3A_712 : vector<16xf32>
      %mul3A_716 = arith.mulf %mul3A_698, %add3A_715 : vector<16xf32>
      %add3A_717 = arith.constant 1.000000e+00 : f32
      %add3A_718 = vector.broadcast %add3A_717 : f32 to vector<16xf32>
      %add3A_719 = arith.addf %add3A_718, %mul3A_716 : vector<16xf32>
      %mul3A_720 = arith.mulf %mul3A_701, %add3A_719 : vector<16xf32>
      %max3A_721 = arith.constant 0.000000e+00 : f32
      %max3A_722 = vector.broadcast %max3A_721 : f32 to vector<16xf32>
      %max3A_723 = arith.maximumf %select_n3A_688, %max3A_722 : vector<16xf32>
      %add3A_724 = arith.addf %max3A_723, %mul3A_720 : vector<16xf32>
      %gt3A_725 = arith.constant 0 : i32
      %gt3A_726 = vector.broadcast %gt3A_725 : i32 to vector<16xi32>
      %gt3A_727 = arith.cmpi sgt, %get3A_682, %gt3A_726 : vector<16xi32>
      %add3A_728 = arith.addf %scan3A_665, %add3A_724 : vector<16xf32>
      %jit3A_729 = arith.constant 0.000000e+00 : f32
      %broadcast_in_dim3A_730 = vector.broadcast %jit3A_729 : f32 to vector<16xf32>
      %select_n3A_731 = arith.select %gt3A_727, %add3A_724, %broadcast_in_dim3A_730 : vector<16xi1>, vector<16xf32>
      %add3A_732 = arith.addf %scan3A_666, %select_n3A_731 : vector<16xf32>
      %convert_element_type3A_733 = arith.extui %gt3A_727 : vector<16xi1> to vector<16xi32>
      %add3A_734 = arith.addi %scan3A_667, %convert_element_type3A_733 : vector<16xi32>
      scf.yield %add3A_728, %add3A_732, %add3A_734 : vector<16xf32>, vector<16xf32>, vector<16xi32>
    }
    %scan3A_384 = arith.constant 545 : i32
    %get3A_385 = arith.constant 8720 : index
    %get3A_386 = tpu.vector_load %arg5[%get3A_385] {strides = array<i32>} : memref<8752xf32, #tpu.memory_space<vmem>>, vector<16xf32>,
    %get3A_387 = arith.constant 8724 : index
    %get3A_388 = tpu.vector_load %arg6[%get3A_387] {strides = array<i32>} : memref<8752xf32, #tpu.memory_space<vmem>>, vector<16xf32>,
    %add3A_389 = arith.constant 8720 : i32
    %add3A_390 = arith.addi %add3A_389, %rem3A_340 : i32
    %get3A_391 = arith.index_cast %add3A_390 : i32 to index
    %get3A_392 = tpu.vector_load %arg7[%get3A_391] {strides = array<i32>} : memref<8752xi32, #tpu.memory_space<vmem>>, vector<16xi32>,
    %lt3A_393 = arith.constant 12 : i32
    %lt3A_394 = vector.broadcast %lt3A_393 : i32 to vector<16xi32>
    %lt3A_395 = arith.cmpi slt, %iota3A, %lt3A_394 : vector<16xi32>
    %eq3A_396 = arith.constant 0 : i32
    %eq3A_397 = vector.broadcast %eq3A_396 : i32 to vector<16xi32>
    %eq3A_398 = arith.cmpi eq, %get3A_392, %eq3A_397 : vector<16xi32>
    %sub3A_399 = arith.subf %get3A_388, %get3A_386 : vector<16xf32>
    %sub3A_400 = arith.subf %get3A_386, %get3A_388 : vector<16xf32>
    %select_n3A_401 = arith.select %eq3A_398, %sub3A_399, %sub3A_400 : vector<16xi1>, vector<16xf32>
    %abs3A_402 = math.absf %select_n3A_401 : vector<16xf32>
    %neg3A_403 = arith.constant 0.000000e+00 : f32
    %neg3A_404 = vector.broadcast %neg3A_403 : f32 to vector<16xf32>
    %neg3A_405 = arith.subf %neg3A_404, %abs3A_402 : vector<16xf32>
    %exp3A_406 = math.exp %neg3A_405 : vector<16xf32>
    %add3A_407 = arith.constant 2.000000e+00 : f32
    %add3A_408 = vector.broadcast %add3A_407 : f32 to vector<16xf32>
    %add3A_409 = arith.addf %add3A_408, %exp3A_406 : vector<16xf32>
    %div3A_410 = arith.divf %exp3A_406, %add3A_409 : vector<16xf32>
    %mul3A_411 = arith.mulf %div3A_410, %div3A_410 : vector<16xf32>
    %mul3A_412 = arith.constant 2.000000e+00 : f32
    %mul3A_413 = vector.broadcast %mul3A_412 : f32 to vector<16xf32>
    %mul3A_414 = arith.mulf %mul3A_413, %div3A_410 : vector<16xf32>
    %mul3A_415 = arith.constant 0.111111112 : f32
    %mul3A_416 = vector.broadcast %mul3A_415 : f32 to vector<16xf32>
    %mul3A_417 = arith.mulf %mul3A_411, %mul3A_416 : vector<16xf32>
    %add3A_418 = arith.constant 0.142857149 : f32
    %add3A_419 = vector.broadcast %add3A_418 : f32 to vector<16xf32>
    %add3A_420 = arith.addf %add3A_419, %mul3A_417 : vector<16xf32>
    %mul3A_421 = arith.mulf %mul3A_411, %add3A_420 : vector<16xf32>
    %add3A_422 = arith.constant 2.000000e-01 : f32
    %add3A_423 = vector.broadcast %add3A_422 : f32 to vector<16xf32>
    %add3A_424 = arith.addf %add3A_423, %mul3A_421 : vector<16xf32>
    %mul3A_425 = arith.mulf %mul3A_411, %add3A_424 : vector<16xf32>
    %add3A_426 = arith.constant 0.333333343 : f32
    %add3A_427 = vector.broadcast %add3A_426 : f32 to vector<16xf32>
    %add3A_428 = arith.addf %add3A_427, %mul3A_425 : vector<16xf32>
    %mul3A_429 = arith.mulf %mul3A_411, %add3A_428 : vector<16xf32>
    %add3A_430 = arith.constant 1.000000e+00 : f32
    %add3A_431 = vector.broadcast %add3A_430 : f32 to vector<16xf32>
    %add3A_432 = arith.addf %add3A_431, %mul3A_429 : vector<16xf32>
    %mul3A_433 = arith.mulf %mul3A_414, %add3A_432 : vector<16xf32>
    %max3A_434 = arith.constant 0.000000e+00 : f32
    %max3A_435 = vector.broadcast %max3A_434 : f32 to vector<16xf32>
    %max3A_436 = arith.maximumf %select_n3A_401, %max3A_435 : vector<16xf32>
    %add3A_437 = arith.addf %max3A_436, %mul3A_433 : vector<16xf32>
    %jit3A_438 = arith.constant 0.000000e+00 : f32
    %broadcast_in_dim3A_439 = vector.broadcast %jit3A_438 : f32 to vector<16xf32>
    %select_n3A_440 = arith.select %lt3A_395, %add3A_437, %broadcast_in_dim3A_439 : vector<16xi1>, vector<16xf32>
    %gt3A_441 = arith.constant 0 : i32
    %gt3A_442 = vector.broadcast %gt3A_441 : i32 to vector<16xi32>
    %gt3A_443 = arith.cmpi sgt, %get3A_392, %gt3A_442 : vector<16xi32>
    %and3A_444 = arith.andi %lt3A_395, %gt3A_443 : vector<16xi1>
    %add3A_445 = arith.addf %scan3A_383#0, %select_n3A_440 : vector<16xf32>
    %reduce_sum3A_446 = arith.constant true
    %reduce_sum3A_447 = vector.broadcast %reduce_sum3A_446 : i1 to vector<16xi1>
    %reduce_sum3A_448 = tpu.scan <sum>, %add3A_445 masked %reduce_sum3A_447 : vector<16xf32>, vector<16xi1> -> vector<16xf32>
    %reduce_sum3A_449 = vector.extract %reduce_sum3A_448[15] : f32 from vector<16xf32>
    %jit3A_450 = arith.constant 0.000000e+00 : f32
    %broadcast_in_dim3A_451 = vector.broadcast %jit3A_450 : f32 to vector<16xf32>
    %select_n3A_452 = arith.select %and3A_444, %select_n3A_440, %broadcast_in_dim3A_451 : vector<16xi1>, vector<16xf32>
    %add3A_453 = arith.addf %scan3A_383#1, %select_n3A_452 : vector<16xf32>
    %reduce_sum3A_454 = arith.constant true
    %reduce_sum3A_455 = vector.broadcast %reduce_sum3A_454 : i1 to vector<16xi1>
    %reduce_sum3A_456 = tpu.scan <sum>, %add3A_453 masked %reduce_sum3A_455 : vector<16xf32>, vector<16xi1> -> vector<16xf32>
    %reduce_sum3A_457 = vector.extract %reduce_sum3A_456[15] : f32 from vector<16xf32>
    %convert_element_type3A_458 = arith.extui %and3A_444 : vector<16xi1> to vector<16xi32>
    %add3A_459 = arith.addi %scan3A_383#2, %convert_element_type3A_458 : vector<16xi32>
    %reduce_sum3A_460 = arith.constant true
    %reduce_sum3A_461 = vector.broadcast %reduce_sum3A_460 : i1 to vector<16xi1>
    %reduce_sum3A_462 = tpu.scan <sum>, %add3A_459 masked %reduce_sum3A_461 : vector<16xi32>, vector<16xi1> -> vector<16xi32>
    %reduce_sum3A_463 = vector.extract %reduce_sum3A_462[15] : i32 from vector<16xi32>
    %mul3A_464 = arith.constant 3 : i32
    %mul3A_465 = arith.muli %mul3A_464, %reduce_sum3A_463 : i32
    %min3A_466 = arith.constant 8732 : i32
    %min3A_467 = arith.minsi %mul3A_465, %min3A_466 : i32
    %ge3A_468 = arith.constant 8732 : i32
    %ge3A_469 = arith.cmpi sge, %min3A_467, %ge3A_468 : i32
    %convert_element_type3A_470 = arith.extui %ge3A_469 : i1 to i32
    %cond3A_471 = arith.constant 0 : i32
    %cond3A_472 = arith.cmpi ne, %convert_element_type3A_470, %cond3A_471 : i32
    scf.if %cond3A_472 {
      %swap3A_664 = arith.constant 0 : i32
      %swap3A_665 = arith.index_cast %swap3A_664 : i32 to index
      %swap3A_666 = memref.load %arg11[%swap3A_665] : memref<1xf32, #tpu.memory_space<smem>>
      memref.store %reduce_sum3A_449, %arg11[%swap3A_665] : memref<1xf32, #tpu.memory_space<smem>>
    } else {
    }
    %lt3A_473 = arith.constant 8732 : i32
    %lt3A_474 = arith.cmpi slt, %min3A_467, %lt3A_473 : i32
    %convert_element_type3A_475 = arith.extui %lt3A_474 : i1 to i32
    %cond3A_476 = arith.constant 0 : i32
    %cond3A_477 = arith.cmpi ne, %convert_element_type3A_475, %cond3A_476 : i32
    scf.if %cond3A_477 {
      %scan3A_664 = arith.constant 0 : i32
      %scan3A_665 = arith.constant 546 : i32
      %scan3A_666 = arith.addi %scan3A_664, %scan3A_665 : i32
      %scan3A_667 = arith.constant 1 : i32
      %scan3A_668 = scf.for %scan3A_681 = %scan3A_664 to %scan3A_666 step %scan3A_667 iter_args(%scan3A_682 = %broadcast_in_dim3A_3) -> (vector<16xi32>)  : i32 {
        %mul3A_683 = arith.constant 16 : i32
        %mul3A_684 = arith.muli %scan3A_681, %mul3A_683 : i32
        %get3A_685 = arith.index_cast %mul3A_684 : i32 to index
        %get3A_686 = tpu.vector_load %arg5[%get3A_685] {strides = array<i32>} : memref<8752xf32, #tpu.memory_space<vmem>>, vector<16xf32>,
        %mul3A_687 = arith.constant 16 : i32
        %mul3A_688 = arith.muli %scan3A_681, %mul3A_687 : i32
        %add3A_689 = arith.constant 4 : i32
        %add3A_690 = arith.addi %mul3A_688, %add3A_689 : i32
        %get3A_691 = arith.index_cast %add3A_690 : i32 to index
        %get3A_692 = tpu.vector_load %arg6[%get3A_691] {strides = array<i32>} : memref<8752xf32, #tpu.memory_space<vmem>>, vector<16xf32>,
        %mul3A_693 = arith.constant 16 : i32
        %mul3A_694 = arith.muli %scan3A_681, %mul3A_693 : i32
        %add3A_695 = arith.addi %mul3A_694, %rem3A_340 : i32
        %get3A_696 = arith.index_cast %add3A_695 : i32 to index
        %get3A_697 = tpu.vector_load %arg7[%get3A_696] {strides = array<i32>} : memref<8752xi32, #tpu.memory_space<vmem>>, vector<16xi32>,
        %eq3A_698 = arith.constant 0 : i32
        %eq3A_699 = vector.broadcast %eq3A_698 : i32 to vector<16xi32>
        %eq3A_700 = arith.cmpi eq, %get3A_697, %eq3A_699 : vector<16xi32>
        %sub3A_701 = arith.subf %get3A_692, %get3A_686 : vector<16xf32>
        %sub3A_702 = arith.subf %get3A_686, %get3A_692 : vector<16xf32>
        %select_n3A_703 = arith.select %eq3A_700, %sub3A_701, %sub3A_702 : vector<16xi1>, vector<16xf32>
        %abs3A_704 = math.absf %select_n3A_703 : vector<16xf32>
        %neg3A_705 = arith.constant 0.000000e+00 : f32
        %neg3A_706 = vector.broadcast %neg3A_705 : f32 to vector<16xf32>
        %neg3A_707 = arith.subf %neg3A_706, %abs3A_704 : vector<16xf32>
        %exp3A_708 = math.exp %neg3A_707 : vector<16xf32>
        %add3A_709 = arith.constant 2.000000e+00 : f32
        %add3A_710 = vector.broadcast %add3A_709 : f32 to vector<16xf32>
        %add3A_711 = arith.addf %add3A_710, %exp3A_708 : vector<16xf32>
        %div3A_712 = arith.divf %exp3A_708, %add3A_711 : vector<16xf32>
        %mul3A_713 = arith.mulf %div3A_712, %div3A_712 : vector<16xf32>
        %mul3A_714 = arith.constant 2.000000e+00 : f32
        %mul3A_715 = vector.broadcast %mul3A_714 : f32 to vector<16xf32>
        %mul3A_716 = arith.mulf %mul3A_715, %div3A_712 : vector<16xf32>
        %mul3A_717 = arith.constant 0.111111112 : f32
        %mul3A_718 = vector.broadcast %mul3A_717 : f32 to vector<16xf32>
        %mul3A_719 = arith.mulf %mul3A_713, %mul3A_718 : vector<16xf32>
        %add3A_720 = arith.constant 0.142857149 : f32
        %add3A_721 = vector.broadcast %add3A_720 : f32 to vector<16xf32>
        %add3A_722 = arith.addf %add3A_721, %mul3A_719 : vector<16xf32>
        %mul3A_723 = arith.mulf %mul3A_713, %add3A_722 : vector<16xf32>
        %add3A_724 = arith.constant 2.000000e-01 : f32
        %add3A_725 = vector.broadcast %add3A_724 : f32 to vector<16xf32>
        %add3A_726 = arith.addf %add3A_725, %mul3A_723 : vector<16xf32>
        %mul3A_727 = arith.mulf %mul3A_713, %add3A_726 : vector<16xf32>
        %add3A_728 = arith.constant 0.333333343 : f32
        %add3A_729 = vector.broadcast %add3A_728 : f32 to vector<16xf32>
        %add3A_730 = arith.addf %add3A_729, %mul3A_727 : vector<16xf32>
        %mul3A_731 = arith.mulf %mul3A_713, %add3A_730 : vector<16xf32>
        %add3A_732 = arith.constant 1.000000e+00 : f32
        %add3A_733 = vector.broadcast %add3A_732 : f32 to vector<16xf32>
        %add3A_734 = arith.addf %add3A_733, %mul3A_731 : vector<16xf32>
        %mul3A_735 = arith.mulf %mul3A_716, %add3A_734 : vector<16xf32>
        %max3A_736 = arith.constant 0.000000e+00 : f32
        %max3A_737 = vector.broadcast %max3A_736 : f32 to vector<16xf32>
        %max3A_738 = arith.maximumf %select_n3A_703, %max3A_737 : vector<16xf32>
        %add3A_739 = arith.addf %max3A_738, %mul3A_735 : vector<16xf32>
        %lt3A_740 = arith.constant 545 : i32
        %lt3A_741 = arith.cmpi slt, %scan3A_681, %lt3A_740 : i32
        %lt3A_742 = arith.constant 12 : i32
        %lt3A_743 = vector.broadcast %lt3A_742 : i32 to vector<16xi32>
        %lt3A_744 = arith.cmpi slt, %iota3A, %lt3A_743 : vector<16xi32>
        %or3A = vector.broadcast %lt3A_741 : i1 to vector<16xi1>
        %or3A_745 = arith.ori %or3A, %lt3A_744 : vector<16xi1>
        %jit3A_746 = arith.constant 0.000000e+00 : f32
        %broadcast_in_dim3A_747 = vector.broadcast %jit3A_746 : f32 to vector<16xf32>
        %select_n3A_748 = arith.select %or3A_745, %add3A_739, %broadcast_in_dim3A_747 : vector<16xi1>, vector<16xf32>
        %gt3A_749 = arith.constant 0 : i32
        %gt3A_750 = vector.broadcast %gt3A_749 : i32 to vector<16xi32>
        %gt3A_751 = arith.cmpi sgt, %get3A_697, %gt3A_750 : vector<16xi32>
        %not3A = arith.constant dense<true> : vector<16xi1>
        %not3A_752 = arith.xori %or3A_745, %not3A : vector<16xi1>
        %or3A_753 = arith.ori %gt3A_751, %not3A_752 : vector<16xi1>
        %jit3A_754 = arith.constant 0.000000e+00 : f32
        %broadcast_in_dim3A_755 = vector.broadcast %jit3A_754 : f32 to vector<16xf32>
        %select_n3A_756 = arith.select %or3A_753, %broadcast_in_dim3A_755, %select_n3A_748 : vector<16xi1>, vector<16xf32>
        %mul3A_757 = arith.constant 16 : i32
        %mul3A_758 = arith.muli %scan3A_681, %mul3A_757 : i32
        %swap3A_759 = arith.index_cast %mul3A_758 : i32 to index
        %swap3A_760 = tpu.vector_load %arg8[%swap3A_759] {strides = array<i32>} : memref<8736xf32, #tpu.memory_space<vmem>>, vector<16xf32>,
        tpu.vector_store %arg8[%swap3A_759], %select_n3A_748 {strides = array<i32>} : memref<8736xf32, #tpu.memory_space<vmem>>, vector<16xf32>,
        %swap3A_761 = arith.index_cast %mul3A_758 : i32 to index
        %swap3A_762 = tpu.vector_load %arg9[%swap3A_761] {strides = array<i32>} : memref<8736xf32, #tpu.memory_space<vmem>>, vector<16xf32>,
        tpu.vector_store %arg9[%swap3A_761], %select_n3A_756 {strides = array<i32>} : memref<8736xf32, #tpu.memory_space<vmem>>, vector<16xf32>,
        %gt3A_763 = arith.constant 0.000000e+00 : f32
        %gt3A_764 = vector.broadcast %gt3A_763 : f32 to vector<16xf32>
        %gt3A_765 = arith.cmpf ogt, %select_n3A_756, %gt3A_764 : vector<16xf32>
        %convert_element_type3A_766 = arith.extui %gt3A_765 : vector<16xi1> to vector<16xi32>
        %add3A_767 = arith.addi %scan3A_682, %convert_element_type3A_766 : vector<16xi32>
        scf.yield %add3A_767 : vector<16xi32>
      }
      %scan3A_669 = arith.constant 546 : i32
      %reduce_sum3A_670 = arith.constant true
      %reduce_sum3A_671 = vector.broadcast %reduce_sum3A_670 : i1 to vector<16xi1>
      %reduce_sum3A_672 = tpu.scan <sum>, %scan3A_668 masked %reduce_sum3A_671 : vector<16xi32>, vector<16xi1> -> vector<16xi32>
      %reduce_sum3A_673 = vector.extract %reduce_sum3A_672[15] : i32 from vector<16xi32>
      %le3A = arith.cmpi sle, %min3A_467, %reduce_sum3A_673 : i32
      %convert_element_type3A_674 = arith.extui %le3A : i1 to i32
      %cond3A_675 = arith.constant 0 : i32
      %cond3A_676 = arith.cmpi ne, %convert_element_type3A_674, %cond3A_675 : i32
      scf.if %cond3A_676 {
        %scan3A_681 = arith.constant 0 : i32
        %scan3A_682 = arith.constant 2147483647 : i32
        %scan3A_683 = arith.constant 0 : i32
        %scan3A_684 = arith.constant 31 : i32
        %scan3A_685 = arith.addi %scan3A_683, %scan3A_684 : i32
        %scan3A_686 = arith.constant 1 : i32
        %scan3A_687:2 = scf.for %scan3A_725 = %scan3A_683 to %scan3A_685 step %scan3A_686 iter_args(%scan3A_726 = %scan3A_681, %scan3A_727 = %scan3A_682) -> (i32, i32)  : i32 {
          %sub3A_728 = arith.subi %scan3A_727, %scan3A_726 : i32
          %jit3A_729 = arith.constant 2 : i32
          %div3A_730 = arith.divsi %sub3A_728, %jit3A_729 : i32
          %sign3A = arith.constant 0 : i32
          %sign3A_731 = arith.cmpi sgt, %sub3A_728, %sign3A : i32
          %sign3A_732 = arith.extui %sign3A_731 : i1 to i32
          %sign3A_733 = arith.constant 0 : i32
          %sign3A_734 = arith.cmpi slt, %sub3A_728, %sign3A_733 : i32
          %sign3A_735 = arith.extui %sign3A_734 : i1 to i32
          %sign3A_736 = arith.subi %sign3A_732, %sign3A_735 : i32
          %sign3A_737 = arith.constant 0 : i32
          %sign3A_738 = arith.cmpi sgt, %jit3A_729, %sign3A_737 : i32
          %sign3A_739 = arith.extui %sign3A_738 : i1 to i32
          %sign3A_740 = arith.constant 0 : i32
          %sign3A_741 = arith.cmpi slt, %jit3A_729, %sign3A_740 : i32
          %sign3A_742 = arith.extui %sign3A_741 : i1 to i32
          %sign3A_743 = arith.subi %sign3A_739, %sign3A_742 : i32
          %ne3A = arith.cmpi ne, %sign3A_736, %sign3A_743 : i32
          %rem3A_744 = arith.remsi %sub3A_728, %jit3A_729 : i32
          %ne3A_745 = arith.constant 0 : i32
          %ne3A_746 = arith.cmpi ne, %rem3A_744, %ne3A_745 : i32
          %and3A_747 = arith.andi %ne3A, %ne3A_746 : i1
          %sub3A_748 = arith.constant 1 : i32
          %sub3A_749 = arith.subi %div3A_730, %sub3A_748 : i32
          %select_n3A_750 = arith.select %and3A_747, %sub3A_749, %div3A_730 : i32
          %add3A_751 = arith.addi %scan3A_726, %select_n3A_750 : i32
          %scan3A_752 = arith.constant 0 : i32
          %scan3A_753 = arith.constant 546 : i32
          %scan3A_754 = arith.addi %scan3A_752, %scan3A_753 : i32
          %scan3A_755 = arith.constant 1 : i32
          %scan3A_756 = scf.for %scan3A_767 = %scan3A_752 to %scan3A_754 step %scan3A_755 iter_args(%scan3A_768 = %broadcast_in_dim3A_3) -> (vector<16xi32>)  : i32 {
            %mul3A_769 = arith.constant 16 : i32
            %mul3A_770 = arith.muli %scan3A_767, %mul3A_769 : i32
            %get3A_771 = arith.index_cast %mul3A_770 : i32 to index
            %get3A_772 = tpu.vector_load %arg9[%get3A_771] {strides = array<i32>} : memref<8736xf32, #tpu.memory_space<vmem>>, vector<16xf32>,
            %bitcast3A_773 = vector.bitcast %get3A_772 : vector<16xf32> to vector<16xi32>
            %gt3A_774 = vector.broadcast %add3A_751 : i32 to vector<16xi32>
            %gt3A_775 = arith.cmpi sgt, %bitcast3A_773, %gt3A_774 : vector<16xi32>
            %convert_element_type3A_776 = arith.extui %gt3A_775 : vector<16xi1> to vector<16xi32>
            %add3A_777 = arith.addi %scan3A_768, %convert_element_type3A_776 : vector<16xi32>
            scf.yield %add3A_777 : vector<16xi32>
          }
          %scan3A_757 = arith.constant 546 : i32
          %reduce_sum3A_758 = arith.constant true
          %reduce_sum3A_759 = vector.broadcast %reduce_sum3A_758 : i1 to vector<16xi1>
          %reduce_sum3A_760 = tpu.scan <sum>, %scan3A_756 masked %reduce_sum3A_759 : vector<16xi32>, vector<16xi1> -> vector<16xi32>
          %reduce_sum3A_761 = vector.extract %reduce_sum3A_760[15] : i32 from vector<16xi32>
          %lt3A_762 = arith.cmpi slt, %reduce_sum3A_761, %min3A_467 : i32
          %add3A_763 = arith.constant 1 : i32
          %add3A_764 = arith.addi %add3A_751, %add3A_763 : i32
          %select_n3A_765 = arith.select %lt3A_762, %scan3A_726, %add3A_764 : i32
          %select_n3A_766 = arith.select %lt3A_762, %add3A_751, %scan3A_727 : i32
          scf.yield %select_n3A_765, %select_n3A_766 : i32, i32
        }
        %scan3A_688 = arith.constant 31 : i32
        %scan3A_689 = arith.constant 0 : i32
        %scan3A_690 = arith.constant 546 : i32
        %scan3A_691 = arith.addi %scan3A_689, %scan3A_690 : i32
        %scan3A_692 = arith.constant 1 : i32
        %scan3A_693:2 = scf.for %scan3A_725 = %scan3A_689 to %scan3A_691 step %scan3A_692 iter_args(%scan3A_726 = %broadcast_in_dim3A_3, %scan3A_727 = %broadcast_in_dim3A_1) -> (vector<16xi32>, vector<16xf32>)  : i32 {
          %mul3A_728 = arith.constant 16 : i32
          %mul3A_729 = arith.muli %scan3A_725, %mul3A_728 : i32
          %get3A_730 = arith.index_cast %mul3A_729 : i32 to index
          %get3A_731 = tpu.vector_load %arg9[%get3A_730] {strides = array<i32>} : memref<8736xf32, #tpu.memory_space<vmem>>, vector<16xf32>,
          %bitcast3A_732 = vector.bitcast %get3A_731 : vector<16xf32> to vector<16xi32>
          %gt3A_733 = vector.broadcast %scan3A_687#0 : i32 to vector<16xi32>
          %gt3A_734 = arith.cmpi sgt, %bitcast3A_732, %gt3A_733 : vector<16xi32>
          %convert_element_type3A_735 = arith.extui %gt3A_734 : vector<16xi1> to vector<16xi32>
          %add3A_736 = arith.addi %scan3A_726, %convert_element_type3A_735 : vector<16xi32>
          %jit3A_737 = arith.constant 0.000000e+00 : f32
          %broadcast_in_dim3A_738 = vector.broadcast %jit3A_737 : f32 to vector<16xf32>
          %select_n3A_739 = arith.select %gt3A_734, %get3A_731, %broadcast_in_dim3A_738 : vector<16xi1>, vector<16xf32>
          %add3A_740 = arith.addf %scan3A_727, %select_n3A_739 : vector<16xf32>
          scf.yield %add3A_736, %add3A_740 : vector<16xi32>, vector<16xf32>
        }
        %scan3A_694 = arith.constant 546 : i32
        %reduce_sum3A_695 = arith.constant true
        %reduce_sum3A_696 = vector.broadcast %reduce_sum3A_695 : i1 to vector<16xi1>
        %reduce_sum3A_697 = tpu.scan <sum>, %scan3A_693#0 masked %reduce_sum3A_696 : vector<16xi32>, vector<16xi1> -> vector<16xi32>
        %reduce_sum3A_698 = vector.extract %reduce_sum3A_697[15] : i32 from vector<16xi32>
        %reduce_sum3A_699 = arith.constant true
        %reduce_sum3A_700 = vector.broadcast %reduce_sum3A_699 : i1 to vector<16xi1>
        %reduce_sum3A_701 = tpu.scan <sum>, %scan3A_693#1 masked %reduce_sum3A_700 : vector<16xf32>, vector<16xi1> -> vector<16xf32>
        %reduce_sum3A_702 = vector.extract %reduce_sum3A_701[15] : f32 from vector<16xf32>
        %broadcast_in_dim3A_703 = vector.broadcast %scan3A_687#0 : i32 to vector<16xi32>
        %bitcast3A = vector.bitcast %broadcast_in_dim3A_703 : vector<16xi32> to vector<16xf32>
        %eq3A_704 = arith.constant 0 : i32
        %eq3A_705 = vector.broadcast %eq3A_704 : i32 to vector<16xi32>
        %eq3A_706 = arith.cmpi eq, %iota3A, %eq3A_705 : vector<16xi32>
        %jit3A_707 = arith.constant 0.000000e+00 : f32
        %broadcast_in_dim3A_708 = vector.broadcast %jit3A_707 : f32 to vector<16xf32>
        %select_n3A_709 = arith.select %eq3A_706, %bitcast3A, %broadcast_in_dim3A_708 : vector<16xi1>, vector<16xf32>
        %reduce_sum3A_710 = arith.constant true
        %reduce_sum3A_711 = vector.broadcast %reduce_sum3A_710 : i1 to vector<16xi1>
        %reduce_sum3A_712 = tpu.scan <sum>, %select_n3A_709 masked %reduce_sum3A_711 : vector<16xf32>, vector<16xi1> -> vector<16xf32>
        %reduce_sum3A_713 = vector.extract %reduce_sum3A_712[15] : f32 from vector<16xf32>
        %sub3A_714 = arith.subi %min3A_467, %reduce_sum3A_698 : i32
        %convert_element_type3A_715 = arith.sitofp %sub3A_714 : i32 to f32
        %gt3A_716 = arith.constant 0.000000e+00 : f32
        %gt3A_717 = arith.cmpf ogt, %convert_element_type3A_715, %gt3A_716 : f32
        %mul3A_718 = arith.mulf %convert_element_type3A_715, %reduce_sum3A_713 : f32
        %jit3A_719 = arith.constant 0.000000e+00 : f32
        %select_n3A_720 = arith.select %gt3A_717, %mul3A_718, %jit3A_719 : f32
        %add3A_721 = arith.addf %reduce_sum3A_702, %select_n3A_720 : f32
        %swap3A_722 = arith.constant 0 : i32
        %swap3A_723 = arith.index_cast %swap3A_722 : i32 to index
        %swap3A_724 = memref.load %arg11[%swap3A_723] : memref<1xf32, #tpu.memory_space<smem>>
        memref.store %add3A_721, %arg11[%swap3A_723] : memref<1xf32, #tpu.memory_space<smem>>
      } else {
      }
      %gt3A_677 = arith.cmpi sgt, %min3A_467, %reduce_sum3A_673 : i32
      %convert_element_type3A_678 = arith.extui %gt3A_677 : i1 to i32
      %cond3A_679 = arith.constant 0 : i32
      %cond3A_680 = arith.cmpi ne, %convert_element_type3A_678, %cond3A_679 : i32
      scf.if %cond3A_680 {
        %sub3A_681 = arith.subi %min3A_467, %reduce_sum3A_673 : i32
        %scan3A_682 = arith.constant 0 : i32
        %scan3A_683 = arith.constant 8732 : i32
        %scan3A_684 = arith.constant 0 : i32
        %scan3A_685 = arith.constant 14 : i32
        %scan3A_686 = arith.addi %scan3A_684, %scan3A_685 : i32
        %scan3A_687 = arith.constant 1 : i32
        %scan3A_688:2 = scf.for %scan3A_705 = %scan3A_684 to %scan3A_686 step %scan3A_687 iter_args(%scan3A_706 = %scan3A_682, %scan3A_707 = %scan3A_683) -> (i32, i32)  : i32 {
          %sub3A_708 = arith.subi %scan3A_707, %scan3A_706 : i32
          %jit3A_709 = arith.constant 2 : i32
          %div3A_710 = arith.divsi %sub3A_708, %jit3A_709 : i32
          %sign3A = arith.constant 0 : i32
          %sign3A_711 = arith.cmpi sgt, %sub3A_708, %sign3A : i32
          %sign3A_712 = arith.extui %sign3A_711 : i1 to i32
          %sign3A_713 = arith.constant 0 : i32
          %sign3A_714 = arith.cmpi slt, %sub3A_708, %sign3A_713 : i32
          %sign3A_715 = arith.extui %sign3A_714 : i1 to i32
          %sign3A_716 = arith.subi %sign3A_712, %sign3A_715 : i32
          %sign3A_717 = arith.constant 0 : i32
          %sign3A_718 = arith.cmpi sgt, %jit3A_709, %sign3A_717 : i32
          %sign3A_719 = arith.extui %sign3A_718 : i1 to i32
          %sign3A_720 = arith.constant 0 : i32
          %sign3A_721 = arith.cmpi slt, %jit3A_709, %sign3A_720 : i32
          %sign3A_722 = arith.extui %sign3A_721 : i1 to i32
          %sign3A_723 = arith.subi %sign3A_719, %sign3A_722 : i32
          %ne3A = arith.cmpi ne, %sign3A_716, %sign3A_723 : i32
          %rem3A_724 = arith.remsi %sub3A_708, %jit3A_709 : i32
          %ne3A_725 = arith.constant 0 : i32
          %ne3A_726 = arith.cmpi ne, %rem3A_724, %ne3A_725 : i32
          %and3A_727 = arith.andi %ne3A, %ne3A_726 : i1
          %sub3A_728 = arith.constant 1 : i32
          %sub3A_729 = arith.subi %div3A_710, %sub3A_728 : i32
          %select_n3A_730 = arith.select %and3A_727, %sub3A_729, %div3A_710 : i32
          %add3A_731 = arith.addi %scan3A_706, %select_n3A_730 : i32
          %scan3A_732 = arith.constant 0 : i32
          %scan3A_733 = arith.constant 546 : i32
          %scan3A_734 = arith.addi %scan3A_732, %scan3A_733 : i32
          %scan3A_735 = arith.constant 1 : i32
          %scan3A_736 = scf.for %scan3A_747 = %scan3A_732 to %scan3A_734 step %scan3A_735 iter_args(%scan3A_748 = %broadcast_in_dim3A_3) -> (vector<16xi32>)  : i32 {
            %mul3A_749 = arith.constant 16 : i32
            %mul3A_750 = arith.muli %scan3A_747, %mul3A_749 : i32
            %get3A_751 = arith.index_cast %mul3A_750 : i32 to index
            %get3A_752 = tpu.vector_load %arg9[%get3A_751] {strides = array<i32>} : memref<8736xf32, #tpu.memory_space<vmem>>, vector<16xf32>,
            %mul3A_753 = arith.constant 16 : i32
            %mul3A_754 = arith.muli %scan3A_747, %mul3A_753 : i32
            %add3A_755 = vector.broadcast %mul3A_754 : i32 to vector<16xi32>
            %add3A_756 = arith.addi %add3A_755, %iota3A : vector<16xi32>
            %eq3A_757 = arith.constant 0.000000e+00 : f32
            %eq3A_758 = vector.broadcast %eq3A_757 : f32 to vector<16xf32>
            %eq3A_759 = arith.cmpf oeq, %get3A_752, %eq3A_758 : vector<16xf32>
            %lt3A_760 = vector.broadcast %add3A_731 : i32 to vector<16xi32>
            %lt3A_761 = arith.cmpi slt, %add3A_756, %lt3A_760 : vector<16xi32>
            %and3A_762 = arith.andi %eq3A_759, %lt3A_761 : vector<16xi1>
            %lt3A_763 = arith.constant 8732 : i32
            %lt3A_764 = vector.broadcast %lt3A_763 : i32 to vector<16xi32>
            %lt3A_765 = arith.cmpi slt, %add3A_756, %lt3A_764 : vector<16xi32>
            %and3A_766 = arith.andi %and3A_762, %lt3A_765 : vector<16xi1>
            %convert_element_type3A_767 = arith.extui %and3A_766 : vector<16xi1> to vector<16xi32>
            %add3A_768 = arith.addi %scan3A_748, %convert_element_type3A_767 : vector<16xi32>
            scf.yield %add3A_768 : vector<16xi32>
          }
          %scan3A_737 = arith.constant 546 : i32
          %reduce_sum3A_738 = arith.constant true
          %reduce_sum3A_739 = vector.broadcast %reduce_sum3A_738 : i1 to vector<16xi1>
          %reduce_sum3A_740 = tpu.scan <sum>, %scan3A_736 masked %reduce_sum3A_739 : vector<16xi32>, vector<16xi1> -> vector<16xi32>
          %reduce_sum3A_741 = vector.extract %reduce_sum3A_740[15] : i32 from vector<16xi32>
          %ge3A_742 = arith.cmpi sge, %reduce_sum3A_741, %sub3A_681 : i32
          %add3A_743 = arith.constant 1 : i32
          %add3A_744 = arith.addi %add3A_731, %add3A_743 : i32
          %select_n3A_745 = arith.select %ge3A_742, %scan3A_706, %add3A_744 : i32
          %select_n3A_746 = arith.select %ge3A_742, %add3A_731, %scan3A_707 : i32
          scf.yield %select_n3A_745, %select_n3A_746 : i32, i32
        }
        %scan3A_689 = arith.constant 14 : i32
        %scan3A_690 = arith.constant 0 : i32
        %scan3A_691 = arith.constant 546 : i32
        %scan3A_692 = arith.addi %scan3A_690, %scan3A_691 : i32
        %scan3A_693 = arith.constant 1 : i32
        %scan3A_694 = scf.for %scan3A_705 = %scan3A_690 to %scan3A_692 step %scan3A_693 iter_args(%scan3A_706 = %broadcast_in_dim3A_1) -> (vector<16xf32>)  : i32 {
          %mul3A_707 = arith.constant 16 : i32
          %mul3A_708 = arith.muli %scan3A_705, %mul3A_707 : i32
          %get3A_709 = arith.index_cast %mul3A_708 : i32 to index
          %get3A_710 = tpu.vector_load %arg9[%get3A_709] {strides = array<i32>} : memref<8736xf32, #tpu.memory_space<vmem>>, vector<16xf32>,
          %mul3A_711 = arith.constant 16 : i32
          %mul3A_712 = arith.muli %scan3A_705, %mul3A_711 : i32
          %add3A_713 = vector.broadcast %mul3A_712 : i32 to vector<16xi32>
          %add3A_714 = arith.addi %add3A_713, %iota3A : vector<16xi32>
          %eq3A_715 = arith.constant 0.000000e+00 : f32
          %eq3A_716 = vector.broadcast %eq3A_715 : f32 to vector<16xf32>
          %eq3A_717 = arith.cmpf oeq, %get3A_710, %eq3A_716 : vector<16xf32>
          %lt3A_718 = vector.broadcast %scan3A_688#0 : i32 to vector<16xi32>
          %lt3A_719 = arith.cmpi slt, %add3A_714, %lt3A_718 : vector<16xi32>
          %and3A_720 = arith.andi %eq3A_717, %lt3A_719 : vector<16xi1>
          %lt3A_721 = arith.constant 8732 : i32
          %lt3A_722 = vector.broadcast %lt3A_721 : i32 to vector<16xi32>
          %lt3A_723 = arith.cmpi slt, %add3A_714, %lt3A_722 : vector<16xi32>
          %and3A_724 = arith.andi %and3A_720, %lt3A_723 : vector<16xi1>
          %get3A_725 = arith.index_cast %mul3A_708 : i32 to index
          %get3A_726 = tpu.vector_load %arg8[%get3A_725] {strides = array<i32>} : memref<8736xf32, #tpu.memory_space<vmem>>, vector<16xf32>,
          %jit3A_727 = arith.constant 0.000000e+00 : f32
          %broadcast_in_dim3A_728 = vector.broadcast %jit3A_727 : f32 to vector<16xf32>
          %select_n3A_729 = arith.select %and3A_724, %get3A_726, %broadcast_in_dim3A_728 : vector<16xi1>, vector<16xf32>
          %add3A_730 = arith.addf %scan3A_706, %select_n3A_729 : vector<16xf32>
          scf.yield %add3A_730 : vector<16xf32>
        }
        %scan3A_695 = arith.constant 546 : i32
        %reduce_sum3A_696 = arith.constant true
        %reduce_sum3A_697 = vector.broadcast %reduce_sum3A_696 : i1 to vector<16xi1>
        %reduce_sum3A_698 = tpu.scan <sum>, %scan3A_694 masked %reduce_sum3A_697 : vector<16xf32>, vector<16xi1> -> vector<16xf32>
        %reduce_sum3A_699 = vector.extract %reduce_sum3A_698[15] : f32 from vector<16xf32>
        %sub3A_700 = arith.subf %reduce_sum3A_449, %reduce_sum3A_457 : f32
        %add3A_701 = arith.addf %sub3A_700, %reduce_sum3A_699 : f32
        %swap3A_702 = arith.constant 0 : i32
        %swap3A_703 = arith.index_cast %swap3A_702 : i32 to index
        %swap3A_704 = memref.load %arg11[%swap3A_703] : memref<1xf32, #tpu.memory_space<smem>>
        memref.store %add3A_701, %arg11[%swap3A_703] : memref<1xf32, #tpu.memory_space<smem>>
      } else {
      }
    } else {
    }
    %get3A_478 = arith.constant 0 : i32
    %get3A_479 = arith.index_cast %get3A_478 : i32 to index
    %get3A_480 = memref.load %arg11[%get3A_479] : memref<1xf32, #tpu.memory_space<smem>>
    %add3A_481 = arith.addf %reduce_sum3A_457, %get3A_480 : f32
    %convert_element_type3A_482 = arith.sitofp %reduce_sum3A_463 : i32 to f32
    %eq3A_483 = arith.constant 2 : i32
    %eq3A_484 = vector.broadcast %eq3A_483 : i32 to vector<16xi32>
    %eq3A_485 = arith.cmpi eq, %iota3A, %eq3A_484 : vector<16xi32>
    %broadcast_in_dim3A_486 = vector.broadcast %add3A_481 : f32 to vector<16xf32>
    %select_n3A_487 = arith.select %eq3A_485, %broadcast_in_dim3A_486, %select_n3A_322 : vector<16xi1>, vector<16xf32>
    %eq3A_488 = arith.constant 6 : i32
    %eq3A_489 = vector.broadcast %eq3A_488 : i32 to vector<16xi32>
    %eq3A_490 = arith.cmpi eq, %iota3A, %eq3A_489 : vector<16xi32>
    %broadcast_in_dim3A_491 = vector.broadcast %convert_element_type3A_482 : f32 to vector<16xf32>
    %select_n3A_492 = arith.select %eq3A_490, %broadcast_in_dim3A_491, %select_n3A_487 : vector<16xi1>, vector<16xf32>
    %mul3A_493 = arith.constant 4 : i32
    %mul3A_494 = arith.muli %add3A, %mul3A_493 : i32
    %add3A_495 = arith.constant 3 : i32
    %add3A_496 = arith.addi %mul3A_494, %add3A_495 : i32
    %mul3A_497 = arith.constant 17464 : i32
    %mul3A_498 = arith.muli %add3A_496, %mul3A_497 : i32
    %multiple_of3A_499 = tpu.assume_multiple %mul3A_498, 8 : i32
    %mul3A_500 = arith.constant 17464 : i32
    %mul3A_501 = arith.muli %add3A_496, %mul3A_500 : i32
    %add3A_502 = arith.constant 8732 : i32
    %add3A_503 = arith.addi %mul3A_501, %add3A_502 : i32
    %sub3A_504 = arith.constant 4 : i32
    %sub3A_505 = arith.subi %add3A_503, %sub3A_504 : i32
    %multiple_of3A_506 = tpu.assume_multiple %sub3A_505, 8 : i32
    %mul3A_507 = arith.constant 8732 : i32
    %mul3A_508 = arith.muli %add3A_496, %mul3A_507 : i32
    %rem3A_509 = arith.constant 8 : i32
    %rem3A_510 = arith.remsi %mul3A_508, %rem3A_509 : i32
    %sub3A_511 = arith.subi %mul3A_508, %rem3A_510 : i32
    %multiple_of3A_512 = tpu.assume_multiple %sub3A_511, 8 : i32
    %dma_start3A_513 = arith.constant 0 : i32
    %dma_start3A_514 = tpu.memref_slice %arg5[%dma_start3A_513] : memref<8752xf32, #tpu.memory_space<vmem>> -> memref<8736xf32, #tpu.memory_space<vmem>>
    %dma_start3A_515 = tpu.memref_slice %arg2[%multiple_of3A_499] : memref<2235392xf32, #tpu.memory_space<hbm>> -> memref<8736xf32, #tpu.memory_space<hbm>>
    %dma_start3A_516 = arith.constant 0 : i32
    %dma_start3A_517 = tpu.memref_slice %arg5[%dma_start3A_516] : memref<8752xf32, #tpu.memory_space<vmem>> -> memref<8736xf32, #tpu.memory_space<vmem>>
    %dma_start3A_518 = tpu.memref_slice %arg2[%multiple_of3A_499] : memref<2235392xf32, #tpu.memory_space<hbm>> -> memref<8736xf32, #tpu.memory_space<hbm>>
    tpu.enqueue_dma source(%dma_start3A_518 : memref<8736xf32, #tpu.memory_space<hbm>>) target(%dma_start3A_517 : memref<8736xf32, #tpu.memory_space<vmem>>) target_semaphore(%arg12 : memref<!tpu.dma_semaphore, #tpu.memory_space<semaphore_mem>>)
    %dma_start3A_519 = arith.constant 0 : i32
    %dma_start3A_520 = tpu.memref_slice %arg6[%dma_start3A_519] : memref<8752xf32, #tpu.memory_space<vmem>> -> memref<8736xf32, #tpu.memory_space<vmem>>
    %dma_start3A_521 = tpu.memref_slice %arg2[%multiple_of3A_506] : memref<2235392xf32, #tpu.memory_space<hbm>> -> memref<8736xf32, #tpu.memory_space<hbm>>
    %dma_start3A_522 = arith.constant 0 : i32
    %dma_start3A_523 = tpu.memref_slice %arg6[%dma_start3A_522] : memref<8752xf32, #tpu.memory_space<vmem>> -> memref<8736xf32, #tpu.memory_space<vmem>>
    %dma_start3A_524 = tpu.memref_slice %arg2[%multiple_of3A_506] : memref<2235392xf32, #tpu.memory_space<hbm>> -> memref<8736xf32, #tpu.memory_space<hbm>>
    tpu.enqueue_dma source(%dma_start3A_524 : memref<8736xf32, #tpu.memory_space<hbm>>) target(%dma_start3A_523 : memref<8736xf32, #tpu.memory_space<vmem>>) target_semaphore(%arg12 : memref<!tpu.dma_semaphore, #tpu.memory_space<semaphore_mem>>)
    %dma_start3A_525 = arith.constant 0 : i32
    %dma_start3A_526 = tpu.memref_slice %arg7[%dma_start3A_525] : memref<8752xi32, #tpu.memory_space<vmem>> -> memref<8736xi32, #tpu.memory_space<vmem>>
    %dma_start3A_527 = tpu.memref_slice %arg3[%multiple_of3A_512] : memref<1117696xi32, #tpu.memory_space<hbm>> -> memref<8736xi32, #tpu.memory_space<hbm>>
    %dma_start3A_528 = arith.constant 0 : i32
    %dma_start3A_529 = tpu.memref_slice %arg7[%dma_start3A_528] : memref<8752xi32, #tpu.memory_space<vmem>> -> memref<8736xi32, #tpu.memory_space<vmem>>
    %dma_start3A_530 = tpu.memref_slice %arg3[%multiple_of3A_512] : memref<1117696xi32, #tpu.memory_space<hbm>> -> memref<8736xi32, #tpu.memory_space<hbm>>
    tpu.enqueue_dma source(%dma_start3A_530 : memref<8736xi32, #tpu.memory_space<hbm>>) target(%dma_start3A_529 : memref<8736xi32, #tpu.memory_space<vmem>>) target_semaphore(%arg12 : memref<!tpu.dma_semaphore, #tpu.memory_space<semaphore_mem>>)
    %dma_wait3A_531 = arith.constant 0 : i32
    %dma_wait3A_532 = tpu.memref_slice %arg5[%dma_wait3A_531] : memref<8752xf32, #tpu.memory_space<vmem>> -> memref<8736xf32, #tpu.memory_space<vmem>>
    %dma_wait3A_533 = tpu.memref_slice %arg2[%multiple_of3A_499] : memref<2235392xf32, #tpu.memory_space<hbm>> -> memref<8736xf32, #tpu.memory_space<hbm>>
    %dma_wait3A_534 = arith.constant 0 : i32
    %dma_wait3A_535 = tpu.memref_slice %arg5[%dma_wait3A_534] : memref<8752xf32, #tpu.memory_space<vmem>> -> memref<8736xf32, #tpu.memory_space<vmem>>
    %dma_wait3A_536 = tpu.memref_slice %arg2[%multiple_of3A_499] : memref<2235392xf32, #tpu.memory_space<hbm>> -> memref<8736xf32, #tpu.memory_space<hbm>>
    tpu.wait_dma2 semaphore(%arg12 : memref<!tpu.dma_semaphore, #tpu.memory_space<semaphore_mem>>) src(%dma_wait3A_536 : memref<8736xf32, #tpu.memory_space<hbm>>) dst(%dma_wait3A_535 : memref<8736xf32, #tpu.memory_space<vmem>>)
    %dma_wait3A_537 = arith.constant 0 : i32
    %dma_wait3A_538 = tpu.memref_slice %arg6[%dma_wait3A_537] : memref<8752xf32, #tpu.memory_space<vmem>> -> memref<8736xf32, #tpu.memory_space<vmem>>
    %dma_wait3A_539 = tpu.memref_slice %arg2[%multiple_of3A_506] : memref<2235392xf32, #tpu.memory_space<hbm>> -> memref<8736xf32, #tpu.memory_space<hbm>>
    %dma_wait3A_540 = arith.constant 0 : i32
    %dma_wait3A_541 = tpu.memref_slice %arg6[%dma_wait3A_540] : memref<8752xf32, #tpu.memory_space<vmem>> -> memref<8736xf32, #tpu.memory_space<vmem>>
    %dma_wait3A_542 = tpu.memref_slice %arg2[%multiple_of3A_506] : memref<2235392xf32, #tpu.memory_space<hbm>> -> memref<8736xf32, #tpu.memory_space<hbm>>
    tpu.wait_dma2 semaphore(%arg12 : memref<!tpu.dma_semaphore, #tpu.memory_space<semaphore_mem>>) src(%dma_wait3A_542 : memref<8736xf32, #tpu.memory_space<hbm>>) dst(%dma_wait3A_541 : memref<8736xf32, #tpu.memory_space<vmem>>)
    %dma_wait3A_543 = arith.constant 0 : i32
    %dma_wait3A_544 = tpu.memref_slice %arg7[%dma_wait3A_543] : memref<8752xi32, #tpu.memory_space<vmem>> -> memref<8736xi32, #tpu.memory_space<vmem>>
    %dma_wait3A_545 = tpu.memref_slice %arg3[%multiple_of3A_512] : memref<1117696xi32, #tpu.memory_space<hbm>> -> memref<8736xi32, #tpu.memory_space<hbm>>
    %dma_wait3A_546 = arith.constant 0 : i32
    %dma_wait3A_547 = tpu.memref_slice %arg7[%dma_wait3A_546] : memref<8752xi32, #tpu.memory_space<vmem>> -> memref<8736xi32, #tpu.memory_space<vmem>>
    %dma_wait3A_548 = tpu.memref_slice %arg3[%multiple_of3A_512] : memref<1117696xi32, #tpu.memory_space<hbm>> -> memref<8736xi32, #tpu.memory_space<hbm>>
    tpu.wait_dma2 semaphore(%arg12 : memref<!tpu.dma_semaphore, #tpu.memory_space<semaphore_mem>>) src(%dma_wait3A_548 : memref<8736xi32, #tpu.memory_space<hbm>>) dst(%dma_wait3A_547 : memref<8736xi32, #tpu.memory_space<vmem>>)
    %scan3A_549 = arith.constant 0 : i32
    %scan3A_550 = arith.constant 545 : i32
    %scan3A_551 = arith.addi %scan3A_549, %scan3A_550 : i32
    %scan3A_552 = arith.constant 1 : i32
    %scan3A_553:3 = scf.for %scan3A_664 = %scan3A_549 to %scan3A_551 step %scan3A_552 iter_args(%scan3A_665 = %broadcast_in_dim3A_1, %scan3A_666 = %broadcast_in_dim3A_1, %scan3A_667 = %broadcast_in_dim3A_3) -> (vector<16xf32>, vector<16xf32>, vector<16xi32>)  : i32 {
      %mul3A_668 = arith.constant 16 : i32
      %mul3A_669 = arith.muli %scan3A_664, %mul3A_668 : i32
      %get3A_670 = arith.index_cast %mul3A_669 : i32 to index
      %get3A_671 = tpu.vector_load %arg5[%get3A_670] {strides = array<i32>} : memref<8752xf32, #tpu.memory_space<vmem>>, vector<16xf32>,
      %mul3A_672 = arith.constant 16 : i32
      %mul3A_673 = arith.muli %scan3A_664, %mul3A_672 : i32
      %add3A_674 = arith.constant 4 : i32
      %add3A_675 = arith.addi %mul3A_673, %add3A_674 : i32
      %get3A_676 = arith.index_cast %add3A_675 : i32 to index
      %get3A_677 = tpu.vector_load %arg6[%get3A_676] {strides = array<i32>} : memref<8752xf32, #tpu.memory_space<vmem>>, vector<16xf32>,
      %mul3A_678 = arith.constant 16 : i32
      %mul3A_679 = arith.muli %scan3A_664, %mul3A_678 : i32
      %add3A_680 = arith.addi %mul3A_679, %rem3A_510 : i32
      %get3A_681 = arith.index_cast %add3A_680 : i32 to index
      %get3A_682 = tpu.vector_load %arg7[%get3A_681] {strides = array<i32>} : memref<8752xi32, #tpu.memory_space<vmem>>, vector<16xi32>,
      %eq3A_683 = arith.constant 0 : i32
      %eq3A_684 = vector.broadcast %eq3A_683 : i32 to vector<16xi32>
      %eq3A_685 = arith.cmpi eq, %get3A_682, %eq3A_684 : vector<16xi32>
      %sub3A_686 = arith.subf %get3A_677, %get3A_671 : vector<16xf32>
      %sub3A_687 = arith.subf %get3A_671, %get3A_677 : vector<16xf32>
      %select_n3A_688 = arith.select %eq3A_685, %sub3A_686, %sub3A_687 : vector<16xi1>, vector<16xf32>
      %abs3A_689 = math.absf %select_n3A_688 : vector<16xf32>
      %neg3A_690 = arith.constant 0.000000e+00 : f32
      %neg3A_691 = vector.broadcast %neg3A_690 : f32 to vector<16xf32>
      %neg3A_692 = arith.subf %neg3A_691, %abs3A_689 : vector<16xf32>
      %exp3A_693 = math.exp %neg3A_692 : vector<16xf32>
      %add3A_694 = arith.constant 2.000000e+00 : f32
      %add3A_695 = vector.broadcast %add3A_694 : f32 to vector<16xf32>
      %add3A_696 = arith.addf %add3A_695, %exp3A_693 : vector<16xf32>
      %div3A_697 = arith.divf %exp3A_693, %add3A_696 : vector<16xf32>
      %mul3A_698 = arith.mulf %div3A_697, %div3A_697 : vector<16xf32>
      %mul3A_699 = arith.constant 2.000000e+00 : f32
      %mul3A_700 = vector.broadcast %mul3A_699 : f32 to vector<16xf32>
      %mul3A_701 = arith.mulf %mul3A_700, %div3A_697 : vector<16xf32>
      %mul3A_702 = arith.constant 0.111111112 : f32
      %mul3A_703 = vector.broadcast %mul3A_702 : f32 to vector<16xf32>
      %mul3A_704 = arith.mulf %mul3A_698, %mul3A_703 : vector<16xf32>
      %add3A_705 = arith.constant 0.142857149 : f32
      %add3A_706 = vector.broadcast %add3A_705 : f32 to vector<16xf32>
      %add3A_707 = arith.addf %add3A_706, %mul3A_704 : vector<16xf32>
      %mul3A_708 = arith.mulf %mul3A_698, %add3A_707 : vector<16xf32>
      %add3A_709 = arith.constant 2.000000e-01 : f32
      %add3A_710 = vector.broadcast %add3A_709 : f32 to vector<16xf32>
      %add3A_711 = arith.addf %add3A_710, %mul3A_708 : vector<16xf32>
      %mul3A_712 = arith.mulf %mul3A_698, %add3A_711 : vector<16xf32>
      %add3A_713 = arith.constant 0.333333343 : f32
      %add3A_714 = vector.broadcast %add3A_713 : f32 to vector<16xf32>
      %add3A_715 = arith.addf %add3A_714, %mul3A_712 : vector<16xf32>
      %mul3A_716 = arith.mulf %mul3A_698, %add3A_715 : vector<16xf32>
      %add3A_717 = arith.constant 1.000000e+00 : f32
      %add3A_718 = vector.broadcast %add3A_717 : f32 to vector<16xf32>
      %add3A_719 = arith.addf %add3A_718, %mul3A_716 : vector<16xf32>
      %mul3A_720 = arith.mulf %mul3A_701, %add3A_719 : vector<16xf32>
      %max3A_721 = arith.constant 0.000000e+00 : f32
      %max3A_722 = vector.broadcast %max3A_721 : f32 to vector<16xf32>
      %max3A_723 = arith.maximumf %select_n3A_688, %max3A_722 : vector<16xf32>
      %add3A_724 = arith.addf %max3A_723, %mul3A_720 : vector<16xf32>
      %gt3A_725 = arith.constant 0 : i32
      %gt3A_726 = vector.broadcast %gt3A_725 : i32 to vector<16xi32>
      %gt3A_727 = arith.cmpi sgt, %get3A_682, %gt3A_726 : vector<16xi32>
      %add3A_728 = arith.addf %scan3A_665, %add3A_724 : vector<16xf32>
      %jit3A_729 = arith.constant 0.000000e+00 : f32
      %broadcast_in_dim3A_730 = vector.broadcast %jit3A_729 : f32 to vector<16xf32>
      %select_n3A_731 = arith.select %gt3A_727, %add3A_724, %broadcast_in_dim3A_730 : vector<16xi1>, vector<16xf32>
      %add3A_732 = arith.addf %scan3A_666, %select_n3A_731 : vector<16xf32>
      %convert_element_type3A_733 = arith.extui %gt3A_727 : vector<16xi1> to vector<16xi32>
      %add3A_734 = arith.addi %scan3A_667, %convert_element_type3A_733 : vector<16xi32>
      scf.yield %add3A_728, %add3A_732, %add3A_734 : vector<16xf32>, vector<16xf32>, vector<16xi32>
    }
    %scan3A_554 = arith.constant 545 : i32
    %get3A_555 = arith.constant 8720 : index
    %get3A_556 = tpu.vector_load %arg5[%get3A_555] {strides = array<i32>} : memref<8752xf32, #tpu.memory_space<vmem>>, vector<16xf32>,
    %get3A_557 = arith.constant 8724 : index
    %get3A_558 = tpu.vector_load %arg6[%get3A_557] {strides = array<i32>} : memref<8752xf32, #tpu.memory_space<vmem>>, vector<16xf32>,
    %add3A_559 = arith.constant 8720 : i32
    %add3A_560 = arith.addi %add3A_559, %rem3A_510 : i32
    %get3A_561 = arith.index_cast %add3A_560 : i32 to index
    %get3A_562 = tpu.vector_load %arg7[%get3A_561] {strides = array<i32>} : memref<8752xi32, #tpu.memory_space<vmem>>, vector<16xi32>,
    %lt3A_563 = arith.constant 12 : i32
    %lt3A_564 = vector.broadcast %lt3A_563 : i32 to vector<16xi32>
    %lt3A_565 = arith.cmpi slt, %iota3A, %lt3A_564 : vector<16xi32>
    %eq3A_566 = arith.constant 0 : i32
    %eq3A_567 = vector.broadcast %eq3A_566 : i32 to vector<16xi32>
    %eq3A_568 = arith.cmpi eq, %get3A_562, %eq3A_567 : vector<16xi32>
    %sub3A_569 = arith.subf %get3A_558, %get3A_556 : vector<16xf32>
    %sub3A_570 = arith.subf %get3A_556, %get3A_558 : vector<16xf32>
    %select_n3A_571 = arith.select %eq3A_568, %sub3A_569, %sub3A_570 : vector<16xi1>, vector<16xf32>
    %abs3A_572 = math.absf %select_n3A_571 : vector<16xf32>
    %neg3A_573 = arith.constant 0.000000e+00 : f32
    %neg3A_574 = vector.broadcast %neg3A_573 : f32 to vector<16xf32>
    %neg3A_575 = arith.subf %neg3A_574, %abs3A_572 : vector<16xf32>
    %exp3A_576 = math.exp %neg3A_575 : vector<16xf32>
    %add3A_577 = arith.constant 2.000000e+00 : f32
    %add3A_578 = vector.broadcast %add3A_577 : f32 to vector<16xf32>
    %add3A_579 = arith.addf %add3A_578, %exp3A_576 : vector<16xf32>
    %div3A_580 = arith.divf %exp3A_576, %add3A_579 : vector<16xf32>
    %mul3A_581 = arith.mulf %div3A_580, %div3A_580 : vector<16xf32>
    %mul3A_582 = arith.constant 2.000000e+00 : f32
    %mul3A_583 = vector.broadcast %mul3A_582 : f32 to vector<16xf32>
    %mul3A_584 = arith.mulf %mul3A_583, %div3A_580 : vector<16xf32>
    %mul3A_585 = arith.constant 0.111111112 : f32
    %mul3A_586 = vector.broadcast %mul3A_585 : f32 to vector<16xf32>
    %mul3A_587 = arith.mulf %mul3A_581, %mul3A_586 : vector<16xf32>
    %add3A_588 = arith.constant 0.142857149 : f32
    %add3A_589 = vector.broadcast %add3A_588 : f32 to vector<16xf32>
    %add3A_590 = arith.addf %add3A_589, %mul3A_587 : vector<16xf32>
    %mul3A_591 = arith.mulf %mul3A_581, %add3A_590 : vector<16xf32>
    %add3A_592 = arith.constant 2.000000e-01 : f32
    %add3A_593 = vector.broadcast %add3A_592 : f32 to vector<16xf32>
    %add3A_594 = arith.addf %add3A_593, %mul3A_591 : vector<16xf32>
    %mul3A_595 = arith.mulf %mul3A_581, %add3A_594 : vector<16xf32>
    %add3A_596 = arith.constant 0.333333343 : f32
    %add3A_597 = vector.broadcast %add3A_596 : f32 to vector<16xf32>
    %add3A_598 = arith.addf %add3A_597, %mul3A_595 : vector<16xf32>
    %mul3A_599 = arith.mulf %mul3A_581, %add3A_598 : vector<16xf32>
    %add3A_600 = arith.constant 1.000000e+00 : f32
    %add3A_601 = vector.broadcast %add3A_600 : f32 to vector<16xf32>
    %add3A_602 = arith.addf %add3A_601, %mul3A_599 : vector<16xf32>
    %mul3A_603 = arith.mulf %mul3A_584, %add3A_602 : vector<16xf32>
    %max3A_604 = arith.constant 0.000000e+00 : f32
    %max3A_605 = vector.broadcast %max3A_604 : f32 to vector<16xf32>
    %max3A_606 = arith.maximumf %select_n3A_571, %max3A_605 : vector<16xf32>
    %add3A_607 = arith.addf %max3A_606, %mul3A_603 : vector<16xf32>
    %jit3A_608 = arith.constant 0.000000e+00 : f32
    %broadcast_in_dim3A_609 = vector.broadcast %jit3A_608 : f32 to vector<16xf32>
    %select_n3A_610 = arith.select %lt3A_565, %add3A_607, %broadcast_in_dim3A_609 : vector<16xi1>, vector<16xf32>
    %gt3A_611 = arith.constant 0 : i32
    %gt3A_612 = vector.broadcast %gt3A_611 : i32 to vector<16xi32>
    %gt3A_613 = arith.cmpi sgt, %get3A_562, %gt3A_612 : vector<16xi32>
    %and3A_614 = arith.andi %lt3A_565, %gt3A_613 : vector<16xi1>
    %add3A_615 = arith.addf %scan3A_553#0, %select_n3A_610 : vector<16xf32>
    %reduce_sum3A_616 = arith.constant true
    %reduce_sum3A_617 = vector.broadcast %reduce_sum3A_616 : i1 to vector<16xi1>
    %reduce_sum3A_618 = tpu.scan <sum>, %add3A_615 masked %reduce_sum3A_617 : vector<16xf32>, vector<16xi1> -> vector<16xf32>
    %reduce_sum3A_619 = vector.extract %reduce_sum3A_618[15] : f32 from vector<16xf32>
    %jit3A_620 = arith.constant 0.000000e+00 : f32
    %broadcast_in_dim3A_621 = vector.broadcast %jit3A_620 : f32 to vector<16xf32>
    %select_n3A_622 = arith.select %and3A_614, %select_n3A_610, %broadcast_in_dim3A_621 : vector<16xi1>, vector<16xf32>
    %add3A_623 = arith.addf %scan3A_553#1, %select_n3A_622 : vector<16xf32>
    %reduce_sum3A_624 = arith.constant true
    %reduce_sum3A_625 = vector.broadcast %reduce_sum3A_624 : i1 to vector<16xi1>
    %reduce_sum3A_626 = tpu.scan <sum>, %add3A_623 masked %reduce_sum3A_625 : vector<16xf32>, vector<16xi1> -> vector<16xf32>
    %reduce_sum3A_627 = vector.extract %reduce_sum3A_626[15] : f32 from vector<16xf32>
    %convert_element_type3A_628 = arith.extui %and3A_614 : vector<16xi1> to vector<16xi32>
    %add3A_629 = arith.addi %scan3A_553#2, %convert_element_type3A_628 : vector<16xi32>
    %reduce_sum3A_630 = arith.constant true
    %reduce_sum3A_631 = vector.broadcast %reduce_sum3A_630 : i1 to vector<16xi1>
    %reduce_sum3A_632 = tpu.scan <sum>, %add3A_629 masked %reduce_sum3A_631 : vector<16xi32>, vector<16xi1> -> vector<16xi32>
    %reduce_sum3A_633 = vector.extract %reduce_sum3A_632[15] : i32 from vector<16xi32>
    %mul3A_634 = arith.constant 3 : i32
    %mul3A_635 = arith.muli %mul3A_634, %reduce_sum3A_633 : i32
    %min3A_636 = arith.constant 8732 : i32
    %min3A_637 = arith.minsi %mul3A_635, %min3A_636 : i32
    %ge3A_638 = arith.constant 8732 : i32
    %ge3A_639 = arith.cmpi sge, %min3A_637, %ge3A_638 : i32
    %convert_element_type3A_640 = arith.extui %ge3A_639 : i1 to i32
    %cond3A_641 = arith.constant 0 : i32
    %cond3A_642 = arith.cmpi ne, %convert_element_type3A_640, %cond3A_641 : i32
    scf.if %cond3A_642 {
      %swap3A_664 = arith.constant 0 : i32
      %swap3A_665 = arith.index_cast %swap3A_664 : i32 to index
      %swap3A_666 = memref.load %arg11[%swap3A_665] : memref<1xf32, #tpu.memory_space<smem>>
      memref.store %reduce_sum3A_619, %arg11[%swap3A_665] : memref<1xf32, #tpu.memory_space<smem>>
    } else {
    }
    %lt3A_643 = arith.constant 8732 : i32
    %lt3A_644 = arith.cmpi slt, %min3A_637, %lt3A_643 : i32
    %convert_element_type3A_645 = arith.extui %lt3A_644 : i1 to i32
    %cond3A_646 = arith.constant 0 : i32
    %cond3A_647 = arith.cmpi ne, %convert_element_type3A_645, %cond3A_646 : i32
    scf.if %cond3A_647 {
      %scan3A_664 = arith.constant 0 : i32
      %scan3A_665 = arith.constant 546 : i32
      %scan3A_666 = arith.addi %scan3A_664, %scan3A_665 : i32
      %scan3A_667 = arith.constant 1 : i32
      %scan3A_668 = scf.for %scan3A_681 = %scan3A_664 to %scan3A_666 step %scan3A_667 iter_args(%scan3A_682 = %broadcast_in_dim3A_3) -> (vector<16xi32>)  : i32 {
        %mul3A_683 = arith.constant 16 : i32
        %mul3A_684 = arith.muli %scan3A_681, %mul3A_683 : i32
        %get3A_685 = arith.index_cast %mul3A_684 : i32 to index
        %get3A_686 = tpu.vector_load %arg5[%get3A_685] {strides = array<i32>} : memref<8752xf32, #tpu.memory_space<vmem>>, vector<16xf32>,
        %mul3A_687 = arith.constant 16 : i32
        %mul3A_688 = arith.muli %scan3A_681, %mul3A_687 : i32
        %add3A_689 = arith.constant 4 : i32
        %add3A_690 = arith.addi %mul3A_688, %add3A_689 : i32
        %get3A_691 = arith.index_cast %add3A_690 : i32 to index
        %get3A_692 = tpu.vector_load %arg6[%get3A_691] {strides = array<i32>} : memref<8752xf32, #tpu.memory_space<vmem>>, vector<16xf32>,
        %mul3A_693 = arith.constant 16 : i32
        %mul3A_694 = arith.muli %scan3A_681, %mul3A_693 : i32
        %add3A_695 = arith.addi %mul3A_694, %rem3A_510 : i32
        %get3A_696 = arith.index_cast %add3A_695 : i32 to index
        %get3A_697 = tpu.vector_load %arg7[%get3A_696] {strides = array<i32>} : memref<8752xi32, #tpu.memory_space<vmem>>, vector<16xi32>,
        %eq3A_698 = arith.constant 0 : i32
        %eq3A_699 = vector.broadcast %eq3A_698 : i32 to vector<16xi32>
        %eq3A_700 = arith.cmpi eq, %get3A_697, %eq3A_699 : vector<16xi32>
        %sub3A_701 = arith.subf %get3A_692, %get3A_686 : vector<16xf32>
        %sub3A_702 = arith.subf %get3A_686, %get3A_692 : vector<16xf32>
        %select_n3A_703 = arith.select %eq3A_700, %sub3A_701, %sub3A_702 : vector<16xi1>, vector<16xf32>
        %abs3A_704 = math.absf %select_n3A_703 : vector<16xf32>
        %neg3A_705 = arith.constant 0.000000e+00 : f32
        %neg3A_706 = vector.broadcast %neg3A_705 : f32 to vector<16xf32>
        %neg3A_707 = arith.subf %neg3A_706, %abs3A_704 : vector<16xf32>
        %exp3A_708 = math.exp %neg3A_707 : vector<16xf32>
        %add3A_709 = arith.constant 2.000000e+00 : f32
        %add3A_710 = vector.broadcast %add3A_709 : f32 to vector<16xf32>
        %add3A_711 = arith.addf %add3A_710, %exp3A_708 : vector<16xf32>
        %div3A_712 = arith.divf %exp3A_708, %add3A_711 : vector<16xf32>
        %mul3A_713 = arith.mulf %div3A_712, %div3A_712 : vector<16xf32>
        %mul3A_714 = arith.constant 2.000000e+00 : f32
        %mul3A_715 = vector.broadcast %mul3A_714 : f32 to vector<16xf32>
        %mul3A_716 = arith.mulf %mul3A_715, %div3A_712 : vector<16xf32>
        %mul3A_717 = arith.constant 0.111111112 : f32
        %mul3A_718 = vector.broadcast %mul3A_717 : f32 to vector<16xf32>
        %mul3A_719 = arith.mulf %mul3A_713, %mul3A_718 : vector<16xf32>
        %add3A_720 = arith.constant 0.142857149 : f32
        %add3A_721 = vector.broadcast %add3A_720 : f32 to vector<16xf32>
        %add3A_722 = arith.addf %add3A_721, %mul3A_719 : vector<16xf32>
        %mul3A_723 = arith.mulf %mul3A_713, %add3A_722 : vector<16xf32>
        %add3A_724 = arith.constant 2.000000e-01 : f32
        %add3A_725 = vector.broadcast %add3A_724 : f32 to vector<16xf32>
        %add3A_726 = arith.addf %add3A_725, %mul3A_723 : vector<16xf32>
        %mul3A_727 = arith.mulf %mul3A_713, %add3A_726 : vector<16xf32>
        %add3A_728 = arith.constant 0.333333343 : f32
        %add3A_729 = vector.broadcast %add3A_728 : f32 to vector<16xf32>
        %add3A_730 = arith.addf %add3A_729, %mul3A_727 : vector<16xf32>
        %mul3A_731 = arith.mulf %mul3A_713, %add3A_730 : vector<16xf32>
        %add3A_732 = arith.constant 1.000000e+00 : f32
        %add3A_733 = vector.broadcast %add3A_732 : f32 to vector<16xf32>
        %add3A_734 = arith.addf %add3A_733, %mul3A_731 : vector<16xf32>
        %mul3A_735 = arith.mulf %mul3A_716, %add3A_734 : vector<16xf32>
        %max3A_736 = arith.constant 0.000000e+00 : f32
        %max3A_737 = vector.broadcast %max3A_736 : f32 to vector<16xf32>
        %max3A_738 = arith.maximumf %select_n3A_703, %max3A_737 : vector<16xf32>
        %add3A_739 = arith.addf %max3A_738, %mul3A_735 : vector<16xf32>
        %lt3A_740 = arith.constant 545 : i32
        %lt3A_741 = arith.cmpi slt, %scan3A_681, %lt3A_740 : i32
        %lt3A_742 = arith.constant 12 : i32
        %lt3A_743 = vector.broadcast %lt3A_742 : i32 to vector<16xi32>
        %lt3A_744 = arith.cmpi slt, %iota3A, %lt3A_743 : vector<16xi32>
        %or3A = vector.broadcast %lt3A_741 : i1 to vector<16xi1>
        %or3A_745 = arith.ori %or3A, %lt3A_744 : vector<16xi1>
        %jit3A_746 = arith.constant 0.000000e+00 : f32
        %broadcast_in_dim3A_747 = vector.broadcast %jit3A_746 : f32 to vector<16xf32>
        %select_n3A_748 = arith.select %or3A_745, %add3A_739, %broadcast_in_dim3A_747 : vector<16xi1>, vector<16xf32>
        %gt3A_749 = arith.constant 0 : i32
        %gt3A_750 = vector.broadcast %gt3A_749 : i32 to vector<16xi32>
        %gt3A_751 = arith.cmpi sgt, %get3A_697, %gt3A_750 : vector<16xi32>
        %not3A = arith.constant dense<true> : vector<16xi1>
        %not3A_752 = arith.xori %or3A_745, %not3A : vector<16xi1>
        %or3A_753 = arith.ori %gt3A_751, %not3A_752 : vector<16xi1>
        %jit3A_754 = arith.constant 0.000000e+00 : f32
        %broadcast_in_dim3A_755 = vector.broadcast %jit3A_754 : f32 to vector<16xf32>
        %select_n3A_756 = arith.select %or3A_753, %broadcast_in_dim3A_755, %select_n3A_748 : vector<16xi1>, vector<16xf32>
        %mul3A_757 = arith.constant 16 : i32
        %mul3A_758 = arith.muli %scan3A_681, %mul3A_757 : i32
        %swap3A_759 = arith.index_cast %mul3A_758 : i32 to index
        %swap3A_760 = tpu.vector_load %arg8[%swap3A_759] {strides = array<i32>} : memref<8736xf32, #tpu.memory_space<vmem>>, vector<16xf32>,
        tpu.vector_store %arg8[%swap3A_759], %select_n3A_748 {strides = array<i32>} : memref<8736xf32, #tpu.memory_space<vmem>>, vector<16xf32>,
        %swap3A_761 = arith.index_cast %mul3A_758 : i32 to index
        %swap3A_762 = tpu.vector_load %arg9[%swap3A_761] {strides = array<i32>} : memref<8736xf32, #tpu.memory_space<vmem>>, vector<16xf32>,
        tpu.vector_store %arg9[%swap3A_761], %select_n3A_756 {strides = array<i32>} : memref<8736xf32, #tpu.memory_space<vmem>>, vector<16xf32>,
        %gt3A_763 = arith.constant 0.000000e+00 : f32
        %gt3A_764 = vector.broadcast %gt3A_763 : f32 to vector<16xf32>
        %gt3A_765 = arith.cmpf ogt, %select_n3A_756, %gt3A_764 : vector<16xf32>
        %convert_element_type3A_766 = arith.extui %gt3A_765 : vector<16xi1> to vector<16xi32>
        %add3A_767 = arith.addi %scan3A_682, %convert_element_type3A_766 : vector<16xi32>
        scf.yield %add3A_767 : vector<16xi32>
      }
      %scan3A_669 = arith.constant 546 : i32
      %reduce_sum3A_670 = arith.constant true
      %reduce_sum3A_671 = vector.broadcast %reduce_sum3A_670 : i1 to vector<16xi1>
      %reduce_sum3A_672 = tpu.scan <sum>, %scan3A_668 masked %reduce_sum3A_671 : vector<16xi32>, vector<16xi1> -> vector<16xi32>
      %reduce_sum3A_673 = vector.extract %reduce_sum3A_672[15] : i32 from vector<16xi32>
      %le3A = arith.cmpi sle, %min3A_637, %reduce_sum3A_673 : i32
      %convert_element_type3A_674 = arith.extui %le3A : i1 to i32
      %cond3A_675 = arith.constant 0 : i32
      %cond3A_676 = arith.cmpi ne, %convert_element_type3A_674, %cond3A_675 : i32
      scf.if %cond3A_676 {
        %scan3A_681 = arith.constant 0 : i32
        %scan3A_682 = arith.constant 2147483647 : i32
        %scan3A_683 = arith.constant 0 : i32
        %scan3A_684 = arith.constant 31 : i32
        %scan3A_685 = arith.addi %scan3A_683, %scan3A_684 : i32
        %scan3A_686 = arith.constant 1 : i32
        %scan3A_687:2 = scf.for %scan3A_725 = %scan3A_683 to %scan3A_685 step %scan3A_686 iter_args(%scan3A_726 = %scan3A_681, %scan3A_727 = %scan3A_682) -> (i32, i32)  : i32 {
          %sub3A_728 = arith.subi %scan3A_727, %scan3A_726 : i32
          %jit3A_729 = arith.constant 2 : i32
          %div3A_730 = arith.divsi %sub3A_728, %jit3A_729 : i32
          %sign3A = arith.constant 0 : i32
          %sign3A_731 = arith.cmpi sgt, %sub3A_728, %sign3A : i32
          %sign3A_732 = arith.extui %sign3A_731 : i1 to i32
          %sign3A_733 = arith.constant 0 : i32
          %sign3A_734 = arith.cmpi slt, %sub3A_728, %sign3A_733 : i32
          %sign3A_735 = arith.extui %sign3A_734 : i1 to i32
          %sign3A_736 = arith.subi %sign3A_732, %sign3A_735 : i32
          %sign3A_737 = arith.constant 0 : i32
          %sign3A_738 = arith.cmpi sgt, %jit3A_729, %sign3A_737 : i32
          %sign3A_739 = arith.extui %sign3A_738 : i1 to i32
          %sign3A_740 = arith.constant 0 : i32
          %sign3A_741 = arith.cmpi slt, %jit3A_729, %sign3A_740 : i32
          %sign3A_742 = arith.extui %sign3A_741 : i1 to i32
          %sign3A_743 = arith.subi %sign3A_739, %sign3A_742 : i32
          %ne3A = arith.cmpi ne, %sign3A_736, %sign3A_743 : i32
          %rem3A_744 = arith.remsi %sub3A_728, %jit3A_729 : i32
          %ne3A_745 = arith.constant 0 : i32
          %ne3A_746 = arith.cmpi ne, %rem3A_744, %ne3A_745 : i32
          %and3A_747 = arith.andi %ne3A, %ne3A_746 : i1
          %sub3A_748 = arith.constant 1 : i32
          %sub3A_749 = arith.subi %div3A_730, %sub3A_748 : i32
          %select_n3A_750 = arith.select %and3A_747, %sub3A_749, %div3A_730 : i32
          %add3A_751 = arith.addi %scan3A_726, %select_n3A_750 : i32
          %scan3A_752 = arith.constant 0 : i32
          %scan3A_753 = arith.constant 546 : i32
          %scan3A_754 = arith.addi %scan3A_752, %scan3A_753 : i32
          %scan3A_755 = arith.constant 1 : i32
          %scan3A_756 = scf.for %scan3A_767 = %scan3A_752 to %scan3A_754 step %scan3A_755 iter_args(%scan3A_768 = %broadcast_in_dim3A_3) -> (vector<16xi32>)  : i32 {
            %mul3A_769 = arith.constant 16 : i32
            %mul3A_770 = arith.muli %scan3A_767, %mul3A_769 : i32
            %get3A_771 = arith.index_cast %mul3A_770 : i32 to index
            %get3A_772 = tpu.vector_load %arg9[%get3A_771] {strides = array<i32>} : memref<8736xf32, #tpu.memory_space<vmem>>, vector<16xf32>,
            %bitcast3A_773 = vector.bitcast %get3A_772 : vector<16xf32> to vector<16xi32>
            %gt3A_774 = vector.broadcast %add3A_751 : i32 to vector<16xi32>
            %gt3A_775 = arith.cmpi sgt, %bitcast3A_773, %gt3A_774 : vector<16xi32>
            %convert_element_type3A_776 = arith.extui %gt3A_775 : vector<16xi1> to vector<16xi32>
            %add3A_777 = arith.addi %scan3A_768, %convert_element_type3A_776 : vector<16xi32>
            scf.yield %add3A_777 : vector<16xi32>
          }
          %scan3A_757 = arith.constant 546 : i32
          %reduce_sum3A_758 = arith.constant true
          %reduce_sum3A_759 = vector.broadcast %reduce_sum3A_758 : i1 to vector<16xi1>
          %reduce_sum3A_760 = tpu.scan <sum>, %scan3A_756 masked %reduce_sum3A_759 : vector<16xi32>, vector<16xi1> -> vector<16xi32>
          %reduce_sum3A_761 = vector.extract %reduce_sum3A_760[15] : i32 from vector<16xi32>
          %lt3A_762 = arith.cmpi slt, %reduce_sum3A_761, %min3A_637 : i32
          %add3A_763 = arith.constant 1 : i32
          %add3A_764 = arith.addi %add3A_751, %add3A_763 : i32
          %select_n3A_765 = arith.select %lt3A_762, %scan3A_726, %add3A_764 : i32
          %select_n3A_766 = arith.select %lt3A_762, %add3A_751, %scan3A_727 : i32
          scf.yield %select_n3A_765, %select_n3A_766 : i32, i32
        }
        %scan3A_688 = arith.constant 31 : i32
        %scan3A_689 = arith.constant 0 : i32
        %scan3A_690 = arith.constant 546 : i32
        %scan3A_691 = arith.addi %scan3A_689, %scan3A_690 : i32
        %scan3A_692 = arith.constant 1 : i32
        %scan3A_693:2 = scf.for %scan3A_725 = %scan3A_689 to %scan3A_691 step %scan3A_692 iter_args(%scan3A_726 = %broadcast_in_dim3A_3, %scan3A_727 = %broadcast_in_dim3A_1) -> (vector<16xi32>, vector<16xf32>)  : i32 {
          %mul3A_728 = arith.constant 16 : i32
          %mul3A_729 = arith.muli %scan3A_725, %mul3A_728 : i32
          %get3A_730 = arith.index_cast %mul3A_729 : i32 to index
          %get3A_731 = tpu.vector_load %arg9[%get3A_730] {strides = array<i32>} : memref<8736xf32, #tpu.memory_space<vmem>>, vector<16xf32>,
          %bitcast3A_732 = vector.bitcast %get3A_731 : vector<16xf32> to vector<16xi32>
          %gt3A_733 = vector.broadcast %scan3A_687#0 : i32 to vector<16xi32>
          %gt3A_734 = arith.cmpi sgt, %bitcast3A_732, %gt3A_733 : vector<16xi32>
          %convert_element_type3A_735 = arith.extui %gt3A_734 : vector<16xi1> to vector<16xi32>
          %add3A_736 = arith.addi %scan3A_726, %convert_element_type3A_735 : vector<16xi32>
          %jit3A_737 = arith.constant 0.000000e+00 : f32
          %broadcast_in_dim3A_738 = vector.broadcast %jit3A_737 : f32 to vector<16xf32>
          %select_n3A_739 = arith.select %gt3A_734, %get3A_731, %broadcast_in_dim3A_738 : vector<16xi1>, vector<16xf32>
          %add3A_740 = arith.addf %scan3A_727, %select_n3A_739 : vector<16xf32>
          scf.yield %add3A_736, %add3A_740 : vector<16xi32>, vector<16xf32>
        }
        %scan3A_694 = arith.constant 546 : i32
        %reduce_sum3A_695 = arith.constant true
        %reduce_sum3A_696 = vector.broadcast %reduce_sum3A_695 : i1 to vector<16xi1>
        %reduce_sum3A_697 = tpu.scan <sum>, %scan3A_693#0 masked %reduce_sum3A_696 : vector<16xi32>, vector<16xi1> -> vector<16xi32>
        %reduce_sum3A_698 = vector.extract %reduce_sum3A_697[15] : i32 from vector<16xi32>
        %reduce_sum3A_699 = arith.constant true
        %reduce_sum3A_700 = vector.broadcast %reduce_sum3A_699 : i1 to vector<16xi1>
        %reduce_sum3A_701 = tpu.scan <sum>, %scan3A_693#1 masked %reduce_sum3A_700 : vector<16xf32>, vector<16xi1> -> vector<16xf32>
        %reduce_sum3A_702 = vector.extract %reduce_sum3A_701[15] : f32 from vector<16xf32>
        %broadcast_in_dim3A_703 = vector.broadcast %scan3A_687#0 : i32 to vector<16xi32>
        %bitcast3A = vector.bitcast %broadcast_in_dim3A_703 : vector<16xi32> to vector<16xf32>
        %eq3A_704 = arith.constant 0 : i32
        %eq3A_705 = vector.broadcast %eq3A_704 : i32 to vector<16xi32>
        %eq3A_706 = arith.cmpi eq, %iota3A, %eq3A_705 : vector<16xi32>
        %jit3A_707 = arith.constant 0.000000e+00 : f32
        %broadcast_in_dim3A_708 = vector.broadcast %jit3A_707 : f32 to vector<16xf32>
        %select_n3A_709 = arith.select %eq3A_706, %bitcast3A, %broadcast_in_dim3A_708 : vector<16xi1>, vector<16xf32>
        %reduce_sum3A_710 = arith.constant true
        %reduce_sum3A_711 = vector.broadcast %reduce_sum3A_710 : i1 to vector<16xi1>
        %reduce_sum3A_712 = tpu.scan <sum>, %select_n3A_709 masked %reduce_sum3A_711 : vector<16xf32>, vector<16xi1> -> vector<16xf32>
        %reduce_sum3A_713 = vector.extract %reduce_sum3A_712[15] : f32 from vector<16xf32>
        %sub3A_714 = arith.subi %min3A_637, %reduce_sum3A_698 : i32
        %convert_element_type3A_715 = arith.sitofp %sub3A_714 : i32 to f32
        %gt3A_716 = arith.constant 0.000000e+00 : f32
        %gt3A_717 = arith.cmpf ogt, %convert_element_type3A_715, %gt3A_716 : f32
        %mul3A_718 = arith.mulf %convert_element_type3A_715, %reduce_sum3A_713 : f32
        %jit3A_719 = arith.constant 0.000000e+00 : f32
        %select_n3A_720 = arith.select %gt3A_717, %mul3A_718, %jit3A_719 : f32
        %add3A_721 = arith.addf %reduce_sum3A_702, %select_n3A_720 : f32
        %swap3A_722 = arith.constant 0 : i32
        %swap3A_723 = arith.index_cast %swap3A_722 : i32 to index
        %swap3A_724 = memref.load %arg11[%swap3A_723] : memref<1xf32, #tpu.memory_space<smem>>
        memref.store %add3A_721, %arg11[%swap3A_723] : memref<1xf32, #tpu.memory_space<smem>>
      } else {
      }
      %gt3A_677 = arith.cmpi sgt, %min3A_637, %reduce_sum3A_673 : i32
      %convert_element_type3A_678 = arith.extui %gt3A_677 : i1 to i32
      %cond3A_679 = arith.constant 0 : i32
      %cond3A_680 = arith.cmpi ne, %convert_element_type3A_678, %cond3A_679 : i32
      scf.if %cond3A_680 {
        %sub3A_681 = arith.subi %min3A_637, %reduce_sum3A_673 : i32
        %scan3A_682 = arith.constant 0 : i32
        %scan3A_683 = arith.constant 8732 : i32
        %scan3A_684 = arith.constant 0 : i32
        %scan3A_685 = arith.constant 14 : i32
        %scan3A_686 = arith.addi %scan3A_684, %scan3A_685 : i32
        %scan3A_687 = arith.constant 1 : i32
        %scan3A_688:2 = scf.for %scan3A_705 = %scan3A_684 to %scan3A_686 step %scan3A_687 iter_args(%scan3A_706 = %scan3A_682, %scan3A_707 = %scan3A_683) -> (i32, i32)  : i32 {
          %sub3A_708 = arith.subi %scan3A_707, %scan3A_706 : i32
          %jit3A_709 = arith.constant 2 : i32
          %div3A_710 = arith.divsi %sub3A_708, %jit3A_709 : i32
          %sign3A = arith.constant 0 : i32
          %sign3A_711 = arith.cmpi sgt, %sub3A_708, %sign3A : i32
          %sign3A_712 = arith.extui %sign3A_711 : i1 to i32
          %sign3A_713 = arith.constant 0 : i32
          %sign3A_714 = arith.cmpi slt, %sub3A_708, %sign3A_713 : i32
          %sign3A_715 = arith.extui %sign3A_714 : i1 to i32
          %sign3A_716 = arith.subi %sign3A_712, %sign3A_715 : i32
          %sign3A_717 = arith.constant 0 : i32
          %sign3A_718 = arith.cmpi sgt, %jit3A_709, %sign3A_717 : i32
          %sign3A_719 = arith.extui %sign3A_718 : i1 to i32
          %sign3A_720 = arith.constant 0 : i32
          %sign3A_721 = arith.cmpi slt, %jit3A_709, %sign3A_720 : i32
          %sign3A_722 = arith.extui %sign3A_721 : i1 to i32
          %sign3A_723 = arith.subi %sign3A_719, %sign3A_722 : i32
          %ne3A = arith.cmpi ne, %sign3A_716, %sign3A_723 : i32
          %rem3A_724 = arith.remsi %sub3A_708, %jit3A_709 : i32
          %ne3A_725 = arith.constant 0 : i32
          %ne3A_726 = arith.cmpi ne, %rem3A_724, %ne3A_725 : i32
          %and3A_727 = arith.andi %ne3A, %ne3A_726 : i1
          %sub3A_728 = arith.constant 1 : i32
          %sub3A_729 = arith.subi %div3A_710, %sub3A_728 : i32
          %select_n3A_730 = arith.select %and3A_727, %sub3A_729, %div3A_710 : i32
          %add3A_731 = arith.addi %scan3A_706, %select_n3A_730 : i32
          %scan3A_732 = arith.constant 0 : i32
          %scan3A_733 = arith.constant 546 : i32
          %scan3A_734 = arith.addi %scan3A_732, %scan3A_733 : i32
          %scan3A_735 = arith.constant 1 : i32
          %scan3A_736 = scf.for %scan3A_747 = %scan3A_732 to %scan3A_734 step %scan3A_735 iter_args(%scan3A_748 = %broadcast_in_dim3A_3) -> (vector<16xi32>)  : i32 {
            %mul3A_749 = arith.constant 16 : i32
            %mul3A_750 = arith.muli %scan3A_747, %mul3A_749 : i32
            %get3A_751 = arith.index_cast %mul3A_750 : i32 to index
            %get3A_752 = tpu.vector_load %arg9[%get3A_751] {strides = array<i32>} : memref<8736xf32, #tpu.memory_space<vmem>>, vector<16xf32>,
            %mul3A_753 = arith.constant 16 : i32
            %mul3A_754 = arith.muli %scan3A_747, %mul3A_753 : i32
            %add3A_755 = vector.broadcast %mul3A_754 : i32 to vector<16xi32>
            %add3A_756 = arith.addi %add3A_755, %iota3A : vector<16xi32>
            %eq3A_757 = arith.constant 0.000000e+00 : f32
            %eq3A_758 = vector.broadcast %eq3A_757 : f32 to vector<16xf32>
            %eq3A_759 = arith.cmpf oeq, %get3A_752, %eq3A_758 : vector<16xf32>
            %lt3A_760 = vector.broadcast %add3A_731 : i32 to vector<16xi32>
            %lt3A_761 = arith.cmpi slt, %add3A_756, %lt3A_760 : vector<16xi32>
            %and3A_762 = arith.andi %eq3A_759, %lt3A_761 : vector<16xi1>
            %lt3A_763 = arith.constant 8732 : i32
            %lt3A_764 = vector.broadcast %lt3A_763 : i32 to vector<16xi32>
            %lt3A_765 = arith.cmpi slt, %add3A_756, %lt3A_764 : vector<16xi32>
            %and3A_766 = arith.andi %and3A_762, %lt3A_765 : vector<16xi1>
            %convert_element_type3A_767 = arith.extui %and3A_766 : vector<16xi1> to vector<16xi32>
            %add3A_768 = arith.addi %scan3A_748, %convert_element_type3A_767 : vector<16xi32>
            scf.yield %add3A_768 : vector<16xi32>
          }
          %scan3A_737 = arith.constant 546 : i32
          %reduce_sum3A_738 = arith.constant true
          %reduce_sum3A_739 = vector.broadcast %reduce_sum3A_738 : i1 to vector<16xi1>
          %reduce_sum3A_740 = tpu.scan <sum>, %scan3A_736 masked %reduce_sum3A_739 : vector<16xi32>, vector<16xi1> -> vector<16xi32>
          %reduce_sum3A_741 = vector.extract %reduce_sum3A_740[15] : i32 from vector<16xi32>
          %ge3A_742 = arith.cmpi sge, %reduce_sum3A_741, %sub3A_681 : i32
          %add3A_743 = arith.constant 1 : i32
          %add3A_744 = arith.addi %add3A_731, %add3A_743 : i32
          %select_n3A_745 = arith.select %ge3A_742, %scan3A_706, %add3A_744 : i32
          %select_n3A_746 = arith.select %ge3A_742, %add3A_731, %scan3A_707 : i32
          scf.yield %select_n3A_745, %select_n3A_746 : i32, i32
        }
        %scan3A_689 = arith.constant 14 : i32
        %scan3A_690 = arith.constant 0 : i32
        %scan3A_691 = arith.constant 546 : i32
        %scan3A_692 = arith.addi %scan3A_690, %scan3A_691 : i32
        %scan3A_693 = arith.constant 1 : i32
        %scan3A_694 = scf.for %scan3A_705 = %scan3A_690 to %scan3A_692 step %scan3A_693 iter_args(%scan3A_706 = %broadcast_in_dim3A_1) -> (vector<16xf32>)  : i32 {
          %mul3A_707 = arith.constant 16 : i32
          %mul3A_708 = arith.muli %scan3A_705, %mul3A_707 : i32
          %get3A_709 = arith.index_cast %mul3A_708 : i32 to index
          %get3A_710 = tpu.vector_load %arg9[%get3A_709] {strides = array<i32>} : memref<8736xf32, #tpu.memory_space<vmem>>, vector<16xf32>,
          %mul3A_711 = arith.constant 16 : i32
          %mul3A_712 = arith.muli %scan3A_705, %mul3A_711 : i32
          %add3A_713 = vector.broadcast %mul3A_712 : i32 to vector<16xi32>
          %add3A_714 = arith.addi %add3A_713, %iota3A : vector<16xi32>
          %eq3A_715 = arith.constant 0.000000e+00 : f32
          %eq3A_716 = vector.broadcast %eq3A_715 : f32 to vector<16xf32>
          %eq3A_717 = arith.cmpf oeq, %get3A_710, %eq3A_716 : vector<16xf32>
          %lt3A_718 = vector.broadcast %scan3A_688#0 : i32 to vector<16xi32>
          %lt3A_719 = arith.cmpi slt, %add3A_714, %lt3A_718 : vector<16xi32>
          %and3A_720 = arith.andi %eq3A_717, %lt3A_719 : vector<16xi1>
          %lt3A_721 = arith.constant 8732 : i32
          %lt3A_722 = vector.broadcast %lt3A_721 : i32 to vector<16xi32>
          %lt3A_723 = arith.cmpi slt, %add3A_714, %lt3A_722 : vector<16xi32>
          %and3A_724 = arith.andi %and3A_720, %lt3A_723 : vector<16xi1>
          %get3A_725 = arith.index_cast %mul3A_708 : i32 to index
          %get3A_726 = tpu.vector_load %arg8[%get3A_725] {strides = array<i32>} : memref<8736xf32, #tpu.memory_space<vmem>>, vector<16xf32>,
          %jit3A_727 = arith.constant 0.000000e+00 : f32
          %broadcast_in_dim3A_728 = vector.broadcast %jit3A_727 : f32 to vector<16xf32>
          %select_n3A_729 = arith.select %and3A_724, %get3A_726, %broadcast_in_dim3A_728 : vector<16xi1>, vector<16xf32>
          %add3A_730 = arith.addf %scan3A_706, %select_n3A_729 : vector<16xf32>
          scf.yield %add3A_730 : vector<16xf32>
        }
        %scan3A_695 = arith.constant 546 : i32
        %reduce_sum3A_696 = arith.constant true
        %reduce_sum3A_697 = vector.broadcast %reduce_sum3A_696 : i1 to vector<16xi1>
        %reduce_sum3A_698 = tpu.scan <sum>, %scan3A_694 masked %reduce_sum3A_697 : vector<16xf32>, vector<16xi1> -> vector<16xf32>
        %reduce_sum3A_699 = vector.extract %reduce_sum3A_698[15] : f32 from vector<16xf32>
        %sub3A_700 = arith.subf %reduce_sum3A_619, %reduce_sum3A_627 : f32
        %add3A_701 = arith.addf %sub3A_700, %reduce_sum3A_699 : f32
        %swap3A_702 = arith.constant 0 : i32
        %swap3A_703 = arith.index_cast %swap3A_702 : i32 to index
        %swap3A_704 = memref.load %arg11[%swap3A_703] : memref<1xf32, #tpu.memory_space<smem>>
        memref.store %add3A_701, %arg11[%swap3A_703] : memref<1xf32, #tpu.memory_space<smem>>
      } else {
      }
    } else {
    }
    %get3A_648 = arith.constant 0 : i32
    %get3A_649 = arith.index_cast %get3A_648 : i32 to index
    %get3A_650 = memref.load %arg11[%get3A_649] : memref<1xf32, #tpu.memory_space<smem>>
    %add3A_651 = arith.addf %reduce_sum3A_627, %get3A_650 : f32
    %convert_element_type3A_652 = arith.sitofp %reduce_sum3A_633 : i32 to f32
    %eq3A_653 = arith.constant 3 : i32
    %eq3A_654 = vector.broadcast %eq3A_653 : i32 to vector<16xi32>
    %eq3A_655 = arith.cmpi eq, %iota3A, %eq3A_654 : vector<16xi32>
    %broadcast_in_dim3A_656 = vector.broadcast %add3A_651 : f32 to vector<16xf32>
    %select_n3A_657 = arith.select %eq3A_655, %broadcast_in_dim3A_656, %select_n3A_492 : vector<16xi1>, vector<16xf32>
    %eq3A_658 = arith.constant 7 : i32
    %eq3A_659 = vector.broadcast %eq3A_658 : i32 to vector<16xi32>
    %eq3A_660 = arith.cmpi eq, %iota3A, %eq3A_659 : vector<16xi32>
    %broadcast_in_dim3A_661 = vector.broadcast %convert_element_type3A_652 : f32 to vector<16xf32>
    %select_n3A_662 = arith.select %eq3A_660, %broadcast_in_dim3A_661, %select_n3A_657 : vector<16xi1>, vector<16xf32>
    %swap3A = arith.constant 0 : index
    %swap3A_663 = tpu.vector_load %arg10[%swap3A] {strides = array<i32>} : memref<16xf32, #tpu.memory_space<vmem>>, vector<16xf32>,
    tpu.vector_store %arg10[%swap3A], %select_n3A_662 {strides = array<i32>} : memref<16xf32, #tpu.memory_space<vmem>>, vector<16xf32>,
    "tpu.region"() ({
      %run_scoped3A = tpu.sem_alloc : memref<!tpu.dma_semaphore, #tpu.memory_space<semaphore_mem>>
      %dma_start3A_664 = arith.constant 0 : i32
      %dma_start3A_665 = tpu.memref_slice %arg4[%add3A, %dma_start3A_664] : memref<32x16xf32, #tpu.memory_space<hbm>> -> memref<1x16xf32, #tpu.memory_space<hbm>>
      %dma_start3A_666 = tpu.memref_squeeze %dma_start3A_665 : memref<1x16xf32, #tpu.memory_space<hbm>> -> memref<16xf32, #tpu.memory_space<hbm>>
      %dma_start3A_667 = arith.constant 0 : i32
      %dma_start3A_668 = tpu.memref_slice %arg4[%add3A, %dma_start3A_667] : memref<32x16xf32, #tpu.memory_space<hbm>> -> memref<1x16xf32, #tpu.memory_space<hbm>>
      %dma_start3A_669 = tpu.memref_squeeze %dma_start3A_668 : memref<1x16xf32, #tpu.memory_space<hbm>> -> memref<16xf32, #tpu.memory_space<hbm>>
      tpu.enqueue_dma source(%arg10 : memref<16xf32, #tpu.memory_space<vmem>>) target(%dma_start3A_669 : memref<16xf32, #tpu.memory_space<hbm>>) target_semaphore(%run_scoped3A : memref<!tpu.dma_semaphore, #tpu.memory_space<semaphore_mem>>)
      %dma_wait3A_670 = arith.constant 0 : i32
      %dma_wait3A_671 = tpu.memref_slice %arg4[%add3A, %dma_wait3A_670] : memref<32x16xf32, #tpu.memory_space<hbm>> -> memref<1x16xf32, #tpu.memory_space<hbm>>
      %dma_wait3A_672 = tpu.memref_squeeze %dma_wait3A_671 : memref<1x16xf32, #tpu.memory_space<hbm>> -> memref<16xf32, #tpu.memory_space<hbm>>
      %dma_wait3A_673 = arith.constant 0 : i32
      %dma_wait3A_674 = tpu.memref_slice %arg4[%add3A, %dma_wait3A_673] : memref<32x16xf32, #tpu.memory_space<hbm>> -> memref<1x16xf32, #tpu.memory_space<hbm>>
      %dma_wait3A_675 = tpu.memref_squeeze %dma_wait3A_674 : memref<1x16xf32, #tpu.memory_space<hbm>> -> memref<16xf32, #tpu.memory_space<hbm>>
      tpu.wait_dma2 semaphore(%run_scoped3A : memref<!tpu.dma_semaphore, #tpu.memory_space<semaphore_mem>>) src(%arg10 : memref<16xf32, #tpu.memory_space<vmem>>) dst(%dma_wait3A_675 : memref<16xf32, #tpu.memory_space<hbm>>)
      tpu.yield
    }) : () -> ()
    return
  }
}

module attributes {stable_mosaic.version = 14 : i64} {
  func.func @_tc_loc_body(%arg0: i32, %arg1: memref<552x4x128xf32, #tpu.memory_space<vmem>>, %arg2: memref<552x4x128xf32, #tpu.memory_space<vmem>>, %arg3: memref<552x128xi32, #tpu.memory_space<vmem>>, %arg4: memref<552x4x1xf32, #tpu.memory_space<vmem>>, %arg5: memref<552x4x1xf32, #tpu.memory_space<vmem>>, %arg6: memref<1x128xf32, #tpu.memory_space<vmem>>) attributes {dimension_semantics = [#tpu.dimension_semantics<arbitrary>], iteration_bounds = array<i64: 16>, scalar_prefetch = 0 : i64, scratch_operands = 0 : i64, tpu.core_type = #tpu.core_type<tc>, window_params = [{transform_indices = @transform_0, window_bounds = array<i64: 552, 4, 128>}, {transform_indices = @transform_1, window_bounds = array<i64: 552, 4, 128>}, {transform_indices = @transform_2, window_bounds = array<i64: 552, 128>}, {transform_indices = @transform_3, window_bounds = array<i64: 552, 4, 1>}, {transform_indices = @transform_4, window_bounds = array<i64: 552, 4, 1>}, {pipeline_mode = #tpu.pipeline_mode<synchronous>, transform_indices = @transform_5, window_bounds = array<i64: 1, 128>}]} {
    %mul3A = arith.constant 552 : i32
    %mul3A_0 = arith.muli %arg0, %mul3A : i32
    %iota3A = tpu.iota {dimensions = array<i32: 0>} : vector<552x128xi32>
    %add3A = vector.broadcast %mul3A_0 : i32 to vector<552x128xi32>
    %add3A_1 = arith.addi %add3A, %iota3A : vector<552x128xi32>
    %get3A = arith.constant 0 : index
    %get3A_2 = arith.constant 0 : index
    %get3A_3 = vector.load %arg3[%get3A, %get3A_2] : memref<552x128xi32, #tpu.memory_space<vmem>>, vector<552x128xi32>
    %gt3A = arith.constant 0 : i32
    %gt3A_4 = vector.broadcast %gt3A : i32 to vector<552x128xi32>
    %gt3A_5 = arith.cmpi sgt, %get3A_3, %gt3A_4 : vector<552x128xi32>
    %lt3A = arith.constant 8732 : i32
    %lt3A_6 = vector.broadcast %lt3A : i32 to vector<552x128xi32>
    %lt3A_7 = arith.cmpi slt, %add3A_1, %lt3A_6 : vector<552x128xi32>
    %and3A = arith.andi %gt3A_5, %lt3A_7 : vector<552x128xi1>
    %jit3A = arith.constant 1.000000e+00 : f32
    %jit3A_8 = arith.constant 0.000000e+00 : f32
    %broadcast_in_dim3A = vector.broadcast %jit3A : f32 to vector<552x128xf32>
    %broadcast_in_dim3A_9 = vector.broadcast %jit3A_8 : f32 to vector<552x128xf32>
    %select_n3A = arith.select %and3A, %broadcast_in_dim3A, %broadcast_in_dim3A_9 : vector<552x128xi1>, vector<552x128xf32>
    %reshape3A = vector.shape_cast %select_n3A : vector<552x128xf32> to vector<552x1x128xf32>
    %get3A_10 = arith.constant 0 : index
    %get3A_11 = arith.constant 0 : index
    %get3A_12 = arith.constant 0 : index
    %get3A_13 = vector.load %arg2[%get3A_10, %get3A_11, %get3A_12] : memref<552x4x128xf32, #tpu.memory_space<vmem>>, vector<552x4x128xf32>
    %get3A_14 = arith.constant 0 : index
    %get3A_15 = arith.constant 0 : index
    %get3A_16 = arith.constant 0 : index
    %get3A_17 = vector.load %arg1[%get3A_14, %get3A_15, %get3A_16] : memref<552x4x128xf32, #tpu.memory_space<vmem>>, vector<552x4x128xf32>
    %get3A_18 = arith.constant 0 : index
    %get3A_19 = arith.constant 0 : index
    %get3A_20 = arith.constant 0 : index
    %get3A_21 = vector.load %arg5[%get3A_18, %get3A_19, %get3A_20] : memref<552x4x1xf32, #tpu.memory_space<vmem>>, vector<552x4x1xf32>
    %div3A = arith.constant 1.000000e+00 : f32
    %div3A_22 = vector.broadcast %div3A : f32 to vector<552x4x1xf32>
    %div3A_23 = arith.divf %div3A_22, %get3A_21 : vector<552x4x1xf32>
    %mul3A_24 = vector.broadcast %div3A_23 : vector<552x4x1xf32> to vector<552x4x128xf32>
    %mul3A_25 = arith.mulf %get3A_13, %mul3A_24 : vector<552x4x128xf32>
    %iota3A_26 = tpu.iota {dimensions = array<i32: 1>} : vector<552x4x1xi32>
    %ge3A = arith.constant 2 : i32
    %ge3A_27 = vector.broadcast %ge3A : i32 to vector<552x4x1xi32>
    %ge3A_28 = arith.cmpi sge, %iota3A_26, %ge3A_27 : vector<552x4x1xi32>
    %log3A = math.log %mul3A_25 : vector<552x4x128xf32>
    %get3A_29 = arith.constant 0 : index
    %get3A_30 = arith.constant 0 : index
    %get3A_31 = arith.constant 0 : index
    %get3A_32 = vector.load %arg4[%get3A_29, %get3A_30, %get3A_31] : memref<552x4x1xf32, #tpu.memory_space<vmem>>, vector<552x4x1xf32>
    %mul3A_33 = arith.mulf %get3A_32, %div3A_23 : vector<552x4x1xf32>
    %sub3A = vector.broadcast %mul3A_33 : vector<552x4x1xf32> to vector<552x4x128xf32>
    %sub3A_34 = arith.subf %mul3A_25, %sub3A : vector<552x4x128xf32>
    %broadcast_in_dim3A_35 = vector.shape_cast %ge3A_28 : vector<552x4x1xi1> to vector<552x4x1xi1>
    %broadcast_in_dim3A_36 = vector.broadcast %broadcast_in_dim3A_35 : vector<552x4x1xi1> to vector<552x4x128xi1>
    %select_n3A_37 = arith.select %broadcast_in_dim3A_36, %log3A, %sub3A_34 : vector<552x4x128xi1>, vector<552x4x128xf32>
    %sub3A_38 = arith.subf %get3A_17, %select_n3A_37 : vector<552x4x128xf32>
    %abs3A = math.absf %sub3A_38 : vector<552x4x128xf32>
    %min3A = arith.constant 1.000000e+00 : f32
    %min3A_39 = vector.broadcast %min3A : f32 to vector<552x4x128xf32>
    %min3A_40 = arith.minimumf %abs3A, %min3A_39 : vector<552x4x128xf32>
    %mul3A_41 = arith.constant 5.000000e-01 : f32
    %mul3A_42 = vector.broadcast %mul3A_41 : f32 to vector<552x4x128xf32>
    %mul3A_43 = arith.mulf %mul3A_42, %min3A_40 : vector<552x4x128xf32>
    %sub3A_44 = arith.subf %abs3A, %mul3A_43 : vector<552x4x128xf32>
    %mul3A_45 = arith.mulf %min3A_40, %sub3A_44 : vector<552x4x128xf32>
    %mul3A_46 = vector.broadcast %reshape3A : vector<552x1x128xf32> to vector<552x4x128xf32>
    %mul3A_47 = arith.mulf %mul3A_46, %mul3A_45 : vector<552x4x128xf32>
    %reduce_sum3A = arith.constant dense<0.000000e+00> : vector<128xf32>
    %reduce_sum3A_48 = vector.multi_reduction <add>, %mul3A_47, %reduce_sum3A [0, 1] : vector<552x4x128xf32> to vector<128xf32>
    %reshape3A_49 = vector.shape_cast %reduce_sum3A_48 : vector<128xf32> to vector<1x128xf32>
    %eq3A = arith.constant 0 : i32
    %eq3A_50 = arith.cmpi eq, %arg0, %eq3A : i32
    %convert_element_type3A = arith.extui %eq3A_50 : i1 to i32
    %cond3A = arith.constant 0 : i32
    %cond3A_51 = arith.cmpi ne, %convert_element_type3A, %cond3A : i32
    scf.if %cond3A_51 {
      %broadcast_in_dim3A_58 = arith.constant 0.000000e+00 : f32
      %broadcast_in_dim3A_59 = vector.broadcast %broadcast_in_dim3A_58 : f32 to vector<1x128xf32>
      %swap3A_60 = arith.constant 0 : index
      %swap3A_61 = arith.constant 0 : index
      %swap3A_62 = vector.load %arg6[%swap3A_60, %swap3A_61] : memref<1x128xf32, #tpu.memory_space<vmem>>, vector<1x128xf32>
      tpu.vector_store %arg6[%swap3A_60, %swap3A_61], %broadcast_in_dim3A_59 {strides = array<i32>} : memref<1x128xf32, #tpu.memory_space<vmem>>, vector<1x128xf32>,
    } else {
    }
    %get3A_52 = arith.constant 0 : index
    %get3A_53 = arith.constant 0 : index
    %get3A_54 = vector.load %arg6[%get3A_52, %get3A_53] : memref<1x128xf32, #tpu.memory_space<vmem>>, vector<1x128xf32>
    %add3A_55 = arith.addf %get3A_54, %reshape3A_49 : vector<1x128xf32>
    %swap3A = arith.constant 0 : index
    %swap3A_56 = arith.constant 0 : index
    %swap3A_57 = vector.load %arg6[%swap3A, %swap3A_56] : memref<1x128xf32, #tpu.memory_space<vmem>>, vector<1x128xf32>
    tpu.vector_store %arg6[%swap3A, %swap3A_56], %add3A_55 {strides = array<i32>} : memref<1x128xf32, #tpu.memory_space<vmem>>, vector<1x128xf32>,
    return
  }
  func.func @transform_0(%arg0: i32) -> (i32, i32, i32) {
    %c0_i32 = arith.constant 0 : i32
    %c0_i32_0 = arith.constant 0 : i32
    %c0_i32_1 = arith.constant 0 : i32
    return %arg0, %c0_i32, %c0_i32_0 : i32, i32, i32
  }
  func.func @transform_1(%arg0: i32) -> (i32, i32, i32) {
    %c0_i32 = arith.constant 0 : i32
    %c0_i32_0 = arith.constant 0 : i32
    %c0_i32_1 = arith.constant 0 : i32
    return %arg0, %c0_i32, %c0_i32_0 : i32, i32, i32
  }
  func.func @transform_2(%arg0: i32) -> (i32, i32) {
    %c0_i32 = arith.constant 0 : i32
    %c0_i32_0 = arith.constant 0 : i32
    return %arg0, %c0_i32 : i32, i32
  }
  func.func @transform_3(%arg0: i32) -> (i32, i32, i32) {
    %c0_i32 = arith.constant 0 : i32
    %c0_i32_0 = arith.constant 0 : i32
    %c0_i32_1 = arith.constant 0 : i32
    return %arg0, %c0_i32, %c0_i32_0 : i32, i32, i32
  }
  func.func @transform_4(%arg0: i32) -> (i32, i32, i32) {
    %c0_i32 = arith.constant 0 : i32
    %c0_i32_0 = arith.constant 0 : i32
    %c0_i32_1 = arith.constant 0 : i32
    return %arg0, %c0_i32, %c0_i32_0 : i32, i32, i32
  }
  func.func @transform_5(%arg0: i32) -> (i32, i32) {
    %c0_i32 = arith.constant 0 : i32
    %c0_i32_0 = arith.constant 0 : i32
    %c0_i32_1 = arith.constant 0 : i32
    return %c0_i32, %c0_i32_0 : i32, i32
  }
}

module attributes {stable_mosaic.version = 14 : i64} {
  func.func @_combine_body(%arg0: memref<1x128xf32, #tpu.memory_space<vmem>>, %arg1: memref<1x128xf32, #tpu.memory_space<vmem>>, %arg2: memref<1x128xf32, #tpu.memory_space<vmem>>, %arg3: memref<1x1xf32, #tpu.memory_space<vmem>>) attributes {dimension_semantics = [], scalar_prefetch = 0 : i64, scratch_operands = 0 : i64, tpu.core_type = #tpu.core_type<tc>} {
    %get3A = arith.constant 0 : index
    %get3A_0 = arith.constant 0 : index
    %get3A_1 = vector.load %arg0[%get3A, %get3A_0] : memref<1x128xf32, #tpu.memory_space<vmem>>, vector<1x128xf32>
    %get3A_2 = arith.constant 0 : index
    %get3A_3 = arith.constant 0 : index
    %get3A_4 = vector.load %arg1[%get3A_2, %get3A_3] : memref<1x128xf32, #tpu.memory_space<vmem>>, vector<1x128xf32>
    %get3A_5 = arith.constant 0 : index
    %get3A_6 = arith.constant 0 : index
    %get3A_7 = vector.load %arg2[%get3A_5, %get3A_6] : memref<1x128xf32, #tpu.memory_space<vmem>>, vector<1x128xf32>
    %add3A = arith.addf %get3A_1, %get3A_4 : vector<1x128xf32>
    %gt3A = arith.constant 0.000000e+00 : f32
    %gt3A_8 = vector.broadcast %gt3A : f32 to vector<1x128xf32>
    %gt3A_9 = arith.cmpf ogt, %get3A_7, %gt3A_8 : vector<1x128xf32>
    %convert_element_type3A = arith.extui %gt3A_9 : vector<1x128xi1> to vector<1x128xi32>
    %convert_element_type3A_10 = arith.sitofp %convert_element_type3A : vector<1x128xi32> to vector<1x128xf32>
    %mul3A = arith.mulf %add3A, %convert_element_type3A_10 : vector<1x128xf32>
    %max3A = arith.constant 9.99999997E-7 : f32
    %max3A_11 = vector.broadcast %max3A : f32 to vector<1x128xf32>
    %max3A_12 = arith.maximumf %get3A_7, %max3A_11 : vector<1x128xf32>
    %div3A = arith.divf %mul3A, %max3A_12 : vector<1x128xf32>
    %reduce_sum3A = vector.shape_cast %div3A : vector<1x128xf32> to vector<1x1x128xf32>
    %reduce_sum3A_13 = arith.constant dense<0.000000e+00> : vector<1xf32>
    %reduce_sum3A_14 = vector.multi_reduction <add>, %reduce_sum3A, %reduce_sum3A_13 [1, 2] : vector<1x1x128xf32> to vector<1xf32>
    %reduce_sum3A_15 = vector.shape_cast %reduce_sum3A_14 : vector<1xf32> to vector<1x1x1xf32>
    %reduce_sum3A_16 = vector.extract %reduce_sum3A_15[0, 0, 0] : f32 from vector<1x1x1xf32>
    %broadcast_in_dim3A = vector.broadcast %reduce_sum3A_16 : f32 to vector<1x1xf32>
    %mul3A_17 = arith.constant 7.812500e-03 : f32
    %mul3A_18 = vector.broadcast %mul3A_17 : f32 to vector<1x1xf32>
    %mul3A_19 = arith.mulf %broadcast_in_dim3A, %mul3A_18 : vector<1x1xf32>
    %swap3A = arith.constant 0 : index
    %swap3A_20 = arith.constant 0 : index
    %swap3A_21 = vector.load %arg3[%swap3A, %swap3A_20] : memref<1x1xf32, #tpu.memory_space<vmem>>, vector<1x1xf32>
    tpu.vector_store %arg3[%swap3A, %swap3A_20], %mul3A_19 {strides = array<i32>} : memref<1x1xf32, #tpu.memory_space<vmem>>, vector<1x1xf32>,
    return
  }
}

</mosaic_0001>

<sc_bundles>
// kernel: branch_1_fun.3.cloned.1.call-start
scs
__scs_entry_jumppad:
0x0: {  	(pc) =	sbr.rel $0x88, $3  }
0x1: {  	(tag) =	ssettag $0x0;
	lr =	simm.s32 $0x1  }
0x2: {  	[smem:$0x3F9C] =	sst lr;
	_ =	strace $0xD0000000  }
0x3: {  	_ = 	snop  }
0x4: {  	_ = 	snop  }
0x5: {  	_ = 	snop  }
0x6: {  	_ = 	snop  }
0x7: {  	_ = 	snop  }
__scs_overlays_trampoline_lowered:
0x8: {  	[smem:$0x3FAB] =	sst s0  }
0x9: {  	[smem:$0x3FAC] =	sst s1  }
0xa: {  	[smem:$0x3FAD] =	sst s2  }
0xb: {  	[smem:$0x3FAE] =	sst s3  }
0xc: {  	[smem:$0x3FAF] =	sst s4  }
0xd: {  	[smem:$0x3FB0] =	sst s5  }
0xe: {  	[smem:$0x3FB1] =	sst s6  }
0xf: {  	[smem:$0x3FB2] =	sst s7  }
0x10: {  	[smem:$0x3FB3] =	sst s8  }
0x11: {  	[smem:$0x3FB4] =	sst s9;
	s0 =	simm.s32 @!p0 $0x0  }
0x12: {  	s1 =	sld [smem:$0x3F9A];
	s0 =	simm.s32 @p0 $0x1  }
0x13: {  	[smem:$0x3FB5] =	sst s0;
	s0 =	simm.s32 @!p1 $0x0  }
0x14: {  	s2 =	sld [smem:$0x3F99];
	s0 =	simm.s32 @p1 $0x1  }
0x15: {  	[smem:$0x3FB6] =	sst s0;
	s0 =	simm.s32 @!p2 $0x0  }
0x16: {  	s3 =	sld [smem:$0x3FDB];
	s0 =	simm.s32 @p2 $0x1  }
0x17: {  	s4 =	simm.s32 $0x1BF5;
	[smem:$0x3FB8] =	sst s0  }
0x18: {  	s0 =	sld [smem:$0x3F9B];
	_ =	swait.ge [sflag:s4], $0x0  }
0x19: {  	s7 =	sld [smem:$0x3F9C]  }
0x1a: {  	s8 =	sadd.s32 $0xFFFFE003, lr  }
0x1b: {  	s9 =	sadd.s32 $0xFFFFFEF7, lr;
	s5 =	simm.s32 $0xFFFFFFFF;
	p2 =	slt.u32 s8, $0xFFFFF086  }
0x1c: {  	p1 =	slt.u32 s9, $0xF7A;
	s5 =	simm.s32 @!p2 $0x0  }
0x1d: {  	s5 =	simm.s32 @p1 $0x1;
	p0 =	seq.s32 s7, s2  }
0x1e: {  	s7 =	smul.u32 @!p0 $0xF7A, s2;
	p2 =	seq.s32 @!p0 s5, $0x0  }
0x1f: {  	s9 =	smul.u32 $0xF7A, s1;
	s8 =	simm.s32 @!p0 $0x1BF5;
	p2 =	por !p2, p0  }
0x20: {  	[sflag:s8] =	ssyncset.s32 @!p0 $0xFFFFF086;
	s6 =	sadd.s32 @!p0 s3, s7;
	s7 =	simm.s32 @!p0 $0x108  }
0x21: {  	s3 =	sadd.s32 s3, s9;
	s6 =	sadd.s32 @!p0 $0x88, s6;
	s7 =	simm.s32 @p2 $0x1082  }
0x22: {  	[simem:s7], [sflag:s8] =	dma.local @!p0 [hbm:s6], $0xF7A  }
0x23: {  	s9 =	sor.u32 $0xD0000000, s2;
	s6 =	simm.s32 $0x108;
	_ =	swait.ge @!p0 [sflag:s8], $0x0  }
0x24: {  	s3 =	sadd.s32 $0x88, s3;
	s6 =	simm.s32 @!p1 $0x1082;
	[sflag:s4] =	ssyncset.s32 $0xFFFFF086  }
0x25: {  	[simem:s6], [sflag:s4] =	dma.local [hbm:s3], $0xF7A  }
0x26: {  	[smem:$0x3F9C] =	sst s1;
	(tag) =	ssettag s2;
	_ =	strace s9  }
0x27: {  	s1 =	sld [smem:$0x3FAC]  }
0x28: {  	s2 =	sld [smem:$0x3FAD]  }
0x29: {  	s4 =	sld [smem:$0x3FAF]  }
0x2a: {  	p0 =	seq.s32 s5, $0x0;
	s5 =	sld [smem:$0x3FB0]  }
0x2b: {  	s6 =	sld [smem:$0x3FB1]  }
0x2c: {  	s7 =	sld [smem:$0x3FB2]  }
0x2d: {  	s3 =	simm.s32 $0x108;
	s8 =	sld [smem:$0x3FB3]  }
0x2e: {  	s3 =	simm.s32 @!p0 $0x1082;
	s9 =	sld [smem:$0x3FB4]  }
0x2f: {  	lr =	sadd.s32 s0, s3;
	s0 =	sld [smem:$0x3FAB]  }
0x30: {  	s3 =	sld [smem:$0x3FAE]  }
0x31: {  	[smem:$0x3FB7] =	sst s10  }
0x32: {  	s10 =	sld [smem:$0x3FB5];
	_ =	sdelay $0x3  }
0x33: {  	p0 =	seq.s32 s10, $0x1;
	s10 =	sld [smem:$0x3FB7];
	_ =	sdelay $0x3  }
0x34: {  	[smem:$0x3FB7] =	sst s10  }
0x35: {  	s10 =	sld [smem:$0x3FB6];
	_ =	sdelay $0x3  }
0x36: {  	p1 =	seq.s32 s10, $0x1;
	s10 =	sld [smem:$0x3FB7];
	_ =	sdelay $0x3  }
0x37: {  	[smem:$0x3FB7] =	sst s10  }
0x38: {  	s10 =	sld [smem:$0x3FB8]  }
0x39: {  	_ = 	snop;
	(pc) =	sbr.ind lr, $3  }
0x3a: {  	_ = 	snop  }
0x3b: {  	_ = 	snop  }
0x3c: {  	p2 =	seq.s32 s10, $0x1;
	s10 =	sld [smem:$0x3FB7]  }
0x3d: {  	_ =	shalt  }
0x3e: {  	_ =	shalt  }
0x3f: {  	_ =	shalt  }
0x40: {  	_ =	shalt  }
0x41: {  	_ =	shalt  }
0x42: {  	_ =	shalt  }
0x43: {  	_ =	shalt  }
0x44: {  	_ =	shalt  }
0x45: {  	_ =	shalt  }
0x46: {  	_ =	shalt  }
0x47: {  	_ =	shalt  }
0x48: {  	_ =	shalt  }
0x49: {  	_ =	shalt  }
0x4a: {  	_ =	shalt  }
0x4b: {  	_ =	shalt  }
0x4c: {  	_ =	shalt  }
0x4d: {  	_ =	shalt  }
0x4e: {  	_ =	shalt  }
0x4f: {  	_ =	shalt  }
0x50: {  	_ =	shalt  }
0x51: {  	_ =	shalt  }
0x52: {  	_ =	shalt  }
0x53: {  	_ =	shalt  }
0x54: {  	_ =	shalt  }
0x55: {  	_ =	shalt  }
0x56: {  	_ =	shalt  }
0x57: {  	_ =	shalt  }
0x58: {  	_ =	shalt  }
0x59: {  	_ =	shalt  }
0x5a: {  	_ =	shalt  }
0x5b: {  	_ =	shalt  }
0x5c: {  	_ =	shalt  }
0x5d: {  	_ =	shalt  }
0x5e: {  	_ =	shalt  }
0x5f: {  	_ =	shalt  }
0x60: {  	_ =	shalt  }
0x61: {  	_ =	shalt  }
0x62: {  	_ =	shalt  }
0x63: {  	_ =	shalt  }
0x64: {  	_ =	shalt  }
0x65: {  	_ =	shalt  }
0x66: {  	_ =	shalt  }
0x67: {  	_ =	shalt  }
0x68: {  	_ =	shalt  }
0x69: {  	_ =	shalt  }
0x6a: {  	_ =	shalt  }
0x6b: {  	_ =	shalt  }
0x6c: {  	_ =	shalt  }
0x6d: {  	_ =	shalt  }
0x6e: {  	_ =	shalt  }
0x6f: {  	_ =	shalt  }
0x70: {  	_ =	shalt  }
0x71: {  	_ =	shalt  }
0x72: {  	_ =	shalt  }
0x73: {  	_ =	shalt  }
0x74: {  	_ =	shalt  }
0x75: {  	_ =	shalt  }
0x76: {  	_ =	shalt  }
0x77: {  	_ =	shalt  }
0x78: {  	_ =	shalt  }
0x79: {  	_ =	shalt  }
0x7a: {  	_ =	shalt  }
0x7b: {  	_ =	shalt  }
0x7c: {  	_ =	shalt  }
0x7d: {  	_ =	shalt  }
0x7e: {  	_ =	shalt  }
0x7f: {  	_ =	shalt  }
0x80: {  	_ =	shalt  }
0x81: {  	_ =	shalt  }
0x82: {  	_ =	shalt  }
0x83: {  	_ =	shalt  }
0x84: {  	_ =	shalt  }
0x85: {  	_ =	shalt  }
0x86: {  	_ =	shalt  }
0x87: {  	_ =	shalt  }
.Lfunc_end0:
.L_simem_size_0:
called_computation_lowered:
.L_overlay_start_0:
0x88: {  	s2 =	sld [smem:$0x3FD9]  }
0x89: {  	s3 =	sld [smem:$0x3FFE];
	_ =	sdelay $0x1  }
0x8a: {  	s1 =	srdreg.scid  }
0x8b: {  	s0 =	sand.u32 $0x1, s1  }
0x8c: {  	s16 =	sshll.u32 s0, $0xA;
	s2 =	sadd.s32 s3, s2  }
0x8d: {  	s2 =	sadd.s32 s2, s16  }
0x8e: {  	[smem:$0x3FC3] =	sst s2  }
0x8f: {  	_ = 	snop  }
0x90: {  	(tm) =	ssettm $0x1  }
0x91: {  	s17 =	sld [smem:$0x3FFB];
	_ =	sdelay $0x3  }
0x92: {  	_ =	strace s17  }
0x93: {  	s2 =	sld [smem:$0x3FFC];
	_ =	sdelay $0x3  }
0x94: {  	_ =	strace s2  }
0x95: {  	s2 =	sld [smem:$0x3FFD];
	_ =	sdelay $0x3  }
0x96: {  	_ =	strace s2  }
0x97: {  	_ =	strace $0x8FFFFFFF  }
0x98: {  	s18 =	sld [smem:$0x3FDB];
	_ =	sdelay $0x1  }
0x99: {  	s19 =	simm.s32 $_scs_section_size  }
0x9a: {  	s4 =	simm.s32 $_size__tile_overlayer_lowered;
	s5 =	simm.s32 $_tile_overlayer_lowered  }
0x9b: {  	s22 =	simm.s32 $0x1BFF;
	s21 =	sshll.u32 s5, $0x1;
	s2 =	sadd.s32 s19, s18  }
0x9c: {  	s6 =	simm.s32 $0x0;
	s20 =	sshll.u32 s4, $0x1;
	s4 =	sadd.s32 s21, s2  }
0x9d: {  	[timem:s6], [sflag:s22] =	dma.local [hbm:s4], s20  }
0x9e: {  	_ =	swait.ge [sflag:s22], s20  }
0x9f: {  	s3 =	ssub.s32 $0x0, s20;
	[sflag:s22] =	ssyncset.done $0x0  }
0xa0: {  	[sflag:s22] =	ssyncadd.s32 s3;
	_ =	sdelay $0x1  }
0xa1: {  	s23 =	simm.s32 $0x1B8B  }
0xa2: {  	_ =	swait.ge [sflag:s23], $0x1  }
0xa3: {  	[sflag:s23] =	ssyncset.done $0x0  }
0xa4: {  	s25 =	simm.s32 $0x1B8E;
	s24 =	sld [smem:$0x3FFE];
	[sflag:s23] =	ssyncadd.s32 $0xFFFFFFFF  }
0xa5: {  	s26 =	simm.s32 $execute0_lowered;
	[smem:$0x3FD2] =	sst s25  }
0xa6: {  	s4 =	sshll.u32 s26, $0x1;
	_ =	strace $0x80000046;
	[dreg:$0x1] =	wrdreg $0xFFFFFFFF  }
0xa7: {  	s28 =	simm.s32 $_size_execute0_lowered;
	s2 =	sadd.s32 s2, s4;
	[dreg:$0x0] =	wrdreg $0x0  }
0xa8: {  	s4 =	sshll.u32 s28, $0x1;
	[dreg:$0x2] =	wrdreg s2  }
0xa9: {  	[dreg:$0x3] =	wrdreg s4  }
0xaa: {  	[dreg:$0x4] =	wrdreg $0xC0  }
0xab: {  	_ =	task [dreg:s6], $0x5FFFF  }
0xac: {  	[dreg:$0x1] =	wrdreg $0xFFFFFFFF  }
0xad: {  	[dreg:$0x0] =	wrdreg $0x60  }
0xae: {  	[dreg:$0x2] =	wrdreg s24  }
0xaf: {  	[dreg:$0x3] =	wrdreg $0x9  }
0xb0: {  	_ =	task.clear_ibuf [dreg:s6], $0x4FFFF;
	_ =	strace $0x90000046  }
0xb1: {  	s29 =	simm.s32 $0x9;
	_ =	strace $0x80000048  }
0xb2: {  	_ =	swait.ge [sflag:s29], $0x1  }
0xb3: {  	[sflag:s29] =	ssyncadd.s32 $0xFFFFFFFF  }
0xb4: {  	_ =	strace $0x90000048  }
0xb5: {  	_ =	sfence  }
0xb6: {  	s30 =	sld [smem:$0x0];
	_ =	sdelay $0x2  }
0xb7: {  	s31 =	sshll.u32 s1, $0xD;
	s1 =	sshrl.u32 s1, $0x2  }
0xb8: {  	s3 =	sand.u32 $0x4000, s31;
	s1 =	sadd.s32 s1, s30  }
0xb9: {  	s0 =	sor.u32 s3, s0;
	s1 =	sshll.u32 s1, $0x11  }
0xba: {  	s0 =	sor.u32 s1, s0  }
0xbb: {  	s0 =	sadd.s32 $0x8F2B, s0  }
0xbc: {  	[sflag:s0] =	ssyncadd.remote.s32 $0x1  }
0xbd: {  	_ =	sfence.sel $0xFFFF  }
0xbe: {  	[dreg:$0x0] =	wrdreg $0xFFFFFFFF;
	(pc) =	sbr.abs _section_cstart, $3  }
0xbf: {  	[dreg:$0x1] =	wrdreg $0xFFFFFFFF  }
0xc0: {  	_ =	task.clear_ibuf [dreg:s6], $0x2FFFF;
	_ =	strace $0x9FFFFFFF  }
0xc1: {  	(tm) =	ssettm $0x7FFFFFFF  }
tec
execute0_lowered:
.L_overlay_start_1:
0x0: {  	(tag) =	ssettag $0x1  }
0x1: {  	s1 =	srdreg.scid;
	s3 =	stileid.u32  }
0x2: {  	s1 =	sand.u32 $0x1, s1;
	s3 =	sshll.u32 s3, $0x1  }
0x3: {  	s0 =	rddreg [dreg:$0x0];
	s2 =	simm.s32 $0x0;
	s3 =	sor.u32 s1, s3  }
0x4: {  	[smem:$0x7FF] =	sst s2;
	s5 =	sshll.u32 s3, $0x4;
	s7 =	smul.u32 $0x110E0, s3  }
0x5: {  	s8 =	sshll.u32 s3, $0x2;
	s15 =	smul.u32 $0x110E, s3;
	s3 =	sshllo.u32 s3, $0x2  }
0x6: {  	s4 =	sadd.s32 $0x24E00, s0;
	s6 =	sadd.s32 $0x2C00, s0;
	s29 =	smul.u32 $0x4438, s3  }
0x7: {  	s1 =	ssub.s32 $0x2, s1;
	s9 =	sor.u32 $0x1, s8;
	s3 =	smul.u32 $0x221C, s3  }
0x8: {  	_ =	strace $0x80000047;
	s14 =	sshrl.u32 s1, $0x1;
	s11 =	smul.u32 $0x4438, s9  }
0x9: {  	s0 =	sadd.s32 s5, s0;
	s20 =	sor.u32 $0x2, s8;
	s9 =	smul.u32 $0x221C, s9  }
0xa: {  	s1 =	ssub.s32 s1, s14;
	s10 =	sadd.s32 $0x2218, s7;
	s21 =	smul.u32 $0x4438, s20  }
0xb: {  	s7 =	sshrl.u32 s7, $0x3;
	s14 =	sadd.s32 s6, s15;
	s24 =	smul.u32 $0x221C, s20  }
0xc: {  	s0 =	sadd.s32 $0x69200, s0;
	s31 =	smax.u32 s1, $0x1;
	s12 =	sadd.s32 s4, s7  }
0xd: {  	s16 =	sshrl.u32 s10, $0x3;
	s30 =	sadd.s32 $0x2218, s29;
	[dreg:$0x4] =	wrdreg s0  }
0xe: {  	s3 =	sadd.s32 $0xFFFFFFFC, s3;
	[dreg:$0x5] =	wrdreg s31;
	s13 =	sadd.s32 s4, s16  }
0xf: {  	s17 =	sadd.s32 $0x2218, s11;
	s18 =	sadd.s32 $0xFFFFFFFC, s9;
	s19 =	sshrl.u32 s11, $0x3  }
0x10: {  	s8 =	smov.u32 s12;
	s25 =	sshrl.u32 s21, $0x3;
	s26 =	sadd.s32 $0x2218, s21  }
0x11: {  	s3 =	sshrl.u32 s3, $0x3;
	s5 =	sshrl.u32 s17, $0x3;
	s7 =	sshrl.u32 s18, $0x3  }
0x12: {  	s22 =	sadd.s32 s4, s19;
	s9 =	smov.u32 s13;
	s28 =	sadd.s32 s4, s25  }
0x13: {  	s10 =	sshrl.u32 s26, $0x3;
	s3 =	sadd.s32 s6, s3;
	s17 =	simm.s32 $0x2280  }
0x14: {  	s18 =	simm.s32 $0x4500;
	s19 =	simm.s32 $0x1;
	s23 =	sadd.s32 s4, s5  }
0x15: {  	s15 =	sadd.s32 s6, s7;
	s11 =	smov.u32 s22;
	s5 =	sshrl.u32 s24, $0x3  }
.Ltmp0:
0x16: {  	s16 =	sadd.s32 s4, s10;
	s10 =	smov.u32 s14;
	(pc) =	sbr.rel .LBB2_1-.Ltmp0, $4  }
0x17: {  	s14 =	smov.u32 s28;
	s7 =	sshrl.u32 s29, $0x3;
	s13 =	smov.u32 s15  }
0x18: {  	s15 =	smov.u32 s16;
	s16 =	sadd.s32 s6, s5;
	s5 =	sshrl.u32 s30, $0x3  }
0x19: {  	v0 =	vimm.s32 $0x0;
	vm0 =	vmmov $0xfff;
	[dreg:$0x3] =	wrdreg s3;
	s21 =	sadd.s32 s4, s7;
	s4 =	sadd.s32 s4, s5  }
0x1a: {  	vm1 =	vcmask $0x300;
	v1 =	vlaneseq.u32;
	vm2 =	vmxor vm2, vm2;
	s22 =	simm.s32 $0x0;
	s12 =	smov.u32 s23;
	[dreg:$0x2] =	wrdreg s4  }
.LBB2_77:
0x1b: {  	s0 =	sadd.f32 s30, s28  }
0x1c: {  	vm3 =	veq.s32 v1, $0x2;
	s1 =	sadd.f32 s31, s29  }
0x1d: {  	v2 =	vsel vm3, s0, v2;
	vm3 =	veq.s32 v1, $0x3  }
0x1e: {  	v2 =	vsel vm3, s1, v2;
	vm3 =	veq.s32 v1, $0x4  }
0x1f: {  	s20 =	scvt.s32.f32 s26;
	v2 =	vsel vm3, s23, v2;
	vm3 =	veq.s32 v1, $0x5  }
0x20: {  	s26 =	scvt.s32.f32 s25;
	v2 =	vsel vm3, s24, v2;
	vm3 =	veq.s32 v1, $0x6  }
0x21: {  	v2 =	vsel vm3, s20, v2;
	vm3 =	veq.s32 v1, $0x7  }
0x22: {  	[smem:$0x0] =	sst s31;
	v2 =	vsel vm3, s26, v2  }
0x23: {  	s28 =	rddreg [dreg:$0x4];
	s29 =	simm.s32 $0xAC80;
	s30 =	simm.s32 $0x2;
	[tilespmem:$0xAC80] =	vst v2  }
0x24: {  	[hbm4b:s28+s2] =	stream.linear.scatter [tilespmem:s29], [sflag:$0x2], $0x80, $0x38;
	[tilespmem:$0xAD00] =	vst v63  }
0x25: {  	_ =	swait.ge [sflag:s30], $0x80  }
0x26: {  	s22 =	sadd.s32 $0x1, s22;
	s31 =	rddreg [dreg:$0x5]  }
0x27: {  	p0 =	sne.s32 s22, s31  }
.Ltmp1:
0x28: {  	_ = 	snop;
	(pc) =	sbr.rel @!p0 .LBB2_78-.Ltmp1, $3  }
0x29: {  	_ =	sdelay $0x1  }
0x2a: {  	[sflag:s30] =	ssyncset.done $0x0  }
0x2b: {  	[sflag:s30] =	ssyncadd.s32 $0xFFFFFF80  }
.LBB2_1:
0x2c: {  	[tilespmem:s2], [sflag:$0x1] =	stream.linear.gather [hbm4b:s8+s2], $0x2220, $0x38;
	[tilespmem:$0xAD00] =	vst v63  }
0x2d: {  	_ = 	snop  }
0x2e: {  	[tilespmem:s17], [sflag:$0x1] =	stream.linear.gather [hbm4b:s9+s2], $0x2220, $0x38;
	[tilespmem:$0xAD00] =	vst v63  }
0x2f: {  	_ = 	snop  }
0x30: {  	[tilespmem:s18], [sflag:$0x1] =	stream.linear.gather [hbm4b:s10+s2], $0x2220, $0x38;
	[tilespmem:$0xAD00] =	vst v63  }
0x31: {  	_ =	swait.ge [sflag:s19], $0x2220  }
0x32: {  	[sflag:s19] =	ssyncset.done $0x0  }
0x33: {  	[sflag:s19] =	ssyncadd.s32 $0xFFFFDDE0  }
0x34: {  	_ =	swait.ge [sflag:s19], $0x2220  }
0x35: {  	[sflag:s19] =	ssyncset.done $0x0  }
0x36: {  	[sflag:s19] =	ssyncadd.s32 $0xFFFFDDE0  }
0x37: {  	_ =	swait.ge [sflag:s19], $0x2220  }
0x38: {  	[sflag:s19] =	ssyncset.done $0x0  }
0x39: {  	s0 =	simm.s32 $0x0;
	[sflag:s19] =	ssyncadd.s32 $0xFFFFDDE0  }
0x3a: {  	v2 =	vld [tilespmem:s0+$0x0]  }
0x3b: {  	v3 =	vld [tilespmem:s0+$0x2284]  }
0x3c: {  	v8 =	vld [tilespmem:s0+$0x4500];
	_ =	sdelay $0x3  }
0x3d: {  	v4 =	vsub.f32 v3, v2;
	v2 =	vsub.f32 v2, v3  }
0x3e: {  	vm3 =	veq.s32 v8, $0x0  }
0x3f: {  	s25 =	simm.s32 $0x10;
	v12 =	vsel vm3, v4, v2  }
0x40: {  	v2 =	vld [tilespmem:s25+$0x0];
	v3 =	vand.u32 $0x7FFFFFFF, v12  }
0x41: {  	v4 =	vld [tilespmem:s25+$0x2284];
	v3 =	vsub.f32 $0.0e+00, v3  }
0x42: {  	v6 =	vld [tilespmem:s25+$0x4500]  }
0x43: {  	v3 =	vmul.f32 $1.442695020e+00, v3;
	_ =	sdelay $0x1  }
0x44: {  	(erf) = vpow2.f32 v3  }
0x45: {  	v3 =	vsub.f32 v4, v2;
	v2 =	vsub.f32 v2, v4  }
0x46: {  	vm3 =	veq.s32 v6, $0x0  }
0x47: {  	v11 =	vsel vm3, v3, v2  }
0x48: {  	s26 =	simm.s32 $0x20;
	v2 =	vand.u32 $0x7FFFFFFF, v11  }
0x49: {  	v5 =	vld [tilespmem:s26+$0x2284];
	v2 =	vsub.f32 $0.0e+00, v2  }
0x4a: {  	v3 =	vld [tilespmem:s26+$0x0]  }
0x4b: {  	v4 =	vld [tilespmem:s26+$0x4500];
	v2 =	vmul.f32 $1.442695020e+00, v2;
	_ =	sdelay $0x1  }
0x4c: {  	v7 =	vpop (erf);
	(erf) = vpow2.f32 v2  }
0x4d: {  	v2 =	vadd.f32 $2.000000000e+00, v7  }
0x4e: {  	v9 =	vsub.f32 v5, v3;
	v3 =	vsub.f32 v3, v5  }
0x4f: {  	vm3 =	veq.s32 v4, $0x0;
	(erf) = vrcp.f32 v2  }
0x50: {  	v9 =	vsel vm3, v9, v3  }
0x51: {  	s28 =	simm.s32 $0x30;
	v2 =	vand.u32 $0x7FFFFFFF, v9  }
0x52: {  	v10 =	vld [tilespmem:s28+$0x2284];
	v2 =	vsub.f32 $0.0e+00, v2  }
0x53: {  	v3 =	vld [tilespmem:s28+$0x0]  }
0x54: {  	v5 =	vld [tilespmem:s28+$0x4500];
	v2 =	vmul.f32 $1.442695020e+00, v2  }
0x55: {  	v13 =	vpop (erf)  }
0x56: {  	(erf) = vpow2.f32 v2;
	v2 =	vadd.f32 $2.000000000e+00, v13;
	_ =	sdelay $0x1  }
0x57: {  	v14 =	vpop (erf);
	(erf) = vrcp.f32 v2;
	v2 =	vsub.f32 v10, v3;
	v3 =	vsub.f32 v3, v10  }
0x58: {  	vm3 =	veq.s32 v5, $0x0  }
0x59: {  	s29 =	simm.s32 $0x40;
	v16 =	vmul.f32 v14, v7;
	v10 =	vsel vm3, v2, v3  }
0x5a: {  	v7 =	vld [tilespmem:s29+$0x2284];
	v3 =	vand.u32 $0x7FFFFFFF, v10  }
0x5b: {  	v2 =	vld [tilespmem:s29+$0x0];
	v17 =	vmul.f32 v16, v16;
	v14 =	vsub.f32 $0.0e+00, v3;
	_ =	sdelay $0x1  }
0x5c: {  	v3 =	vld [tilespmem:s29+$0x4500];
	v15 =	vmul.f32 $1.111111120e-01, v17;
	v14 =	vmul.f32 $1.442695020e+00, v14;
	_ =	sdelay $0x1  }
0x5d: {  	v18 =	vpop (erf);
	v15 =	vadd.f32 $1.428571490e-01, v15  }
0x5e: {  	v19 =	vadd.f32 $2.000000000e+00, v18;
	v20 =	vsub.f32 v7, v2  }
0x5f: {  	v7 =	vsub.f32 v2, v7;
	(erf) = vpow2.f32 v14;
	v15 =	vmul.f32 v15, v17;
	v14 =	vpop (erf)  }
0x60: {  	s30 =	simm.s32 $0x50;
	vm3 =	veq.s32 v3, $0x0;
	(erf) = vrcp.f32 v19;
	v14 =	vmul.f32 v14, v13  }
0x61: {  	v21 =	vld [tilespmem:s30+$0x0];
	v7 =	vsel vm3, v20, v7  }
0x62: {  	v2 =	vld [tilespmem:s30+$0x4500];
	v13 =	vadd.f32 $2.000000030e-01, v15;
	v15 =	vand.u32 $0x7FFFFFFF, v7;
	v19 =	vmul.f32 v14, v14  }
0x63: {  	v22 =	vld [tilespmem:s30+$0x2284];
	v23 =	vsub.f32 $0.0e+00, v15  }
0x64: {  	v13 =	vmul.f32 v13, v17;
	v20 =	vmul.f32 $1.111111120e-01, v19  }
0x65: {  	v23 =	vmul.f32 $1.442695020e+00, v23  }
0x66: {  	v13 =	vadd.f32 $3.333333430e-01, v13  }
0x67: {  	vm3 =	veq.s32 v2, $0x0;
	v24 =	vadd.f32 $1.428571490e-01, v20  }
0x68: {  	v13 =	vmul.f32 v13, v17;
	v17 =	vsub.f32 v22, v21;
	v21 =	vsub.f32 v21, v22;
	v20 =	vpop (erf)  }
0x69: {  	v22 =	vmul.f32 v24, v19;
	(erf) = vpow2.f32 v23;
	v24 =	vadd.f32 v16, v16;
	v23 =	vpop (erf)  }
0x6a: {  	v25 =	vadd.f32 $1.000000000e+00, v13;
	v16 =	vmul.f32 v23, v18;
	v18 =	vadd.f32 $2.000000000e+00, v20  }
0x6b: {  	s31 =	simm.s32 $0x60;
	v13 =	vsel vm3, v17, v21;
	v17 =	vadd.f32 $2.000000030e-01, v22  }
0x6c: {  	v21 =	vmul.f32 v25, v24;
	v24 =	vmax.f32 v12, $0.0e+00;
	v12 =	vld [tilespmem:s31+$0x4500];
	(erf) = vrcp.f32 v18  }
0x6d: {  	v25 =	vmul.f32 v17, v19;
	v17 =	vld [tilespmem:s31+$0x0]  }
0x6e: {  	v15 =	vimm.f32 $0.0e+00;
	vm3 =	vgt.s32 v8, $0x0;
	v18 =	vld [tilespmem:s31+$0x2284]  }
0x6f: {  	v23 =	vand.u32 $0x7FFFFFFF, v13;
	v22 =	vmul.f32 v16, v16;
	v21 =	vadd.f32 v21, v24  }
0x70: {  	v8 =	vimm.s32 $0x0;
	v27 =	vsub.f32 $0.0e+00, v23;
	v23 =	vimm.f32 $0.0e+00  }
0x71: {  	s0 =	simm.s32 $0x1C0;
	v26 =	vmul.f32 $1.111111120e-01, v22;
	v24 =	vadd.f32 $3.333333430e-01, v25;
	v25 =	vnsel vm3, $0x0, v21  }
.LBB2_2:
0x72: {  	p0 =	sne.s32 s0, $0x8800;
	vm4 =	veq.s32 v12, $0x0;
	v27 =	vmul.f32 $1.442695020e+00, v27;
	v15 =	vadd.f32 v25, v15;
	v28 =	vmovc v2;
	v2 =	vmovc v12  }
0x73: {  	v25 =	vsub.f32 v18, v17;
	v29 =	vpop (erf);
	v12 =	vadd.f32 $1.428571490e-01, v26;
	v32 =	vmul.f32 v24, v19  }
0x74: {  	v17 =	vsub.f32 v17, v18;
	v24 =	vmovc v7;
	v7 =	vmovc v13;
	(erf) = vpow2.f32 v27;
	v18 =	vadd.f32 $2.000000000e+00, v29  }
0x75: {  	s1 =	sshra.s32 s0, $0x2;
	v30 =	vadd.f32 v14, v14;
	v26 =	vpop (erf);
	v27 =	vmul.f32 v12, v22;
	v31 =	vadd.f32 $1.000000000e+00, v32  }
0x76: {  	v14 =	vmovc v16;
	v19 =	vmovc v22;
	v13 =	vsel vm4, v25, v17;
	v25 =	vsel vm3, $0x1, v0;
	v12 =	vld [tilespmem:s1+$0x4500];
	(erf) = vrcp.f32 v18  }
.Ltmp2:
0x77: {  	v16 =	vmul.f32 v26, v20;
	v20 =	vmovc v29;
	v17 =	vld [tilespmem:s1+$0x0];
	v26 =	vadd.f32 $2.000000030e-01, v27;
	v27 =	vmul.f32 v31, v30;
	(pc) =	sbr.rel @p0 .LBB2_2-.Ltmp2, $4  }
0x78: {  	v23 =	vadd.f32 v21, v23;
	v29 =	vand.u32 $0x7FFFFFFF, v13;
	v30 =	vmax.f32 v11, $0.0e+00;
	v11 =	vmovc v9;
	v9 =	vmovc v10;
	v18 =	vld [tilespmem:s1+$0x2284]  }
0x79: {  	v10 =	vmovc v24;
	v22 =	vmul.f32 v16, v16;
	v31 =	vmul.f32 v26, v19;
	v21 =	vadd.f32 v27, v30  }
0x7a: {  	vm3 =	vgt.s32 v6, $0x0;
	v6 =	vmovc v4;
	v4 =	vmovc v5;
	v8 =	vadd.s32 v25, v8;
	v27 =	vsub.f32 $0.0e+00, v29  }
0x7b: {  	s0 =	sadd.s32 $0x40, s0;
	v5 =	vmovc v3;
	v3 =	vmovc v28;
	v26 =	vmul.f32 $1.111111120e-01, v22;
	v24 =	vadd.f32 $3.333333430e-01, v31;
	v25 =	vnsel vm3, $0x0, v21  }
0x7c: {  	_ = 	snop  }
0x7d: {  	v28 =	vsub.f32 v18, v17;
	v40 =	vsub.f32 v17, v18  }
0x7e: {  	vm4 =	veq.s32 v12, $0x0  }
0x7f: {  	v17 =	vsel vm4, v28, v40  }
0x80: {  	v41 =	vand.u32 $0x7FFFFFFF, v17  }
0x81: {  	v27 =	vmul.f32 $1.442695020e+00, v27;
	v42 =	vpop (erf);
	v18 =	vsub.f32 $0.0e+00, v41  }
0x82: {  	v29 =	vadd.f32 $2.000000000e+00, v42  }
0x83: {  	(erf) = vpow2.f32 v27;
	v18 =	vmul.f32 $1.442695020e+00, v18  }
0x84: {  	v43 =	vld [tilespmem:$0x2210];
	(erf) = vrcp.f32 v29  }
0x85: {  	v44 =	vld [tilespmem:$0x4494];
	(erf) = vpow2.f32 v18  }
0x86: {  	v18 =	vld [tilespmem:$0x6710];
	_ =	sdelay $0x3  }
0x87: {  	v30 =	vsub.f32 v44, v43;
	v27 =	vsub.f32 v43, v44  }
0x88: {  	v45 =	vpop (erf);
	vm13 =	veq.s32 v18, $0x0  }
0x89: {  	v31 =	vpop (erf);
	v27 =	vsel vm13, v30, v27  }
0x8a: {  	v46 =	vpop (erf);
	v32 =	vand.u32 $0x7FFFFFFF, v27  }
0x8b: {  	v33 =	vadd.f32 $2.000000000e+00, v31;
	v32 =	vsub.f32 $0.0e+00, v32;
	v34 =	vpop (erf)  }
0x8c: {  	v35 =	vadd.f32 $2.000000000e+00, v34  }
0x8d: {  	(erf) = vrcp.f32 v33;
	v32 =	vmul.f32 $1.442695020e+00, v32  }
0x8e: {  	(erf) = vrcp.f32 v35  }
0x8f: {  	(erf) = vpow2.f32 v32;
	_ =	sdelay $0x3  }
0x90: {  	v20 =	vmul.f32 v45, v20  }
0x91: {  	v26 =	vadd.f32 $1.428571490e-01, v26  }
0x92: {  	v29 =	vmul.f32 v20, v20  }
0x93: {  	v26 =	vmul.f32 v26, v22;
	v33 =	vpop (erf)  }
0x94: {  	v14 =	vadd.f32 v14, v14;
	v15 =	vadd.f32 v25, v15;
	v47 =	vmul.f32 $1.111111120e-01, v29;
	v50 =	vpop (erf)  }
0x95: {  	v21 =	vadd.f32 v21, v23;
	v48 =	vadd.f32 $2.000000030e-01, v26;
	v51 =	vpop (erf)  }
0x96: {  	v11 =	vmax.f32 v11, $0.0e+00;
	v49 =	vadd.f32 $1.428571490e-01, v47;
	v53 =	vadd.f32 $2.000000000e+00, v51  }
0x97: {  	vm5 =	vgt.s32 v6, $0x0;
	v19 =	vmul.f32 v24, v19;
	v24 =	vmul.f32 v48, v22  }
0x98: {  	v59 =	vadd.f32 v16, v16;
	v52 =	vmul.f32 v49, v29;
	(erf) = vrcp.f32 v53  }
0x99: {  	v9 =	vmax.f32 v9, $0.0e+00;
	v19 =	vadd.f32 $1.000000000e+00, v19;
	v24 =	vadd.f32 $3.333333430e-01, v24  }
0x9a: {  	vm14 =	vgt.s32 v4, $0x0;
	v10 =	vmax.f32 v10, $0.0e+00;
	v55 =	vadd.f32 $2.000000030e-01, v52  }
0x9b: {  	vm6 =	vgt.s32 v5, $0x0;
	v14 =	vmul.f32 v19, v14;
	v56 =	vmul.f32 v24, v22  }
0x9c: {  	v7 =	vmax.f32 v7, $0.0e+00;
	v54 =	vmul.f32 v46, v42;
	v58 =	vmul.f32 v55, v29  }
0x9d: {  	vm7 =	vgt.s32 v3, $0x0;
	v11 =	vadd.f32 v14, v11;
	v60 =	vadd.f32 $1.000000000e+00, v56  }
0x9e: {  	vm15 =	vgt.s32 v12, $0x0;
	v57 =	vmul.f32 v54, v54;
	v6 =	vadd.f32 $3.333333430e-01, v58  }
0x9f: {  	v63 =	vnsel vm5, $0x0, v11;
	v14 =	vmul.f32 v60, v59;
	v62 =	vmul.f32 v33, v31  }
0xa0: {  	v11 =	vadd.f32 v11, v21;
	v61 =	vmul.f32 $1.111111120e-01, v57;
	v6 =	vmul.f32 v6, v29  }
0xa1: {  	v15 =	vadd.f32 v63, v15;
	v29 =	vmul.f32 v62, v62;
	v37 =	vmul.f32 v50, v34;
	v38 =	vpop (erf)  }
0xa2: {  	v59 =	vmax.f32 v17, $0.0e+00;
	v28 =	vadd.f32 $1.428571490e-01, v61;
	v40 =	vmul.f32 v38, v51  }
0xa3: {  	v19 =	vadd.f32 v54, v54;
	v33 =	vmul.f32 $1.111111120e-01, v29;
	v42 =	vmul.f32 v37, v37  }
0xa4: {  	v9 =	vadd.f32 v14, v9;
	v30 =	vmul.f32 v28, v57;
	v43 =	vmul.f32 v40, v40  }
0xa5: {  	v54 =	vsel vm3, $0x1, v0;
	v39 =	vadd.f32 $1.428571490e-01, v33;
	v44 =	vmul.f32 $1.111111120e-01, v42  }
0xa6: {  	v41 =	vnsel vm14, $0x0, v9;
	v36 =	vadd.f32 $2.000000030e-01, v30;
	v45 =	vmul.f32 $1.111111120e-01, v43  }
0xa7: {  	v6 =	vadd.f32 $1.000000000e+00, v6;
	v16 =	vmul.f32 v39, v29;
	v46 =	vadd.f32 $1.428571490e-01, v44  }
0xa8: {  	v31 =	vadd.f32 v20, v20;
	v4 =	vmul.f32 v36, v57;
	v48 =	vadd.f32 $1.428571490e-01, v45  }
0xa9: {  	v9 =	vadd.f32 v9, v11;
	v16 =	vadd.f32 $2.000000030e-01, v16;
	v5 =	vmul.f32 v46, v42  }
0xaa: {  	v6 =	vmul.f32 v6, v31;
	v4 =	vadd.f32 $3.333333430e-01, v4;
	v11 =	vmul.f32 v48, v43  }
0xab: {  	vm3 =	vgt.s32 v2, $0x0;
	v47 =	vmul.f32 v16, v29;
	v5 =	vadd.f32 $2.000000030e-01, v5  }
0xac: {  	v6 =	vadd.f32 v6, v10;
	v4 =	vmul.f32 v4, v57;
	v11 =	vadd.f32 $2.000000030e-01, v11  }
0xad: {  	v15 =	vadd.f32 v41, v15;
	v10 =	vadd.f32 $3.333333430e-01, v47;
	v5 =	vmul.f32 v5, v42  }
0xae: {  	v49 =	vnsel vm6, $0x0, v6;
	v4 =	vadd.f32 $1.000000000e+00, v4;
	v11 =	vmul.f32 v11, v43  }
0xaf: {  	v6 =	vadd.f32 v6, v9;
	v10 =	vmul.f32 v10, v29;
	v5 =	vadd.f32 $3.333333430e-01, v5  }
0xb0: {  	v15 =	vadd.f32 v49, v15;
	v4 =	vmul.f32 v4, v19;
	v51 =	vadd.f32 $3.333333430e-01, v11  }
0xb1: {  	v50 =	vadd.f32 v62, v62;
	v10 =	vadd.f32 $1.000000000e+00, v10;
	v5 =	vmul.f32 v5, v42  }
0xb2: {  	v55 =	vadd.f32 v37, v37;
	v4 =	vadd.f32 v4, v7;
	v7 =	vmul.f32 v51, v43  }
0xb3: {  	v53 =	vmax.f32 v13, $0.0e+00;
	v3 =	vmul.f32 v10, v50;
	v5 =	vadd.f32 $1.000000000e+00, v5  }
0xb4: {  	v52 =	vnsel vm7, $0x0, v4;
	v57 =	vadd.f32 v40, v40;
	v7 =	vadd.f32 $1.000000000e+00, v7  }
0xb5: {  	v4 =	vadd.f32 v4, v6;
	v3 =	vadd.f32 v3, v53;
	v2 =	vmul.f32 v5, v55  }
0xb6: {  	v60 =	vmax.f32 v27, $0.0e+00;
	v9 =	vadd.f32 v52, v15;
	v7 =	vmul.f32 v7, v57  }
0xb7: {  	v58 =	vnsel vm3, $0x0, v3;
	v3 =	vadd.f32 v3, v4;
	v2 =	vadd.f32 v2, v59  }
0xb8: {  	v56 =	vsel vm5, $0x1, v0;
	v5 =	vadd.f32 v58, v9;
	v4 =	vadd.f32 v7, v60  }
0xb9: {  	vm8 =	vgt.s32 v18, $0x0;
	v6 =	vnsel vm15, $0x0, v2;
	v2 =	vadd.f32 v2, v3  }
0xba: {  	vm8 =	vmand vm8, vm0;
	v3 =	vadd.f32 v6, v5;
	v4 =	vnsel vm0, $0x0, v4  }
0xbb: {  	v61 =	vadd.s32 v54, v8;
	v2 =	vadd.f32 v4, v2;
	v4 =	vnsel vm8, $0x0, v4  }
0xbc: {  	v62 =	vsel vm14, $0x1, v0;
	v5 =	vadd.s32 v56, v61;
	v3 =	vadd.f32 v4, v3  }
0xbd: {  	v63 =	vsel vm6, $0x1, v0;
	v5 =	vadd.s32 v62, v5;
	(xrf2) =	vadd.scan.msk.f32 $0xffff, v2  }
0xbe: {  	v4 =	vadd.s32 v63, v5;
	v2 =	vsel vm7, $0x1, v0;
	(xrf2) =	vadd.scan.msk.f32 $0xffff, v3  }
0xbf: {  	v3 =	vsel vm3, $0x1, v0;
	v2 =	vadd.s32 v2, v4  }
0xc0: {  	v2 =	vadd.s32 v3, v2;
	v3 =	vsel vm15, $0x1, v0  }
0xc1: {  	v2 =	vadd.s32 v3, v2;
	v3 =	vsel vm8, $0x1, v0  }
0xc2: {  	v2 =	vadd.s32 v3, v2  }
0xc3: {  	(xrf0) =	vadd.scan.msk.s32 $0xffff, v2;
	_ =	sdelay $0x3  }
0xc4: {  	v2, _, _ =	vpop (xrf2)  }
0xc5: {  	(v2sf) =	vpush v2, $0xF;
	v2, _, _ =	vpop (xrf2)  }
0xc6: {  	(v2sf) =	vpush v2, $0xF;
	v2, _, _ =	vpop (xrf0)  }
0xc7: {  	(v2sf) =	vpush v2, $0xF;
	_ =	sdelay $0xc  }
0xc8: {  	s28 =	spop (v2sf)  }
0xc9: {  	s26 =	spop (v2sf)  }
0xca: {  	s23 =	spop (v2sf)  }
0xcb: {  	s24 =	smul.u32 $0x3, s23;
	_ =	sdelay $0x1  }
0xcc: {  	p0 =	sgt.s32 s24, $0x221B  }
.Ltmp3:
0xcd: {  	_ = 	snop;
	(pc) =	sbr.rel @p0 .LBB2_20-.Ltmp3, $1  }
0xce: {  	_ =	sdelay $0x3  }
0xcf: {  	s0 =	simm.s32 $0x0  }
0xd0: {  	v2 =	vld [tilespmem:s0+$0x0]  }
0xd1: {  	v3 =	vld [tilespmem:s0+$0x2284]  }
0xd2: {  	v4 =	vld [tilespmem:s0+$0x4500];
	_ =	sdelay $0x3  }
0xd3: {  	v5 =	vsub.f32 v3, v2;
	v2 =	vsub.f32 v2, v3  }
0xd4: {  	vm3 =	veq.s32 v4, $0x0  }
0xd5: {  	v6 =	vsel vm3, v5, v2  }
0xd6: {  	v2 =	vand.u32 $0x7FFFFFFF, v6  }
0xd7: {  	v2 =	vsub.f32 $0.0e+00, v2;
	_ =	sdelay $0x1  }
0xd8: {  	s1 =	simm.s32 $0x10;
	v2 =	vmul.f32 $1.442695020e+00, v2  }
0xd9: {  	v3 =	vld [tilespmem:s1+$0x0]  }
0xda: {  	v5 =	vld [tilespmem:s1+$0x2284];
	(erf) = vpow2.f32 v2  }
0xdb: {  	v7 =	vld [tilespmem:s1+$0x4500];
	_ =	sdelay $0x3  }
0xdc: {  	v2 =	vsub.f32 v5, v3;
	v3 =	vsub.f32 v3, v5  }
0xdd: {  	vm3 =	veq.s32 v7, $0x0  }
0xde: {  	v3 =	vsel vm3, v2, v3  }
0xdf: {  	v2 =	vand.u32 $0x7FFFFFFF, v3  }
0xe0: {  	v2 =	vsub.f32 $0.0e+00, v2;
	v5 =	vpop (erf)  }
0xe1: {  	v8 =	vadd.f32 $2.000000000e+00, v5  }
0xe2: {  	s20 =	simm.s32 $0x20;
	v2 =	vmul.f32 $1.442695020e+00, v2  }
0xe3: {  	v9 =	vld [tilespmem:s20+$0x0];
	(erf) = vrcp.f32 v8  }
0xe4: {  	v8 =	vld [tilespmem:s20+$0x2284];
	(erf) = vpow2.f32 v2  }
0xe5: {  	v10 =	vld [tilespmem:s20+$0x4500];
	_ =	sdelay $0x3  }
0xe6: {  	v2 =	vsub.f32 v8, v9;
	v8 =	vsub.f32 v9, v8  }
0xe7: {  	vm3 =	veq.s32 v10, $0x0  }
0xe8: {  	v2 =	vsel vm3, v2, v8  }
0xe9: {  	v8 =	vand.u32 $0x7FFFFFFF, v2;
	v9 =	vpop (erf)  }
0xea: {  	vm5 =	vmmov vm2;
	v8 =	vsub.f32 $0.0e+00, v8;
	v11 =	vpop (erf);
	v12 =	vmul.f32 v9, v5  }
0xeb: {  	vm7 =	vmmov vm2;
	vm12 =	vmmov vm2;
	v9 =	vadd.f32 $2.000000000e+00, v11  }
0xec: {  	s3 =	simm.s32 $0x30;
	vm4 =	vlt.s32 v4, $0x1;
	v8 =	vmul.f32 $1.442695020e+00, v8;
	v13 =	vmul.f32 v12, v12  }
0xed: {  	v4 =	vld [tilespmem:s3+$0x0];
	vm6 =	vlt.s32 v7, $0x1;
	vm8 =	vlt.s32 v10, $0x1;
	(erf) = vrcp.f32 v9  }
0xee: {  	vm4 =	vmmov vm4;
	v9 =	vld [tilespmem:s3+$0x2284];
	(erf) = vpow2.f32 v8;
	v8 =	vmul.f32 $1.111111120e-01, v13  }
0xef: {  	p0 =	por $0x1, $0x1;
	vm6 =	vmmov vm6;
	vm4 =	vmmov vm4;
	vm3 =	vmmov vm2  }
0xf0: {  	v7 =	vld [tilespmem:s3+$0x4500];
	vm13 =	vmmov vm4;
	vm3 =	vmneg @p0 vm3;
	p0 =	por $0x1, $0x1;
	v8 =	vadd.f32 $1.428571490e-01, v8  }
0xf1: {  	v6 =	vmax.f32 v6, $0.0e+00;
	vm3 =	vmmov vm3;
	vm5 =	vmneg @p0 vm5  }
0xf2: {  	p0 =	por $0x1, $0x1;
	v5 =	vimm.s32 $0x0;
	vm3 =	vmmov vm3;
	v8 =	vmul.f32 v8, v13  }
0xf3: {  	vm5 =	vmmov vm5;
	vm7 =	vmneg @p0 vm7;
	v10 =	vsub.f32 v9, v4  }
0xf4: {  	vm3 =	vmmov vm3;
	v4 =	vsub.f32 v4, v9;
	v8 =	vadd.f32 $2.000000030e-01, v8  }
0xf5: {  	p0 =	por $0x1, $0x1;
	vm9 =	vmmov vm5;
	vm11 =	vmmov vm7;
	vm7 =	veq.s32 v7, $0x0  }
0xf6: {  	vm12 =	vmneg @p0 vm12;
	vm5 =	vmmov vm6;
	v4 =	vsel vm7, v10, v4  }
0xf7: {  	vm6 =	vmmov vm8;
	vm7 =	vlt.s32 v7, $0x1;
	v7 =	vand.u32 $0x7FFFFFFF, v4;
	v9 =	vpop (erf)  }
0xf8: {  	v10 =	vmul.f32 v8, v13;
	v14 =	vsub.f32 $0.0e+00, v7;
	v7 =	vmul.f32 v9, v11;
	v8 =	vpop (erf)  }
0xf9: {  	s4 =	simm.s32 $0x40;
	vm8 =	vmmov vm2;
	vm14 =	vmmov vm3;
	v11 =	vadd.f32 $2.000000000e+00, v8  }
0xfa: {  	v15 =	vld [tilespmem:s4+$0x4500];
	vm10 =	vmmov vm9;
	v10 =	vadd.f32 $3.333333430e-01, v10;
	v9 =	vmul.f32 v7, v7  }
0xfb: {  	v16 =	vld [tilespmem:s4+$0x0];
	vm3 =	vmmov vm11;
	v14 =	vmul.f32 $1.442695020e+00, v14;
	(erf) = vrcp.f32 v11  }
0xfc: {  	p0 =	por $0x1, $0x1;
	vm4 =	vmmov vm12;
	v10 =	vmul.f32 v10, v13;
	v11 =	vld [tilespmem:s4+$0x2284];
	v13 =	vmul.f32 $1.111111120e-01, v9  }
0xfd: {  	vm8 =	vmneg @p0 vm8;
	v12 =	vadd.f32 v12, v12;
	(erf) = vpow2.f32 v14  }
0xfe: {  	vm11 =	vmmov vm13;
	v10 =	vadd.f32 $1.000000000e+00, v10;
	v13 =	vadd.f32 $1.428571490e-01, v13  }
0xff: {  	vm9 =	vmmov vm5;
	vm6 =	vmmov vm6;
	vm5 =	vlt.s32 v15, $0x1  }
0x100: {  	vm12 =	veq.s32 v15, $0x0;
	v10 =	vmul.f32 v10, v12;
	v12 =	vmul.f32 v13, v9  }
0x101: {  	vm13 =	vmor vm14, vm0;
	v13 =	vsub.f32 v11, v16;
	v11 =	vsub.f32 v16, v11  }
0x102: {  	vm10 =	vmmov vm10;
	v10 =	vadd.f32 v10, v6;
	v14 =	vadd.f32 $2.000000030e-01, v12  }
0x103: {  	p0 =	slt.s32 s24, $0x221C;
	vm7 =	vmmov vm7;
	v6 =	vsel vm12, v13, v11;
	vm12 =	vmand vm13, vm11  }
0x104: {  	s5 =	simm.s32 $0x140;
	s24 =	simm.s32 @!p0 $0x221C;
	v10 =	vnsel vm13, $0x0, v10;
	v13 =	vand.u32 $0x7FFFFFFF, v6;
	v11 =	vmul.f32 v14, v9;
	v12 =	vpop (erf)  }
.LBB2_5:
0x105: {  	v13 =	vsub.f32 $0.0e+00, v13  }
0x106: {  	v12 =	vmul.f32 v12, v8;
	v8 =	vpop (erf);
	v14 =	vnsel vm12, $0x0, v10;
	vm11 =	vmmov vm3  }
0x107: {  	p0 =	sne.s32 s5, $0x8840;
	[tilespmem:s0+$0x6780] =	vst v10;
	vm3 =	vmmov vm4;
	vm4 =	vmmov vm8;
	s6 =	smov.u32 s5;
	s5 =	sadd.s32 $0x40, s5;
	v10 =	vadd.f32 $2.000000000e+00, v8  }
0x108: {  	s6 =	sshra.s32 s6, $0x2;
	v11 =	vadd.f32 $3.333333430e-01, v11;
	[tilespmem:s0+$0x8A00] =	vst v14;
	vm8 =	vgt.f32 v14, $0.0e+00;
	s0 =	smov.u32 s1;
	s1 =	smov.u32 s20;
	v13 =	vmul.f32 $1.442695020e+00, v13  }
0x109: {  	s20 =	smov.u32 s3;
	s3 =	smov.u32 s4;
	v14 =	vld [tilespmem:s6+$0x4500];
	v15 =	vmul.f32 v12, v12;
	v16 =	vsel vm8, $0x1, v0;
	s4 =	smov.u32 s6;
	vm8 =	vmmov vm2  }
0x10a: {  	v17 =	vld [tilespmem:s4+$0x0];
	(erf) = vrcp.f32 v10;
	v10 =	vmul.f32 v11, v9;
	v5 =	vadd.s32 v16, v5  }
0x10b: {  	vm8 =	vmneg @p0 vm8;
	v11 =	vld [tilespmem:s4+$0x2284];
	(erf) = vpow2.f32 v13;
	v13 =	vmul.f32 $1.111111120e-01, v15;
	v9 =	vmovc v15  }
0x10c: {  	vm12 =	vmmov vm9;
	v15 =	vadd.f32 v7, v7;
	v7 =	vmovc v12;
	v10 =	vadd.f32 $1.000000000e+00, v10  }
0x10d: {  	vm9 =	vmmov vm6;
	vm6 =	vmmov vm7;
	v12 =	vadd.f32 $1.428571490e-01, v13  }
0x10e: {  	vm7 =	vmmov vm5;
	v10 =	vmul.f32 v10, v15;
	vm5 =	vlt.s32 v14, $0x1  }
.Ltmp4:
0x10f: {  	v13 =	vmax.f32 v3, $0.0e+00;
	v3 =	vmovc v2;
	v2 =	vmovc v4;
	v4 =	vmov v6;
	v12 =	vmul.f32 v12, v9;
	(pc) =	sbr.rel @p0 .LBB2_5-.Ltmp4, $4  }
0x110: {  	vm13 =	vmor vm10, vm0;
	v6 =	vsub.f32 v11, v17;
	v11 =	vsub.f32 v17, v11  }
0x111: {  	vm10 =	veq.s32 v14, $0x0;
	v10 =	vadd.f32 v10, v13;
	v14 =	vadd.f32 $2.000000030e-01, v12  }
0x112: {  	vm12 =	vmand vm13, vm12;
	v6 =	vsel vm10, v6, v11;
	vm10 =	vmmov vm11  }
0x113: {  	v10 =	vnsel vm13, $0x0, v10;
	v13 =	vand.u32 $0x7FFFFFFF, v6;
	v12 =	vpop (erf);
	v11 =	vmul.f32 v14, v9  }
0x114: {  	v13 =	vsub.f32 $0.0e+00, v13;
	v14 =	vpop (erf)  }
0x115: {  	v15 =	vadd.f32 $2.000000000e+00, v14  }
0x116: {  	v13 =	vmul.f32 $1.442695020e+00, v13  }
0x117: {  	(erf) = vrcp.f32 v15  }
0x118: {  	(erf) = vpow2.f32 v13;
	_ =	sdelay $0x7  }
0x119: {  	v44 =	vpop (erf)  }
0x11a: {  	v13 =	vpop (erf)  }
0x11b: {  	v8 =	vmul.f32 v12, v8;
	v16 =	vadd.f32 $2.000000000e+00, v13;
	_ =	sdelay $0x1  }
0x11c: {  	v45 =	vmul.f32 v8, v8;
	(erf) = vrcp.f32 v16;
	_ =	sdelay $0x1  }
0x11d: {  	v46 =	vmul.f32 $1.111111120e-01, v45;
	_ =	sdelay $0x1  }
0x11e: {  	v16 =	vadd.f32 $1.428571490e-01, v46;
	_ =	sdelay $0x1  }
0x11f: {  	v48 =	vnsel vm12, $0x0, v10;
	v7 =	vadd.f32 v7, v7;
	v16 =	vmul.f32 v16, v45  }
0x120: {  	v3 =	vmax.f32 v3, $0.0e+00;
	vm9 =	vmmov vm9;
	v11 =	vadd.f32 $3.333333430e-01, v11  }
0x121: {  	vm10 =	vmor vm10, vm0;
	v2 =	vmax.f32 v2, $0.0e+00;
	v47 =	vadd.f32 $2.000000030e-01, v16  }
0x122: {  	vm3 =	vmmov vm3;
	v9 =	vmul.f32 v11, v9;
	v12 =	vmul.f32 v44, v14;
	v50 =	vpop (erf)  }
0x123: {  	vm4 =	vmmov vm4;
	v11 =	vmul.f32 v47, v45;
	v13 =	vmul.f32 v50, v13  }
0x124: {  	vm8 =	vmmov vm8;
	vm6 =	vmmov vm6;
	v51 =	vmul.f32 v12, v12  }
0x125: {  	vm7 =	vmmov vm7;
	v11 =	vadd.f32 $3.333333430e-01, v11;
	v14 =	vmul.f32 v13, v13  }
0x126: {  	vm5 =	vmmov vm5;
	v4 =	vmax.f32 v4, $0.0e+00;
	v52 =	vmul.f32 $1.111111120e-01, v51  }
0x127: {  	v6 =	vmax.f32 v6, $0.0e+00;
	v11 =	vmul.f32 v11, v45;
	v17 =	vmul.f32 $1.111111120e-01, v14  }
0x128: {  	vm11 =	vgt.f32 v48, $0.0e+00;
	v8 =	vadd.f32 v8, v8;
	v15 =	vadd.f32 $1.428571490e-01, v52  }
0x129: {  	vm9 =	vmand vm10, vm9;
	v11 =	vadd.f32 $1.000000000e+00, v11;
	v54 =	vadd.f32 $1.428571490e-01, v17  }
0x12a: {  	vm3 =	vmmov vm3;
	vm4 =	vmmov vm4;
	v15 =	vmul.f32 v15, v51  }
0x12b: {  	vm8 =	vmmov vm8;
	v8 =	vmul.f32 v11, v8;
	v56 =	vmul.f32 v54, v14  }
0x12c: {  	vm6 =	vmmov vm6;
	v9 =	vadd.f32 $1.000000000e+00, v9;
	v57 =	vadd.f32 $2.000000030e-01, v15  }
0x12d: {  	vm7 =	vmmov vm7;
	v2 =	vadd.f32 v8, v2;
	v8 =	vadd.f32 $2.000000030e-01, v56  }
0x12e: {  	vm5 =	vmmov vm5;
	v49 =	vsel vm11, $0x1, v0;
	v11 =	vmul.f32 v57, v51  }
0x12f: {  	vm3 =	vmor vm3, vm0;
	v7 =	vmul.f32 v9, v7;
	v8 =	vmul.f32 v8, v14  }
0x130: {  	vm4 =	vmmov vm4;
	vm7 =	vmmov vm7;
	v11 =	vadd.f32 $3.333333430e-01, v11  }
0x131: {  	vm5 =	vmmov vm5;
	v3 =	vadd.f32 v7, v3;
	v8 =	vadd.f32 $3.333333430e-01, v8  }
0x132: {  	v5 =	vadd.s32 v49, v5;
	vm6 =	vmand vm3, vm6;
	v7 =	vmul.f32 v11, v51  }
0x133: {  	vm4 =	vmor vm4, vm0;
	v3 =	vnsel vm10, $0x0, v3;
	v8 =	vmul.f32 v8, v14  }
0x134: {  	v53 =	vnsel vm9, $0x0, v3;
	v12 =	vadd.f32 v12, v12;
	v7 =	vadd.f32 $1.000000000e+00, v7  }
0x135: {  	vm9 =	vgt.f32 v53, $0.0e+00;
	v13 =	vadd.f32 v13, v13;
	v8 =	vadd.f32 $1.000000000e+00, v8  }
0x136: {  	vm15 =	vmmov vm5;
	v55 =	vsel vm9, $0x1, v0;
	v7 =	vmul.f32 v7, v12  }
0x137: {  	vm7 =	vmand vm4, vm7;
	v5 =	vadd.s32 v55, v5;
	v8 =	vmul.f32 v8, v13  }
0x138: {  	v2 =	vnsel vm3, $0x0, v2;
	vm3 =	vmmov vm8;
	v4 =	vadd.f32 v7, v4  }
0x139: {  	v58 =	vnsel vm6, $0x0, v2;
	vm3 =	vmmov vm3;
	v6 =	vadd.f32 v8, v6  }
0x13a: {  	vm6 =	vgt.f32 v58, $0.0e+00;
	vm3 =	vmor vm3, vm0;
	v4 =	vnsel vm4, $0x0, v4  }
0x13b: {  	vm4 =	vmand vm3, vm15;
	v59 =	vnsel vm7, $0x0, v4;
	v6 =	vnsel vm3, $0x0, v6  }
0x13c: {  	v60 =	vsel vm6, $0x1, v0;
	vm3 =	vgt.f32 v59, $0.0e+00;
	v61 =	vnsel vm4, $0x0, v6  }
0x13d: {  	v5 =	vadd.s32 v60, v5;
	v62 =	vsel vm3, $0x1, v0;
	vm3 =	vgt.f32 v61, $0.0e+00  }
0x13e: {  	v5 =	vadd.s32 v62, v5;
	v63 =	vsel vm3, $0x1, v0  }
0x13f: {  	v5 =	vadd.s32 v63, v5  }
0x140: {  	(xrf0) =	vadd.scan.msk.s32 $0xffff, v5;
	_ =	sdelay $0x5  }
0x141: {  	v5, _, _ =	vpop (xrf0)  }
0x142: {  	(v2sf) =	vpush v5, $0xF;
	_ =	sdelay $0xb  }
0x143: {  	[tilespmem:s0+$0x6780] =	vst v10  }
0x144: {  	[tilespmem:s0+$0x8A00] =	vst v48  }
0x145: {  	[tilespmem:s1+$0x6780] =	vst v3  }
0x146: {  	[tilespmem:s1+$0x8A00] =	vst v53;
	s5 =	spop (v2sf)  }
0x147: {  	[tilespmem:s20+$0x6780] =	vst v2;
	p0 =	sgt.s32 s24, s5  }
.Ltmp5:
0x148: {  	[tilespmem:s20+$0x8A00] =	vst v58;
	(pc) =	sbr.rel @!p0 .LBB2_7-.Ltmp5, $4  }
0x149: {  	[tilespmem:s3+$0x6780] =	vst v4  }
0x14a: {  	[tilespmem:s3+$0x8A00] =	vst v59  }
0x14b: {  	[tilespmem:s4+$0x6780] =	vst v6  }
0x14c: {  	s0 =	simm.s32 $0x7FFFFFFF;
	s1 =	simm.s32 $0x0;
	s3 =	simm.s32 $0x0;
	[tilespmem:s4+$0x8A00] =	vst v61  }
0x14d: {  	s0 =	ssub.s32 s24, s5;
	s1 =	simm.s32 $0x0  }
0x14e: {  	s5 =	simm.s32 $0x221C;
	s3 =	simm.s32 $0x0;
	s4 =	simm.s32 $0x0  }
.LBB2_14:
0x14f: {  	s6 =	ssub.s32 s5, s3;
	p0 =	sne.s32 s5, s3;
	s7 =	simm.s32 $0x1  }
0x150: {  	s20 =	sshra.s32 s6, $0x1F;
	s7 =	simm.s32 @!p0 $0x0  }
0x151: {  	s31 =	simm.s32 $0x8A00;
	s30 =	sand.u32 $0x1, s6;
	s7 =	sor.u32 s7, s20  }
0x152: {  	s24 =	sshrl.u32 s6, $0x1F;
	p1 =	seq.s32 s30, $0x1;
	p6 =	sne.s32 s7, $0x1  }
0x153: {  	v5 =	vld [tilespmem:s31+$0x0];
	s6 =	sadd.s32 s24, s6;
	p0 =	por !p6, !p1  }
0x154: {  	s6 =	sshra.s32 s6, $0x1;
	s7 =	simm.s32 $0x1;
	p0 =	por !p0, !p0  }
0x155: {  	s6 =	sadd.s32 s3, s6;
	s7 =	simm.s32 @!p0 $0x0  }
0x156: {  	s6 =	ssub.s32 s6, s7  }
0x157: {  	v4 =	vor.u32 s1, v1;
	v3 =	vmov s6  }
0x158: {  	v2 =	vimm.s32 $0x0;
	s20 =	simm.s32 $0x10;
	s24 =	simm.s32 $0x8A10;
	vm3 =	veq.f32 v5, $0.0e+00;
	vm4 =	vlt.s32 v4, v3  }
.LBB2_15:
0x159: {  	v5 =	vld [tilespmem:s24+$0x0];
	p0 =	sne.s32 s20, $0x2210;
	vm3 =	vmand vm4, vm3;
	vm4 =	vlt.u32 v4, $0x221C;
	s7 =	smov.u32 s20;
	s20 =	sadd.s32 $0x10, s20  }
.Ltmp6:
0x15a: {  	vm3 =	vmand vm4, vm3;
	(pc) =	sbr.rel @p0 .LBB2_15-.Ltmp6, $4  }
0x15b: {  	v4 =	vsel vm3, $0x1, v0  }
0x15c: {  	v2 =	vadd.s32 v4, v2  }
0x15d: {  	v4 =	vor.u32 s7, v1  }
0x15e: {  	s24 =	sadd.s32 $0x10, s24;
	vm4 =	vlt.s32 v4, v3;
	vm3 =	veq.f32 v5, $0.0e+00  }
0x15f: {  	vm3 =	vmand vm4, vm3;
	vm15 =	vlt.u32 v4, $0x221C  }
0x160: {  	vm3 =	vmand vm15, vm3  }
0x161: {  	v3 =	vsel vm3, $0x1, v0  }
0x162: {  	v2 =	vadd.s32 v3, v2  }
0x163: {  	(xrf0) =	vadd.scan.msk.s32 $0xffff, v2;
	_ =	sdelay $0x5  }
0x164: {  	v2, _, _ =	vpop (xrf0)  }
0x165: {  	(v2sf) =	vpush v2, $0xF;
	_ =	sdelay $0xb  }
0x166: {  	s4 =	sadd.s32 $0x1, s4  }
0x167: {  	p1 =	seq.s32 s4, $0xE  }
.Ltmp7:
0x168: {  	_ = 	snop;
	(pc) =	sbr.rel @!p1 .LBB2_14-.Ltmp7, $4  }
0x169: {  	s7 =	spop (v2sf)  }
0x16a: {  	p0 =	slt.s32 s7, s0  }
0x16b: {  	s7 =	sadd.s32 $0x1, s6;
	s6 =	smov.u32 @p0 s5  }
0x16c: {  	s3 =	smov.u32 @p0 s7;
	s5 =	smov.u32 s6  }
0x16d: {  	s31 =	simm.s32 $0x8A00  }
0x16e: {  	v6 =	vld [tilespmem:s31+$0x0];
	_ =	sdelay $0x1  }
0x16f: {  	s0 =	simm.s32 $0x6780  }
0x170: {  	s1 =	simm.s32 $0x0;
	v4 =	vld [tilespmem:s0+$0x0]  }
0x171: {  	v3 =	vmov s3;
	v5 =	vor.u32 s1, v1  }
0x172: {  	v2 =	vimm.f32 $0.0e+00;
	s3 =	simm.s32 $0x8A10;
	s1 =	simm.s32 $0x10;
	vm4 =	vlt.s32 v5, v3;
	vm3 =	veq.f32 v6, $0.0e+00  }
.LBB2_18:
0x173: {  	v6 =	vld [tilespmem:s3+$0x0];
	p0 =	sne.s32 s1, $0x2210;
	vm3 =	vmand vm4, vm3;
	vm4 =	vlt.u32 v5, $0x221C;
	s4 =	smov.u32 s1;
	s1 =	sadd.s32 $0x10, s1  }
.Ltmp8:
0x174: {  	vm3 =	vmand vm4, vm3;
	(pc) =	sbr.rel @p0 .LBB2_18-.Ltmp8, $4  }
0x175: {  	s0 =	sadd.s32 $0x10, s0;
	v5 =	vnsel vm3, $0x0, v4  }
0x176: {  	v4 =	vld [tilespmem:s0+$0x0];
	v2 =	vadd.f32 v5, v2  }
0x177: {  	v5 =	vor.u32 s4, v1  }
0x178: {  	s3 =	sadd.s32 $0x10, s3;
	vm4 =	vlt.s32 v5, v3;
	vm3 =	veq.f32 v6, $0.0e+00  }
0x179: {  	vm3 =	vmand vm4, vm3;
	vm15 =	vlt.u32 v5, $0x221C  }
0x17a: {  	vm3 =	vmand vm15, vm3  }
0x17b: {  	v3 =	vnsel vm3, $0x0, v4  }
0x17c: {  	v2 =	vadd.f32 v3, v2;
	_ =	sdelay $0x1  }
0x17d: {  	(xrf2) =	vadd.scan.msk.f32 $0xffff, v2;
	_ =	sdelay $0x9  }
0x17e: {  	v2, _, _ =	vpop (xrf2)  }
0x17f: {  	(v2sf) =	vpush v2, $0xF;
	_ =	sdelay $0xb  }
.Ltmp9:
0x180: {  	_ = 	snop;
	(pc) =	sbr.rel .LBB2_20-.Ltmp9, $4  }
0x181: {  	_ = 	snop  }
0x182: {  	s0 =	ssub.f32 s28, s26  }
0x183: {  	s1 =	spop (v2sf)  }
0x184: {  	s28 =	sadd.f32 s1, s0  }
.LBB2_7:
0x185: {  	s4 =	ssub.s32 s0, s3;
	p0 =	sne.s32 s0, s3;
	s5 =	simm.s32 $0x1  }
0x186: {  	s6 =	sshra.s32 s4, $0x1F;
	s5 =	simm.s32 @!p0 $0x0  }
0x187: {  	s30 =	sand.u32 $0x1, s4;
	s5 =	sor.u32 s5, s6  }
0x188: {  	s7 =	sshrl.u32 s4, $0x1F;
	p1 =	seq.s32 s30, $0x1;
	p6 =	sne.s32 s5, $0x1  }
0x189: {  	s4 =	sadd.s32 s7, s4;
	p0 =	por !p6, !p1  }
0x18a: {  	s4 =	sshra.s32 s4, $0x1;
	s5 =	simm.s32 $0x1;
	p0 =	por !p0, !p0  }
0x18b: {  	s31 =	simm.s32 $0x0;
	s4 =	sadd.s32 s3, s4;
	s5 =	simm.s32 @!p0 $0x0  }
0x18c: {  	v4 =	vld [tilespmem:s31+$0x8A00];
	s4 =	ssub.s32 s4, s5  }
0x18d: {  	v2 =	vimm.s32 $0x0;
	s5 =	simm.s32 $0x40;
	v3 =	vmov s4  }
.LBB2_8:
0x18e: {  	p0 =	sne.s32 s5, $0x8840  }
.Ltmp10:
0x18f: {  	_ = 	snop;
	(pc) =	sbr.rel @p0 .LBB2_8-.Ltmp10, $4  }
0x190: {  	_ = 	snop  }
0x191: {  	s6 =	sshra.s32 s5, $0x2;
	s5 =	sadd.s32 $0x40, s5;
	vm3 =	vgt.s32 v4, v3  }
0x192: {  	v4 =	vld [tilespmem:s6+$0x8A00];
	v5 =	vsel vm3, $0x1, v0  }
0x193: {  	v2 =	vadd.s32 v5, v2  }
0x194: {  	_ =	sdelay $0x2  }
0x195: {  	vm3 =	vgt.s32 v4, v3  }
0x196: {  	v3 =	vsel vm3, $0x1, v0  }
0x197: {  	v2 =	vadd.s32 v3, v2  }
0x198: {  	(xrf0) =	vadd.scan.msk.s32 $0xffff, v2;
	_ =	sdelay $0x5  }
0x199: {  	v2, _, _ =	vpop (xrf0)  }
0x19a: {  	(v2sf) =	vpush v2, $0xF;
	_ =	sdelay $0xb  }
0x19b: {  	s1 =	sadd.s32 $0x1, s1  }
0x19c: {  	p1 =	seq.s32 s1, $0x1F  }
.Ltmp11:
0x19d: {  	_ = 	snop;
	(pc) =	sbr.rel @!p1 .LBB2_7-.Ltmp11, $4  }
0x19e: {  	s5 =	spop (v2sf)  }
0x19f: {  	p0 =	slt.s32 s5, s24;
	s5 =	sadd.s32 $0x1, s4  }
0x1a0: {  	s5 =	smov.u32 @p0 s3  }
0x1a1: {  	s0 =	smov.u32 @p0 s4;
	s3 =	smov.u32 s5  }
0x1a2: {  	s1 =	simm.s32 $0x0  }
0x1a3: {  	v5 =	vld [tilespmem:s1+$0x8A00]  }
0x1a4: {  	v2 =	vmov s5;
	v3 =	vimm.s32 $0x0;
	v4 =	vimm.f32 $0.0e+00;
	s0 =	simm.s32 $0x40  }
.LBB2_11:
0x1a5: {  	p0 =	sne.s32 s0, $0x8840  }
.Ltmp12:
0x1a6: {  	_ = 	snop;
	(pc) =	sbr.rel @p0 .LBB2_11-.Ltmp12, $4  }
0x1a7: {  	_ = 	snop  }
0x1a8: {  	s1 =	sshra.s32 s0, $0x2;
	s0 =	sadd.s32 $0x40, s0;
	vm3 =	vlt.s32 v2, v5  }
0x1a9: {  	v6 =	vsel vm3, $0x1, v0;
	v7 =	vnsel vm3, $0x0, v5;
	v5 =	vld [tilespmem:s1+$0x8A00]  }
0x1aa: {  	v3 =	vadd.s32 v6, v3;
	v4 =	vadd.f32 v7, v4  }
0x1ab: {  	_ =	sdelay $0x2  }
0x1ac: {  	vm3 =	vlt.s32 v2, v5  }
0x1ad: {  	v5 =	vnsel vm3, $0x0, v5  }
0x1ae: {  	v4 =	vadd.f32 v5, v4  }
0x1af: {  	vm4 =	vmmov $0x1  }
0x1b0: {  	v2 =	vnsel vm4, $0x0, v2;
	v63 =	vsel vm3, $0x1, v0;
	(xrf2) =	vadd.scan.msk.f32 $0xffff, v4  }
0x1b1: {  	v3 =	vadd.s32 v63, v3;
	(xrf2) =	vadd.scan.msk.f32 $0xffff, v2  }
0x1b2: {  	(xrf0) =	vadd.scan.msk.s32 $0xffff, v3;
	_ =	sdelay $0x5  }
0x1b3: {  	v2, _, _ =	vpop (xrf0)  }
0x1b4: {  	(v2sf) =	vpush v2, $0xF  }
0x1b5: {  	v2, _, _ =	vpop (xrf2)  }
0x1b6: {  	(v2sf) =	vpush v2, $0xF;
	v2, _, _ =	vpop (xrf2)  }
0x1b7: {  	(v2sf) =	vpush v2, $0xF;
	_ =	sdelay $0xb  }
0x1b8: {  	s0 =	spop (v2sf)  }
0x1b9: {  	s0 =	ssub.s32 s24, s0  }
0x1ba: {  	s3 =	scvt.s32.f32 s0;
	s1 =	spop (v2sf)  }
0x1bb: {  	s4 =	spop (v2sf)  }
0x1bc: {  	s3 =	smul.f32 s3, s4  }
0x1bd: {  	p0 =	sgt.s32 s0, $0x0  }
0x1be: {  	s3 =	simm.s32 @!p0 $0x0  }
0x1bf: {  	s28 =	sadd.f32 s3, s1  }
.LBB2_20:
0x1c0: {  	s0 =	simm.s32 $0x0  }
0x1c1: {  	[tilespmem:s0], [sflag:$0x1] =	stream.linear.gather [hbm4b:s11+s0], $0x2220, $0x38;
	[tilespmem:$0xAD00] =	vst v63  }
0x1c2: {  	_ = 	snop  }
0x1c3: {  	[tilespmem:s17], [sflag:$0x1] =	stream.linear.gather [hbm4b:s12+s0], $0x2220, $0x38;
	[tilespmem:$0xAD00] =	vst v63  }
0x1c4: {  	_ = 	snop  }
0x1c5: {  	[tilespmem:s18], [sflag:$0x1] =	stream.linear.gather [hbm4b:s13+s0], $0x2220, $0x38;
	[tilespmem:$0xAD00] =	vst v63  }
0x1c6: {  	_ =	swait.ge [sflag:s19], $0x2220  }
0x1c7: {  	[sflag:s19] =	ssyncset.done $0x0  }
0x1c8: {  	[sflag:s19] =	ssyncadd.s32 $0xFFFFDDE0  }
0x1c9: {  	_ =	swait.ge [sflag:s19], $0x2220  }
0x1ca: {  	[sflag:s19] =	ssyncset.done $0x0  }
0x1cb: {  	[sflag:s19] =	ssyncadd.s32 $0xFFFFDDE0  }
0x1cc: {  	_ =	swait.ge [sflag:s19], $0x2220  }
0x1cd: {  	[sflag:s19] =	ssyncset.done $0x0  }
0x1ce: {  	s7 =	simm.s32 $0x0;
	[sflag:s19] =	ssyncadd.s32 $0xFFFFDDE0  }
0x1cf: {  	v2 =	vld [tilespmem:s7+$0x0]  }
0x1d0: {  	v3 =	vld [tilespmem:s7+$0x2284]  }
0x1d1: {  	v18 =	vld [tilespmem:s7+$0x4504];
	_ =	sdelay $0x3  }
0x1d2: {  	v4 =	vsub.f32 v3, v2;
	v2 =	vsub.f32 v2, v3  }
0x1d3: {  	vm3 =	veq.s32 v18, $0x0  }
0x1d4: {  	s20 =	simm.s32 $0x10;
	v12 =	vsel vm3, v4, v2  }
0x1d5: {  	v3 =	vld [tilespmem:s20+$0x0];
	v2 =	vand.u32 $0x7FFFFFFF, v12  }
0x1d6: {  	v4 =	vld [tilespmem:s20+$0x2284];
	v2 =	vsub.f32 $0.0e+00, v2  }
0x1d7: {  	v7 =	vld [tilespmem:s20+$0x4504]  }
0x1d8: {  	v2 =	vmul.f32 $1.442695020e+00, v2;
	_ =	sdelay $0x1  }
0x1d9: {  	(erf) = vpow2.f32 v2  }
0x1da: {  	v2 =	vsub.f32 v4, v3;
	v3 =	vsub.f32 v3, v4  }
0x1db: {  	s24 =	simm.s32 $0x20;
	vm3 =	veq.s32 v7, $0x0  }
0x1dc: {  	v4 =	vld [tilespmem:s24+$0x2284];
	v11 =	vsel vm3, v2, v3  }
0x1dd: {  	v2 =	vld [tilespmem:s24+$0x0];
	v3 =	vand.u32 $0x7FFFFFFF, v11  }
0x1de: {  	v3 =	vsub.f32 $0.0e+00, v3  }
0x1df: {  	v5 =	vld [tilespmem:s24+$0x4504]  }
0x1e0: {  	v3 =	vmul.f32 $1.442695020e+00, v3;
	_ =	sdelay $0x1  }
0x1e1: {  	v6 =	vsub.f32 v4, v2;
	v8 =	vpop (erf);
	(erf) = vpow2.f32 v3  }
0x1e2: {  	v2 =	vsub.f32 v2, v4;
	v3 =	vadd.f32 $2.000000000e+00, v8  }
0x1e3: {  	vm3 =	veq.s32 v5, $0x0  }
0x1e4: {  	v10 =	vsel vm3, v6, v2;
	(erf) = vrcp.f32 v3  }
0x1e5: {  	v2 =	vand.u32 $0x7FFFFFFF, v10  }
0x1e6: {  	s25 =	simm.s32 $0x30;
	v2 =	vsub.f32 $0.0e+00, v2  }
0x1e7: {  	v4 =	vld [tilespmem:s25+$0x2284]  }
0x1e8: {  	v3 =	vld [tilespmem:s25+$0x0];
	v2 =	vmul.f32 $1.442695020e+00, v2  }
0x1e9: {  	v6 =	vld [tilespmem:s25+$0x4504]  }
0x1ea: {  	v9 =	vpop (erf);
	(erf) = vpow2.f32 v2  }
0x1eb: {  	v2 =	vadd.f32 $2.000000000e+00, v9;
	_ =	sdelay $0x1  }
0x1ec: {  	v13 =	vsub.f32 v4, v3;
	v3 =	vsub.f32 v3, v4;
	v14 =	vpop (erf);
	(erf) = vrcp.f32 v2  }
0x1ed: {  	vm3 =	veq.s32 v6, $0x0;
	v16 =	vmul.f32 v14, v8  }
0x1ee: {  	v8 =	vsel vm3, v13, v3  }
0x1ef: {  	s29 =	simm.s32 $0x40;
	v2 =	vand.u32 $0x7FFFFFFF, v8;
	v13 =	vmul.f32 v16, v16  }
0x1f0: {  	v15 =	vld [tilespmem:s29+$0x0];
	v2 =	vsub.f32 $0.0e+00, v2  }
0x1f1: {  	v17 =	vld [tilespmem:s29+$0x2284];
	v3 =	vmul.f32 $1.111111120e-01, v13  }
0x1f2: {  	v4 =	vld [tilespmem:s29+$0x4504];
	v2 =	vmul.f32 $1.442695020e+00, v2;
	v21 =	vpop (erf)  }
0x1f3: {  	v3 =	vadd.f32 $1.428571490e-01, v3;
	v14 =	vadd.f32 $2.000000000e+00, v21  }
0x1f4: {  	(erf) = vpow2.f32 v2  }
0x1f5: {  	v2 =	vmul.f32 v3, v13;
	v19 =	vpop (erf);
	(erf) = vrcp.f32 v14  }
0x1f6: {  	s30 =	simm.s32 $0x50;
	v14 =	vmul.f32 v19, v9;
	v9 =	vsub.f32 v17, v15;
	v15 =	vsub.f32 v15, v17  }
0x1f7: {  	v22 =	vld [tilespmem:s30+$0x2284];
	vm3 =	veq.s32 v4, $0x0;
	v2 =	vadd.f32 $2.000000030e-01, v2  }
0x1f8: {  	v3 =	vld [tilespmem:s30+$0x4504];
	v9 =	vsel vm3, v9, v15  }
0x1f9: {  	v17 =	vld [tilespmem:s30+$0x0];
	v19 =	vmul.f32 v14, v14;
	v2 =	vmul.f32 v2, v13;
	v20 =	vand.u32 $0x7FFFFFFF, v9  }
0x1fa: {  	v20 =	vsub.f32 $0.0e+00, v20  }
0x1fb: {  	v23 =	vmul.f32 $1.111111120e-01, v19;
	v24 =	vadd.f32 $3.333333430e-01, v2;
	_ =	sdelay $0x1  }
0x1fc: {  	v23 =	vadd.f32 $1.428571490e-01, v23;
	v13 =	vmul.f32 v24, v13;
	v24 =	vmul.f32 $1.442695020e+00, v20  }
0x1fd: {  	vm3 =	veq.s32 v3, $0x0;
	v25 =	vsub.f32 v22, v17;
	v17 =	vsub.f32 v17, v22;
	v20 =	vpop (erf)  }
0x1fe: {  	v23 =	vmul.f32 v23, v19;
	v22 =	vpop (erf);
	(erf) = vpow2.f32 v24;
	v24 =	vadd.f32 $2.000000000e+00, v20  }
0x1ff: {  	s31 =	simm.s32 $0x60;
	v26 =	vadd.f32 v16, v16;
	v27 =	vadd.f32 $1.000000000e+00, v13;
	v13 =	vsel vm3, v25, v17  }
0x200: {  	vm3 =	vgt.s32 v18, $0x0;
	v18 =	vld [tilespmem:s31+$0x2284];
	v17 =	vadd.f32 $2.000000030e-01, v23;
	(erf) = vrcp.f32 v24  }
0x201: {  	v16 =	vmul.f32 v22, v21;
	v23 =	vmax.f32 v12, $0.0e+00;
	v12 =	vld [tilespmem:s31+$0x4504];
	v21 =	vmul.f32 v27, v26  }
0x202: {  	v15 =	vimm.f32 $0.0e+00;
	v25 =	vmul.f32 v17, v19;
	v17 =	vld [tilespmem:s31+$0x0]  }
0x203: {  	v24 =	vand.u32 $0x7FFFFFFF, v13;
	v22 =	vmul.f32 v16, v16;
	v21 =	vadd.f32 v21, v23  }
0x204: {  	v2 =	vimm.s32 $0x0;
	v27 =	vsub.f32 $0.0e+00, v24;
	v23 =	vimm.f32 $0.0e+00  }
0x205: {  	s0 =	simm.s32 $0x1C0;
	v26 =	vmul.f32 $1.111111120e-01, v22;
	v24 =	vadd.f32 $3.333333430e-01, v25;
	v25 =	vnsel vm3, $0x0, v21  }
.LBB2_21:
0x206: {  	p0 =	sne.s32 s0, $0x8800;
	vm4 =	veq.s32 v12, $0x0;
	v27 =	vmul.f32 $1.442695020e+00, v27;
	v15 =	vadd.f32 v25, v15;
	v28 =	vmovc v3;
	v3 =	vmovc v12  }
0x207: {  	v25 =	vsub.f32 v18, v17;
	v29 =	vpop (erf);
	v12 =	vadd.f32 $1.428571490e-01, v26;
	v32 =	vmul.f32 v24, v19  }
0x208: {  	v17 =	vsub.f32 v17, v18;
	v24 =	vmovc v9;
	v9 =	vmovc v13;
	(erf) = vpow2.f32 v27;
	v18 =	vadd.f32 $2.000000000e+00, v29  }
0x209: {  	s1 =	sshra.s32 s0, $0x2;
	v30 =	vadd.f32 v14, v14;
	v26 =	vpop (erf);
	v27 =	vmul.f32 v12, v22;
	v31 =	vadd.f32 $1.000000000e+00, v32  }
0x20a: {  	v14 =	vmovc v16;
	v19 =	vmovc v22;
	v13 =	vsel vm4, v25, v17;
	v25 =	vsel vm3, $0x1, v0;
	v12 =	vld [tilespmem:s1+$0x4504];
	(erf) = vrcp.f32 v18  }
.Ltmp13:
0x20b: {  	v16 =	vmul.f32 v26, v20;
	v20 =	vmovc v29;
	v17 =	vld [tilespmem:s1+$0x0];
	v26 =	vadd.f32 $2.000000030e-01, v27;
	v27 =	vmul.f32 v31, v30;
	(pc) =	sbr.rel @p0 .LBB2_21-.Ltmp13, $4  }
0x20c: {  	v23 =	vadd.f32 v21, v23;
	v29 =	vand.u32 $0x7FFFFFFF, v13;
	v30 =	vmax.f32 v11, $0.0e+00;
	v11 =	vmovc v10;
	v10 =	vmovc v8;
	v18 =	vld [tilespmem:s1+$0x2284]  }
0x20d: {  	v8 =	vmovc v24;
	v22 =	vmul.f32 v16, v16;
	v31 =	vmul.f32 v26, v19;
	v21 =	vadd.f32 v27, v30  }
0x20e: {  	vm3 =	vgt.s32 v7, $0x0;
	v7 =	vmovc v5;
	v5 =	vmovc v6;
	v2 =	vadd.s32 v25, v2;
	v27 =	vsub.f32 $0.0e+00, v29  }
0x20f: {  	s0 =	sadd.s32 $0x40, s0;
	v6 =	vmovc v4;
	v4 =	vmovc v28;
	v26 =	vmul.f32 $1.111111120e-01, v22;
	v24 =	vadd.f32 $3.333333430e-01, v31;
	v25 =	vnsel vm3, $0x0, v21  }
0x210: {  	_ = 	snop  }
0x211: {  	v28 =	vsub.f32 v18, v17;
	v40 =	vsub.f32 v17, v18  }
0x212: {  	vm4 =	veq.s32 v12, $0x0  }
0x213: {  	v17 =	vsel vm4, v28, v40  }
0x214: {  	v41 =	vand.u32 $0x7FFFFFFF, v17  }
0x215: {  	v27 =	vmul.f32 $1.442695020e+00, v27;
	v42 =	vpop (erf);
	v18 =	vsub.f32 $0.0e+00, v41  }
0x216: {  	v29 =	vadd.f32 $2.000000000e+00, v42  }
0x217: {  	(erf) = vpow2.f32 v27;
	v18 =	vmul.f32 $1.442695020e+00, v18  }
0x218: {  	v43 =	vld [tilespmem:$0x2210];
	(erf) = vrcp.f32 v29  }
0x219: {  	v44 =	vld [tilespmem:$0x4494];
	(erf) = vpow2.f32 v18  }
0x21a: {  	v18 =	vld [tilespmem:$0x6714];
	_ =	sdelay $0x3  }
0x21b: {  	v30 =	vsub.f32 v44, v43;
	v27 =	vsub.f32 v43, v44  }
0x21c: {  	v45 =	vpop (erf);
	vm13 =	veq.s32 v18, $0x0  }
0x21d: {  	v31 =	vpop (erf);
	v27 =	vsel vm13, v30, v27  }
0x21e: {  	v46 =	vpop (erf);
	v32 =	vand.u32 $0x7FFFFFFF, v27  }
0x21f: {  	v33 =	vadd.f32 $2.000000000e+00, v31;
	v32 =	vsub.f32 $0.0e+00, v32;
	v34 =	vpop (erf)  }
0x220: {  	v35 =	vadd.f32 $2.000000000e+00, v34  }
0x221: {  	(erf) = vrcp.f32 v33;
	v32 =	vmul.f32 $1.442695020e+00, v32  }
0x222: {  	(erf) = vrcp.f32 v35  }
0x223: {  	(erf) = vpow2.f32 v32;
	_ =	sdelay $0x6  }
0x224: {  	v14 =	vadd.f32 v14, v14;
	v26 =	vadd.f32 $1.428571490e-01, v26;
	v20 =	vmul.f32 v45, v20;
	v33 =	vpop (erf)  }
0x225: {  	v15 =	vadd.f32 v25, v15;
	v21 =	vadd.f32 v21, v23;
	v19 =	vmul.f32 v24, v19;
	v50 =	vpop (erf)  }
0x226: {  	v11 =	vmax.f32 v11, $0.0e+00;
	v26 =	vmul.f32 v26, v22;
	v29 =	vmul.f32 v20, v20;
	v51 =	vpop (erf)  }
0x227: {  	vm5 =	vgt.s32 v7, $0x0;
	v59 =	vadd.f32 v16, v16;
	v53 =	vadd.f32 $2.000000000e+00, v51  }
0x228: {  	v19 =	vadd.f32 $1.000000000e+00, v19;
	v48 =	vadd.f32 $2.000000030e-01, v26;
	v47 =	vmul.f32 $1.111111120e-01, v29  }
0x229: {  	v10 =	vmax.f32 v10, $0.0e+00;
	vm14 =	vgt.s32 v5, $0x0;
	(erf) = vrcp.f32 v53  }
0x22a: {  	v14 =	vmul.f32 v19, v14;
	v24 =	vmul.f32 v48, v22;
	v49 =	vadd.f32 $1.428571490e-01, v47  }
0x22b: {  	v8 =	vmax.f32 v8, $0.0e+00;
	vm6 =	vgt.s32 v6, $0x0;
	v9 =	vmax.f32 v9, $0.0e+00  }
0x22c: {  	v11 =	vadd.f32 v14, v11;
	v24 =	vadd.f32 $3.333333430e-01, v24;
	v52 =	vmul.f32 v49, v29  }
0x22d: {  	vm7 =	vgt.s32 v4, $0x0;
	vm15 =	vgt.s32 v12, $0x0;
	v54 =	vmul.f32 v46, v42  }
0x22e: {  	v63 =	vnsel vm5, $0x0, v11;
	v56 =	vmul.f32 v24, v22;
	v55 =	vadd.f32 $2.000000030e-01, v52  }
0x22f: {  	v11 =	vadd.f32 v11, v21;
	v57 =	vmul.f32 v54, v54;
	v62 =	vmul.f32 v33, v31  }
0x230: {  	v15 =	vadd.f32 v63, v15;
	v60 =	vadd.f32 $1.000000000e+00, v56;
	v58 =	vmul.f32 v55, v29  }
0x231: {  	v52 =	vmax.f32 v13, $0.0e+00;
	v61 =	vmul.f32 $1.111111120e-01, v57;
	v28 =	vmul.f32 v62, v62  }
0x232: {  	v14 =	vmul.f32 v60, v59;
	v7 =	vadd.f32 $3.333333430e-01, v58;
	v36 =	vmul.f32 v50, v34;
	v37 =	vpop (erf)  }
0x233: {  	v26 =	vadd.f32 $1.428571490e-01, v61;
	v31 =	vmul.f32 $1.111111120e-01, v28;
	v39 =	vmul.f32 v37, v51  }
0x234: {  	v30 =	vadd.f32 v20, v20;
	v7 =	vmul.f32 v7, v29;
	v41 =	vmul.f32 v36, v36  }
0x235: {  	v29 =	vmul.f32 v26, v57;
	v38 =	vadd.f32 $1.428571490e-01, v31;
	v42 =	vmul.f32 v39, v39  }
0x236: {  	v19 =	vadd.f32 v54, v54;
	v10 =	vadd.f32 v14, v10;
	v43 =	vmul.f32 $1.111111120e-01, v41  }
0x237: {  	v33 =	vadd.f32 $2.000000030e-01, v29;
	v16 =	vmul.f32 v38, v28;
	v44 =	vmul.f32 $1.111111120e-01, v42  }
0x238: {  	v40 =	vnsel vm14, $0x0, v10;
	v7 =	vadd.f32 $1.000000000e+00, v7;
	v45 =	vadd.f32 $1.428571490e-01, v43  }
0x239: {  	v5 =	vmul.f32 v33, v57;
	v16 =	vadd.f32 $2.000000030e-01, v16;
	v47 =	vadd.f32 $1.428571490e-01, v44  }
0x23a: {  	v10 =	vadd.f32 v10, v11;
	v7 =	vmul.f32 v7, v30;
	v6 =	vmul.f32 v45, v41  }
0x23b: {  	v5 =	vadd.f32 $3.333333430e-01, v5;
	v46 =	vmul.f32 v16, v28;
	v11 =	vmul.f32 v47, v42  }
0x23c: {  	v59 =	vmax.f32 v27, $0.0e+00;
	v7 =	vadd.f32 v7, v8;
	v6 =	vadd.f32 $2.000000030e-01, v6  }
0x23d: {  	v5 =	vmul.f32 v5, v57;
	v8 =	vadd.f32 $3.333333430e-01, v46;
	v11 =	vadd.f32 $2.000000030e-01, v11  }
0x23e: {  	v15 =	vadd.f32 v40, v15;
	v49 =	vadd.f32 v62, v62;
	v6 =	vmul.f32 v6, v41  }
0x23f: {  	v5 =	vadd.f32 $1.000000000e+00, v5;
	v8 =	vmul.f32 v8, v28;
	v11 =	vmul.f32 v11, v42  }
0x240: {  	v48 =	vnsel vm6, $0x0, v7;
	v7 =	vadd.f32 v7, v10;
	v6 =	vadd.f32 $3.333333430e-01, v6  }
0x241: {  	v5 =	vmul.f32 v5, v19;
	v8 =	vadd.f32 $1.000000000e+00, v8;
	v51 =	vadd.f32 $3.333333430e-01, v11  }
0x242: {  	v15 =	vadd.f32 v48, v15;
	v54 =	vadd.f32 v36, v36;
	v6 =	vmul.f32 v6, v41  }
0x243: {  	v5 =	vadd.f32 v5, v9;
	v50 =	vmul.f32 v8, v49;
	v8 =	vmul.f32 v51, v42  }
0x244: {  	v53 =	vsel vm3, $0x1, v0;
	vm3 =	vgt.s32 v3, $0x0;
	v6 =	vadd.f32 $1.000000000e+00, v6  }
0x245: {  	v9 =	vnsel vm7, $0x0, v5;
	v56 =	vadd.f32 v39, v39;
	v8 =	vadd.f32 $1.000000000e+00, v8  }
0x246: {  	v5 =	vadd.f32 v5, v7;
	v4 =	vadd.f32 v50, v52;
	v3 =	vmul.f32 v6, v54  }
0x247: {  	v58 =	vmax.f32 v17, $0.0e+00;
	v9 =	vadd.f32 v9, v15;
	v8 =	vmul.f32 v8, v56  }
0x248: {  	v57 =	vnsel vm3, $0x0, v4;
	v4 =	vadd.f32 v4, v5;
	v3 =	vadd.f32 v3, v58  }
0x249: {  	vm8 =	vgt.s32 v18, $0x0;
	v6 =	vadd.f32 v57, v9;
	v5 =	vadd.f32 v8, v59  }
0x24a: {  	vm8 =	vmand vm8, vm0;
	v7 =	vnsel vm15, $0x0, v3;
	v3 =	vadd.f32 v3, v4  }
0x24b: {  	v55 =	vsel vm5, $0x1, v0;
	v60 =	vadd.f32 v7, v6;
	v5 =	vnsel vm0, $0x0, v5  }
0x24c: {  	v2 =	vadd.s32 v53, v2;
	v3 =	vadd.f32 v5, v3;
	v5 =	vnsel vm8, $0x0, v5  }
0x24d: {  	v61 =	vsel vm14, $0x1, v0;
	v2 =	vadd.s32 v55, v2;
	v4 =	vadd.f32 v5, v60  }
0x24e: {  	v62 =	vsel vm6, $0x1, v0;
	v2 =	vadd.s32 v61, v2;
	(xrf2) =	vadd.scan.msk.f32 $0xffff, v3  }
0x24f: {  	v2 =	vadd.s32 v62, v2;
	v3 =	vsel vm7, $0x1, v0;
	(xrf2) =	vadd.scan.msk.f32 $0xffff, v4  }
0x250: {  	v63 =	vsel vm3, $0x1, v0;
	v2 =	vadd.s32 v3, v2  }
0x251: {  	v3 =	vsel vm15, $0x1, v0;
	v2 =	vadd.s32 v63, v2  }
0x252: {  	v2 =	vadd.s32 v3, v2;
	v3 =	vsel vm8, $0x1, v0  }
0x253: {  	v2 =	vadd.s32 v3, v2  }
0x254: {  	(xrf0) =	vadd.scan.msk.s32 $0xffff, v2;
	_ =	sdelay $0x3  }
0x255: {  	v2, _, _ =	vpop (xrf2)  }
0x256: {  	(v2sf) =	vpush v2, $0xF;
	v2, _, _ =	vpop (xrf2)  }
0x257: {  	(v2sf) =	vpush v2, $0xF;
	v2, _, _ =	vpop (xrf0)  }
0x258: {  	(v2sf) =	vpush v2, $0xF;
	_ =	sdelay $0xc  }
0x259: {  	s29 =	spop (v2sf)  }
0x25a: {  	s25 =	spop (v2sf)  }
0x25b: {  	s24 =	spop (v2sf)  }
0x25c: {  	s30 =	smul.u32 $0x3, s24;
	_ =	sdelay $0x1  }
0x25d: {  	p0 =	sgt.s32 s30, $0x221B  }
.Ltmp14:
0x25e: {  	_ = 	snop;
	(pc) =	sbr.rel @p0 .LBB2_39-.Ltmp14, $1  }
0x25f: {  	_ =	sdelay $0x3  }
0x260: {  	s0 =	simm.s32 $0x4  }
0x261: {  	v2 =	vld [tilespmem:s0+$0xFFFFFFFC]  }
0x262: {  	v3 =	vld [tilespmem:s0+$0x2280]  }
0x263: {  	v4 =	vld [tilespmem:s0+$0x4500];
	_ =	sdelay $0x3  }
0x264: {  	v5 =	vsub.f32 v3, v2;
	v2 =	vsub.f32 v2, v3  }
0x265: {  	vm3 =	veq.s32 v4, $0x0  }
0x266: {  	v6 =	vsel vm3, v5, v2  }
0x267: {  	v2 =	vand.u32 $0x7FFFFFFF, v6  }
0x268: {  	v2 =	vsub.f32 $0.0e+00, v2;
	_ =	sdelay $0x1  }
0x269: {  	s1 =	simm.s32 $0x14;
	v2 =	vmul.f32 $1.442695020e+00, v2  }
0x26a: {  	v3 =	vld [tilespmem:s1+$0xFFFFFFFC]  }
0x26b: {  	v5 =	vld [tilespmem:s1+$0x2280];
	(erf) = vpow2.f32 v2  }
0x26c: {  	v7 =	vld [tilespmem:s1+$0x4500];
	_ =	sdelay $0x3  }
0x26d: {  	v2 =	vsub.f32 v5, v3;
	v3 =	vsub.f32 v3, v5  }
0x26e: {  	vm3 =	veq.s32 v7, $0x0  }
0x26f: {  	v3 =	vsel vm3, v2, v3  }
0x270: {  	v2 =	vand.u32 $0x7FFFFFFF, v3  }
0x271: {  	v2 =	vsub.f32 $0.0e+00, v2;
	v5 =	vpop (erf)  }
0x272: {  	v8 =	vadd.f32 $2.000000000e+00, v5  }
0x273: {  	s20 =	simm.s32 $0x24;
	v2 =	vmul.f32 $1.442695020e+00, v2  }
0x274: {  	v9 =	vld [tilespmem:s20+$0xFFFFFFFC];
	(erf) = vrcp.f32 v8  }
0x275: {  	v8 =	vld [tilespmem:s20+$0x2280];
	(erf) = vpow2.f32 v2  }
0x276: {  	v10 =	vld [tilespmem:s20+$0x4500];
	_ =	sdelay $0x3  }
0x277: {  	v2 =	vsub.f32 v8, v9;
	v8 =	vsub.f32 v9, v8  }
0x278: {  	vm3 =	veq.s32 v10, $0x0  }
0x279: {  	v2 =	vsel vm3, v2, v8  }
0x27a: {  	v8 =	vand.u32 $0x7FFFFFFF, v2;
	v9 =	vpop (erf)  }
0x27b: {  	vm5 =	vmmov vm2;
	v8 =	vsub.f32 $0.0e+00, v8;
	v11 =	vpop (erf);
	v12 =	vmul.f32 v9, v5  }
0x27c: {  	vm7 =	vmmov vm2;
	vm12 =	vmmov vm2;
	v9 =	vadd.f32 $2.000000000e+00, v11  }
0x27d: {  	s3 =	simm.s32 $0x34;
	vm4 =	vlt.s32 v4, $0x1;
	v8 =	vmul.f32 $1.442695020e+00, v8;
	v13 =	vmul.f32 v12, v12  }
0x27e: {  	v4 =	vld [tilespmem:s3+$0xFFFFFFFC];
	vm6 =	vlt.s32 v7, $0x1;
	vm8 =	vlt.s32 v10, $0x1;
	(erf) = vrcp.f32 v9  }
0x27f: {  	vm4 =	vmmov vm4;
	v9 =	vld [tilespmem:s3+$0x2280];
	(erf) = vpow2.f32 v8;
	v8 =	vmul.f32 $1.111111120e-01, v13  }
0x280: {  	p0 =	por $0x1, $0x1;
	vm6 =	vmmov vm6;
	vm4 =	vmmov vm4;
	vm3 =	vmmov vm2  }
0x281: {  	v7 =	vld [tilespmem:s3+$0x4500];
	vm13 =	vmmov vm4;
	vm3 =	vmneg @p0 vm3;
	p0 =	por $0x1, $0x1;
	v8 =	vadd.f32 $1.428571490e-01, v8  }
0x282: {  	v6 =	vmax.f32 v6, $0.0e+00;
	vm3 =	vmmov vm3;
	vm5 =	vmneg @p0 vm5  }
0x283: {  	p0 =	por $0x1, $0x1;
	v5 =	vimm.s32 $0x0;
	vm3 =	vmmov vm3;
	v8 =	vmul.f32 v8, v13  }
0x284: {  	vm5 =	vmmov vm5;
	vm7 =	vmneg @p0 vm7;
	v10 =	vsub.f32 v9, v4  }
0x285: {  	vm3 =	vmmov vm3;
	v4 =	vsub.f32 v4, v9;
	v8 =	vadd.f32 $2.000000030e-01, v8  }
0x286: {  	p0 =	por $0x1, $0x1;
	vm9 =	vmmov vm5;
	vm11 =	vmmov vm7;
	vm7 =	veq.s32 v7, $0x0  }
0x287: {  	vm12 =	vmneg @p0 vm12;
	vm5 =	vmmov vm6;
	v4 =	vsel vm7, v10, v4  }
0x288: {  	vm6 =	vmmov vm8;
	vm7 =	vlt.s32 v7, $0x1;
	v7 =	vand.u32 $0x7FFFFFFF, v4;
	v9 =	vpop (erf)  }
0x289: {  	v10 =	vmul.f32 v8, v13;
	v14 =	vsub.f32 $0.0e+00, v7;
	v7 =	vmul.f32 v9, v11;
	v8 =	vpop (erf)  }
0x28a: {  	s4 =	simm.s32 $0x44;
	vm8 =	vmmov vm2;
	vm14 =	vmmov vm3;
	v11 =	vadd.f32 $2.000000000e+00, v8  }
0x28b: {  	v15 =	vld [tilespmem:s4+$0x4500];
	vm10 =	vmmov vm9;
	v10 =	vadd.f32 $3.333333430e-01, v10;
	v9 =	vmul.f32 v7, v7  }
0x28c: {  	v16 =	vld [tilespmem:s4+$0xFFFFFFFC];
	vm3 =	vmmov vm11;
	v14 =	vmul.f32 $1.442695020e+00, v14;
	(erf) = vrcp.f32 v11  }
0x28d: {  	p0 =	por $0x1, $0x1;
	vm4 =	vmmov vm12;
	v10 =	vmul.f32 v10, v13;
	v11 =	vld [tilespmem:s4+$0x2280];
	v13 =	vmul.f32 $1.111111120e-01, v9  }
0x28e: {  	vm8 =	vmneg @p0 vm8;
	v12 =	vadd.f32 v12, v12;
	(erf) = vpow2.f32 v14  }
0x28f: {  	vm11 =	vmmov vm13;
	v10 =	vadd.f32 $1.000000000e+00, v10;
	v13 =	vadd.f32 $1.428571490e-01, v13  }
0x290: {  	vm9 =	vmmov vm5;
	vm6 =	vmmov vm6;
	vm5 =	vlt.s32 v15, $0x1  }
0x291: {  	vm12 =	veq.s32 v15, $0x0;
	v10 =	vmul.f32 v10, v12;
	v12 =	vmul.f32 v13, v9  }
0x292: {  	vm13 =	vmor vm14, vm0;
	v13 =	vsub.f32 v11, v16;
	v11 =	vsub.f32 v16, v11  }
0x293: {  	vm10 =	vmmov vm10;
	v10 =	vadd.f32 v10, v6;
	v14 =	vadd.f32 $2.000000030e-01, v12  }
0x294: {  	p0 =	slt.s32 s30, $0x221C;
	vm7 =	vmmov vm7;
	v6 =	vsel vm12, v13, v11;
	vm12 =	vmand vm13, vm11  }
0x295: {  	s5 =	simm.s32 $0x150;
	s30 =	simm.s32 @!p0 $0x221C;
	v10 =	vnsel vm13, $0x0, v10;
	v13 =	vand.u32 $0x7FFFFFFF, v6;
	v11 =	vmul.f32 v14, v9;
	v12 =	vpop (erf)  }
.LBB2_24:
0x296: {  	v13 =	vsub.f32 $0.0e+00, v13  }
0x297: {  	v12 =	vmul.f32 v12, v8;
	v8 =	vpop (erf);
	v14 =	vnsel vm12, $0x0, v10;
	vm11 =	vmmov vm3  }
0x298: {  	p0 =	sne.s32 s5, $0x8850;
	[tilespmem:s0+$0x677C] =	vst v10;
	vm3 =	vmmov vm4;
	vm4 =	vmmov vm8;
	s6 =	smov.u32 s5;
	s5 =	sadd.s32 $0x40, s5;
	v10 =	vadd.f32 $2.000000000e+00, v8  }
0x299: {  	s6 =	sshra.s32 s6, $0x2;
	v11 =	vadd.f32 $3.333333430e-01, v11;
	[tilespmem:s0+$0x89FC] =	vst v14;
	vm8 =	vgt.f32 v14, $0.0e+00;
	s0 =	smov.u32 s1;
	s1 =	smov.u32 s20;
	v13 =	vmul.f32 $1.442695020e+00, v13  }
0x29a: {  	s20 =	smov.u32 s3;
	s3 =	smov.u32 s4;
	v14 =	vld [tilespmem:s6+$0x4500];
	v15 =	vmul.f32 v12, v12;
	v16 =	vsel vm8, $0x1, v0;
	s4 =	smov.u32 s6;
	vm8 =	vmmov vm2  }
0x29b: {  	v17 =	vld [tilespmem:s4+$0xFFFFFFFC];
	(erf) = vrcp.f32 v10;
	v10 =	vmul.f32 v11, v9;
	v5 =	vadd.s32 v16, v5  }
0x29c: {  	vm8 =	vmneg @p0 vm8;
	v11 =	vld [tilespmem:s4+$0x2280];
	(erf) = vpow2.f32 v13;
	v13 =	vmul.f32 $1.111111120e-01, v15;
	v9 =	vmovc v15  }
0x29d: {  	vm12 =	vmmov vm9;
	v15 =	vadd.f32 v7, v7;
	v7 =	vmovc v12;
	v10 =	vadd.f32 $1.000000000e+00, v10  }
0x29e: {  	vm9 =	vmmov vm6;
	vm6 =	vmmov vm7;
	v12 =	vadd.f32 $1.428571490e-01, v13  }
0x29f: {  	vm7 =	vmmov vm5;
	v10 =	vmul.f32 v10, v15;
	vm5 =	vlt.s32 v14, $0x1  }
.Ltmp15:
0x2a0: {  	v13 =	vmax.f32 v3, $0.0e+00;
	v3 =	vmovc v2;
	v2 =	vmovc v4;
	v4 =	vmov v6;
	v12 =	vmul.f32 v12, v9;
	(pc) =	sbr.rel @p0 .LBB2_24-.Ltmp15, $4  }
0x2a1: {  	vm13 =	vmor vm10, vm0;
	v6 =	vsub.f32 v11, v17;
	v11 =	vsub.f32 v17, v11  }
0x2a2: {  	vm10 =	veq.s32 v14, $0x0;
	v10 =	vadd.f32 v10, v13;
	v14 =	vadd.f32 $2.000000030e-01, v12  }
0x2a3: {  	vm12 =	vmand vm13, vm12;
	v6 =	vsel vm10, v6, v11;
	vm10 =	vmmov vm11  }
0x2a4: {  	v10 =	vnsel vm13, $0x0, v10;
	v13 =	vand.u32 $0x7FFFFFFF, v6;
	v12 =	vpop (erf);
	v11 =	vmul.f32 v14, v9  }
0x2a5: {  	v13 =	vsub.f32 $0.0e+00, v13;
	v14 =	vpop (erf)  }
0x2a6: {  	v15 =	vadd.f32 $2.000000000e+00, v14  }
0x2a7: {  	v13 =	vmul.f32 $1.442695020e+00, v13  }
0x2a8: {  	(erf) = vrcp.f32 v15  }
0x2a9: {  	(erf) = vpow2.f32 v13;
	_ =	sdelay $0x7  }
0x2aa: {  	v44 =	vpop (erf)  }
0x2ab: {  	v13 =	vpop (erf)  }
0x2ac: {  	v8 =	vmul.f32 v12, v8;
	v16 =	vadd.f32 $2.000000000e+00, v13;
	_ =	sdelay $0x1  }
0x2ad: {  	v45 =	vmul.f32 v8, v8;
	(erf) = vrcp.f32 v16;
	_ =	sdelay $0x1  }
0x2ae: {  	v46 =	vmul.f32 $1.111111120e-01, v45;
	_ =	sdelay $0x1  }
0x2af: {  	v16 =	vadd.f32 $1.428571490e-01, v46;
	_ =	sdelay $0x1  }
0x2b0: {  	v48 =	vnsel vm12, $0x0, v10;
	v7 =	vadd.f32 v7, v7;
	v16 =	vmul.f32 v16, v45  }
0x2b1: {  	v3 =	vmax.f32 v3, $0.0e+00;
	vm9 =	vmmov vm9;
	v11 =	vadd.f32 $3.333333430e-01, v11  }
0x2b2: {  	vm10 =	vmor vm10, vm0;
	v2 =	vmax.f32 v2, $0.0e+00;
	v47 =	vadd.f32 $2.000000030e-01, v16  }
0x2b3: {  	vm3 =	vmmov vm3;
	v9 =	vmul.f32 v11, v9;
	v12 =	vmul.f32 v44, v14;
	v50 =	vpop (erf)  }
0x2b4: {  	vm4 =	vmmov vm4;
	v11 =	vmul.f32 v47, v45;
	v13 =	vmul.f32 v50, v13  }
0x2b5: {  	vm8 =	vmmov vm8;
	vm6 =	vmmov vm6;
	v51 =	vmul.f32 v12, v12  }
0x2b6: {  	vm7 =	vmmov vm7;
	v11 =	vadd.f32 $3.333333430e-01, v11;
	v14 =	vmul.f32 v13, v13  }
0x2b7: {  	vm5 =	vmmov vm5;
	v4 =	vmax.f32 v4, $0.0e+00;
	v52 =	vmul.f32 $1.111111120e-01, v51  }
0x2b8: {  	v6 =	vmax.f32 v6, $0.0e+00;
	v11 =	vmul.f32 v11, v45;
	v17 =	vmul.f32 $1.111111120e-01, v14  }
0x2b9: {  	vm11 =	vgt.f32 v48, $0.0e+00;
	v8 =	vadd.f32 v8, v8;
	v15 =	vadd.f32 $1.428571490e-01, v52  }
0x2ba: {  	vm9 =	vmand vm10, vm9;
	v11 =	vadd.f32 $1.000000000e+00, v11;
	v54 =	vadd.f32 $1.428571490e-01, v17  }
0x2bb: {  	vm3 =	vmmov vm3;
	vm4 =	vmmov vm4;
	v15 =	vmul.f32 v15, v51  }
0x2bc: {  	vm8 =	vmmov vm8;
	v8 =	vmul.f32 v11, v8;
	v56 =	vmul.f32 v54, v14  }
0x2bd: {  	vm6 =	vmmov vm6;
	v9 =	vadd.f32 $1.000000000e+00, v9;
	v57 =	vadd.f32 $2.000000030e-01, v15  }
0x2be: {  	vm7 =	vmmov vm7;
	v2 =	vadd.f32 v8, v2;
	v8 =	vadd.f32 $2.000000030e-01, v56  }
0x2bf: {  	vm5 =	vmmov vm5;
	v49 =	vsel vm11, $0x1, v0;
	v11 =	vmul.f32 v57, v51  }
0x2c0: {  	vm3 =	vmor vm3, vm0;
	v7 =	vmul.f32 v9, v7;
	v8 =	vmul.f32 v8, v14  }
0x2c1: {  	vm4 =	vmmov vm4;
	vm7 =	vmmov vm7;
	v11 =	vadd.f32 $3.333333430e-01, v11  }
0x2c2: {  	vm5 =	vmmov vm5;
	v3 =	vadd.f32 v7, v3;
	v8 =	vadd.f32 $3.333333430e-01, v8  }
0x2c3: {  	v5 =	vadd.s32 v49, v5;
	vm6 =	vmand vm3, vm6;
	v7 =	vmul.f32 v11, v51  }
0x2c4: {  	vm4 =	vmor vm4, vm0;
	v3 =	vnsel vm10, $0x0, v3;
	v8 =	vmul.f32 v8, v14  }
0x2c5: {  	v53 =	vnsel vm9, $0x0, v3;
	v12 =	vadd.f32 v12, v12;
	v7 =	vadd.f32 $1.000000000e+00, v7  }
0x2c6: {  	vm9 =	vgt.f32 v53, $0.0e+00;
	v13 =	vadd.f32 v13, v13;
	v8 =	vadd.f32 $1.000000000e+00, v8  }
0x2c7: {  	vm15 =	vmmov vm5;
	v55 =	vsel vm9, $0x1, v0;
	v7 =	vmul.f32 v7, v12  }
0x2c8: {  	vm7 =	vmand vm4, vm7;
	v5 =	vadd.s32 v55, v5;
	v8 =	vmul.f32 v8, v13  }
0x2c9: {  	v2 =	vnsel vm3, $0x0, v2;
	vm3 =	vmmov vm8;
	v4 =	vadd.f32 v7, v4  }
0x2ca: {  	v58 =	vnsel vm6, $0x0, v2;
	vm3 =	vmmov vm3;
	v6 =	vadd.f32 v8, v6  }
0x2cb: {  	vm6 =	vgt.f32 v58, $0.0e+00;
	vm3 =	vmor vm3, vm0;
	v4 =	vnsel vm4, $0x0, v4  }
0x2cc: {  	vm4 =	vmand vm3, vm15;
	v59 =	vnsel vm7, $0x0, v4;
	v6 =	vnsel vm3, $0x0, v6  }
0x2cd: {  	v60 =	vsel vm6, $0x1, v0;
	vm3 =	vgt.f32 v59, $0.0e+00;
	v61 =	vnsel vm4, $0x0, v6  }
0x2ce: {  	v5 =	vadd.s32 v60, v5;
	v62 =	vsel vm3, $0x1, v0;
	vm3 =	vgt.f32 v61, $0.0e+00  }
0x2cf: {  	v5 =	vadd.s32 v62, v5;
	v63 =	vsel vm3, $0x1, v0  }
0x2d0: {  	v5 =	vadd.s32 v63, v5  }
0x2d1: {  	(xrf0) =	vadd.scan.msk.s32 $0xffff, v5;
	_ =	sdelay $0x5  }
0x2d2: {  	v5, _, _ =	vpop (xrf0)  }
0x2d3: {  	(v2sf) =	vpush v5, $0xF;
	_ =	sdelay $0xb  }
0x2d4: {  	[tilespmem:s0+$0x677C] =	vst v10  }
0x2d5: {  	[tilespmem:s0+$0x89FC] =	vst v48  }
0x2d6: {  	[tilespmem:s1+$0x677C] =	vst v3  }
0x2d7: {  	[tilespmem:s1+$0x89FC] =	vst v53;
	s5 =	spop (v2sf)  }
0x2d8: {  	[tilespmem:s20+$0x677C] =	vst v2;
	p0 =	sgt.s32 s30, s5  }
.Ltmp16:
0x2d9: {  	[tilespmem:s20+$0x89FC] =	vst v58;
	(pc) =	sbr.rel @!p0 .LBB2_26-.Ltmp16, $4  }
0x2da: {  	[tilespmem:s3+$0x677C] =	vst v4  }
0x2db: {  	[tilespmem:s3+$0x89FC] =	vst v59  }
0x2dc: {  	[tilespmem:s4+$0x677C] =	vst v6  }
0x2dd: {  	s0 =	simm.s32 $0x7FFFFFFF;
	s1 =	simm.s32 $0x0;
	s3 =	simm.s32 $0x0;
	[tilespmem:s4+$0x89FC] =	vst v61  }
0x2de: {  	s0 =	ssub.s32 s30, s5;
	s1 =	simm.s32 $0x0  }
0x2df: {  	s5 =	simm.s32 $0x221C;
	s3 =	simm.s32 $0x0;
	s4 =	simm.s32 $0x0  }
.LBB2_33:
0x2e0: {  	s6 =	ssub.s32 s5, s3;
	p0 =	sne.s32 s5, s3;
	s7 =	simm.s32 $0x1  }
0x2e1: {  	s20 =	sshra.s32 s6, $0x1F;
	s7 =	simm.s32 @!p0 $0x0  }
0x2e2: {  	s30 =	sshrl.u32 s6, $0x1F;
	s31 =	sand.u32 $0x1, s6;
	s7 =	sor.u32 s7, s20  }
0x2e3: {  	p1 =	seq.s32 s31, $0x1;
	s31 =	simm.s32 $0x8A00;
	p6 =	sne.s32 s7, $0x1  }
0x2e4: {  	s6 =	sadd.s32 s30, s6;
	v5 =	vld [tilespmem:s31+$0x0];
	p0 =	por !p6, !p1  }
0x2e5: {  	s6 =	sshra.s32 s6, $0x1;
	s7 =	simm.s32 $0x1;
	p0 =	por !p0, !p0  }
0x2e6: {  	s6 =	sadd.s32 s3, s6;
	s7 =	simm.s32 @!p0 $0x0  }
0x2e7: {  	s6 =	ssub.s32 s6, s7  }
0x2e8: {  	v4 =	vor.u32 s1, v1;
	v3 =	vmov s6  }
0x2e9: {  	v2 =	vimm.s32 $0x0;
	s20 =	simm.s32 $0x10;
	s30 =	simm.s32 $0x8A10;
	vm3 =	veq.f32 v5, $0.0e+00;
	vm4 =	vlt.s32 v4, v3  }
.LBB2_34:
0x2ea: {  	v5 =	vld [tilespmem:s30+$0x0];
	p0 =	sne.s32 s20, $0x2210;
	vm3 =	vmand vm4, vm3;
	vm4 =	vlt.u32 v4, $0x221C;
	s7 =	smov.u32 s20;
	s20 =	sadd.s32 $0x10, s20  }
.Ltmp17:
0x2eb: {  	vm3 =	vmand vm4, vm3;
	(pc) =	sbr.rel @p0 .LBB2_34-.Ltmp17, $4  }
0x2ec: {  	v4 =	vsel vm3, $0x1, v0  }
0x2ed: {  	v2 =	vadd.s32 v4, v2  }
0x2ee: {  	v4 =	vor.u32 s7, v1  }
0x2ef: {  	s30 =	sadd.s32 $0x10, s30;
	vm4 =	vlt.s32 v4, v3;
	vm3 =	veq.f32 v5, $0.0e+00  }
0x2f0: {  	vm3 =	vmand vm4, vm3;
	vm15 =	vlt.u32 v4, $0x221C  }
0x2f1: {  	vm3 =	vmand vm15, vm3  }
0x2f2: {  	v3 =	vsel vm3, $0x1, v0  }
0x2f3: {  	v2 =	vadd.s32 v3, v2  }
0x2f4: {  	(xrf0) =	vadd.scan.msk.s32 $0xffff, v2;
	_ =	sdelay $0x5  }
0x2f5: {  	v2, _, _ =	vpop (xrf0)  }
0x2f6: {  	(v2sf) =	vpush v2, $0xF;
	_ =	sdelay $0xb  }
0x2f7: {  	s4 =	sadd.s32 $0x1, s4  }
0x2f8: {  	p1 =	seq.s32 s4, $0xE  }
.Ltmp18:
0x2f9: {  	_ = 	snop;
	(pc) =	sbr.rel @!p1 .LBB2_33-.Ltmp18, $4  }
0x2fa: {  	s7 =	spop (v2sf)  }
0x2fb: {  	p0 =	slt.s32 s7, s0  }
0x2fc: {  	s7 =	sadd.s32 $0x1, s6;
	s6 =	smov.u32 @p0 s5  }
0x2fd: {  	s3 =	smov.u32 @p0 s7;
	s5 =	smov.u32 s6  }
0x2fe: {  	s31 =	simm.s32 $0x8A00  }
0x2ff: {  	v6 =	vld [tilespmem:s31+$0x0];
	_ =	sdelay $0x1  }
0x300: {  	s0 =	simm.s32 $0x6780  }
0x301: {  	s1 =	simm.s32 $0x0;
	v4 =	vld [tilespmem:s0+$0x0]  }
0x302: {  	v3 =	vmov s3;
	v5 =	vor.u32 s1, v1  }
0x303: {  	v2 =	vimm.f32 $0.0e+00;
	s3 =	simm.s32 $0x8A10;
	s1 =	simm.s32 $0x10;
	vm4 =	vlt.s32 v5, v3;
	vm3 =	veq.f32 v6, $0.0e+00  }
.LBB2_37:
0x304: {  	v6 =	vld [tilespmem:s3+$0x0];
	p0 =	sne.s32 s1, $0x2210;
	vm3 =	vmand vm4, vm3;
	vm4 =	vlt.u32 v5, $0x221C;
	s4 =	smov.u32 s1;
	s1 =	sadd.s32 $0x10, s1  }
.Ltmp19:
0x305: {  	vm3 =	vmand vm4, vm3;
	(pc) =	sbr.rel @p0 .LBB2_37-.Ltmp19, $4  }
0x306: {  	s0 =	sadd.s32 $0x10, s0;
	v5 =	vnsel vm3, $0x0, v4  }
0x307: {  	v4 =	vld [tilespmem:s0+$0x0];
	v2 =	vadd.f32 v5, v2  }
0x308: {  	v5 =	vor.u32 s4, v1  }
0x309: {  	s3 =	sadd.s32 $0x10, s3;
	vm4 =	vlt.s32 v5, v3;
	vm3 =	veq.f32 v6, $0.0e+00  }
0x30a: {  	vm3 =	vmand vm4, vm3;
	vm15 =	vlt.u32 v5, $0x221C  }
0x30b: {  	vm3 =	vmand vm15, vm3  }
0x30c: {  	v3 =	vnsel vm3, $0x0, v4  }
0x30d: {  	v2 =	vadd.f32 v3, v2;
	_ =	sdelay $0x1  }
0x30e: {  	(xrf2) =	vadd.scan.msk.f32 $0xffff, v2;
	_ =	sdelay $0x9  }
0x30f: {  	v2, _, _ =	vpop (xrf2)  }
0x310: {  	(v2sf) =	vpush v2, $0xF;
	_ =	sdelay $0xb  }
.Ltmp20:
0x311: {  	_ = 	snop;
	(pc) =	sbr.rel .LBB2_39-.Ltmp20, $4  }
0x312: {  	_ = 	snop  }
0x313: {  	s0 =	ssub.f32 s29, s25  }
0x314: {  	s1 =	spop (v2sf)  }
0x315: {  	s29 =	sadd.f32 s1, s0  }
.LBB2_26:
0x316: {  	s4 =	ssub.s32 s0, s3;
	p0 =	sne.s32 s0, s3;
	s5 =	simm.s32 $0x1  }
0x317: {  	s6 =	sshra.s32 s4, $0x1F;
	s5 =	simm.s32 @!p0 $0x0  }
0x318: {  	s29 =	sand.u32 $0x1, s4;
	s5 =	sor.u32 s5, s6  }
0x319: {  	s7 =	sshrl.u32 s4, $0x1F;
	p1 =	seq.s32 s29, $0x1;
	p6 =	sne.s32 s5, $0x1  }
0x31a: {  	s4 =	sadd.s32 s7, s4;
	p0 =	por !p6, !p1  }
0x31b: {  	s4 =	sshra.s32 s4, $0x1;
	s5 =	simm.s32 $0x1;
	p0 =	por !p0, !p0  }
0x31c: {  	s31 =	simm.s32 $0x0;
	s4 =	sadd.s32 s3, s4;
	s5 =	simm.s32 @!p0 $0x0  }
0x31d: {  	v4 =	vld [tilespmem:s31+$0x8A00];
	s4 =	ssub.s32 s4, s5  }
0x31e: {  	v2 =	vimm.s32 $0x0;
	s5 =	simm.s32 $0x40;
	v3 =	vmov s4  }
.LBB2_27:
0x31f: {  	p0 =	sne.s32 s5, $0x8840  }
.Ltmp21:
0x320: {  	_ = 	snop;
	(pc) =	sbr.rel @p0 .LBB2_27-.Ltmp21, $4  }
0x321: {  	_ = 	snop  }
0x322: {  	s6 =	sshra.s32 s5, $0x2;
	s5 =	sadd.s32 $0x40, s5;
	vm3 =	vgt.s32 v4, v3  }
0x323: {  	v4 =	vld [tilespmem:s6+$0x8A00];
	v5 =	vsel vm3, $0x1, v0  }
0x324: {  	v2 =	vadd.s32 v5, v2  }
0x325: {  	_ =	sdelay $0x2  }
0x326: {  	vm3 =	vgt.s32 v4, v3  }
0x327: {  	v3 =	vsel vm3, $0x1, v0  }
0x328: {  	v2 =	vadd.s32 v3, v2  }
0x329: {  	(xrf0) =	vadd.scan.msk.s32 $0xffff, v2;
	_ =	sdelay $0x5  }
0x32a: {  	v2, _, _ =	vpop (xrf0)  }
0x32b: {  	(v2sf) =	vpush v2, $0xF;
	_ =	sdelay $0xb  }
0x32c: {  	s1 =	sadd.s32 $0x1, s1  }
0x32d: {  	p1 =	seq.s32 s1, $0x1F  }
.Ltmp22:
0x32e: {  	_ = 	snop;
	(pc) =	sbr.rel @!p1 .LBB2_26-.Ltmp22, $4  }
0x32f: {  	s5 =	spop (v2sf)  }
0x330: {  	p0 =	slt.s32 s5, s30;
	s5 =	sadd.s32 $0x1, s4  }
0x331: {  	s5 =	smov.u32 @p0 s3  }
0x332: {  	s0 =	smov.u32 @p0 s4;
	s3 =	smov.u32 s5  }
0x333: {  	s1 =	simm.s32 $0x0  }
0x334: {  	v5 =	vld [tilespmem:s1+$0x8A00]  }
0x335: {  	v2 =	vmov s5;
	v3 =	vimm.s32 $0x0;
	v4 =	vimm.f32 $0.0e+00;
	s0 =	simm.s32 $0x40  }
.LBB2_30:
0x336: {  	p0 =	sne.s32 s0, $0x8840  }
.Ltmp23:
0x337: {  	_ = 	snop;
	(pc) =	sbr.rel @p0 .LBB2_30-.Ltmp23, $4  }
0x338: {  	_ = 	snop  }
0x339: {  	s1 =	sshra.s32 s0, $0x2;
	s0 =	sadd.s32 $0x40, s0;
	vm3 =	vlt.s32 v2, v5  }
0x33a: {  	v6 =	vsel vm3, $0x1, v0;
	v7 =	vnsel vm3, $0x0, v5;
	v5 =	vld [tilespmem:s1+$0x8A00]  }
0x33b: {  	v3 =	vadd.s32 v6, v3;
	v4 =	vadd.f32 v7, v4  }
0x33c: {  	_ =	sdelay $0x2  }
0x33d: {  	vm3 =	vlt.s32 v2, v5  }
0x33e: {  	v5 =	vnsel vm3, $0x0, v5  }
0x33f: {  	v4 =	vadd.f32 v5, v4  }
0x340: {  	vm4 =	vmmov $0x1  }
0x341: {  	v2 =	vnsel vm4, $0x0, v2;
	v63 =	vsel vm3, $0x1, v0;
	(xrf2) =	vadd.scan.msk.f32 $0xffff, v4  }
0x342: {  	v3 =	vadd.s32 v63, v3;
	(xrf2) =	vadd.scan.msk.f32 $0xffff, v2  }
0x343: {  	(xrf0) =	vadd.scan.msk.s32 $0xffff, v3;
	_ =	sdelay $0x5  }
0x344: {  	v2, _, _ =	vpop (xrf0)  }
0x345: {  	(v2sf) =	vpush v2, $0xF  }
0x346: {  	v2, _, _ =	vpop (xrf2)  }
0x347: {  	(v2sf) =	vpush v2, $0xF;
	v2, _, _ =	vpop (xrf2)  }
0x348: {  	(v2sf) =	vpush v2, $0xF;
	_ =	sdelay $0xb  }
0x349: {  	s0 =	spop (v2sf)  }
0x34a: {  	s0 =	ssub.s32 s30, s0  }
0x34b: {  	s3 =	scvt.s32.f32 s0;
	s1 =	spop (v2sf)  }
0x34c: {  	s4 =	spop (v2sf)  }
0x34d: {  	s3 =	smul.f32 s3, s4  }
0x34e: {  	p0 =	sgt.s32 s0, $0x0  }
0x34f: {  	s3 =	simm.s32 @!p0 $0x0  }
0x350: {  	s29 =	sadd.f32 s3, s1  }
.LBB2_39:
0x351: {  	s0 =	simm.s32 $0x0  }
0x352: {  	[tilespmem:s0], [sflag:$0x1] =	stream.linear.gather [hbm4b:s14+s0], $0x2220, $0x38;
	[tilespmem:$0xAD00] =	vst v63  }
0x353: {  	_ = 	snop  }
0x354: {  	[tilespmem:s17], [sflag:$0x1] =	stream.linear.gather [hbm4b:s15+s0], $0x2220, $0x38;
	[tilespmem:$0xAD00] =	vst v63  }
0x355: {  	[smem:$0x0] =	sst s29  }
0x356: {  	[tilespmem:s18], [sflag:$0x1] =	stream.linear.gather [hbm4b:s16+s0], $0x2220, $0x38;
	[tilespmem:$0xAD00] =	vst v63  }
0x357: {  	_ =	swait.ge [sflag:s19], $0x2220  }
0x358: {  	[sflag:s19] =	ssyncset.done $0x0  }
0x359: {  	[sflag:s19] =	ssyncadd.s32 $0xFFFFDDE0  }
0x35a: {  	_ =	swait.ge [sflag:s19], $0x2220  }
0x35b: {  	[sflag:s19] =	ssyncset.done $0x0  }
0x35c: {  	[sflag:s19] =	ssyncadd.s32 $0xFFFFDDE0  }
0x35d: {  	_ =	swait.ge [sflag:s19], $0x2220  }
0x35e: {  	[sflag:s19] =	ssyncset.done $0x0  }
0x35f: {  	s4 =	simm.s32 $0x0;
	[sflag:s19] =	ssyncadd.s32 $0xFFFFDDE0  }
0x360: {  	v2 =	vld [tilespmem:s4+$0x0]  }
0x361: {  	v3 =	vld [tilespmem:s4+$0x2284]  }
0x362: {  	v19 =	vld [tilespmem:s4+$0x4500];
	_ =	sdelay $0x3  }
0x363: {  	v4 =	vsub.f32 v3, v2;
	v2 =	vsub.f32 v2, v3  }
0x364: {  	vm3 =	veq.s32 v19, $0x0  }
0x365: {  	v13 =	vsel vm3, v4, v2  }
0x366: {  	s5 =	simm.s32 $0x10;
	v2 =	vand.u32 $0x7FFFFFFF, v13  }
0x367: {  	v3 =	vld [tilespmem:s5+$0x0];
	v2 =	vsub.f32 $0.0e+00, v2  }
0x368: {  	v4 =	vld [tilespmem:s5+$0x2284]  }
0x369: {  	v8 =	vld [tilespmem:s5+$0x4500];
	v2 =	vmul.f32 $1.442695020e+00, v2;
	_ =	sdelay $0x1  }
0x36a: {  	(erf) = vpow2.f32 v2;
	_ =	sdelay $0x1  }
0x36b: {  	v2 =	vsub.f32 v4, v3;
	v3 =	vsub.f32 v3, v4  }
0x36c: {  	vm3 =	veq.s32 v8, $0x0  }
0x36d: {  	v11 =	vsel vm3, v2, v3  }
0x36e: {  	s6 =	simm.s32 $0x20;
	v3 =	vand.u32 $0x7FFFFFFF, v11  }
0x36f: {  	v4 =	vld [tilespmem:s6+$0x2284];
	v3 =	vsub.f32 $0.0e+00, v3  }
0x370: {  	v2 =	vld [tilespmem:s6+$0x0]  }
0x371: {  	v6 =	vld [tilespmem:s6+$0x4500];
	v3 =	vmul.f32 $1.442695020e+00, v3  }
0x372: {  	v5 =	vpop (erf)  }
0x373: {  	(erf) = vpow2.f32 v3;
	v3 =	vadd.f32 $2.000000000e+00, v5;
	_ =	sdelay $0x1  }
0x374: {  	v7 =	vsub.f32 v4, v2;
	v2 =	vsub.f32 v2, v4;
	(erf) = vrcp.f32 v3  }
0x375: {  	vm3 =	veq.s32 v6, $0x0  }
0x376: {  	v10 =	vsel vm3, v7, v2  }
0x377: {  	s7 =	simm.s32 $0x30;
	v2 =	vand.u32 $0x7FFFFFFF, v10  }
0x378: {  	v4 =	vld [tilespmem:s7+$0x2284];
	v2 =	vsub.f32 $0.0e+00, v2  }
0x379: {  	v3 =	vld [tilespmem:s7+$0x0]  }
0x37a: {  	v7 =	vld [tilespmem:s7+$0x4500];
	v2 =	vmul.f32 $1.442695020e+00, v2;
	_ =	sdelay $0x1  }
0x37b: {  	v12 =	vpop (erf);
	(erf) = vpow2.f32 v2  }
0x37c: {  	v2 =	vadd.f32 $2.000000000e+00, v12;
	v14 =	vpop (erf)  }
0x37d: {  	v9 =	vsub.f32 v4, v3;
	v3 =	vsub.f32 v3, v4;
	v14 =	vmul.f32 v14, v5  }
0x37e: {  	vm3 =	veq.s32 v7, $0x0;
	(erf) = vrcp.f32 v2  }
0x37f: {  	v9 =	vsel vm3, v9, v3;
	v17 =	vmul.f32 v14, v14  }
0x380: {  	v2 =	vand.u32 $0x7FFFFFFF, v9  }
0x381: {  	s20 =	simm.s32 $0x40;
	v2 =	vsub.f32 $0.0e+00, v2;
	v3 =	vmul.f32 $1.111111120e-01, v17  }
0x382: {  	v16 =	vld [tilespmem:s20+$0x0]  }
0x383: {  	v18 =	vld [tilespmem:s20+$0x2284];
	v2 =	vmul.f32 $1.442695020e+00, v2;
	v3 =	vadd.f32 $1.428571490e-01, v3  }
0x384: {  	v5 =	vld [tilespmem:s20+$0x4500];
	v22 =	vpop (erf)  }
0x385: {  	(erf) = vpow2.f32 v2;
	v4 =	vadd.f32 $2.000000000e+00, v22;
	v2 =	vmul.f32 v3, v17;
	_ =	sdelay $0x1  }
0x386: {  	s1 =	simm.s32 $0x50;
	v3 =	vpop (erf);
	(erf) = vrcp.f32 v4;
	v2 =	vadd.f32 $2.000000030e-01, v2  }
0x387: {  	v23 =	vld [tilespmem:s1+$0x2284];
	v15 =	vmul.f32 v3, v12;
	v12 =	vsub.f32 v18, v16;
	v16 =	vsub.f32 v16, v18  }
0x388: {  	vm3 =	veq.s32 v5, $0x0;
	v4 =	vld [tilespmem:s1+$0x4500];
	v21 =	vmul.f32 v2, v17  }
0x389: {  	v18 =	vld [tilespmem:s1+$0x0];
	v20 =	vmul.f32 v15, v15;
	v12 =	vsel vm3, v12, v16  }
0x38a: {  	v24 =	vand.u32 $0x7FFFFFFF, v12;
	v21 =	vadd.f32 $3.333333430e-01, v21  }
0x38b: {  	v25 =	vmul.f32 $1.111111120e-01, v20;
	v24 =	vsub.f32 $0.0e+00, v24  }
0x38c: {  	v27 =	vadd.f32 v14, v14  }
0x38d: {  	vm3 =	veq.s32 v4, $0x0;
	v25 =	vadd.f32 $1.428571490e-01, v25;
	v24 =	vmul.f32 $1.442695020e+00, v24  }
0x38e: {  	s30 =	sadd.f32 s28, s26;
	v17 =	vmul.f32 v21, v17;
	v26 =	vsub.f32 v23, v18;
	v18 =	vsub.f32 v18, v23;
	v21 =	vpop (erf)  }
0x38f: {  	v23 =	vpop (erf);
	v25 =	vmul.f32 v25, v20;
	(erf) = vpow2.f32 v24;
	v24 =	vadd.f32 $2.000000000e+00, v21  }
0x390: {  	s31 =	simm.s32 $0x60;
	v3 =	vmov s30;
	v28 =	vadd.f32 $1.000000000e+00, v17;
	v14 =	vsel vm3, v26, v18  }
0x391: {  	vm3 =	vgt.s32 v19, $0x0;
	v19 =	vld [tilespmem:s31+$0x2284];
	v18 =	vadd.f32 $2.000000030e-01, v25;
	(erf) = vrcp.f32 v24  }
0x392: {  	v17 =	vmul.f32 v23, v22;
	v22 =	vmul.f32 v28, v27;
	v24 =	vmax.f32 v13, $0.0e+00;
	v13 =	vld [tilespmem:s31+$0x4500]  }
0x393: {  	v2 =	vnsel vm1, $0x0, v3;
	v3 =	vimm.s32 $0x0;
	v26 =	vmul.f32 v18, v20;
	v18 =	vld [tilespmem:s31+$0x0]  }
0x394: {  	v25 =	vand.u32 $0x7FFFFFFF, v14;
	v23 =	vmul.f32 v17, v17;
	v22 =	vadd.f32 v22, v24  }
0x395: {  	v16 =	vimm.f32 $0.0e+00;
	v28 =	vsub.f32 $0.0e+00, v25;
	v24 =	vimm.f32 $0.0e+00  }
0x396: {  	s23 =	scvt.s32.f32 s23;
	s0 =	simm.s32 $0x1C0;
	v27 =	vmul.f32 $1.111111120e-01, v23;
	v25 =	vadd.f32 $3.333333430e-01, v26;
	v26 =	vnsel vm3, $0x0, v22  }
.LBB2_40:
0x397: {  	p0 =	sne.s32 s0, $0x8800;
	vm4 =	veq.s32 v13, $0x0;
	v28 =	vmul.f32 $1.442695020e+00, v28;
	v16 =	vadd.f32 v26, v16;
	v29 =	vmovc v4;
	v4 =	vmovc v13  }
0x398: {  	v26 =	vsub.f32 v19, v18;
	v30 =	vpop (erf);
	v13 =	vadd.f32 $1.428571490e-01, v27;
	v33 =	vmul.f32 v25, v20  }
0x399: {  	v18 =	vsub.f32 v18, v19;
	v25 =	vmovc v12;
	v12 =	vmovc v14;
	(erf) = vpow2.f32 v28;
	v19 =	vadd.f32 $2.000000000e+00, v30  }
0x39a: {  	s1 =	sshra.s32 s0, $0x2;
	v31 =	vadd.f32 v15, v15;
	v27 =	vpop (erf);
	v28 =	vmul.f32 v13, v23;
	v32 =	vadd.f32 $1.000000000e+00, v33  }
0x39b: {  	v15 =	vmovc v17;
	v20 =	vmovc v23;
	v14 =	vsel vm4, v26, v18;
	v26 =	vsel vm3, $0x1, v0;
	v13 =	vld [tilespmem:s1+$0x4500];
	(erf) = vrcp.f32 v19  }
.Ltmp24:
0x39c: {  	v17 =	vmul.f32 v27, v21;
	v21 =	vmovc v30;
	v18 =	vld [tilespmem:s1+$0x0];
	v27 =	vadd.f32 $2.000000030e-01, v28;
	v28 =	vmul.f32 v32, v31;
	(pc) =	sbr.rel @p0 .LBB2_40-.Ltmp24, $4  }
0x39d: {  	v24 =	vadd.f32 v22, v24;
	v30 =	vand.u32 $0x7FFFFFFF, v14;
	v31 =	vmax.f32 v11, $0.0e+00;
	v11 =	vmovc v10;
	v10 =	vmovc v9;
	v19 =	vld [tilespmem:s1+$0x2284]  }
0x39e: {  	v9 =	vmovc v25;
	v23 =	vmul.f32 v17, v17;
	v32 =	vmul.f32 v27, v20;
	v22 =	vadd.f32 v28, v31  }
0x39f: {  	vm3 =	vgt.s32 v8, $0x0;
	v8 =	vmovc v6;
	v6 =	vmovc v7;
	v3 =	vadd.s32 v26, v3;
	v28 =	vsub.f32 $0.0e+00, v30  }
0x3a0: {  	s0 =	sadd.s32 $0x40, s0;
	v7 =	vmovc v5;
	v5 =	vmovc v29;
	v27 =	vmul.f32 $1.111111120e-01, v23;
	v25 =	vadd.f32 $3.333333430e-01, v32;
	v26 =	vnsel vm3, $0x0, v22  }
0x3a1: {  	_ = 	snop  }
0x3a2: {  	v29 =	vsub.f32 v19, v18;
	v38 =	vsub.f32 v18, v19  }
0x3a3: {  	vm4 =	veq.s32 v13, $0x0  }
0x3a4: {  	v18 =	vsel vm4, v29, v38  }
0x3a5: {  	v39 =	vand.u32 $0x7FFFFFFF, v18  }
0x3a6: {  	v28 =	vmul.f32 $1.442695020e+00, v28;
	v40 =	vpop (erf);
	v19 =	vsub.f32 $0.0e+00, v39  }
0x3a7: {  	v30 =	vadd.f32 $2.000000000e+00, v40  }
0x3a8: {  	(erf) = vpow2.f32 v28;
	v19 =	vmul.f32 $1.442695020e+00, v19  }
0x3a9: {  	v41 =	vld [tilespmem:$0x2210];
	(erf) = vrcp.f32 v30  }
0x3aa: {  	v42 =	vld [tilespmem:$0x4494];
	(erf) = vpow2.f32 v19  }
0x3ab: {  	v19 =	vld [tilespmem:$0x6710];
	_ =	sdelay $0x3  }
0x3ac: {  	v31 =	vsub.f32 v42, v41;
	v28 =	vsub.f32 v41, v42  }
0x3ad: {  	v43 =	vpop (erf);
	vm13 =	veq.s32 v19, $0x0  }
0x3ae: {  	v32 =	vpop (erf);
	v28 =	vsel vm13, v31, v28  }
0x3af: {  	v44 =	vpop (erf);
	v33 =	vand.u32 $0x7FFFFFFF, v28  }
0x3b0: {  	v34 =	vadd.f32 $2.000000000e+00, v32;
	v33 =	vsub.f32 $0.0e+00, v33;
	v35 =	vpop (erf)  }
0x3b1: {  	v36 =	vadd.f32 $2.000000000e+00, v35  }
0x3b2: {  	(erf) = vrcp.f32 v34;
	v33 =	vmul.f32 $1.442695020e+00, v33  }
0x3b3: {  	(erf) = vrcp.f32 v36  }
0x3b4: {  	(erf) = vpow2.f32 v33;
	_ =	sdelay $0x4  }
0x3b5: {  	v21 =	vmul.f32 v43, v21  }
0x3b6: {  	v27 =	vadd.f32 $1.428571490e-01, v27  }
0x3b7: {  	v30 =	vmul.f32 v21, v21;
	v34 =	vpop (erf)  }
0x3b8: {  	v15 =	vadd.f32 v15, v15;
	v16 =	vadd.f32 v26, v16;
	v27 =	vmul.f32 v27, v23;
	v48 =	vpop (erf)  }
0x3b9: {  	v22 =	vadd.f32 v22, v24;
	v11 =	vmax.f32 v11, $0.0e+00;
	v45 =	vmul.f32 $1.111111120e-01, v30;
	v49 =	vpop (erf)  }
0x3ba: {  	vm5 =	vgt.s32 v8, $0x0;
	v46 =	vadd.f32 $2.000000030e-01, v27;
	v51 =	vadd.f32 $2.000000000e+00, v49  }
0x3bb: {  	v57 =	vadd.f32 v17, v17;
	v20 =	vmul.f32 v25, v20;
	v47 =	vadd.f32 $1.428571490e-01, v45  }
0x3bc: {  	v10 =	vmax.f32 v10, $0.0e+00;
	v25 =	vmul.f32 v46, v23;
	(erf) = vrcp.f32 v51  }
0x3bd: {  	vm14 =	vgt.s32 v6, $0x0;
	v20 =	vadd.f32 $1.000000000e+00, v20;
	v50 =	vmul.f32 v47, v30  }
0x3be: {  	v9 =	vmax.f32 v9, $0.0e+00;
	vm6 =	vgt.s32 v7, $0x0;
	v25 =	vadd.f32 $3.333333430e-01, v25  }
0x3bf: {  	v15 =	vmul.f32 v20, v15;
	v52 =	vmul.f32 v44, v40;
	v53 =	vadd.f32 $2.000000030e-01, v50  }
0x3c0: {  	v12 =	vmax.f32 v12, $0.0e+00;
	vm7 =	vgt.s32 v5, $0x0;
	v54 =	vmul.f32 v25, v23  }
0x3c1: {  	v11 =	vadd.f32 v15, v11;
	v55 =	vmul.f32 v52, v52;
	v56 =	vmul.f32 v53, v30  }
0x3c2: {  	v27 =	vadd.f32 v21, v21;
	v58 =	vadd.f32 $1.000000000e+00, v54;
	v60 =	vmul.f32 v34, v32  }
0x3c3: {  	v61 =	vnsel vm5, $0x0, v11;
	v59 =	vmul.f32 $1.111111120e-01, v55;
	v8 =	vadd.f32 $3.333333430e-01, v56  }
0x3c4: {  	v11 =	vadd.f32 v11, v22;
	v15 =	vmul.f32 v58, v57;
	v63 =	vmul.f32 v60, v60  }
0x3c5: {  	v62 =	vadd.f32 $1.428571490e-01, v59;
	v8 =	vmul.f32 v8, v30;
	v31 =	vmul.f32 v48, v35;
	v32 =	vpop (erf)  }
0x3c6: {  	v16 =	vadd.f32 v61, v16;
	v29 =	vmul.f32 $1.111111120e-01, v63;
	v34 =	vmul.f32 v32, v49  }
0x3c7: {  	v26 =	vmul.f32 v62, v55;
	v8 =	vadd.f32 $1.000000000e+00, v8;
	v36 =	vmul.f32 v31, v31  }
0x3c8: {  	v20 =	vadd.f32 v52, v52;
	v33 =	vadd.f32 $1.428571490e-01, v29;
	v37 =	vmul.f32 v34, v34  }
0x3c9: {  	v30 =	vadd.f32 $2.000000030e-01, v26;
	v8 =	vmul.f32 v8, v27;
	v38 =	vmul.f32 $1.111111120e-01, v36  }
0x3ca: {  	v10 =	vadd.f32 v15, v10;
	v17 =	vmul.f32 v33, v63;
	v39 =	vmul.f32 $1.111111120e-01, v37  }
0x3cb: {  	v6 =	vmul.f32 v30, v55;
	v8 =	vadd.f32 v8, v9;
	v40 =	vadd.f32 $1.428571490e-01, v38  }
0x3cc: {  	vm15 =	vgt.s32 v13, $0x0;
	v17 =	vadd.f32 $2.000000030e-01, v17;
	v42 =	vadd.f32 $1.428571490e-01, v39  }
0x3cd: {  	v6 =	vadd.f32 $3.333333430e-01, v6;
	v35 =	vnsel vm14, $0x0, v10;
	v7 =	vmul.f32 v40, v36  }
0x3ce: {  	v10 =	vadd.f32 v10, v11;
	v41 =	vmul.f32 v17, v63;
	v11 =	vmul.f32 v42, v37  }
0x3cf: {  	v44 =	vadd.f32 v60, v60;
	v6 =	vmul.f32 v6, v55;
	v7 =	vadd.f32 $2.000000030e-01, v7  }
0x3d0: {  	v56 =	vmax.f32 v28, $0.0e+00;
	v9 =	vadd.f32 $3.333333430e-01, v41;
	v11 =	vadd.f32 $2.000000030e-01, v11  }
0x3d1: {  	v43 =	vnsel vm6, $0x0, v8;
	v6 =	vadd.f32 $1.000000000e+00, v6;
	v7 =	vmul.f32 v7, v36  }
0x3d2: {  	v16 =	vadd.f32 v35, v16;
	v9 =	vmul.f32 v9, v63;
	v11 =	vmul.f32 v11, v37  }
0x3d3: {  	v8 =	vadd.f32 v8, v10;
	v6 =	vmul.f32 v6, v20;
	v7 =	vadd.f32 $3.333333430e-01, v7  }
0x3d4: {  	v55 =	vmax.f32 v18, $0.0e+00;
	v9 =	vadd.f32 $1.000000000e+00, v9;
	v46 =	vadd.f32 $3.333333430e-01, v11  }
0x3d5: {  	v50 =	vadd.f32 v31, v31;
	v6 =	vadd.f32 v6, v12;
	v7 =	vmul.f32 v7, v36  }
0x3d6: {  	v16 =	vadd.f32 v43, v16;
	v45 =	vmul.f32 v9, v44;
	v9 =	vmul.f32 v46, v37  }
0x3d7: {  	v47 =	vnsel vm7, $0x0, v6;
	v6 =	vadd.f32 v6, v8;
	v7 =	vadd.f32 $1.000000000e+00, v7  }
0x3d8: {  	v48 =	vmax.f32 v14, $0.0e+00;
	v52 =	vadd.f32 v34, v34;
	v9 =	vadd.f32 $1.000000000e+00, v9  }
0x3d9: {  	v10 =	vadd.f32 v47, v16;
	v5 =	vadd.f32 v45, v48;
	v53 =	vmul.f32 v7, v50  }
0x3da: {  	v49 =	vsel vm3, $0x1, v0;
	vm3 =	vgt.s32 v4, $0x0;
	v9 =	vmul.f32 v9, v52  }
0x3db: {  	v54 =	vnsel vm3, $0x0, v5;
	v5 =	vadd.f32 v5, v6;
	v4 =	vadd.f32 v53, v55  }
0x3dc: {  	vm8 =	vgt.s32 v19, $0x0;
	v7 =	vadd.f32 v54, v10;
	v6 =	vadd.f32 v9, v56  }
0x3dd: {  	vm8 =	vmand vm8, vm0;
	v8 =	vnsel vm15, $0x0, v4;
	v4 =	vadd.f32 v4, v5  }
0x3de: {  	v51 =	vsel vm5, $0x1, v0;
	v57 =	vadd.f32 v8, v7;
	v6 =	vnsel vm0, $0x0, v6  }
0x3df: {  	v3 =	vadd.s32 v49, v3;
	v4 =	vadd.f32 v6, v4;
	v6 =	vnsel vm8, $0x0, v6  }
0x3e0: {  	v58 =	vsel vm14, $0x1, v0;
	v3 =	vadd.s32 v51, v3;
	v5 =	vadd.f32 v6, v57  }
0x3e1: {  	v59 =	vsel vm6, $0x1, v0;
	v3 =	vadd.s32 v58, v3;
	(xrf2) =	vadd.scan.msk.f32 $0xffff, v4  }
0x3e2: {  	v60 =	vsel vm7, $0x1, v0;
	v3 =	vadd.s32 v59, v3;
	(xrf2) =	vadd.scan.msk.f32 $0xffff, v5  }
0x3e3: {  	v61 =	vsel vm3, $0x1, v0;
	v3 =	vadd.s32 v60, v3  }
0x3e4: {  	v62 =	vsel vm15, $0x1, v0;
	v3 =	vadd.s32 v61, v3  }
0x3e5: {  	v63 =	vsel vm8, $0x1, v0;
	v3 =	vadd.s32 v62, v3  }
0x3e6: {  	v3 =	vadd.s32 v63, v3  }
0x3e7: {  	(xrf0) =	vadd.scan.msk.s32 $0xffff, v3;
	_ =	sdelay $0x3  }
0x3e8: {  	v3, _, _ =	vpop (xrf2)  }
0x3e9: {  	(v2sf) =	vpush v3, $0xF;
	v3, _, _ =	vpop (xrf2)  }
0x3ea: {  	(v2sf) =	vpush v3, $0xF;
	v3, _, _ =	vpop (xrf0)  }
0x3eb: {  	(v2sf) =	vpush v3, $0xF;
	_ =	sdelay $0xc  }
0x3ec: {  	s30 =	spop (v2sf)  }
0x3ed: {  	s28 =	spop (v2sf)  }
0x3ee: {  	s26 =	spop (v2sf)  }
0x3ef: {  	s31 =	smul.u32 $0x3, s26;
	_ =	sdelay $0x1  }
0x3f0: {  	p0 =	sgt.s32 s31, $0x221B  }
.Ltmp25:
0x3f1: {  	_ = 	snop;
	(pc) =	sbr.rel @p0 .LBB2_58-.Ltmp25, $1  }
0x3f2: {  	_ =	sdelay $0x3  }
0x3f3: {  	s0 =	simm.s32 $0x0  }
0x3f4: {  	v3 =	vld [tilespmem:s0+$0x0]  }
0x3f5: {  	v4 =	vld [tilespmem:s0+$0x2284]  }
0x3f6: {  	v5 =	vld [tilespmem:s0+$0x4500];
	_ =	sdelay $0x3  }
0x3f7: {  	v6 =	vsub.f32 v4, v3;
	v3 =	vsub.f32 v3, v4  }
0x3f8: {  	vm3 =	veq.s32 v5, $0x0  }
0x3f9: {  	v7 =	vsel vm3, v6, v3  }
0x3fa: {  	v3 =	vand.u32 $0x7FFFFFFF, v7  }
0x3fb: {  	v3 =	vsub.f32 $0.0e+00, v3;
	_ =	sdelay $0x1  }
0x3fc: {  	s1 =	simm.s32 $0x10;
	v3 =	vmul.f32 $1.442695020e+00, v3  }
0x3fd: {  	v4 =	vld [tilespmem:s1+$0x0]  }
0x3fe: {  	v6 =	vld [tilespmem:s1+$0x2284];
	(erf) = vpow2.f32 v3  }
0x3ff: {  	v8 =	vld [tilespmem:s1+$0x4500];
	_ =	sdelay $0x3  }
0x400: {  	v3 =	vsub.f32 v6, v4;
	v4 =	vsub.f32 v4, v6  }
0x401: {  	vm3 =	veq.s32 v8, $0x0  }
0x402: {  	v4 =	vsel vm3, v3, v4  }
0x403: {  	v3 =	vand.u32 $0x7FFFFFFF, v4  }
0x404: {  	v3 =	vsub.f32 $0.0e+00, v3;
	v6 =	vpop (erf)  }
0x405: {  	v9 =	vadd.f32 $2.000000000e+00, v6  }
0x406: {  	s20 =	simm.s32 $0x20;
	v3 =	vmul.f32 $1.442695020e+00, v3  }
0x407: {  	v10 =	vld [tilespmem:s20+$0x0];
	(erf) = vrcp.f32 v9  }
0x408: {  	v9 =	vld [tilespmem:s20+$0x2284];
	(erf) = vpow2.f32 v3  }
0x409: {  	v11 =	vld [tilespmem:s20+$0x4500];
	_ =	sdelay $0x3  }
0x40a: {  	v3 =	vsub.f32 v9, v10;
	v9 =	vsub.f32 v10, v9  }
0x40b: {  	vm3 =	veq.s32 v11, $0x0  }
0x40c: {  	v3 =	vsel vm3, v3, v9  }
0x40d: {  	v9 =	vand.u32 $0x7FFFFFFF, v3;
	v10 =	vpop (erf)  }
0x40e: {  	vm5 =	vmmov vm2;
	v9 =	vsub.f32 $0.0e+00, v9;
	v12 =	vpop (erf);
	v13 =	vmul.f32 v10, v6  }
0x40f: {  	vm7 =	vmmov vm2;
	vm12 =	vmmov vm2;
	v10 =	vadd.f32 $2.000000000e+00, v12  }
0x410: {  	s3 =	simm.s32 $0x30;
	vm4 =	vlt.s32 v5, $0x1;
	v9 =	vmul.f32 $1.442695020e+00, v9;
	v14 =	vmul.f32 v13, v13  }
0x411: {  	v5 =	vld [tilespmem:s3+$0x0];
	vm6 =	vlt.s32 v8, $0x1;
	vm8 =	vlt.s32 v11, $0x1;
	(erf) = vrcp.f32 v10  }
0x412: {  	vm4 =	vmmov vm4;
	v10 =	vld [tilespmem:s3+$0x2284];
	(erf) = vpow2.f32 v9;
	v9 =	vmul.f32 $1.111111120e-01, v14  }
0x413: {  	p0 =	por $0x1, $0x1;
	vm6 =	vmmov vm6;
	vm4 =	vmmov vm4;
	vm3 =	vmmov vm2  }
0x414: {  	v8 =	vld [tilespmem:s3+$0x4500];
	vm13 =	vmmov vm4;
	vm3 =	vmneg @p0 vm3;
	p0 =	por $0x1, $0x1;
	v9 =	vadd.f32 $1.428571490e-01, v9  }
0x415: {  	v7 =	vmax.f32 v7, $0.0e+00;
	vm3 =	vmmov vm3;
	vm5 =	vmneg @p0 vm5  }
0x416: {  	p0 =	por $0x1, $0x1;
	v6 =	vimm.s32 $0x0;
	vm3 =	vmmov vm3;
	v9 =	vmul.f32 v9, v14  }
0x417: {  	vm5 =	vmmov vm5;
	vm7 =	vmneg @p0 vm7;
	v11 =	vsub.f32 v10, v5  }
0x418: {  	vm3 =	vmmov vm3;
	v5 =	vsub.f32 v5, v10;
	v9 =	vadd.f32 $2.000000030e-01, v9  }
0x419: {  	p0 =	por $0x1, $0x1;
	vm9 =	vmmov vm5;
	vm11 =	vmmov vm7;
	vm7 =	veq.s32 v8, $0x0  }
0x41a: {  	vm12 =	vmneg @p0 vm12;
	vm5 =	vmmov vm6;
	v5 =	vsel vm7, v11, v5  }
0x41b: {  	vm6 =	vmmov vm8;
	vm7 =	vlt.s32 v8, $0x1;
	v8 =	vand.u32 $0x7FFFFFFF, v5;
	v10 =	vpop (erf)  }
0x41c: {  	v11 =	vmul.f32 v9, v14;
	v15 =	vsub.f32 $0.0e+00, v8;
	v8 =	vmul.f32 v10, v12;
	v9 =	vpop (erf)  }
0x41d: {  	s4 =	simm.s32 $0x40;
	vm8 =	vmmov vm2;
	vm14 =	vmmov vm3;
	v12 =	vadd.f32 $2.000000000e+00, v9  }
0x41e: {  	v16 =	vld [tilespmem:s4+$0x4500];
	vm10 =	vmmov vm9;
	v11 =	vadd.f32 $3.333333430e-01, v11;
	v10 =	vmul.f32 v8, v8  }
0x41f: {  	v17 =	vld [tilespmem:s4+$0x0];
	vm3 =	vmmov vm11;
	v15 =	vmul.f32 $1.442695020e+00, v15;
	(erf) = vrcp.f32 v12  }
0x420: {  	p0 =	por $0x1, $0x1;
	vm4 =	vmmov vm12;
	v11 =	vmul.f32 v11, v14;
	v12 =	vld [tilespmem:s4+$0x2284];
	v14 =	vmul.f32 $1.111111120e-01, v10  }
0x421: {  	vm8 =	vmneg @p0 vm8;
	v13 =	vadd.f32 v13, v13;
	(erf) = vpow2.f32 v15  }
0x422: {  	vm11 =	vmmov vm13;
	v11 =	vadd.f32 $1.000000000e+00, v11;
	v14 =	vadd.f32 $1.428571490e-01, v14  }
0x423: {  	vm9 =	vmmov vm5;
	vm6 =	vmmov vm6;
	vm5 =	vlt.s32 v16, $0x1  }
0x424: {  	vm12 =	veq.s32 v16, $0x0;
	v11 =	vmul.f32 v11, v13;
	v13 =	vmul.f32 v14, v10  }
0x425: {  	vm13 =	vmor vm14, vm0;
	v14 =	vsub.f32 v12, v17;
	v12 =	vsub.f32 v17, v12  }
0x426: {  	vm10 =	vmmov vm10;
	v11 =	vadd.f32 v11, v7;
	v15 =	vadd.f32 $2.000000030e-01, v13  }
0x427: {  	p0 =	slt.s32 s31, $0x221C;
	vm7 =	vmmov vm7;
	v7 =	vsel vm12, v14, v12;
	vm12 =	vmand vm13, vm11  }
0x428: {  	s5 =	simm.s32 $0x140;
	s31 =	simm.s32 @!p0 $0x221C;
	v11 =	vnsel vm13, $0x0, v11;
	v14 =	vand.u32 $0x7FFFFFFF, v7;
	v12 =	vmul.f32 v15, v10;
	v13 =	vpop (erf)  }
.LBB2_43:
0x429: {  	v14 =	vsub.f32 $0.0e+00, v14  }
0x42a: {  	v13 =	vmul.f32 v13, v9;
	v9 =	vpop (erf);
	v15 =	vnsel vm12, $0x0, v11;
	vm11 =	vmmov vm3  }
0x42b: {  	p0 =	sne.s32 s5, $0x8840;
	[tilespmem:s0+$0x6780] =	vst v11;
	vm3 =	vmmov vm4;
	vm4 =	vmmov vm8;
	s6 =	smov.u32 s5;
	s5 =	sadd.s32 $0x40, s5;
	v11 =	vadd.f32 $2.000000000e+00, v9  }
0x42c: {  	s6 =	sshra.s32 s6, $0x2;
	v12 =	vadd.f32 $3.333333430e-01, v12;
	[tilespmem:s0+$0x8A00] =	vst v15;
	vm8 =	vgt.f32 v15, $0.0e+00;
	s0 =	smov.u32 s1;
	s1 =	smov.u32 s20;
	v14 =	vmul.f32 $1.442695020e+00, v14  }
0x42d: {  	s20 =	smov.u32 s3;
	s3 =	smov.u32 s4;
	v15 =	vld [tilespmem:s6+$0x4500];
	v16 =	vmul.f32 v13, v13;
	v17 =	vsel vm8, $0x1, v0;
	s4 =	smov.u32 s6;
	vm8 =	vmmov vm2  }
0x42e: {  	v18 =	vld [tilespmem:s4+$0x0];
	(erf) = vrcp.f32 v11;
	v11 =	vmul.f32 v12, v10;
	v6 =	vadd.s32 v17, v6  }
0x42f: {  	vm8 =	vmneg @p0 vm8;
	v12 =	vld [tilespmem:s4+$0x2284];
	(erf) = vpow2.f32 v14;
	v14 =	vmul.f32 $1.111111120e-01, v16;
	v10 =	vmovc v16  }
0x430: {  	vm12 =	vmmov vm9;
	v16 =	vadd.f32 v8, v8;
	v8 =	vmovc v13;
	v11 =	vadd.f32 $1.000000000e+00, v11  }
0x431: {  	vm9 =	vmmov vm6;
	vm6 =	vmmov vm7;
	v13 =	vadd.f32 $1.428571490e-01, v14  }
0x432: {  	vm7 =	vmmov vm5;
	v11 =	vmul.f32 v11, v16;
	vm5 =	vlt.s32 v15, $0x1  }
.Ltmp26:
0x433: {  	v14 =	vmax.f32 v4, $0.0e+00;
	v4 =	vmovc v3;
	v3 =	vmovc v5;
	v5 =	vmov v7;
	v13 =	vmul.f32 v13, v10;
	(pc) =	sbr.rel @p0 .LBB2_43-.Ltmp26, $4  }
0x434: {  	vm13 =	vmor vm10, vm0;
	v7 =	vsub.f32 v12, v18;
	v12 =	vsub.f32 v18, v12  }
0x435: {  	vm10 =	veq.s32 v15, $0x0;
	v11 =	vadd.f32 v11, v14;
	v15 =	vadd.f32 $2.000000030e-01, v13  }
0x436: {  	vm12 =	vmand vm13, vm12;
	v7 =	vsel vm10, v7, v12;
	vm10 =	vmmov vm11  }
0x437: {  	v11 =	vnsel vm13, $0x0, v11;
	v14 =	vand.u32 $0x7FFFFFFF, v7;
	v13 =	vpop (erf);
	v12 =	vmul.f32 v15, v10  }
0x438: {  	v14 =	vsub.f32 $0.0e+00, v14;
	v15 =	vpop (erf)  }
0x439: {  	v16 =	vadd.f32 $2.000000000e+00, v15  }
0x43a: {  	v14 =	vmul.f32 $1.442695020e+00, v14  }
0x43b: {  	(erf) = vrcp.f32 v16  }
0x43c: {  	(erf) = vpow2.f32 v14;
	_ =	sdelay $0x7  }
0x43d: {  	v44 =	vpop (erf)  }
0x43e: {  	v14 =	vpop (erf)  }
0x43f: {  	v9 =	vmul.f32 v13, v9;
	v17 =	vadd.f32 $2.000000000e+00, v14;
	_ =	sdelay $0x1  }
0x440: {  	v45 =	vmul.f32 v9, v9;
	(erf) = vrcp.f32 v17;
	_ =	sdelay $0x1  }
0x441: {  	v46 =	vmul.f32 $1.111111120e-01, v45;
	_ =	sdelay $0x1  }
0x442: {  	v17 =	vadd.f32 $1.428571490e-01, v46;
	_ =	sdelay $0x1  }
0x443: {  	v48 =	vnsel vm12, $0x0, v11;
	v8 =	vadd.f32 v8, v8;
	v17 =	vmul.f32 v17, v45  }
0x444: {  	v4 =	vmax.f32 v4, $0.0e+00;
	vm9 =	vmmov vm9;
	v12 =	vadd.f32 $3.333333430e-01, v12  }
0x445: {  	vm10 =	vmor vm10, vm0;
	v3 =	vmax.f32 v3, $0.0e+00;
	v47 =	vadd.f32 $2.000000030e-01, v17  }
0x446: {  	vm3 =	vmmov vm3;
	v10 =	vmul.f32 v12, v10;
	v13 =	vmul.f32 v44, v15;
	v50 =	vpop (erf)  }
0x447: {  	vm4 =	vmmov vm4;
	v12 =	vmul.f32 v47, v45;
	v14 =	vmul.f32 v50, v14  }
0x448: {  	vm8 =	vmmov vm8;
	vm6 =	vmmov vm6;
	v51 =	vmul.f32 v13, v13  }
0x449: {  	vm7 =	vmmov vm7;
	v12 =	vadd.f32 $3.333333430e-01, v12;
	v15 =	vmul.f32 v14, v14  }
0x44a: {  	vm5 =	vmmov vm5;
	v5 =	vmax.f32 v5, $0.0e+00;
	v52 =	vmul.f32 $1.111111120e-01, v51  }
0x44b: {  	v7 =	vmax.f32 v7, $0.0e+00;
	v12 =	vmul.f32 v12, v45;
	v18 =	vmul.f32 $1.111111120e-01, v15  }
0x44c: {  	vm11 =	vgt.f32 v48, $0.0e+00;
	v9 =	vadd.f32 v9, v9;
	v16 =	vadd.f32 $1.428571490e-01, v52  }
0x44d: {  	vm9 =	vmand vm10, vm9;
	v12 =	vadd.f32 $1.000000000e+00, v12;
	v54 =	vadd.f32 $1.428571490e-01, v18  }
0x44e: {  	vm3 =	vmmov vm3;
	vm4 =	vmmov vm4;
	v16 =	vmul.f32 v16, v51  }
0x44f: {  	vm8 =	vmmov vm8;
	v9 =	vmul.f32 v12, v9;
	v56 =	vmul.f32 v54, v15  }
0x450: {  	vm6 =	vmmov vm6;
	v10 =	vadd.f32 $1.000000000e+00, v10;
	v57 =	vadd.f32 $2.000000030e-01, v16  }
0x451: {  	vm7 =	vmmov vm7;
	v3 =	vadd.f32 v9, v3;
	v9 =	vadd.f32 $2.000000030e-01, v56  }
0x452: {  	vm5 =	vmmov vm5;
	v49 =	vsel vm11, $0x1, v0;
	v12 =	vmul.f32 v57, v51  }
0x453: {  	vm3 =	vmor vm3, vm0;
	v8 =	vmul.f32 v10, v8;
	v9 =	vmul.f32 v9, v15  }
0x454: {  	vm4 =	vmmov vm4;
	vm7 =	vmmov vm7;
	v12 =	vadd.f32 $3.333333430e-01, v12  }
0x455: {  	vm5 =	vmmov vm5;
	v4 =	vadd.f32 v8, v4;
	v9 =	vadd.f32 $3.333333430e-01, v9  }
0x456: {  	v6 =	vadd.s32 v49, v6;
	vm6 =	vmand vm3, vm6;
	v8 =	vmul.f32 v12, v51  }
0x457: {  	vm4 =	vmor vm4, vm0;
	v4 =	vnsel vm10, $0x0, v4;
	v9 =	vmul.f32 v9, v15  }
0x458: {  	v53 =	vnsel vm9, $0x0, v4;
	v13 =	vadd.f32 v13, v13;
	v8 =	vadd.f32 $1.000000000e+00, v8  }
0x459: {  	vm9 =	vgt.f32 v53, $0.0e+00;
	v14 =	vadd.f32 v14, v14;
	v9 =	vadd.f32 $1.000000000e+00, v9  }
0x45a: {  	vm15 =	vmmov vm5;
	v55 =	vsel vm9, $0x1, v0;
	v8 =	vmul.f32 v8, v13  }
0x45b: {  	vm7 =	vmand vm4, vm7;
	v6 =	vadd.s32 v55, v6;
	v9 =	vmul.f32 v9, v14  }
0x45c: {  	v3 =	vnsel vm3, $0x0, v3;
	vm3 =	vmmov vm8;
	v5 =	vadd.f32 v8, v5  }
0x45d: {  	v58 =	vnsel vm6, $0x0, v3;
	vm3 =	vmmov vm3;
	v7 =	vadd.f32 v9, v7  }
0x45e: {  	vm6 =	vgt.f32 v58, $0.0e+00;
	vm3 =	vmor vm3, vm0;
	v5 =	vnsel vm4, $0x0, v5  }
0x45f: {  	vm4 =	vmand vm3, vm15;
	v59 =	vnsel vm7, $0x0, v5;
	v7 =	vnsel vm3, $0x0, v7  }
0x460: {  	v60 =	vsel vm6, $0x1, v0;
	vm3 =	vgt.f32 v59, $0.0e+00;
	v61 =	vnsel vm4, $0x0, v7  }
0x461: {  	v6 =	vadd.s32 v60, v6;
	v62 =	vsel vm3, $0x1, v0;
	vm3 =	vgt.f32 v61, $0.0e+00  }
0x462: {  	v6 =	vadd.s32 v62, v6;
	v63 =	vsel vm3, $0x1, v0  }
0x463: {  	v6 =	vadd.s32 v63, v6  }
0x464: {  	(xrf0) =	vadd.scan.msk.s32 $0xffff, v6;
	_ =	sdelay $0x5  }
0x465: {  	v6, _, _ =	vpop (xrf0)  }
0x466: {  	(v2sf) =	vpush v6, $0xF;
	_ =	sdelay $0xb  }
0x467: {  	[tilespmem:s0+$0x6780] =	vst v11  }
0x468: {  	[tilespmem:s0+$0x8A00] =	vst v48  }
0x469: {  	[tilespmem:s1+$0x6780] =	vst v4  }
0x46a: {  	[tilespmem:s1+$0x8A00] =	vst v53;
	s5 =	spop (v2sf)  }
0x46b: {  	[tilespmem:s20+$0x6780] =	vst v3;
	p0 =	sgt.s32 s31, s5  }
.Ltmp27:
0x46c: {  	[tilespmem:s20+$0x8A00] =	vst v58;
	(pc) =	sbr.rel @!p0 .LBB2_45-.Ltmp27, $4  }
0x46d: {  	[tilespmem:s3+$0x6780] =	vst v5  }
0x46e: {  	[tilespmem:s3+$0x8A00] =	vst v59  }
0x46f: {  	[tilespmem:s4+$0x6780] =	vst v7  }
0x470: {  	s0 =	simm.s32 $0x7FFFFFFF;
	s1 =	simm.s32 $0x0;
	s3 =	simm.s32 $0x0;
	[tilespmem:s4+$0x8A00] =	vst v61  }
0x471: {  	s0 =	ssub.s32 s31, s5;
	s1 =	simm.s32 $0x0  }
0x472: {  	s5 =	simm.s32 $0x221C;
	s3 =	simm.s32 $0x0;
	s4 =	simm.s32 $0x0  }
.LBB2_52:
0x473: {  	s6 =	ssub.s32 s5, s3;
	p0 =	sne.s32 s5, s3;
	s7 =	simm.s32 $0x1  }
0x474: {  	s20 =	sshra.s32 s6, $0x1F;
	s7 =	simm.s32 @!p0 $0x0  }
0x475: {  	s31 =	sshrl.u32 s6, $0x1F;
	s7 =	sor.u32 s7, s20;
	s20 =	sand.u32 $0x1, s6  }
0x476: {  	p6 =	sne.s32 s7, $0x1;
	p1 =	seq.s32 s20, $0x1;
	s20 =	simm.s32 $0x8A00  }
0x477: {  	s6 =	sadd.s32 s31, s6;
	p0 =	por !p6, !p1;
	v6 =	vld [tilespmem:s20+$0x0]  }
0x478: {  	s6 =	sshra.s32 s6, $0x1;
	s7 =	simm.s32 $0x1;
	p0 =	por !p0, !p0  }
0x479: {  	s6 =	sadd.s32 s3, s6;
	s7 =	simm.s32 @!p0 $0x0  }
0x47a: {  	s6 =	ssub.s32 s6, s7  }
0x47b: {  	v5 =	vor.u32 s1, v1;
	v4 =	vmov s6  }
0x47c: {  	v3 =	vimm.s32 $0x0;
	s31 =	simm.s32 $0x8A10;
	s20 =	simm.s32 $0x10;
	vm3 =	veq.f32 v6, $0.0e+00;
	vm4 =	vlt.s32 v5, v4  }
.LBB2_53:
0x47d: {  	v6 =	vld [tilespmem:s31+$0x0];
	p0 =	sne.s32 s20, $0x2210;
	vm3 =	vmand vm4, vm3;
	vm4 =	vlt.u32 v5, $0x221C;
	s7 =	smov.u32 s20;
	s20 =	sadd.s32 $0x10, s20  }
.Ltmp28:
0x47e: {  	vm3 =	vmand vm4, vm3;
	(pc) =	sbr.rel @p0 .LBB2_53-.Ltmp28, $4  }
0x47f: {  	v5 =	vsel vm3, $0x1, v0  }
0x480: {  	v3 =	vadd.s32 v5, v3  }
0x481: {  	v5 =	vor.u32 s7, v1  }
0x482: {  	s31 =	sadd.s32 $0x10, s31;
	vm4 =	vlt.s32 v5, v4;
	vm3 =	veq.f32 v6, $0.0e+00  }
0x483: {  	vm3 =	vmand vm4, vm3;
	vm15 =	vlt.u32 v5, $0x221C  }
0x484: {  	vm3 =	vmand vm15, vm3  }
0x485: {  	v4 =	vsel vm3, $0x1, v0  }
0x486: {  	v3 =	vadd.s32 v4, v3  }
0x487: {  	(xrf0) =	vadd.scan.msk.s32 $0xffff, v3;
	_ =	sdelay $0x5  }
0x488: {  	v3, _, _ =	vpop (xrf0)  }
0x489: {  	(v2sf) =	vpush v3, $0xF;
	_ =	sdelay $0xb  }
0x48a: {  	s4 =	sadd.s32 $0x1, s4  }
0x48b: {  	p1 =	seq.s32 s4, $0xE  }
.Ltmp29:
0x48c: {  	_ = 	snop;
	(pc) =	sbr.rel @!p1 .LBB2_52-.Ltmp29, $4  }
0x48d: {  	s7 =	spop (v2sf)  }
0x48e: {  	p0 =	slt.s32 s7, s0  }
0x48f: {  	s7 =	sadd.s32 $0x1, s6;
	s6 =	smov.u32 @p0 s5  }
0x490: {  	s3 =	smov.u32 @p0 s7;
	s5 =	smov.u32 s6  }
0x491: {  	s31 =	simm.s32 $0x8A00  }
0x492: {  	v7 =	vld [tilespmem:s31+$0x0];
	_ =	sdelay $0x1  }
0x493: {  	s0 =	simm.s32 $0x6780  }
0x494: {  	s1 =	simm.s32 $0x0;
	v5 =	vld [tilespmem:s0+$0x0]  }
0x495: {  	v4 =	vmov s3;
	v6 =	vor.u32 s1, v1  }
0x496: {  	v3 =	vimm.f32 $0.0e+00;
	s3 =	simm.s32 $0x8A10;
	s1 =	simm.s32 $0x10;
	vm4 =	vlt.s32 v6, v4;
	vm3 =	veq.f32 v7, $0.0e+00  }
.LBB2_56:
0x497: {  	v7 =	vld [tilespmem:s3+$0x0];
	p0 =	sne.s32 s1, $0x2210;
	vm3 =	vmand vm4, vm3;
	vm4 =	vlt.u32 v6, $0x221C;
	s4 =	smov.u32 s1;
	s1 =	sadd.s32 $0x10, s1  }
.Ltmp30:
0x498: {  	vm3 =	vmand vm4, vm3;
	(pc) =	sbr.rel @p0 .LBB2_56-.Ltmp30, $4  }
0x499: {  	s0 =	sadd.s32 $0x10, s0;
	v6 =	vnsel vm3, $0x0, v5  }
0x49a: {  	v5 =	vld [tilespmem:s0+$0x0];
	v3 =	vadd.f32 v6, v3  }
0x49b: {  	v6 =	vor.u32 s4, v1  }
0x49c: {  	s3 =	sadd.s32 $0x10, s3;
	vm4 =	vlt.s32 v6, v4;
	vm3 =	veq.f32 v7, $0.0e+00  }
0x49d: {  	vm3 =	vmand vm4, vm3;
	vm15 =	vlt.u32 v6, $0x221C  }
0x49e: {  	vm3 =	vmand vm15, vm3  }
0x49f: {  	v4 =	vnsel vm3, $0x0, v5  }
0x4a0: {  	v3 =	vadd.f32 v4, v3;
	_ =	sdelay $0x1  }
0x4a1: {  	(xrf2) =	vadd.scan.msk.f32 $0xffff, v3;
	_ =	sdelay $0x9  }
0x4a2: {  	v3, _, _ =	vpop (xrf2)  }
0x4a3: {  	(v2sf) =	vpush v3, $0xF;
	_ =	sdelay $0xc  }
.Ltmp31:
0x4a4: {  	_ = 	snop;
	(pc) =	sbr.rel .LBB2_58-.Ltmp31, $3  }
0x4a5: {  	s0 =	ssub.f32 s30, s28  }
0x4a6: {  	s1 =	spop (v2sf)  }
0x4a7: {  	s30 =	sadd.f32 s1, s0;
	_ =	sdelay $0x1  }
.LBB2_45:
0x4a8: {  	s4 =	ssub.s32 s0, s3;
	p0 =	sne.s32 s0, s3;
	s5 =	simm.s32 $0x1  }
0x4a9: {  	s6 =	sshra.s32 s4, $0x1F;
	s5 =	simm.s32 @!p0 $0x0  }
0x4aa: {  	s20 =	sand.u32 $0x1, s4;
	s5 =	sor.u32 s5, s6  }
0x4ab: {  	s7 =	sshrl.u32 s4, $0x1F;
	p1 =	seq.s32 s20, $0x1;
	p6 =	sne.s32 s5, $0x1  }
0x4ac: {  	s4 =	sadd.s32 s7, s4;
	p0 =	por !p6, !p1  }
0x4ad: {  	s4 =	sshra.s32 s4, $0x1;
	s5 =	simm.s32 $0x1;
	p0 =	por !p0, !p0  }
0x4ae: {  	s30 =	simm.s32 $0x0;
	s4 =	sadd.s32 s3, s4;
	s5 =	simm.s32 @!p0 $0x0  }
0x4af: {  	v5 =	vld [tilespmem:s30+$0x8A00];
	s4 =	ssub.s32 s4, s5  }
0x4b0: {  	v3 =	vimm.s32 $0x0;
	s5 =	simm.s32 $0x40;
	v4 =	vmov s4  }
.LBB2_46:
0x4b1: {  	p0 =	sne.s32 s5, $0x8840  }
.Ltmp32:
0x4b2: {  	_ = 	snop;
	(pc) =	sbr.rel @p0 .LBB2_46-.Ltmp32, $4  }
0x4b3: {  	_ = 	snop  }
0x4b4: {  	s6 =	sshra.s32 s5, $0x2;
	s5 =	sadd.s32 $0x40, s5;
	vm3 =	vgt.s32 v5, v4  }
0x4b5: {  	v5 =	vld [tilespmem:s6+$0x8A00];
	v6 =	vsel vm3, $0x1, v0  }
0x4b6: {  	v3 =	vadd.s32 v6, v3  }
0x4b7: {  	_ =	sdelay $0x2  }
0x4b8: {  	vm3 =	vgt.s32 v5, v4  }
0x4b9: {  	v4 =	vsel vm3, $0x1, v0  }
0x4ba: {  	v3 =	vadd.s32 v4, v3  }
0x4bb: {  	(xrf0) =	vadd.scan.msk.s32 $0xffff, v3;
	_ =	sdelay $0x5  }
0x4bc: {  	v3, _, _ =	vpop (xrf0)  }
0x4bd: {  	(v2sf) =	vpush v3, $0xF;
	_ =	sdelay $0xb  }
0x4be: {  	s1 =	sadd.s32 $0x1, s1  }
0x4bf: {  	p1 =	seq.s32 s1, $0x1F  }
.Ltmp33:
0x4c0: {  	_ = 	snop;
	(pc) =	sbr.rel @!p1 .LBB2_45-.Ltmp33, $4  }
0x4c1: {  	s5 =	spop (v2sf)  }
0x4c2: {  	p0 =	slt.s32 s5, s31;
	s5 =	sadd.s32 $0x1, s4  }
0x4c3: {  	s5 =	smov.u32 @p0 s3  }
0x4c4: {  	s0 =	smov.u32 @p0 s4;
	s3 =	smov.u32 s5  }
0x4c5: {  	s1 =	simm.s32 $0x0  }
0x4c6: {  	v6 =	vld [tilespmem:s1+$0x8A00]  }
0x4c7: {  	v3 =	vmov s5;
	v4 =	vimm.s32 $0x0;
	v5 =	vimm.f32 $0.0e+00;
	s0 =	simm.s32 $0x40  }
.LBB2_49:
0x4c8: {  	p0 =	sne.s32 s0, $0x8840  }
.Ltmp34:
0x4c9: {  	_ = 	snop;
	(pc) =	sbr.rel @p0 .LBB2_49-.Ltmp34, $4  }
0x4ca: {  	_ = 	snop  }
0x4cb: {  	s1 =	sshra.s32 s0, $0x2;
	s0 =	sadd.s32 $0x40, s0;
	vm3 =	vlt.s32 v3, v6  }
0x4cc: {  	v7 =	vsel vm3, $0x1, v0;
	v8 =	vnsel vm3, $0x0, v6;
	v6 =	vld [tilespmem:s1+$0x8A00]  }
0x4cd: {  	v4 =	vadd.s32 v7, v4;
	v5 =	vadd.f32 v8, v5  }
0x4ce: {  	_ =	sdelay $0x2  }
0x4cf: {  	vm3 =	vlt.s32 v3, v6  }
0x4d0: {  	v6 =	vnsel vm3, $0x0, v6  }
0x4d1: {  	v5 =	vadd.f32 v6, v5  }
0x4d2: {  	vm4 =	vmmov $0x1  }
0x4d3: {  	v3 =	vnsel vm4, $0x0, v3;
	v63 =	vsel vm3, $0x1, v0;
	(xrf2) =	vadd.scan.msk.f32 $0xffff, v5  }
0x4d4: {  	v4 =	vadd.s32 v63, v4;
	(xrf2) =	vadd.scan.msk.f32 $0xffff, v3  }
0x4d5: {  	(xrf0) =	vadd.scan.msk.s32 $0xffff, v4;
	_ =	sdelay $0x5  }
0x4d6: {  	v3, _, _ =	vpop (xrf0)  }
0x4d7: {  	(v2sf) =	vpush v3, $0xF  }
0x4d8: {  	v3, _, _ =	vpop (xrf2)  }
0x4d9: {  	(v2sf) =	vpush v3, $0xF;
	v3, _, _ =	vpop (xrf2)  }
0x4da: {  	(v2sf) =	vpush v3, $0xF;
	_ =	sdelay $0xb  }
0x4db: {  	s0 =	spop (v2sf)  }
0x4dc: {  	s0 =	ssub.s32 s31, s0  }
0x4dd: {  	s3 =	scvt.s32.f32 s0;
	s1 =	spop (v2sf)  }
0x4de: {  	s4 =	spop (v2sf)  }
0x4df: {  	s3 =	smul.f32 s3, s4  }
0x4e0: {  	p0 =	sgt.s32 s0, $0x0  }
0x4e1: {  	s3 =	simm.s32 @!p0 $0x0  }
0x4e2: {  	s30 =	sadd.f32 s3, s1  }
.LBB2_58:
0x4e3: {  	s0 =	simm.s32 $0x0  }
0x4e4: {  	[tilespmem:s0], [sflag:$0x1] =	stream.linear.gather [hbm4b:s21+s0], $0x2220, $0x38;
	[tilespmem:$0xAD00] =	vst v63  }
0x4e5: {  	s1 =	rddreg [dreg:$0x2]  }
0x4e6: {  	[tilespmem:s17], [sflag:$0x1] =	stream.linear.gather [hbm4b:s1+s0], $0x2220, $0x38;
	[tilespmem:$0xAD00] =	vst v63  }
0x4e7: {  	s31 =	rddreg [dreg:$0x3]  }
0x4e8: {  	[tilespmem:s18], [sflag:$0x1] =	stream.linear.gather [hbm4b:s31+s0], $0x2220, $0x38;
	[tilespmem:$0xAD00] =	vst v63  }
0x4e9: {  	_ =	swait.ge [sflag:s19], $0x2220  }
0x4ea: {  	[sflag:s19] =	ssyncset.done $0x0  }
0x4eb: {  	[sflag:s19] =	ssyncadd.s32 $0xFFFFDDE0  }
0x4ec: {  	_ =	swait.ge [sflag:s19], $0x2220  }
0x4ed: {  	[sflag:s19] =	ssyncset.done $0x0  }
0x4ee: {  	[sflag:s19] =	ssyncadd.s32 $0xFFFFDDE0  }
0x4ef: {  	_ =	swait.ge [sflag:s19], $0x2220  }
0x4f0: {  	[sflag:s19] =	ssyncset.done $0x0  }
0x4f1: {  	s3 =	simm.s32 $0x0;
	[sflag:s19] =	ssyncadd.s32 $0xFFFFDDE0  }
0x4f2: {  	v3 =	vld [tilespmem:s3+$0x0]  }
0x4f3: {  	v4 =	vld [tilespmem:s3+$0x2284]  }
0x4f4: {  	v19 =	vld [tilespmem:s3+$0x4504];
	_ =	sdelay $0x3  }
0x4f5: {  	v5 =	vsub.f32 v4, v3;
	v3 =	vsub.f32 v3, v4  }
0x4f6: {  	vm3 =	veq.s32 v19, $0x0  }
0x4f7: {  	s4 =	simm.s32 $0x10;
	v13 =	vsel vm3, v5, v3  }
0x4f8: {  	v4 =	vld [tilespmem:s4+$0x0];
	v3 =	vand.u32 $0x7FFFFFFF, v13  }
0x4f9: {  	v5 =	vld [tilespmem:s4+$0x2284];
	v3 =	vsub.f32 $0.0e+00, v3  }
0x4fa: {  	v8 =	vld [tilespmem:s4+$0x4504]  }
0x4fb: {  	v3 =	vmul.f32 $1.442695020e+00, v3;
	_ =	sdelay $0x1  }
0x4fc: {  	(erf) = vpow2.f32 v3  }
0x4fd: {  	v3 =	vsub.f32 v5, v4;
	v4 =	vsub.f32 v4, v5  }
0x4fe: {  	s5 =	simm.s32 $0x20;
	vm3 =	veq.s32 v8, $0x0  }
0x4ff: {  	v5 =	vld [tilespmem:s5+$0x2284];
	v11 =	vsel vm3, v3, v4  }
0x500: {  	v3 =	vld [tilespmem:s5+$0x0];
	v4 =	vand.u32 $0x7FFFFFFF, v11  }
0x501: {  	v4 =	vsub.f32 $0.0e+00, v4  }
0x502: {  	v6 =	vld [tilespmem:s5+$0x4504]  }
0x503: {  	v4 =	vmul.f32 $1.442695020e+00, v4;
	_ =	sdelay $0x1  }
0x504: {  	v7 =	vsub.f32 v5, v3;
	v9 =	vpop (erf);
	(erf) = vpow2.f32 v4  }
0x505: {  	v3 =	vsub.f32 v3, v5;
	v4 =	vadd.f32 $2.000000000e+00, v9  }
0x506: {  	vm3 =	veq.s32 v6, $0x0  }
0x507: {  	v10 =	vsel vm3, v7, v3;
	(erf) = vrcp.f32 v4  }
0x508: {  	v3 =	vand.u32 $0x7FFFFFFF, v10  }
0x509: {  	s6 =	simm.s32 $0x30;
	v3 =	vsub.f32 $0.0e+00, v3  }
0x50a: {  	v5 =	vld [tilespmem:s6+$0x2284]  }
0x50b: {  	v4 =	vld [tilespmem:s6+$0x0];
	v3 =	vmul.f32 $1.442695020e+00, v3  }
0x50c: {  	v7 =	vld [tilespmem:s6+$0x4504]  }
0x50d: {  	v12 =	vpop (erf);
	(erf) = vpow2.f32 v3  }
0x50e: {  	v3 =	vadd.f32 $2.000000000e+00, v12;
	_ =	sdelay $0x1  }
0x50f: {  	v14 =	vsub.f32 v5, v4;
	v4 =	vsub.f32 v4, v5;
	v15 =	vpop (erf);
	(erf) = vrcp.f32 v3  }
0x510: {  	vm3 =	veq.s32 v7, $0x0;
	v17 =	vmul.f32 v15, v9  }
0x511: {  	v9 =	vsel vm3, v14, v4  }
0x512: {  	s7 =	simm.s32 $0x40;
	v3 =	vand.u32 $0x7FFFFFFF, v9;
	v14 =	vmul.f32 v17, v17  }
0x513: {  	v16 =	vld [tilespmem:s7+$0x0];
	v3 =	vsub.f32 $0.0e+00, v3  }
0x514: {  	v18 =	vld [tilespmem:s7+$0x2284];
	v4 =	vmul.f32 $1.111111120e-01, v14  }
0x515: {  	v5 =	vld [tilespmem:s7+$0x4504];
	v3 =	vmul.f32 $1.442695020e+00, v3;
	v22 =	vpop (erf)  }
0x516: {  	v4 =	vadd.f32 $1.428571490e-01, v4;
	v15 =	vadd.f32 $2.000000000e+00, v22  }
0x517: {  	(erf) = vpow2.f32 v3  }
0x518: {  	v4 =	vmul.f32 v4, v14;
	v20 =	vpop (erf);
	(erf) = vrcp.f32 v15  }
0x519: {  	s20 =	simm.s32 $0x50;
	v15 =	vmul.f32 v20, v12;
	v12 =	vsub.f32 v18, v16;
	v16 =	vsub.f32 v16, v18  }
0x51a: {  	v23 =	vld [tilespmem:s20+$0x2284];
	vm4 =	veq.s32 v5, $0x0;
	v4 =	vadd.f32 $2.000000030e-01, v4  }
0x51b: {  	v3 =	vld [tilespmem:s20+$0x4504];
	v12 =	vsel vm4, v12, v16  }
0x51c: {  	v18 =	vld [tilespmem:s20+$0x0];
	v20 =	vmul.f32 v15, v15;
	v4 =	vmul.f32 v4, v14;
	v21 =	vand.u32 $0x7FFFFFFF, v12  }
0x51d: {  	s29 =	sadd.f32 s29, s25;
	v21 =	vsub.f32 $0.0e+00, v21  }
0x51e: {  	vm3 =	veq.s32 v1, $0x1;
	v24 =	vmul.f32 $1.111111120e-01, v20;
	v25 =	vadd.f32 $3.333333430e-01, v4  }
0x51f: {  	v2 =	vsel vm3, s29, v2  }
0x520: {  	v24 =	vadd.f32 $1.428571490e-01, v24;
	v14 =	vmul.f32 v25, v14;
	v25 =	vmul.f32 $1.442695020e+00, v21  }
0x521: {  	vm3 =	veq.s32 v3, $0x0;
	v26 =	vsub.f32 v23, v18;
	v18 =	vsub.f32 v18, v23;
	v21 =	vpop (erf)  }
0x522: {  	v24 =	vmul.f32 v24, v20;
	v23 =	vpop (erf);
	(erf) = vpow2.f32 v25;
	v25 =	vadd.f32 $2.000000000e+00, v21  }
0x523: {  	s31 =	simm.s32 $0x60;
	v27 =	vadd.f32 v17, v17;
	v28 =	vadd.f32 $1.000000000e+00, v14;
	v14 =	vsel vm3, v26, v18  }
0x524: {  	vm3 =	vgt.s32 v19, $0x0;
	v19 =	vld [tilespmem:s31+$0x2284];
	v18 =	vadd.f32 $2.000000030e-01, v24;
	(erf) = vrcp.f32 v25  }
0x525: {  	v17 =	vmul.f32 v23, v22;
	v24 =	vmax.f32 v13, $0.0e+00;
	v13 =	vld [tilespmem:s31+$0x4504];
	v22 =	vmul.f32 v28, v27  }
0x526: {  	v16 =	vimm.f32 $0.0e+00;
	v26 =	vmul.f32 v18, v20;
	v18 =	vld [tilespmem:s31+$0x0]  }
0x527: {  	v25 =	vand.u32 $0x7FFFFFFF, v14;
	v23 =	vmul.f32 v17, v17;
	v22 =	vadd.f32 v22, v24  }
0x528: {  	v4 =	vimm.s32 $0x0;
	v28 =	vsub.f32 $0.0e+00, v25;
	v24 =	vimm.f32 $0.0e+00  }
0x529: {  	s24 =	scvt.s32.f32 s24;
	s0 =	simm.s32 $0x1C0;
	v27 =	vmul.f32 $1.111111120e-01, v23;
	v25 =	vadd.f32 $3.333333430e-01, v26;
	v26 =	vnsel vm3, $0x0, v22  }
.LBB2_59:
0x52a: {  	p0 =	sne.s32 s0, $0x8800;
	vm4 =	veq.s32 v13, $0x0;
	v28 =	vmul.f32 $1.442695020e+00, v28;
	v16 =	vadd.f32 v26, v16;
	v29 =	vmovc v3;
	v3 =	vmovc v13  }
0x52b: {  	v26 =	vsub.f32 v19, v18;
	v30 =	vpop (erf);
	v13 =	vadd.f32 $1.428571490e-01, v27;
	v33 =	vmul.f32 v25, v20  }
0x52c: {  	v18 =	vsub.f32 v18, v19;
	v25 =	vmovc v12;
	v12 =	vmovc v14;
	(erf) = vpow2.f32 v28;
	v19 =	vadd.f32 $2.000000000e+00, v30  }
0x52d: {  	s1 =	sshra.s32 s0, $0x2;
	v31 =	vadd.f32 v15, v15;
	v27 =	vpop (erf);
	v28 =	vmul.f32 v13, v23;
	v32 =	vadd.f32 $1.000000000e+00, v33  }
0x52e: {  	v15 =	vmovc v17;
	v20 =	vmovc v23;
	v14 =	vsel vm4, v26, v18;
	v26 =	vsel vm3, $0x1, v0;
	v13 =	vld [tilespmem:s1+$0x4504];
	(erf) = vrcp.f32 v19  }
.Ltmp35:
0x52f: {  	v17 =	vmul.f32 v27, v21;
	v21 =	vmovc v30;
	v18 =	vld [tilespmem:s1+$0x0];
	v27 =	vadd.f32 $2.000000030e-01, v28;
	v28 =	vmul.f32 v32, v31;
	(pc) =	sbr.rel @p0 .LBB2_59-.Ltmp35, $4  }
0x530: {  	v24 =	vadd.f32 v22, v24;
	v30 =	vand.u32 $0x7FFFFFFF, v14;
	v31 =	vmax.f32 v11, $0.0e+00;
	v11 =	vmovc v10;
	v10 =	vmovc v9;
	v19 =	vld [tilespmem:s1+$0x2284]  }
0x531: {  	v9 =	vmovc v25;
	v23 =	vmul.f32 v17, v17;
	v32 =	vmul.f32 v27, v20;
	v22 =	vadd.f32 v28, v31  }
0x532: {  	vm3 =	vgt.s32 v8, $0x0;
	v8 =	vmovc v6;
	v6 =	vmovc v7;
	v4 =	vadd.s32 v26, v4;
	v28 =	vsub.f32 $0.0e+00, v30  }
0x533: {  	s0 =	sadd.s32 $0x40, s0;
	v7 =	vmovc v5;
	v5 =	vmovc v29;
	v27 =	vmul.f32 $1.111111120e-01, v23;
	v25 =	vadd.f32 $3.333333430e-01, v32;
	v26 =	vnsel vm3, $0x0, v22  }
0x534: {  	_ = 	snop  }
0x535: {  	v29 =	vsub.f32 v19, v18;
	v38 =	vsub.f32 v18, v19  }
0x536: {  	vm4 =	veq.s32 v13, $0x0  }
0x537: {  	v18 =	vsel vm4, v29, v38  }
0x538: {  	v39 =	vand.u32 $0x7FFFFFFF, v18  }
0x539: {  	v28 =	vmul.f32 $1.442695020e+00, v28;
	v40 =	vpop (erf);
	v19 =	vsub.f32 $0.0e+00, v39  }
0x53a: {  	v30 =	vadd.f32 $2.000000000e+00, v40  }
0x53b: {  	(erf) = vpow2.f32 v28;
	v19 =	vmul.f32 $1.442695020e+00, v19  }
0x53c: {  	v41 =	vld [tilespmem:$0x2210];
	(erf) = vrcp.f32 v30  }
0x53d: {  	v42 =	vld [tilespmem:$0x4494];
	(erf) = vpow2.f32 v19  }
0x53e: {  	v19 =	vld [tilespmem:$0x6714];
	_ =	sdelay $0x3  }
0x53f: {  	v31 =	vsub.f32 v42, v41;
	v28 =	vsub.f32 v41, v42  }
0x540: {  	v43 =	vpop (erf);
	vm13 =	veq.s32 v19, $0x0  }
0x541: {  	v32 =	vpop (erf);
	v28 =	vsel vm13, v31, v28  }
0x542: {  	v44 =	vpop (erf);
	v33 =	vand.u32 $0x7FFFFFFF, v28  }
0x543: {  	v34 =	vadd.f32 $2.000000000e+00, v32;
	v33 =	vsub.f32 $0.0e+00, v33;
	v35 =	vpop (erf)  }
0x544: {  	v36 =	vadd.f32 $2.000000000e+00, v35  }
0x545: {  	(erf) = vrcp.f32 v34;
	v33 =	vmul.f32 $1.442695020e+00, v33  }
0x546: {  	(erf) = vrcp.f32 v36  }
0x547: {  	(erf) = vpow2.f32 v33;
	_ =	sdelay $0x4  }
0x548: {  	v27 =	vadd.f32 $1.428571490e-01, v27;
	_ =	sdelay $0x1  }
0x549: {  	v15 =	vadd.f32 v15, v15;
	v27 =	vmul.f32 v27, v23;
	v34 =	vpop (erf)  }
0x54a: {  	v16 =	vadd.f32 v26, v16;
	v22 =	vadd.f32 v22, v24;
	v11 =	vmax.f32 v11, $0.0e+00;
	v48 =	vpop (erf)  }
0x54b: {  	v20 =	vmul.f32 v25, v20;
	v21 =	vmul.f32 v43, v21;
	v46 =	vadd.f32 $2.000000030e-01, v27;
	v49 =	vpop (erf)  }
0x54c: {  	vm5 =	vgt.s32 v8, $0x0;
	v57 =	vadd.f32 v17, v17;
	v51 =	vadd.f32 $2.000000000e+00, v49  }
0x54d: {  	v20 =	vadd.f32 $1.000000000e+00, v20;
	v30 =	vmul.f32 v21, v21;
	v25 =	vmul.f32 v46, v23  }
0x54e: {  	v10 =	vmax.f32 v10, $0.0e+00;
	vm14 =	vgt.s32 v6, $0x0;
	(erf) = vrcp.f32 v51  }
0x54f: {  	v15 =	vmul.f32 v20, v15;
	v45 =	vmul.f32 $1.111111120e-01, v30;
	v25 =	vadd.f32 $3.333333430e-01, v25  }
0x550: {  	v9 =	vmax.f32 v9, $0.0e+00;
	vm6 =	vgt.s32 v7, $0x0;
	v12 =	vmax.f32 v12, $0.0e+00  }
0x551: {  	v11 =	vadd.f32 v15, v11;
	v47 =	vadd.f32 $1.428571490e-01, v45;
	v54 =	vmul.f32 v25, v23  }
0x552: {  	vm7 =	vgt.s32 v5, $0x0;
	vm15 =	vgt.s32 v13, $0x0;
	v52 =	vmul.f32 v44, v40  }
0x553: {  	v61 =	vnsel vm5, $0x0, v11;
	v50 =	vmul.f32 v47, v30;
	v58 =	vadd.f32 $1.000000000e+00, v54  }
0x554: {  	v11 =	vadd.f32 v11, v22;
	v55 =	vmul.f32 v52, v52;
	v60 =	vmul.f32 v34, v32  }
0x555: {  	v16 =	vadd.f32 v61, v16;
	v53 =	vadd.f32 $2.000000030e-01, v50;
	v15 =	vmul.f32 v58, v57  }
0x556: {  	v50 =	vmax.f32 v14, $0.0e+00;
	v59 =	vmul.f32 $1.111111120e-01, v55;
	v63 =	vmul.f32 v60, v60  }
0x557: {  	v56 =	vmul.f32 v53, v30;
	v20 =	vadd.f32 v52, v52;
	v33 =	vmul.f32 v48, v35;
	v34 =	vpop (erf)  }
0x558: {  	v62 =	vadd.f32 $1.428571490e-01, v59;
	v31 =	vmul.f32 $1.111111120e-01, v63;
	v36 =	vmul.f32 v34, v49  }
0x559: {  	v10 =	vadd.f32 v15, v10;
	v8 =	vadd.f32 $3.333333430e-01, v56;
	v38 =	vmul.f32 v33, v33  }
0x55a: {  	v29 =	vmul.f32 v62, v55;
	v35 =	vadd.f32 $1.428571490e-01, v31;
	v39 =	vmul.f32 v36, v36  }
0x55b: {  	v8 =	vmul.f32 v8, v30;
	v30 =	vadd.f32 v21, v21;
	v40 =	vmul.f32 $1.111111120e-01, v38  }
0x55c: {  	v32 =	vadd.f32 $2.000000030e-01, v29;
	v17 =	vmul.f32 v35, v63;
	v41 =	vmul.f32 $1.111111120e-01, v39  }
0x55d: {  	v37 =	vnsel vm14, $0x0, v10;
	v8 =	vadd.f32 $1.000000000e+00, v8;
	v42 =	vadd.f32 $1.428571490e-01, v40  }
0x55e: {  	v6 =	vmul.f32 v32, v55;
	v17 =	vadd.f32 $2.000000030e-01, v17;
	v44 =	vadd.f32 $1.428571490e-01, v41  }
0x55f: {  	v10 =	vadd.f32 v10, v11;
	v8 =	vmul.f32 v8, v30;
	v7 =	vmul.f32 v42, v38  }
0x560: {  	v6 =	vadd.f32 $3.333333430e-01, v6;
	v43 =	vmul.f32 v17, v63;
	v11 =	vmul.f32 v44, v39  }
0x561: {  	v57 =	vmax.f32 v28, $0.0e+00;
	v8 =	vadd.f32 v8, v9;
	v7 =	vadd.f32 $2.000000030e-01, v7  }
0x562: {  	v6 =	vmul.f32 v6, v55;
	v9 =	vadd.f32 $3.333333430e-01, v43;
	v11 =	vadd.f32 $2.000000030e-01, v11  }
0x563: {  	v16 =	vadd.f32 v37, v16;
	v46 =	vadd.f32 v60, v60;
	v7 =	vmul.f32 v7, v38  }
0x564: {  	v6 =	vadd.f32 $1.000000000e+00, v6;
	v9 =	vmul.f32 v9, v63;
	v11 =	vmul.f32 v11, v39  }
0x565: {  	v45 =	vnsel vm6, $0x0, v8;
	v8 =	vadd.f32 v8, v10;
	v7 =	vadd.f32 $3.333333430e-01, v7  }
0x566: {  	v6 =	vmul.f32 v6, v20;
	v9 =	vadd.f32 $1.000000000e+00, v9;
	v48 =	vadd.f32 $3.333333430e-01, v11  }
0x567: {  	v16 =	vadd.f32 v45, v16;
	v52 =	vadd.f32 v33, v33;
	v7 =	vmul.f32 v7, v38  }
0x568: {  	v6 =	vadd.f32 v6, v12;
	v47 =	vmul.f32 v9, v46;
	v9 =	vmul.f32 v48, v39  }
0x569: {  	v51 =	vsel vm3, $0x1, v0;
	vm3 =	vgt.s32 v3, $0x0;
	v7 =	vadd.f32 $1.000000000e+00, v7  }
0x56a: {  	v49 =	vnsel vm7, $0x0, v6;
	v54 =	vadd.f32 v36, v36;
	v9 =	vadd.f32 $1.000000000e+00, v9  }
0x56b: {  	v6 =	vadd.f32 v6, v8;
	v5 =	vadd.f32 v47, v50;
	v3 =	vmul.f32 v7, v52  }
0x56c: {  	v56 =	vmax.f32 v18, $0.0e+00;
	v10 =	vadd.f32 v49, v16;
	v9 =	vmul.f32 v9, v54  }
0x56d: {  	v55 =	vnsel vm3, $0x0, v5;
	v5 =	vadd.f32 v5, v6;
	v3 =	vadd.f32 v3, v56  }
0x56e: {  	vm8 =	vgt.s32 v19, $0x0;
	v7 =	vadd.f32 v55, v10;
	v6 =	vadd.f32 v9, v57  }
0x56f: {  	vm8 =	vmand vm8, vm0;
	v8 =	vnsel vm15, $0x0, v3;
	v3 =	vadd.f32 v3, v5  }
0x570: {  	v53 =	vsel vm5, $0x1, v0;
	v58 =	vadd.f32 v8, v7;
	v6 =	vnsel vm0, $0x0, v6  }
0x571: {  	v4 =	vadd.s32 v51, v4;
	v3 =	vadd.f32 v6, v3;
	v6 =	vnsel vm8, $0x0, v6  }
0x572: {  	v59 =	vsel vm14, $0x1, v0;
	v4 =	vadd.s32 v53, v4;
	v5 =	vadd.f32 v6, v58  }
0x573: {  	v60 =	vsel vm6, $0x1, v0;
	v4 =	vadd.s32 v59, v4;
	(xrf2) =	vadd.scan.msk.f32 $0xffff, v3  }
0x574: {  	v4 =	vadd.s32 v60, v4;
	v3 =	vsel vm7, $0x1, v0;
	(xrf2) =	vadd.scan.msk.f32 $0xffff, v5  }
0x575: {  	v61 =	vsel vm3, $0x1, v0;
	v3 =	vadd.s32 v3, v4  }
0x576: {  	v62 =	vsel vm15, $0x1, v0;
	v3 =	vadd.s32 v61, v3  }
0x577: {  	v63 =	vsel vm8, $0x1, v0;
	v3 =	vadd.s32 v62, v3  }
0x578: {  	v3 =	vadd.s32 v63, v3  }
0x579: {  	(xrf0) =	vadd.scan.msk.s32 $0xffff, v3;
	_ =	sdelay $0x3  }
0x57a: {  	v3, _, _ =	vpop (xrf2)  }
0x57b: {  	(v2sf) =	vpush v3, $0xF;
	v3, _, _ =	vpop (xrf2)  }
0x57c: {  	(v2sf) =	vpush v3, $0xF;
	v3, _, _ =	vpop (xrf0)  }
0x57d: {  	(v2sf) =	vpush v3, $0xF;
	_ =	sdelay $0xc  }
0x57e: {  	s31 =	spop (v2sf)  }
0x57f: {  	s29 =	spop (v2sf)  }
0x580: {  	s25 =	spop (v2sf)  }
0x581: {  	s0 =	smul.u32 $0x3, s25;
	_ =	sdelay $0x1  }
0x582: {  	p0 =	sgt.s32 s0, $0x221B  }
.Ltmp36:
0x583: {  	_ = 	snop;
	(pc) =	sbr.rel @p0 .LBB2_77-.Ltmp36, $1  }
0x584: {  	_ =	sdelay $0x3  }
0x585: {  	s1 =	simm.s32 $0x4  }
0x586: {  	v3 =	vld [tilespmem:s1+$0xFFFFFFFC]  }
0x587: {  	v4 =	vld [tilespmem:s1+$0x2280]  }
0x588: {  	v5 =	vld [tilespmem:s1+$0x4500];
	_ =	sdelay $0x3  }
0x589: {  	v6 =	vsub.f32 v4, v3;
	v3 =	vsub.f32 v3, v4  }
0x58a: {  	vm3 =	veq.s32 v5, $0x0  }
0x58b: {  	v7 =	vsel vm3, v6, v3  }
0x58c: {  	v3 =	vand.u32 $0x7FFFFFFF, v7  }
0x58d: {  	v3 =	vsub.f32 $0.0e+00, v3;
	_ =	sdelay $0x1  }
0x58e: {  	s20 =	simm.s32 $0x14;
	v3 =	vmul.f32 $1.442695020e+00, v3  }
0x58f: {  	v4 =	vld [tilespmem:s20+$0xFFFFFFFC]  }
0x590: {  	v6 =	vld [tilespmem:s20+$0x2280];
	(erf) = vpow2.f32 v3  }
0x591: {  	v8 =	vld [tilespmem:s20+$0x4500];
	_ =	sdelay $0x3  }
0x592: {  	v3 =	vsub.f32 v6, v4;
	v4 =	vsub.f32 v4, v6  }
0x593: {  	vm3 =	veq.s32 v8, $0x0  }
0x594: {  	v4 =	vsel vm3, v3, v4  }
0x595: {  	v3 =	vand.u32 $0x7FFFFFFF, v4  }
0x596: {  	v3 =	vsub.f32 $0.0e+00, v3;
	v6 =	vpop (erf)  }
0x597: {  	v9 =	vadd.f32 $2.000000000e+00, v6  }
0x598: {  	s3 =	simm.s32 $0x24;
	v3 =	vmul.f32 $1.442695020e+00, v3  }
0x599: {  	v10 =	vld [tilespmem:s3+$0xFFFFFFFC];
	(erf) = vrcp.f32 v9  }
0x59a: {  	v9 =	vld [tilespmem:s3+$0x2280];
	(erf) = vpow2.f32 v3  }
0x59b: {  	v11 =	vld [tilespmem:s3+$0x4500];
	_ =	sdelay $0x3  }
0x59c: {  	v3 =	vsub.f32 v9, v10;
	v9 =	vsub.f32 v10, v9  }
0x59d: {  	vm3 =	veq.s32 v11, $0x0  }
0x59e: {  	v3 =	vsel vm3, v3, v9  }
0x59f: {  	v9 =	vand.u32 $0x7FFFFFFF, v3;
	v10 =	vpop (erf)  }
0x5a0: {  	vm5 =	vmmov vm2;
	v9 =	vsub.f32 $0.0e+00, v9;
	v12 =	vpop (erf);
	v13 =	vmul.f32 v10, v6  }
0x5a1: {  	vm7 =	vmmov vm2;
	vm12 =	vmmov vm2;
	v10 =	vadd.f32 $2.000000000e+00, v12  }
0x5a2: {  	s4 =	simm.s32 $0x34;
	vm4 =	vlt.s32 v5, $0x1;
	v9 =	vmul.f32 $1.442695020e+00, v9;
	v14 =	vmul.f32 v13, v13  }
0x5a3: {  	v5 =	vld [tilespmem:s4+$0xFFFFFFFC];
	vm6 =	vlt.s32 v8, $0x1;
	vm8 =	vlt.s32 v11, $0x1;
	(erf) = vrcp.f32 v10  }
0x5a4: {  	vm4 =	vmmov vm4;
	v10 =	vld [tilespmem:s4+$0x2280];
	(erf) = vpow2.f32 v9;
	v9 =	vmul.f32 $1.111111120e-01, v14  }
0x5a5: {  	p0 =	por $0x1, $0x1;
	vm6 =	vmmov vm6;
	vm4 =	vmmov vm4;
	vm3 =	vmmov vm2  }
0x5a6: {  	v8 =	vld [tilespmem:s4+$0x4500];
	vm13 =	vmmov vm4;
	vm3 =	vmneg @p0 vm3;
	p0 =	por $0x1, $0x1;
	v9 =	vadd.f32 $1.428571490e-01, v9  }
0x5a7: {  	v7 =	vmax.f32 v7, $0.0e+00;
	vm3 =	vmmov vm3;
	vm5 =	vmneg @p0 vm5  }
0x5a8: {  	p0 =	por $0x1, $0x1;
	v6 =	vimm.s32 $0x0;
	vm3 =	vmmov vm3;
	v9 =	vmul.f32 v9, v14  }
0x5a9: {  	vm5 =	vmmov vm5;
	vm7 =	vmneg @p0 vm7;
	v11 =	vsub.f32 v10, v5  }
0x5aa: {  	vm3 =	vmmov vm3;
	v5 =	vsub.f32 v5, v10;
	v9 =	vadd.f32 $2.000000030e-01, v9  }
0x5ab: {  	p0 =	por $0x1, $0x1;
	vm9 =	vmmov vm5;
	vm11 =	vmmov vm7;
	vm7 =	veq.s32 v8, $0x0  }
0x5ac: {  	vm12 =	vmneg @p0 vm12;
	vm5 =	vmmov vm6;
	v5 =	vsel vm7, v11, v5  }
0x5ad: {  	vm6 =	vmmov vm8;
	vm7 =	vlt.s32 v8, $0x1;
	v8 =	vand.u32 $0x7FFFFFFF, v5;
	v10 =	vpop (erf)  }
0x5ae: {  	v11 =	vmul.f32 v9, v14;
	v15 =	vsub.f32 $0.0e+00, v8;
	v8 =	vmul.f32 v10, v12;
	v9 =	vpop (erf)  }
0x5af: {  	s5 =	simm.s32 $0x44;
	vm8 =	vmmov vm2;
	vm14 =	vmmov vm3;
	v12 =	vadd.f32 $2.000000000e+00, v9  }
0x5b0: {  	v16 =	vld [tilespmem:s5+$0x4500];
	vm10 =	vmmov vm9;
	v11 =	vadd.f32 $3.333333430e-01, v11;
	v10 =	vmul.f32 v8, v8  }
0x5b1: {  	v17 =	vld [tilespmem:s5+$0xFFFFFFFC];
	vm3 =	vmmov vm11;
	v15 =	vmul.f32 $1.442695020e+00, v15;
	(erf) = vrcp.f32 v12  }
0x5b2: {  	p0 =	por $0x1, $0x1;
	vm4 =	vmmov vm12;
	v11 =	vmul.f32 v11, v14;
	v12 =	vld [tilespmem:s5+$0x2280];
	v14 =	vmul.f32 $1.111111120e-01, v10  }
0x5b3: {  	vm8 =	vmneg @p0 vm8;
	v13 =	vadd.f32 v13, v13;
	(erf) = vpow2.f32 v15  }
0x5b4: {  	vm11 =	vmmov vm13;
	v11 =	vadd.f32 $1.000000000e+00, v11;
	v14 =	vadd.f32 $1.428571490e-01, v14  }
0x5b5: {  	vm9 =	vmmov vm5;
	vm6 =	vmmov vm6;
	vm5 =	vlt.s32 v16, $0x1  }
0x5b6: {  	vm12 =	veq.s32 v16, $0x0;
	v11 =	vmul.f32 v11, v13;
	v13 =	vmul.f32 v14, v10  }
0x5b7: {  	vm13 =	vmor vm14, vm0;
	v14 =	vsub.f32 v12, v17;
	v12 =	vsub.f32 v17, v12  }
0x5b8: {  	vm10 =	vmmov vm10;
	v11 =	vadd.f32 v11, v7;
	v15 =	vadd.f32 $2.000000030e-01, v13  }
0x5b9: {  	p0 =	slt.s32 s0, $0x221C;
	vm7 =	vmmov vm7;
	v7 =	vsel vm12, v14, v12;
	vm12 =	vmand vm13, vm11  }
0x5ba: {  	s6 =	simm.s32 $0x150;
	s0 =	simm.s32 @!p0 $0x221C;
	v11 =	vnsel vm13, $0x0, v11;
	v14 =	vand.u32 $0x7FFFFFFF, v7;
	v12 =	vmul.f32 v15, v10;
	v13 =	vpop (erf)  }
.LBB2_62:
0x5bb: {  	v14 =	vsub.f32 $0.0e+00, v14  }
0x5bc: {  	v13 =	vmul.f32 v13, v9;
	v9 =	vpop (erf);
	v15 =	vnsel vm12, $0x0, v11;
	vm11 =	vmmov vm3  }
0x5bd: {  	p0 =	sne.s32 s6, $0x8850;
	[tilespmem:s1+$0x677C] =	vst v11;
	vm3 =	vmmov vm4;
	vm4 =	vmmov vm8;
	s7 =	smov.u32 s6;
	s6 =	sadd.s32 $0x40, s6;
	v11 =	vadd.f32 $2.000000000e+00, v9  }
0x5be: {  	s7 =	sshra.s32 s7, $0x2;
	v12 =	vadd.f32 $3.333333430e-01, v12;
	[tilespmem:s1+$0x89FC] =	vst v15;
	vm8 =	vgt.f32 v15, $0.0e+00;
	s1 =	smov.u32 s20;
	s20 =	smov.u32 s3;
	v14 =	vmul.f32 $1.442695020e+00, v14  }
0x5bf: {  	s3 =	smov.u32 s4;
	s4 =	smov.u32 s5;
	v15 =	vld [tilespmem:s7+$0x4500];
	v16 =	vmul.f32 v13, v13;
	v17 =	vsel vm8, $0x1, v0;
	s5 =	smov.u32 s7;
	vm8 =	vmmov vm2  }
0x5c0: {  	v18 =	vld [tilespmem:s5+$0xFFFFFFFC];
	(erf) = vrcp.f32 v11;
	v11 =	vmul.f32 v12, v10;
	v6 =	vadd.s32 v17, v6  }
0x5c1: {  	vm8 =	vmneg @p0 vm8;
	v12 =	vld [tilespmem:s5+$0x2280];
	(erf) = vpow2.f32 v14;
	v14 =	vmul.f32 $1.111111120e-01, v16;
	v10 =	vmovc v16  }
0x5c2: {  	vm12 =	vmmov vm9;
	v16 =	vadd.f32 v8, v8;
	v8 =	vmovc v13;
	v11 =	vadd.f32 $1.000000000e+00, v11  }
0x5c3: {  	vm9 =	vmmov vm6;
	vm6 =	vmmov vm7;
	v13 =	vadd.f32 $1.428571490e-01, v14  }
0x5c4: {  	vm7 =	vmmov vm5;
	v11 =	vmul.f32 v11, v16;
	vm5 =	vlt.s32 v15, $0x1  }
.Ltmp37:
0x5c5: {  	v14 =	vmax.f32 v4, $0.0e+00;
	v4 =	vmovc v3;
	v3 =	vmovc v5;
	v5 =	vmov v7;
	v13 =	vmul.f32 v13, v10;
	(pc) =	sbr.rel @p0 .LBB2_62-.Ltmp37, $4  }
0x5c6: {  	vm13 =	vmor vm10, vm0;
	v7 =	vsub.f32 v12, v18;
	v12 =	vsub.f32 v18, v12  }
0x5c7: {  	vm10 =	veq.s32 v15, $0x0;
	v11 =	vadd.f32 v11, v14;
	v15 =	vadd.f32 $2.000000030e-01, v13  }
0x5c8: {  	vm12 =	vmand vm13, vm12;
	v7 =	vsel vm10, v7, v12;
	vm10 =	vmmov vm11  }
0x5c9: {  	v11 =	vnsel vm13, $0x0, v11;
	v14 =	vand.u32 $0x7FFFFFFF, v7;
	v13 =	vpop (erf);
	v12 =	vmul.f32 v15, v10  }
0x5ca: {  	v14 =	vsub.f32 $0.0e+00, v14;
	v15 =	vpop (erf)  }
0x5cb: {  	v16 =	vadd.f32 $2.000000000e+00, v15  }
0x5cc: {  	v14 =	vmul.f32 $1.442695020e+00, v14  }
0x5cd: {  	(erf) = vrcp.f32 v16  }
0x5ce: {  	(erf) = vpow2.f32 v14;
	_ =	sdelay $0x7  }
0x5cf: {  	v44 =	vpop (erf)  }
0x5d0: {  	v14 =	vpop (erf)  }
0x5d1: {  	v9 =	vmul.f32 v13, v9;
	v17 =	vadd.f32 $2.000000000e+00, v14;
	_ =	sdelay $0x1  }
0x5d2: {  	v45 =	vmul.f32 v9, v9;
	(erf) = vrcp.f32 v17;
	_ =	sdelay $0x1  }
0x5d3: {  	v46 =	vmul.f32 $1.111111120e-01, v45;
	_ =	sdelay $0x1  }
0x5d4: {  	v17 =	vadd.f32 $1.428571490e-01, v46;
	_ =	sdelay $0x1  }
0x5d5: {  	v48 =	vnsel vm12, $0x0, v11;
	v8 =	vadd.f32 v8, v8;
	v17 =	vmul.f32 v17, v45  }
0x5d6: {  	v4 =	vmax.f32 v4, $0.0e+00;
	vm9 =	vmmov vm9;
	v12 =	vadd.f32 $3.333333430e-01, v12  }
0x5d7: {  	vm10 =	vmor vm10, vm0;
	v3 =	vmax.f32 v3, $0.0e+00;
	v47 =	vadd.f32 $2.000000030e-01, v17  }
0x5d8: {  	vm3 =	vmmov vm3;
	v10 =	vmul.f32 v12, v10;
	v13 =	vmul.f32 v44, v15;
	v50 =	vpop (erf)  }
0x5d9: {  	vm4 =	vmmov vm4;
	v12 =	vmul.f32 v47, v45;
	v14 =	vmul.f32 v50, v14  }
0x5da: {  	vm8 =	vmmov vm8;
	vm6 =	vmmov vm6;
	v51 =	vmul.f32 v13, v13  }
0x5db: {  	vm7 =	vmmov vm7;
	v12 =	vadd.f32 $3.333333430e-01, v12;
	v15 =	vmul.f32 v14, v14  }
0x5dc: {  	vm5 =	vmmov vm5;
	v5 =	vmax.f32 v5, $0.0e+00;
	v52 =	vmul.f32 $1.111111120e-01, v51  }
0x5dd: {  	v7 =	vmax.f32 v7, $0.0e+00;
	v12 =	vmul.f32 v12, v45;
	v18 =	vmul.f32 $1.111111120e-01, v15  }
0x5de: {  	vm11 =	vgt.f32 v48, $0.0e+00;
	v9 =	vadd.f32 v9, v9;
	v16 =	vadd.f32 $1.428571490e-01, v52  }
0x5df: {  	vm9 =	vmand vm10, vm9;
	v12 =	vadd.f32 $1.000000000e+00, v12;
	v54 =	vadd.f32 $1.428571490e-01, v18  }
0x5e0: {  	vm3 =	vmmov vm3;
	vm4 =	vmmov vm4;
	v16 =	vmul.f32 v16, v51  }
0x5e1: {  	vm8 =	vmmov vm8;
	v9 =	vmul.f32 v12, v9;
	v56 =	vmul.f32 v54, v15  }
0x5e2: {  	vm6 =	vmmov vm6;
	v10 =	vadd.f32 $1.000000000e+00, v10;
	v57 =	vadd.f32 $2.000000030e-01, v16  }
0x5e3: {  	vm7 =	vmmov vm7;
	v3 =	vadd.f32 v9, v3;
	v9 =	vadd.f32 $2.000000030e-01, v56  }
0x5e4: {  	vm5 =	vmmov vm5;
	v49 =	vsel vm11, $0x1, v0;
	v12 =	vmul.f32 v57, v51  }
0x5e5: {  	vm3 =	vmor vm3, vm0;
	v8 =	vmul.f32 v10, v8;
	v9 =	vmul.f32 v9, v15  }
0x5e6: {  	vm4 =	vmmov vm4;
	vm7 =	vmmov vm7;
	v12 =	vadd.f32 $3.333333430e-01, v12  }
0x5e7: {  	vm5 =	vmmov vm5;
	v4 =	vadd.f32 v8, v4;
	v9 =	vadd.f32 $3.333333430e-01, v9  }
0x5e8: {  	v6 =	vadd.s32 v49, v6;
	vm6 =	vmand vm3, vm6;
	v8 =	vmul.f32 v12, v51  }
0x5e9: {  	vm4 =	vmor vm4, vm0;
	v4 =	vnsel vm10, $0x0, v4;
	v9 =	vmul.f32 v9, v15  }
0x5ea: {  	v53 =	vnsel vm9, $0x0, v4;
	v13 =	vadd.f32 v13, v13;
	v8 =	vadd.f32 $1.000000000e+00, v8  }
0x5eb: {  	vm9 =	vgt.f32 v53, $0.0e+00;
	v14 =	vadd.f32 v14, v14;
	v9 =	vadd.f32 $1.000000000e+00, v9  }
0x5ec: {  	vm15 =	vmmov vm5;
	v55 =	vsel vm9, $0x1, v0;
	v8 =	vmul.f32 v8, v13  }
0x5ed: {  	vm7 =	vmand vm4, vm7;
	v6 =	vadd.s32 v55, v6;
	v9 =	vmul.f32 v9, v14  }
0x5ee: {  	v3 =	vnsel vm3, $0x0, v3;
	vm3 =	vmmov vm8;
	v5 =	vadd.f32 v8, v5  }
0x5ef: {  	v58 =	vnsel vm6, $0x0, v3;
	vm3 =	vmmov vm3;
	v7 =	vadd.f32 v9, v7  }
0x5f0: {  	vm6 =	vgt.f32 v58, $0.0e+00;
	vm3 =	vmor vm3, vm0;
	v5 =	vnsel vm4, $0x0, v5  }
0x5f1: {  	vm4 =	vmand vm3, vm15;
	v59 =	vnsel vm7, $0x0, v5;
	v7 =	vnsel vm3, $0x0, v7  }
0x5f2: {  	v60 =	vsel vm6, $0x1, v0;
	vm3 =	vgt.f32 v59, $0.0e+00;
	v61 =	vnsel vm4, $0x0, v7  }
0x5f3: {  	v6 =	vadd.s32 v60, v6;
	v62 =	vsel vm3, $0x1, v0;
	vm3 =	vgt.f32 v61, $0.0e+00  }
0x5f4: {  	v6 =	vadd.s32 v62, v6;
	v63 =	vsel vm3, $0x1, v0  }
0x5f5: {  	v6 =	vadd.s32 v63, v6  }
0x5f6: {  	(xrf0) =	vadd.scan.msk.s32 $0xffff, v6;
	_ =	sdelay $0x5  }
0x5f7: {  	v6, _, _ =	vpop (xrf0)  }
0x5f8: {  	(v2sf) =	vpush v6, $0xF;
	_ =	sdelay $0xb  }
0x5f9: {  	[tilespmem:s1+$0x677C] =	vst v11  }
0x5fa: {  	[tilespmem:s1+$0x89FC] =	vst v48  }
0x5fb: {  	[tilespmem:s20+$0x677C] =	vst v4  }
0x5fc: {  	[tilespmem:s20+$0x89FC] =	vst v53;
	s6 =	spop (v2sf)  }
0x5fd: {  	[tilespmem:s3+$0x677C] =	vst v3;
	p0 =	sgt.s32 s0, s6  }
.Ltmp38:
0x5fe: {  	[tilespmem:s3+$0x89FC] =	vst v58;
	(pc) =	sbr.rel @!p0 .LBB2_64-.Ltmp38, $4  }
0x5ff: {  	[tilespmem:s4+$0x677C] =	vst v5  }
0x600: {  	[tilespmem:s4+$0x89FC] =	vst v59  }
0x601: {  	[tilespmem:s5+$0x677C] =	vst v7  }
0x602: {  	s1 =	simm.s32 $0x7FFFFFFF;
	s3 =	simm.s32 $0x0;
	s4 =	simm.s32 $0x0;
	[tilespmem:s5+$0x89FC] =	vst v61  }
0x603: {  	s2 =	smov.u32 s21;
	s21 =	smov.u32 s16;
	s16 =	smov.u32 s15  }
0x604: {  	s15 =	smov.u32 s14;
	s14 =	smov.u32 s13;
	s13 =	smov.u32 s12  }
0x605: {  	s12 =	smov.u32 s11;
	s11 =	smov.u32 s10;
	s10 =	smov.u32 s9  }
0x606: {  	s9 =	smov.u32 s8;
	s0 =	ssub.s32 s0, s6;
	s1 =	simm.s32 $0x0  }
0x607: {  	s5 =	simm.s32 $0x221C;
	s3 =	simm.s32 $0x0;
	s4 =	simm.s32 $0x0  }
.LBB2_71:
0x608: {  	s6 =	ssub.s32 s5, s3;
	p0 =	sne.s32 s5, s3;
	s7 =	simm.s32 $0x1  }
0x609: {  	s20 =	sshra.s32 s6, $0x1F;
	s7 =	simm.s32 @!p0 $0x0  }
0x60a: {  	s8 =	sshrl.u32 s6, $0x1F;
	s7 =	sor.u32 s7, s20;
	s20 =	sand.u32 $0x1, s6  }
0x60b: {  	p6 =	sne.s32 s7, $0x1;
	p1 =	seq.s32 s20, $0x1;
	s20 =	simm.s32 $0x8A00  }
0x60c: {  	s6 =	sadd.s32 s8, s6;
	p0 =	por !p6, !p1;
	v6 =	vld [tilespmem:s20+$0x0]  }
0x60d: {  	s6 =	sshra.s32 s6, $0x1;
	s7 =	simm.s32 $0x1;
	p0 =	por !p0, !p0  }
0x60e: {  	s6 =	sadd.s32 s3, s6;
	s7 =	simm.s32 @!p0 $0x0  }
0x60f: {  	s6 =	ssub.s32 s6, s7  }
0x610: {  	v5 =	vor.u32 s1, v1;
	v4 =	vmov s6  }
0x611: {  	v3 =	vimm.s32 $0x0;
	s20 =	simm.s32 $0x10;
	s7 =	simm.s32 $0x8A10;
	vm3 =	veq.f32 v6, $0.0e+00;
	vm4 =	vlt.s32 v5, v4  }
.LBB2_72:
0x612: {  	v6 =	vld [tilespmem:s7+$0x0];
	p0 =	sne.s32 s20, $0x2210;
	vm3 =	vmand vm4, vm3;
	vm4 =	vlt.u32 v5, $0x221C;
	s8 =	smov.u32 s20;
	s20 =	sadd.s32 $0x10, s20  }
.Ltmp39:
0x613: {  	vm3 =	vmand vm4, vm3;
	(pc) =	sbr.rel @p0 .LBB2_72-.Ltmp39, $4  }
0x614: {  	v5 =	vsel vm3, $0x1, v0  }
0x615: {  	v3 =	vadd.s32 v5, v3  }
0x616: {  	v5 =	vor.u32 s8, v1  }
0x617: {  	s7 =	sadd.s32 $0x10, s7;
	vm4 =	vlt.s32 v5, v4;
	vm3 =	veq.f32 v6, $0.0e+00  }
0x618: {  	vm3 =	vmand vm4, vm3;
	vm15 =	vlt.u32 v5, $0x221C  }
0x619: {  	vm3 =	vmand vm15, vm3  }
0x61a: {  	v4 =	vsel vm3, $0x1, v0  }
0x61b: {  	v3 =	vadd.s32 v4, v3  }
0x61c: {  	(xrf0) =	vadd.scan.msk.s32 $0xffff, v3;
	_ =	sdelay $0x5  }
0x61d: {  	v3, _, _ =	vpop (xrf0)  }
0x61e: {  	(v2sf) =	vpush v3, $0xF;
	_ =	sdelay $0xb  }
0x61f: {  	s4 =	sadd.s32 $0x1, s4  }
0x620: {  	p1 =	seq.s32 s4, $0xE  }
.Ltmp40:
0x621: {  	_ = 	snop;
	(pc) =	sbr.rel @!p1 .LBB2_71-.Ltmp40, $4  }
0x622: {  	s7 =	spop (v2sf)  }
0x623: {  	p0 =	slt.s32 s7, s0  }
0x624: {  	s7 =	sadd.s32 $0x1, s6;
	s6 =	smov.u32 @p0 s5  }
0x625: {  	s3 =	smov.u32 @p0 s7;
	s5 =	smov.u32 s6  }
0x626: {  	s20 =	simm.s32 $0x8A00  }
0x627: {  	v7 =	vld [tilespmem:s20+$0x0];
	_ =	sdelay $0x1  }
0x628: {  	s0 =	simm.s32 $0x6780  }
0x629: {  	s1 =	simm.s32 $0x0;
	v5 =	vld [tilespmem:s0+$0x0]  }
0x62a: {  	v4 =	vmov s3;
	v6 =	vor.u32 s1, v1  }
0x62b: {  	v3 =	vimm.f32 $0.0e+00;
	s3 =	simm.s32 $0x8A10;
	s8 =	smov.u32 s9;
	s1 =	simm.s32 $0x10;
	vm4 =	vlt.s32 v6, v4;
	vm3 =	veq.f32 v7, $0.0e+00  }
.LBB2_75:
0x62c: {  	v7 =	vld [tilespmem:s3+$0x0];
	p0 =	sne.s32 s1, $0x2210;
	vm3 =	vmand vm4, vm3;
	vm4 =	vlt.u32 v6, $0x221C;
	s4 =	smov.u32 s1;
	s1 =	sadd.s32 $0x10, s1  }
.Ltmp41:
0x62d: {  	vm3 =	vmand vm4, vm3;
	(pc) =	sbr.rel @p0 .LBB2_75-.Ltmp41, $4  }
0x62e: {  	s0 =	sadd.s32 $0x10, s0;
	v6 =	vnsel vm3, $0x0, v5  }
0x62f: {  	v5 =	vld [tilespmem:s0+$0x0];
	v3 =	vadd.f32 v6, v3  }
0x630: {  	v6 =	vor.u32 s4, v1  }
0x631: {  	s3 =	sadd.s32 $0x10, s3;
	vm4 =	vlt.s32 v6, v4;
	vm3 =	veq.f32 v7, $0.0e+00  }
0x632: {  	vm3 =	vmand vm4, vm3;
	vm15 =	vlt.u32 v6, $0x221C  }
0x633: {  	vm3 =	vmand vm15, vm3  }
0x634: {  	v4 =	vnsel vm3, $0x0, v5  }
0x635: {  	v3 =	vadd.f32 v4, v3;
	_ =	sdelay $0x1  }
0x636: {  	(xrf2) =	vadd.scan.msk.f32 $0xffff, v3;
	_ =	sdelay $0x9  }
0x637: {  	v3, _, _ =	vpop (xrf2)  }
0x638: {  	(v2sf) =	vpush v3, $0xF;
	_ =	sdelay $0xb  }
.Ltmp42:
0x639: {  	s0 =	ssub.f32 s31, s29;
	(pc) =	sbr.rel .LBB2_77-.Ltmp42, $4  }
0x63a: {  	s9 =	smov.u32 s10;
	s10 =	smov.u32 s11;
	s11 =	smov.u32 s12  }
0x63b: {  	s12 =	smov.u32 s13;
	s13 =	smov.u32 s14;
	s14 =	smov.u32 s15  }
0x63c: {  	s15 =	smov.u32 s16;
	s16 =	smov.u32 s21;
	s1 =	spop (v2sf)  }
0x63d: {  	s21 =	smov.u32 s2;
	s2 =	simm.s32 $0x0;
	s31 =	sadd.f32 s1, s0  }
.LBB2_64:
0x63e: {  	s5 =	ssub.s32 s1, s4;
	p0 =	sne.s32 s1, s4;
	s6 =	simm.s32 $0x1  }
0x63f: {  	s7 =	sshra.s32 s5, $0x1F;
	s6 =	simm.s32 @!p0 $0x0  }
0x640: {  	s31 =	sand.u32 $0x1, s5;
	s6 =	sor.u32 s6, s7  }
0x641: {  	s20 =	sshrl.u32 s5, $0x1F;
	p1 =	seq.s32 s31, $0x1;
	p6 =	sne.s32 s6, $0x1  }
0x642: {  	s5 =	sadd.s32 s20, s5;
	p0 =	por !p6, !p1  }
0x643: {  	s5 =	sshra.s32 s5, $0x1;
	s6 =	simm.s32 $0x1;
	p0 =	por !p0, !p0  }
0x644: {  	s31 =	simm.s32 $0x0;
	s5 =	sadd.s32 s4, s5;
	s6 =	simm.s32 @!p0 $0x0  }
0x645: {  	v5 =	vld [tilespmem:s31+$0x8A00];
	s5 =	ssub.s32 s5, s6  }
0x646: {  	v3 =	vimm.s32 $0x0;
	s6 =	simm.s32 $0x40;
	v4 =	vmov s5  }
.LBB2_65:
0x647: {  	p0 =	sne.s32 s6, $0x8840  }
.Ltmp43:
0x648: {  	_ = 	snop;
	(pc) =	sbr.rel @p0 .LBB2_65-.Ltmp43, $4  }
0x649: {  	_ = 	snop  }
0x64a: {  	s7 =	sshra.s32 s6, $0x2;
	s6 =	sadd.s32 $0x40, s6;
	vm3 =	vgt.s32 v5, v4  }
0x64b: {  	v5 =	vld [tilespmem:s7+$0x8A00];
	v6 =	vsel vm3, $0x1, v0  }
0x64c: {  	v3 =	vadd.s32 v6, v3  }
0x64d: {  	_ =	sdelay $0x2  }
0x64e: {  	vm3 =	vgt.s32 v5, v4  }
0x64f: {  	v4 =	vsel vm3, $0x1, v0  }
0x650: {  	v3 =	vadd.s32 v4, v3  }
0x651: {  	(xrf0) =	vadd.scan.msk.s32 $0xffff, v3;
	_ =	sdelay $0x5  }
0x652: {  	v3, _, _ =	vpop (xrf0)  }
0x653: {  	(v2sf) =	vpush v3, $0xF;
	_ =	sdelay $0xb  }
0x654: {  	s3 =	sadd.s32 $0x1, s3  }
0x655: {  	p1 =	seq.s32 s3, $0x1F  }
.Ltmp44:
0x656: {  	_ = 	snop;
	(pc) =	sbr.rel @!p1 .LBB2_64-.Ltmp44, $4  }
0x657: {  	s6 =	spop (v2sf)  }
0x658: {  	p0 =	slt.s32 s6, s0;
	s6 =	sadd.s32 $0x1, s5  }
0x659: {  	s6 =	smov.u32 @p0 s4  }
0x65a: {  	s1 =	smov.u32 @p0 s5;
	s4 =	smov.u32 s6  }
0x65b: {  	s3 =	simm.s32 $0x0  }
0x65c: {  	v6 =	vld [tilespmem:s3+$0x8A00]  }
0x65d: {  	v3 =	vmov s6;
	v4 =	vimm.s32 $0x0;
	v5 =	vimm.f32 $0.0e+00;
	s1 =	simm.s32 $0x40  }
.LBB2_68:
0x65e: {  	p0 =	sne.s32 s1, $0x8840  }
.Ltmp45:
0x65f: {  	_ = 	snop;
	(pc) =	sbr.rel @p0 .LBB2_68-.Ltmp45, $4  }
0x660: {  	_ = 	snop  }
0x661: {  	s3 =	sshra.s32 s1, $0x2;
	s1 =	sadd.s32 $0x40, s1;
	vm3 =	vlt.s32 v3, v6  }
0x662: {  	v7 =	vsel vm3, $0x1, v0;
	v8 =	vnsel vm3, $0x0, v6;
	v6 =	vld [tilespmem:s3+$0x8A00]  }
0x663: {  	v4 =	vadd.s32 v7, v4;
	v5 =	vadd.f32 v8, v5  }
0x664: {  	_ =	sdelay $0x2  }
0x665: {  	vm3 =	vlt.s32 v3, v6  }
0x666: {  	v6 =	vnsel vm3, $0x0, v6  }
0x667: {  	v5 =	vadd.f32 v6, v5  }
0x668: {  	vm4 =	vmmov $0x1  }
0x669: {  	v3 =	vnsel vm4, $0x0, v3;
	v63 =	vsel vm3, $0x1, v0;
	(xrf2) =	vadd.scan.msk.f32 $0xffff, v5  }
0x66a: {  	v4 =	vadd.s32 v63, v4;
	(xrf2) =	vadd.scan.msk.f32 $0xffff, v3  }
0x66b: {  	(xrf0) =	vadd.scan.msk.s32 $0xffff, v4;
	_ =	sdelay $0x5  }
0x66c: {  	v3, _, _ =	vpop (xrf0)  }
0x66d: {  	(v2sf) =	vpush v3, $0xF  }
0x66e: {  	v3, _, _ =	vpop (xrf2)  }
0x66f: {  	(v2sf) =	vpush v3, $0xF;
	v3, _, _ =	vpop (xrf2)  }
0x670: {  	(v2sf) =	vpush v3, $0xF;
	_ =	sdelay $0xb  }
0x671: {  	s1 =	spop (v2sf)  }
0x672: {  	s0 =	ssub.s32 s0, s1  }
0x673: {  	s3 =	scvt.s32.f32 s0;
	s20 =	spop (v2sf)  }
.Ltmp46:
0x674: {  	s4 =	spop (v2sf);
	(pc) =	sbr.rel .LBB2_77-.Ltmp46, $4  }
0x675: {  	s3 =	smul.f32 s3, s4  }
0x676: {  	p0 =	sgt.s32 s0, $0x0  }
0x677: {  	s3 =	simm.s32 @!p0 $0x0  }
0x678: {  	s31 =	sadd.f32 s3, s20  }
.LBB2_78:
0x679: {  	_ =	sfence.sel $0x180000  }
0x67a: {  	[bflag:$0x0] =	sbarrier.arrive $0xFFFF  }
0x67b: {  	_ =	strace $0x90000047  }
0x67c: {  	s0 =	stileid.u32;
	[bflag:$0x2] =	sbarrier.arrive $0xFFFF  }
0x67d: {  	p0 =	sne.s32 s0, $0x0;
	s0 =	rddreg [dreg:$0x1]  }
0x67e: {  	s0 =	sadd.s32 @!p0 $0x100000, s0  }
0x67f: {  	[sflag:s0] =	ssyncadd.tile.s32 @!p0 $0x1;
	_ =	shalt  }
.Lfunc_end2:
_tile_overlayer_lowered:
.L_overlay_start_2:
0x680: {  	(tag) =	ssettag $0x2  }
0x681: {  	s0 =	rddreg [dreg:$0x0];
	s2 =	stileid.u32  }
0x682: {  	s1 =	rddreg [dreg:$0x1];
	p0 =	sne.s32 s2, $0x0  }
0x683: {  	s3 =	rddreg [dreg:$0x2];
	[bflag:$0x3] =	sbarrier.arrive $0xFFFF;
	s2 =	simm.s32 @!p0 $0x1C02  }
0x684: {  	[timem:s3], [sflag:s2] =	dma.local @!p0 [hbm:s0], s1  }
0x685: {  	s0 =	simm.s32 @!p0 $0x2  }
0x686: {  	_ =	swait.ge @!p0 [sflag:s0], s1  }
0x687: {  	s1 =	ssub.s32 @!p0 $0x0, s1;
	[sflag:s0] =	ssyncset.done @!p0 $0x0  }
0x688: {  	[sflag:s0] =	ssyncadd.s32 @!p0 s1  }
0x689: {  	[bflag:$0x3] =	sbarrier.arrive $0xFFFF  }
0x68a: {  	_ =	shalt  }

// kernel: kernel.5.cloned.1.call-start
scs
__scs_entry_jumppad:
0x0: {  	(pc) =	sbr.rel $0x88, $3  }
0x1: {  	(tag) =	ssettag $0x0;
	lr =	simm.s32 $0x1  }
0x2: {  	[smem:$0x3F9C] =	sst lr;
	_ =	strace $0xD0000000  }
0x3: {  	_ = 	snop  }
0x4: {  	_ = 	snop  }
0x5: {  	_ = 	snop  }
0x6: {  	_ = 	snop  }
0x7: {  	_ = 	snop  }
__scs_overlays_trampoline_lowered:
0x8: {  	[smem:$0x3FAB] =	sst s0  }
0x9: {  	[smem:$0x3FAC] =	sst s1  }
0xa: {  	[smem:$0x3FAD] =	sst s2  }
0xb: {  	[smem:$0x3FAE] =	sst s3  }
0xc: {  	[smem:$0x3FAF] =	sst s4  }
0xd: {  	[smem:$0x3FB0] =	sst s5  }
0xe: {  	[smem:$0x3FB1] =	sst s6  }
0xf: {  	[smem:$0x3FB2] =	sst s7  }
0x10: {  	[smem:$0x3FB3] =	sst s8  }
0x11: {  	[smem:$0x3FB4] =	sst s9;
	s0 =	simm.s32 @!p0 $0x0  }
0x12: {  	s1 =	sld [smem:$0x3F9A];
	s0 =	simm.s32 @p0 $0x1  }
0x13: {  	[smem:$0x3FB5] =	sst s0;
	s0 =	simm.s32 @!p1 $0x0  }
0x14: {  	s2 =	sld [smem:$0x3F99];
	s0 =	simm.s32 @p1 $0x1  }
0x15: {  	[smem:$0x3FB6] =	sst s0;
	s0 =	simm.s32 @!p2 $0x0  }
0x16: {  	s3 =	sld [smem:$0x3FDB];
	s0 =	simm.s32 @p2 $0x1  }
0x17: {  	s4 =	simm.s32 $0x1BF5;
	[smem:$0x3FB8] =	sst s0  }
0x18: {  	s0 =	sld [smem:$0x3F9B];
	_ =	swait.ge [sflag:s4], $0x0  }
0x19: {  	s7 =	sld [smem:$0x3F9C]  }
0x1a: {  	s8 =	sadd.s32 $0xFFFFE003, lr  }
0x1b: {  	s9 =	sadd.s32 $0xFFFFFEF7, lr;
	s5 =	simm.s32 $0xFFFFFFFF;
	p2 =	slt.u32 s8, $0xFFFFF086  }
0x1c: {  	p1 =	slt.u32 s9, $0xF7A;
	s5 =	simm.s32 @!p2 $0x0  }
0x1d: {  	s5 =	simm.s32 @p1 $0x1;
	p0 =	seq.s32 s7, s2  }
0x1e: {  	s7 =	smul.u32 @!p0 $0xF7A, s2;
	p2 =	seq.s32 @!p0 s5, $0x0  }
0x1f: {  	s9 =	smul.u32 $0xF7A, s1;
	s8 =	simm.s32 @!p0 $0x1BF5;
	p2 =	por !p2, p0  }
0x20: {  	[sflag:s8] =	ssyncset.s32 @!p0 $0xFFFFF086;
	s6 =	sadd.s32 @!p0 s3, s7;
	s7 =	simm.s32 @!p0 $0x108  }
0x21: {  	s3 =	sadd.s32 s3, s9;
	s6 =	sadd.s32 @!p0 $0x88, s6;
	s7 =	simm.s32 @p2 $0x1082  }
0x22: {  	[simem:s7], [sflag:s8] =	dma.local @!p0 [hbm:s6], $0xF7A  }
0x23: {  	s9 =	sor.u32 $0xD0000000, s2;
	s6 =	simm.s32 $0x108;
	_ =	swait.ge @!p0 [sflag:s8], $0x0  }
0x24: {  	s3 =	sadd.s32 $0x88, s3;
	s6 =	simm.s32 @!p1 $0x1082;
	[sflag:s4] =	ssyncset.s32 $0xFFFFF086  }
0x25: {  	[simem:s6], [sflag:s4] =	dma.local [hbm:s3], $0xF7A  }
0x26: {  	[smem:$0x3F9C] =	sst s1;
	(tag) =	ssettag s2;
	_ =	strace s9  }
0x27: {  	s1 =	sld [smem:$0x3FAC]  }
0x28: {  	s2 =	sld [smem:$0x3FAD]  }
0x29: {  	s4 =	sld [smem:$0x3FAF]  }
0x2a: {  	p0 =	seq.s32 s5, $0x0;
	s5 =	sld [smem:$0x3FB0]  }
0x2b: {  	s6 =	sld [smem:$0x3FB1]  }
0x2c: {  	s7 =	sld [smem:$0x3FB2]  }
0x2d: {  	s3 =	simm.s32 $0x108;
	s8 =	sld [smem:$0x3FB3]  }
0x2e: {  	s3 =	simm.s32 @!p0 $0x1082;
	s9 =	sld [smem:$0x3FB4]  }
0x2f: {  	lr =	sadd.s32 s0, s3;
	s0 =	sld [smem:$0x3FAB]  }
0x30: {  	s3 =	sld [smem:$0x3FAE]  }
0x31: {  	[smem:$0x3FB7] =	sst s10  }
0x32: {  	s10 =	sld [smem:$0x3FB5];
	_ =	sdelay $0x3  }
0x33: {  	p0 =	seq.s32 s10, $0x1;
	s10 =	sld [smem:$0x3FB7];
	_ =	sdelay $0x3  }
0x34: {  	[smem:$0x3FB7] =	sst s10  }
0x35: {  	s10 =	sld [smem:$0x3FB6];
	_ =	sdelay $0x3  }
0x36: {  	p1 =	seq.s32 s10, $0x1;
	s10 =	sld [smem:$0x3FB7];
	_ =	sdelay $0x3  }
0x37: {  	[smem:$0x3FB7] =	sst s10  }
0x38: {  	s10 =	sld [smem:$0x3FB8]  }
0x39: {  	_ = 	snop;
	(pc) =	sbr.ind lr, $3  }
0x3a: {  	_ = 	snop  }
0x3b: {  	_ = 	snop  }
0x3c: {  	p2 =	seq.s32 s10, $0x1;
	s10 =	sld [smem:$0x3FB7]  }
0x3d: {  	_ =	shalt  }
0x3e: {  	_ =	shalt  }
0x3f: {  	_ =	shalt  }
0x40: {  	_ =	shalt  }
0x41: {  	_ =	shalt  }
0x42: {  	_ =	shalt  }
0x43: {  	_ =	shalt  }
0x44: {  	_ =	shalt  }
0x45: {  	_ =	shalt  }
0x46: {  	_ =	shalt  }
0x47: {  	_ =	shalt  }
0x48: {  	_ =	shalt  }
0x49: {  	_ =	shalt  }
0x4a: {  	_ =	shalt  }
0x4b: {  	_ =	shalt  }
0x4c: {  	_ =	shalt  }
0x4d: {  	_ =	shalt  }
0x4e: {  	_ =	shalt  }
0x4f: {  	_ =	shalt  }
0x50: {  	_ =	shalt  }
0x51: {  	_ =	shalt  }
0x52: {  	_ =	shalt  }
0x53: {  	_ =	shalt  }
0x54: {  	_ =	shalt  }
0x55: {  	_ =	shalt  }
0x56: {  	_ =	shalt  }
0x57: {  	_ =	shalt  }
0x58: {  	_ =	shalt  }
0x59: {  	_ =	shalt  }
0x5a: {  	_ =	shalt  }
0x5b: {  	_ =	shalt  }
0x5c: {  	_ =	shalt  }
0x5d: {  	_ =	shalt  }
0x5e: {  	_ =	shalt  }
0x5f: {  	_ =	shalt  }
0x60: {  	_ =	shalt  }
0x61: {  	_ =	shalt  }
0x62: {  	_ =	shalt  }
0x63: {  	_ =	shalt  }
0x64: {  	_ =	shalt  }
0x65: {  	_ =	shalt  }
0x66: {  	_ =	shalt  }
0x67: {  	_ =	shalt  }
0x68: {  	_ =	shalt  }
0x69: {  	_ =	shalt  }
0x6a: {  	_ =	shalt  }
0x6b: {  	_ =	shalt  }
0x6c: {  	_ =	shalt  }
0x6d: {  	_ =	shalt  }
0x6e: {  	_ =	shalt  }
0x6f: {  	_ =	shalt  }
0x70: {  	_ =	shalt  }
0x71: {  	_ =	shalt  }
0x72: {  	_ =	shalt  }
0x73: {  	_ =	shalt  }
0x74: {  	_ =	shalt  }
0x75: {  	_ =	shalt  }
0x76: {  	_ =	shalt  }
0x77: {  	_ =	shalt  }
0x78: {  	_ =	shalt  }
0x79: {  	_ =	shalt  }
0x7a: {  	_ =	shalt  }
0x7b: {  	_ =	shalt  }
0x7c: {  	_ =	shalt  }
0x7d: {  	_ =	shalt  }
0x7e: {  	_ =	shalt  }
0x7f: {  	_ =	shalt  }
0x80: {  	_ =	shalt  }
0x81: {  	_ =	shalt  }
0x82: {  	_ =	shalt  }
0x83: {  	_ =	shalt  }
0x84: {  	_ =	shalt  }
0x85: {  	_ =	shalt  }
0x86: {  	_ =	shalt  }
0x87: {  	_ =	shalt  }
.Lfunc_end0:
.L_simem_size_0:
called_computation.1_lowered:
.L_overlay_start_0:
0x88: {  	s2 =	sld [smem:$0x3FD9]  }
0x89: {  	s3 =	sld [smem:$0x3FFE];
	_ =	sdelay $0x1  }
0x8a: {  	s1 =	srdreg.scid  }
0x8b: {  	s0 =	sand.u32 $0x1, s1  }
0x8c: {  	s17 =	sshll.u32 s0, $0xA;
	s2 =	sadd.s32 s3, s2  }
0x8d: {  	s2 =	sadd.s32 s2, s17  }
0x8e: {  	[smem:$0x3FC3] =	sst s2  }
0x8f: {  	_ = 	snop  }
0x90: {  	s2 =	sld [smem:$0x3FC8]  }
0x91: {  	s18 =	sld [smem:$0x3FC6];
	(tm) =	ssettm $0x1  }
0x92: {  	s4 =	sld [smem:$0x3FFB];
	_ =	sdelay $0x3  }
0x93: {  	_ =	strace s4  }
0x94: {  	s4 =	sld [smem:$0x3FFC];
	_ =	sdelay $0x3  }
0x95: {  	_ =	strace s4  }
0x96: {  	s4 =	sld [smem:$0x3FFD];
	_ =	sdelay $0x3  }
0x97: {  	_ =	strace s4  }
0x98: {  	_ =	strace $0x8FFFFFFF  }
0x99: {  	s19 =	sld [smem:$0x3FDB];
	_ =	sdelay $0x1  }
0x9a: {  	s5 =	simm.s32 $_scs_section_size  }
0x9b: {  	s6 =	simm.s32 $_size__tile_overlayer_lowered;
	s7 =	simm.s32 $_tile_overlayer_lowered  }
0x9c: {  	s22 =	simm.s32 $0x1BFF;
	s21 =	sshll.u32 s7, $0x1;
	s4 =	sadd.s32 s5, s19  }
0x9d: {  	s8 =	simm.s32 $0x0;
	s20 =	sshll.u32 s6, $0x1;
	s6 =	sadd.s32 s21, s4  }
0x9e: {  	[timem:s8], [sflag:s22] =	dma.local [hbm:s6], s20  }
0x9f: {  	_ =	swait.ge [sflag:s22], s20  }
0xa0: {  	s5 =	ssub.s32 $0x0, s20;
	[sflag:s22] =	ssyncset.done $0x0  }
0xa1: {  	[sflag:s22] =	ssyncadd.s32 s5;
	_ =	sdelay $0x1  }
0xa2: {  	s23 =	simm.s32 $0x1B8B  }
0xa3: {  	_ =	swait.ge [sflag:s23], $0x1  }
0xa4: {  	[sflag:s23] =	ssyncset.done $0x0  }
0xa5: {  	s25 =	simm.s32 $0x1B8E;
	s24 =	sld [smem:$0x3FFE];
	[sflag:s23] =	ssyncadd.s32 $0xFFFFFFFF  }
0xa6: {  	s26 =	simm.s32 $execute0_lowered;
	[smem:$0x3FD2] =	sst s25  }
0xa7: {  	s6 =	sshll.u32 s26, $0x1;
	_ =	strace $0x80000049;
	[dreg:$0x1] =	wrdreg $0xFFFFFFFF  }
0xa8: {  	s28 =	simm.s32 $_size_execute0_lowered;
	s4 =	sadd.s32 s4, s6;
	[dreg:$0x0] =	wrdreg $0x0  }
0xa9: {  	s6 =	sshll.u32 s28, $0x1;
	[dreg:$0x2] =	wrdreg s4  }
0xaa: {  	[dreg:$0x3] =	wrdreg s6  }
0xab: {  	[dreg:$0x4] =	wrdreg $0xC0  }
0xac: {  	_ =	task [dreg:s8], $0x5FFFF  }
0xad: {  	[dreg:$0x1] =	wrdreg $0xFFFFFFFF  }
0xae: {  	[dreg:$0x0] =	wrdreg $0x60  }
0xaf: {  	[dreg:$0x2] =	wrdreg s2  }
0xb0: {  	[dreg:$0x3] =	wrdreg s18  }
0xb1: {  	[dreg:$0x4] =	wrdreg s24  }
0xb2: {  	[dreg:$0x5] =	wrdreg $0x9  }
0xb3: {  	_ =	task.clear_ibuf [dreg:s8], $0x6FFFF;
	_ =	strace $0x90000049  }
0xb4: {  	s29 =	simm.s32 $0x9;
	_ =	strace $0x8000004B  }
0xb5: {  	_ =	swait.ge [sflag:s29], $0x1  }
0xb6: {  	[sflag:s29] =	ssyncadd.s32 $0xFFFFFFFF  }
0xb7: {  	_ =	strace $0x9000004B  }
0xb8: {  	_ =	sfence  }
0xb9: {  	s30 =	sld [smem:$0x0];
	_ =	sdelay $0x2  }
0xba: {  	s31 =	sshll.u32 s1, $0xD;
	s1 =	sshrl.u32 s1, $0x2  }
0xbb: {  	s3 =	sand.u32 $0x4000, s31;
	s1 =	sadd.s32 s1, s30  }
0xbc: {  	s0 =	sor.u32 s3, s0;
	s1 =	sshll.u32 s1, $0x11  }
0xbd: {  	s0 =	sor.u32 s1, s0  }
0xbe: {  	s0 =	sadd.s32 $0x8F2B, s0  }
0xbf: {  	[sflag:s0] =	ssyncadd.remote.s32 $0x1  }
0xc0: {  	_ =	sfence.sel $0xFFFF  }
0xc1: {  	[dreg:$0x0] =	wrdreg $0xFFFFFFFF;
	(pc) =	sbr.abs _section_cstart, $3  }
0xc2: {  	[dreg:$0x1] =	wrdreg $0xFFFFFFFF  }
0xc3: {  	_ =	task.clear_ibuf [dreg:s8], $0x2FFFF;
	_ =	strace $0x9FFFFFFF  }
0xc4: {  	(tm) =	ssettm $0x7FFFFFFF  }
0xc5: {  	_ =	shalt  }
tec
execute0_lowered:
.L_overlay_start_1:
0x0: {  	(tag) =	ssettag $0x1  }
0x1: {  	s1 =	srdreg.scid;
	s5 =	rddreg [dreg:$0x0]  }
0x2: {  	s0 =	stileid.u32;
	s6 =	rddreg [dreg:$0x1]  }
0x3: {  	s4 =	rddreg [dreg:$0x2];
	s2 =	simm.s32 $0x0;
	s12 =	simm.s32 $0x2  }
0x4: {  	s3 =	sand.u32 $0x1, s1;
	s28 =	sshll.u32 s0, $0x1;
	s29 =	sshrl.u32 s0, $0x2  }
0x5: {  	[smem:$0x7FF] =	sst s2;
	s9 =	sor.u32 s3, s28;
	s7 =	smul.u32 $0xC00, s29  }
0x6: {  	s1 =	rddreg [dreg:$0x3];
	_ =	strace $0x8000004A;
	s10 =	smul.u32 $0xFFFFFEEF, s9  }
0x7: {  	s3 =	ssub.s32 $0x2, s3;
	s8 =	sshll.u32 s9, $0x7;
	s30 =	smul.u32 $0x2220, s9  }
0x8: {  	s31 =	sshrl.u32 s3, $0x1;
	s11 =	smul.u32 $0x1110, s9;
	s8 =	sand.u32 $0x380, s8  }
0x9: {  	s7 =	sor.u32 s7, s8;
	p0 =	slt.s32 s10, $0xFFFFDEF5;
	s8 =	ssub.s32 s3, s31  }
0xa: {  	s3 =	sadd.s32 s5, s30;
	s5 =	sadd.s32 $0x421E0, s5;
	s7 =	sshrl.u32 s7, $0x3  }
0xb: {  	s10 =	simm.s32 @!p0 $0xFFFFDEF5;
	s8 =	smax.u32 s8, $0x1;
	p0 =	seq.s32 s9, $0x1F  }
0xc: {  	s9 =	simm.s32 $0x80;
	s7 =	sadd.s32 s7, s4;
	s4 =	sadd.s32 s6, s11  }
0xd: {  	s6 =	sadd.s32 $0x210F0, s6;
	s10 =	sadd.s32 $0x221B, s10;
	s11 =	simm.s32 $0x19980  }
0xe: {  	v0 =	vimm.f32 $0.0e+00;
	s7 =	sadd.s32 $0x2400, s7;
	[dreg:$0x4] =	wrdreg s10;
	s10 =	simm.s32 $0x400  }
.LBB2_1:
0xf: {  	s13 =	simm.s32 @p0 $0x0;
	s14 =	simm.s32 @p0 $0x1  }
0x10: {  	[tilespmem:s13], [sflag:$0x1] =	stream.linear.gather @p0 [hbm4b:s5+s13], $0x10D00, $0x38;
	[tilespmem:$0x19B00] =	vst v63  }
0x11: {  	_ =	swait.ge @p0 [sflag:s14], $0x10D00  }
0x12: {  	[sflag:s14] =	ssyncset.done @p0 $0x0  }
0x13: {  	s15 =	simm.s32 @p0 $0x11100;
	[sflag:s14] =	ssyncadd.s32 @p0 $0xFFFEF300  }
0x14: {  	[tilespmem:s15], [sflag:$0x1] =	stream.linear.gather @p0 [hbm4b:s6+s13], $0x8680, $0x38;
	[tilespmem:$0x19B00] =	vst v63  }
0x15: {  	_ =	swait.ge @p0 [sflag:s14], $0x8680  }
0x16: {  	[sflag:s14] =	ssyncset.done @p0 $0x0  }
0x17: {  	s13 =	simm.s32 @!p0 $0x0;
	[sflag:s14] =	ssyncadd.s32 @p0 $0xFFFF7980;
	s14 =	simm.s32 @!p0 $0x1  }
0x18: {  	[tilespmem:s13], [sflag:$0x1] =	stream.linear.gather @!p0 [hbm4b:s3+s13], $0x11100, $0x38;
	[tilespmem:$0x19B00] =	vst v63  }
0x19: {  	_ =	swait.ge @!p0 [sflag:s14], $0x11100  }
0x1a: {  	[sflag:s14] =	ssyncset.done @!p0 $0x0  }
0x1b: {  	s15 =	simm.s32 @!p0 $0x11100;
	[sflag:s14] =	ssyncadd.s32 @!p0 $0xFFFEEF00  }
0x1c: {  	[tilespmem:s15], [sflag:$0x1] =	stream.linear.gather @!p0 [hbm4b:s4+s13], $0x8880, $0x38;
	[tilespmem:$0x19B00] =	vst v63  }
0x1d: {  	_ =	swait.ge @!p0 [sflag:s14], $0x8880  }
0x1e: {  	[sflag:s14] =	ssyncset.done @!p0 $0x0  }
0x1f: {  	[sflag:s14] =	ssyncadd.s32 @!p0 $0xFFFF7780  }
0x20: {  	v1 =	vld [tilespmem:s9+$0xFFFFFFF0]  }
0x21: {  	s13 =	simm.s32 $0x11140;
	v2 =	vld [tilespmem:s9+$0x70]  }
0x22: {  	v8 =	vld [tilespmem:s13+$0x30];
	_ =	sdelay $0x3  }
0x23: {  	v5 =	vsub.f32 v2, v1;
	v1 =	vsub.f32 v1, v2  }
0x24: {  	v3 =	vld [tilespmem:s9+$0x0];
	vm0 =	veq.s32 v8, $0x0  }
0x25: {  	v4 =	vld [tilespmem:s9+$0xFFFFFF90];
	v6 =	vsel vm0, v5, v1  }
0x26: {  	v7 =	vld [tilespmem:s9+$0xFFFFFFA0];
	v5 =	vand.u32 $0x7FFFFFFF, v6  }
0x27: {  	v9 =	vld [tilespmem:s9+$0xFFFFFFB0];
	v5 =	vsub.f32 $0.0e+00, v5  }
0x28: {  	v10 =	vld [tilespmem:s9+$0x30]  }
0x29: {  	v11 =	vld [tilespmem:s9+$0xFFFFFFC0];
	v5 =	vmul.f32 $1.442695020e+00, v5  }
0x2a: {  	v12 =	vld [tilespmem:s9+$0x40]  }
0x2b: {  	v13 =	vld [tilespmem:s9+$0xFFFFFFD0];
	(erf) = vpow2.f32 v5  }
0x2c: {  	v2 =	vld [tilespmem:s9+$0x10]  }
0x2d: {  	v1 =	vld [tilespmem:s9+$0x20]  }
0x2e: {  	v14 =	vld [tilespmem:s9+$0xFFFFFFE0]  }
0x2f: {  	v15 =	vld [tilespmem:s9+$0x60]  }
0x30: {  	v18 =	vsub.f32 v10, v9;
	v9 =	vsub.f32 v9, v10;
	v10 =	vld [tilespmem:s13+$0xFFFFFFD0]  }
0x31: {  	v16 =	vsub.f32 v2, v4;
	v2 =	vsub.f32 v4, v2;
	v4 =	vld [tilespmem:s9+$0xFFFFFF80]  }
0x32: {  	v17 =	vsub.f32 v1, v7;
	v1 =	vsub.f32 v7, v1;
	v7 =	vld [tilespmem:s13+$0xFFFFFFC0]  }
0x33: {  	v19 =	vsub.f32 v12, v11;
	v5 =	vld [tilespmem:s9+$0x50]  }
0x34: {  	v11 =	vsub.f32 v11, v12;
	v12 =	vld [tilespmem:s13+$0xFFFFFFE0];
	v21 =	vsub.f32 v15, v14;
	v23 =	vpop (erf)  }
0x35: {  	v33 =	vimm.f32 $0.0e+00;
	v26 =	vld [tilespmem:s13+$0x0];
	v14 =	vsub.f32 v14, v15;
	v24 =	vadd.f32 $2.000000000e+00, v23  }
0x36: {  	v32 =	vimm.f32 $0.0e+00;
	v22 =	vsub.f32 v3, v4;
	v3 =	vsub.f32 v4, v3;
	v4 =	vld [tilespmem:s13+$0x10]  }
0x37: {  	v15 =	vld [tilespmem:s13+$0x20];
	vm1 =	veq.s32 v10, $0x0;
	vm0 =	veq.s32 v7, $0x0;
	(erf) = vrcp.f32 v24  }
0x38: {  	v2 =	vsel vm1, v16, v2;
	v20 =	vsub.f32 v5, v13;
	v3 =	vsel vm0, v22, v3  }
0x39: {  	v5 =	vsub.f32 v13, v5;
	v13 =	vld [tilespmem:s13+$0xFFFFFFF0];
	vm0 =	veq.s32 v12, $0x0;
	v16 =	vand.u32 $0x7FFFFFFF, v3  }
0x3a: {  	v1 =	vsel vm0, v17, v1;
	vm0 =	veq.s32 v26, $0x0;
	v17 =	vand.u32 $0x7FFFFFFF, v2  }
0x3b: {  	v11 =	vsel vm0, v19, v11;
	vm0 =	veq.s32 v4, $0x0;
	v16 =	vsub.f32 $0.0e+00, v16  }
0x3c: {  	v17 =	vsub.f32 $0.0e+00, v17;
	v5 =	vsel vm0, v20, v5;
	vm0 =	veq.s32 v15, $0x0  }
0x3d: {  	v20 =	vand.u32 $0x7FFFFFFF, v11;
	v14 =	vsel vm0, v21, v14;
	v16 =	vmul.f32 $1.442695020e+00, v16  }
0x3e: {  	v20 =	vsub.f32 $0.0e+00, v20;
	v21 =	vand.u32 $0x7FFFFFFF, v5;
	vm1 =	veq.s32 v13, $0x0  }
0x3f: {  	v17 =	vmul.f32 $1.442695020e+00, v17;
	v9 =	vsel vm1, v18, v9;
	v18 =	vand.u32 $0x7FFFFFFF, v1  }
0x40: {  	v20 =	vmul.f32 $1.442695020e+00, v20;
	v19 =	vand.u32 $0x7FFFFFFF, v9;
	v18 =	vsub.f32 $0.0e+00, v18;
	v22 =	vpop (erf)  }
0x41: {  	v19 =	vsub.f32 $0.0e+00, v19;
	(erf) = vpow2.f32 v16;
	v27 =	vmul.f32 v22, v23  }
0x42: {  	v21 =	vsub.f32 $0.0e+00, v21;
	v18 =	vmul.f32 $1.442695020e+00, v18;
	(erf) = vpow2.f32 v17  }
0x43: {  	v24 =	vand.u32 $0x7FFFFFFF, v14;
	v19 =	vmul.f32 $1.442695020e+00, v19;
	v17 =	vmul.f32 v27, v27  }
0x44: {  	v21 =	vmul.f32 $1.442695020e+00, v21;
	v16 =	vsub.f32 $0.0e+00, v24;
	(erf) = vpow2.f32 v18  }
0x45: {  	vm1 =	vgt.s32 v7, $0x0;
	(erf) = vpow2.f32 v19;
	v7 =	vmul.f32 $1.111111120e-01, v17  }
0x46: {  	v31 =	vimm.f32 $0.0e+00;
	v16 =	vmul.f32 $1.442695020e+00, v16;
	(erf) = vpow2.f32 v20  }
0x47: {  	(erf) = vpow2.f32 v21;
	v23 =	vmax.f32 v2, $0.0e+00;
	v2 =	vadd.f32 $1.428571490e-01, v7  }
0x48: {  	vm3 =	vgt.s32 v26, $0x0;
	vm7 =	vgt.s32 v8, $0x0;
	(erf) = vpow2.f32 v16  }
0x49: {  	vm6 =	vgt.s32 v12, $0x0;
	v24 =	vmax.f32 v1, $0.0e+00;
	v1 =	vmul.f32 v2, v17  }
0x4a: {  	vm4 =	vgt.s32 v15, $0x0;
	vm2 =	vgt.s32 v4, $0x0;
	vm0 =	vgt.s32 v10, $0x0  }
0x4b: {  	vm5 =	vgt.s32 v13, $0x0;
	v25 =	vmax.f32 v9, $0.0e+00;
	v7 =	vpop (erf);
	v1 =	vadd.f32 $2.000000030e-01, v1  }
0x4c: {  	v19 =	vmax.f32 v14, $0.0e+00;
	v20 =	vmax.f32 v5, $0.0e+00;
	v2 =	vadd.f32 $2.000000000e+00, v7;
	v10 =	vpop (erf)  }
0x4d: {  	v21 =	vmax.f32 v11, $0.0e+00;
	v4 =	vadd.f32 $2.000000000e+00, v10;
	v11 =	vpop (erf);
	v1 =	vmul.f32 v1, v17  }
0x4e: {  	v22 =	vmax.f32 v3, $0.0e+00;
	v5 =	vadd.f32 $2.000000000e+00, v11;
	(erf) = vrcp.f32 v2;
	v12 =	vpop (erf)  }
0x4f: {  	v9 =	vadd.f32 $2.000000000e+00, v12;
	(erf) = vrcp.f32 v4;
	v13 =	vpop (erf);
	v1 =	vadd.f32 $3.333333430e-01, v1  }
0x50: {  	v3 =	vsel vm1, $0x3F800000, v0;
	v4 =	vadd.f32 $2.000000000e+00, v13;
	(erf) = vrcp.f32 v5;
	v14 =	vpop (erf)  }
0x51: {  	v15 =	vadd.f32 $2.000000000e+00, v14;
	(erf) = vrcp.f32 v9;
	v16 =	vpop (erf);
	v1 =	vmul.f32 v1, v17  }
0x52: {  	v5 =	vsel vm6, $0x3F800000, v0;
	v9 =	vadd.f32 $2.000000000e+00, v16;
	(erf) = vrcp.f32 v4  }
0x53: {  	v17 =	vsel vm3, $0x3F800000, v0;
	(erf) = vrcp.f32 v15;
	v18 =	vadd.f32 $1.000000000e+00, v1  }
0x54: {  	v15 =	vadd.f32 v27, v27;
	(erf) = vrcp.f32 v9;
	v1 =	vadd.f32 v3, v0  }
0x55: {  	v3 =	vadd.f32 v5, v0;
	v5 =	vadd.f32 v17, v0;
	v17 =	vmax.f32 v6, $0.0e+00  }
0x56: {  	v26 =	vsel vm4, $0x3F800000, v0;
	v2 =	vsel vm0, $0x3F800000, v0;
	v15 =	vmul.f32 v18, v15  }
0x57: {  	v2 =	vadd.f32 v2, v0;
	v4 =	vsel vm5, $0x3F800000, v0;
	v9 =	vsel vm2, $0x3F800000, v0;
	v18 =	vpop (erf)  }
0x58: {  	v6 =	vadd.f32 v9, v0;
	v9 =	vadd.f32 v15, v17;
	v15 =	vmul.f32 v18, v7;
	v17 =	vpop (erf)  }
0x59: {  	v4 =	vadd.f32 v4, v0;
	v7 =	vadd.f32 v26, v0;
	v10 =	vmul.f32 v17, v10;
	v8 =	vpop (erf)  }
0x5a: {  	v17 =	vnsel vm7, $0x0, v9;
	v18 =	vmul.f32 v15, v15;
	v11 =	vmul.f32 v8, v11;
	v26 =	vpop (erf)  }
0x5b: {  	v8 =	vadd.f32 v17, v0;
	v34 =	vadd.f32 v15, v15;
	v12 =	vmul.f32 v26, v12  }
0x5c: {  	v17 =	vmul.f32 v10, v10;
	v26 =	vpop (erf);
	v36 =	vadd.f32 v10, v10;
	v15 =	vmul.f32 v11, v11  }
0x5d: {  	v13 =	vmul.f32 v26, v13;
	v26 =	vpop (erf);
	v35 =	vadd.f32 v11, v11;
	v27 =	vmul.f32 v12, v12  }
0x5e: {  	v10 =	vmul.f32 v26, v14;
	v14 =	vpop (erf);
	v37 =	vadd.f32 v12, v12;
	v12 =	vmul.f32 $1.111111120e-01, v18  }
0x5f: {  	v11 =	vmul.f32 v13, v13;
	v40 =	vmul.f32 v14, v16;
	v38 =	vadd.f32 v13, v13  }
0x60: {  	v13 =	vmul.f32 $1.111111120e-01, v17;
	v14 =	vmul.f32 v10, v10;
	v39 =	vadd.f32 v10, v10  }
0x61: {  	v10 =	vmul.f32 $1.111111120e-01, v15;
	v16 =	vmul.f32 $1.111111120e-01, v27;
	v12 =	vadd.f32 $1.428571490e-01, v12  }
0x62: {  	v41 =	vmul.f32 v40, v40;
	v13 =	vadd.f32 $1.428571490e-01, v13;
	v26 =	vmul.f32 $1.111111120e-01, v11  }
0x63: {  	v28 =	vmul.f32 $1.111111120e-01, v14;
	v10 =	vadd.f32 $1.428571490e-01, v10;
	v16 =	vadd.f32 $1.428571490e-01, v16  }
0x64: {  	v12 =	vmul.f32 v12, v18;
	v29 =	vmul.f32 $1.111111120e-01, v41;
	v26 =	vadd.f32 $1.428571490e-01, v26  }
0x65: {  	v13 =	vmul.f32 v13, v17;
	v28 =	vadd.f32 $1.428571490e-01, v28;
	v10 =	vmul.f32 v10, v15  }
0x66: {  	v12 =	vadd.f32 $2.000000030e-01, v12;
	v16 =	vmul.f32 v16, v27;
	v29 =	vadd.f32 $1.428571490e-01, v29  }
0x67: {  	v26 =	vmul.f32 v26, v11;
	v13 =	vadd.f32 $2.000000030e-01, v13;
	v28 =	vmul.f32 v28, v14  }
0x68: {  	v10 =	vadd.f32 $2.000000030e-01, v10;
	v16 =	vadd.f32 $2.000000030e-01, v16;
	v12 =	vmul.f32 v12, v18  }
0x69: {  	v29 =	vmul.f32 v29, v41;
	v13 =	vmul.f32 v13, v17;
	v26 =	vadd.f32 $2.000000030e-01, v26  }
0x6a: {  	v28 =	vadd.f32 $2.000000030e-01, v28;
	v10 =	vmul.f32 v10, v15;
	v16 =	vmul.f32 v16, v27  }
0x6b: {  	v12 =	vadd.f32 $3.333333430e-01, v12;
	v29 =	vadd.f32 $2.000000030e-01, v29;
	v26 =	vmul.f32 v26, v11  }
0x6c: {  	v13 =	vadd.f32 $3.333333430e-01, v13;
	v28 =	vmul.f32 v28, v14;
	v30 =	vadd.f32 $3.333333430e-01, v10  }
0x6d: {  	v12 =	vmul.f32 v12, v18;
	v16 =	vadd.f32 $3.333333430e-01, v16;
	v10 =	vsel vm7, $0x3F800000, v0  }
0x6e: {  	v29 =	vmul.f32 v29, v41;
	v18 =	vadd.f32 $3.333333430e-01, v26;
	v13 =	vmul.f32 v13, v17  }
0x6f: {  	s31 =	rddreg [dreg:$0x4];
	v26 =	vimm.f32 $0.0e+00;
	v17 =	vadd.f32 $3.333333430e-01, v28;
	v43 =	vadd.f32 $1.000000000e+00, v12  }
0x70: {  	p1 =	sgt.u32 s31, $0x0;
	v47 =	vmul.f32 v30, v15;
	v48 =	vmul.f32 v16, v27;
	v16 =	vimm.f32 $0.0e+00  }
.Ltmp0:
0x71: {  	v15 =	vimm.f32 $0.0e+00;
	v12 =	vimm.f32 $0.0e+00;
	v30 =	vimm.f32 $0.0e+00;
	(pc) =	sbr.rel @!p1 .LBB2_3-.Ltmp0, $4  }
0x72: {  	v28 =	vimm.f32 $0.0e+00;
	v27 =	vimm.f32 $0.0e+00;
	v44 =	vadd.f32 $3.333333430e-01, v29  }
0x73: {  	v42 =	vadd.f32 $1.000000000e+00, v13;
	v45 =	vmul.f32 v18, v11;
	v18 =	vimm.f32 $0.0e+00  }
0x74: {  	v11 =	vimm.f32 $0.0e+00;
	v29 =	vimm.f32 $0.0e+00;
	v13 =	vimm.f32 $0.0e+00  }
0x75: {  	s15 =	simm.s32 $0x180;
	s14 =	simm.s32 $0x0;
	v46 =	vmul.f32 v17, v14;
	v17 =	vimm.f32 $0.0e+00;
	v14 =	vimm.f32 $0.0e+00  }
.LBB2_2:
0x76: {  	v49 =	vld [tilespmem:s15+$0xFFFFFFF0]  }
0x77: {  	v53 =	vld [tilespmem:s15+$0x70];
	s13 =	sadd.s32 $0x80, s13;
	v40 =	vadd.f32 v40, v40;
	v47 =	vadd.f32 $1.000000000e+00, v47  }
0x78: {  	v48 =	vadd.f32 $1.000000000e+00, v48;
	v41 =	vmul.f32 v44, v41;
	v43 =	vmul.f32 v43, v34;
	v34 =	vld [tilespmem:s13+$0x30]  }
0x79: {  	v45 =	vadd.f32 $1.000000000e+00, v45;
	v46 =	vadd.f32 $1.000000000e+00, v46;
	v35 =	vmul.f32 v47, v35  }
0x7a: {  	v36 =	vmul.f32 v42, v36;
	v41 =	vadd.f32 $1.000000000e+00, v41;
	v22 =	vadd.f32 v43, v22  }
0x7b: {  	v54 =	vld [tilespmem:s15+$0xFFFFFF90];
	v37 =	vmul.f32 v48, v37;
	v55 =	vmul.f32 v46, v39;
	v39 =	vadd.f32 v35, v24  }
0x7c: {  	v56 =	vld [tilespmem:s15+$0x10];
	v38 =	vmul.f32 v45, v38;
	v57 =	vsub.f32 v53, v49;
	v58 =	vsub.f32 v49, v53  }
0x7d: {  	v60 =	vld [tilespmem:s15+$0x20];
	v24 =	vmul.f32 v41, v40;
	v59 =	vnsel vm1, $0x0, v22;
	vm1 =	veq.s32 v34, $0x0  }
0x7e: {  	v63 =	vld [tilespmem:s15+$0xFFFFFFC0];
	v23 =	vadd.f32 v36, v23;
	v36 =	vadd.f32 v37, v25;
	v35 =	vsel vm1, v57, v58  }
0x7f: {  	v42 =	vld [tilespmem:s15+$0x0];
	v40 =	vadd.f32 v38, v21;
	v38 =	vadd.f32 v24, v19;
	v24 =	vand.u32 $0x7FFFFFFF, v35  }
0x80: {  	v37 =	vadd.f32 v55, v20;
	v20 =	vld [tilespmem:s15+$0xFFFFFFB0];
	v24 =	vsub.f32 $0.0e+00, v24  }
0x81: {  	v19 =	vld [tilespmem:s15+$0x30]  }
0x82: {  	v26 =	vadd.f32 v9, v26;
	v13 =	vadd.f32 v10, v13;
	v25 =	vld [tilespmem:s15+$0xFFFFFFA0];
	v24 =	vmul.f32 $1.442695020e+00, v24  }
0x83: {  	v21 =	vnsel vm0, $0x0, v23;
	v48 =	vsub.f32 v56, v54;
	v43 =	vsub.f32 v54, v56;
	v54 =	vld [tilespmem:s15+$0x50]  }
0x84: {  	v33 =	vadd.f32 v22, v33;
	v18 =	vadd.f32 v59, v18;
	v59 =	vld [tilespmem:s15+$0xFFFFFF80];
	(erf) = vpow2.f32 v24  }
0x85: {  	v32 =	vadd.f32 v23, v32;
	v17 =	vadd.f32 v21, v17;
	v57 =	vld [tilespmem:s15+$0x40]  }
0x86: {  	v21 =	vsub.f32 v19, v20;
	v19 =	vsub.f32 v20, v19;
	v20 =	vld [tilespmem:s15+$0xFFFFFFE0]  }
0x87: {  	v61 =	vnsel vm6, $0x0, v39;
	v62 =	vnsel vm5, $0x0, v36;
	v31 =	vadd.f32 v39, v31;
	v24 =	vld [tilespmem:s15+$0x60]  }
0x88: {  	v58 =	vld [tilespmem:s15+$0xFFFFFFD0];
	v16 =	vadd.f32 v61, v16;
	v15 =	vadd.f32 v62, v15  }
0x89: {  	v51 =	vnsel vm2, $0x0, v37;
	v62 =	vld [tilespmem:s13+$0xFFFFFFC0];
	v53 =	vsub.f32 v60, v25;
	v25 =	vsub.f32 v25, v60  }
0x8a: {  	v52 =	vnsel vm4, $0x0, v38;
	v60 =	vsub.f32 v57, v63;
	v61 =	vsub.f32 v63, v57;
	v63 =	vld [tilespmem:s13+$0xFFFFFFD0]  }
0x8b: {  	v11 =	vadd.f32 v51, v11;
	v51 =	vld [tilespmem:s13+$0xFFFFFFE0];
	v12 =	vadd.f32 v52, v12  }
0x8c: {  	vm7 =	vgt.s32 v34, $0x0;
	v52 =	vld [tilespmem:s13+$0xFFFFFFF0];
	v41 =	vsub.f32 v59, v42;
	v22 =	vsub.f32 v24, v20  }
0x8d: {  	v50 =	vnsel vm3, $0x0, v40;
	v20 =	vsub.f32 v20, v24;
	v24 =	vsub.f32 v42, v59;
	v42 =	vld [tilespmem:s13+$0x0];
	v49 =	vpop (erf)  }
0x8e: {  	v46 =	vld [tilespmem:s13+$0x10];
	v56 =	vsub.f32 v54, v58;
	vm0 =	veq.s32 v62, $0x0;
	v57 =	vadd.f32 $2.000000000e+00, v49  }
0x8f: {  	v47 =	vsub.f32 v58, v54;
	vm2 =	veq.s32 v63, $0x0;
	v23 =	vsel vm0, v24, v41;
	v41 =	vld [tilespmem:s13+$0x20]  }
0x90: {  	v24 =	vsel vm2, v48, v43;
	vm2 =	veq.s32 v51, $0x0;
	(erf) = vrcp.f32 v57  }
0x91: {  	vm1 =	vgt.s32 v62, $0x0;
	v25 =	vsel vm2, v53, v25;
	vm2 =	veq.s32 v52, $0x0  }
0x92: {  	v58 =	vand.u32 $0x7FFFFFFF, v23;
	v19 =	vsel vm2, v21, v19;
	vm2 =	veq.s32 v42, $0x0  }
0x93: {  	v21 =	vand.u32 $0x7FFFFFFF, v24;
	v43 =	vsel vm2, v60, v61;
	vm2 =	veq.s32 v46, $0x0  }
0x94: {  	v59 =	vand.u32 $0x7FFFFFFF, v25;
	v45 =	vsel vm2, v56, v47;
	vm2 =	veq.s32 v41, $0x0  }
0x95: {  	v44 =	vsub.f32 $0.0e+00, v59;
	v53 =	vsel vm2, v22, v20;
	v20 =	vsub.f32 $0.0e+00, v58  }
0x96: {  	vm0 =	vgt.s32 v63, $0x0;
	v21 =	vsub.f32 $0.0e+00, v21;
	v60 =	vand.u32 $0x7FFFFFFF, v19  }
0x97: {  	v61 =	vand.u32 $0x7FFFFFFF, v43;
	v57 =	vsub.f32 $0.0e+00, v60;
	v44 =	vmul.f32 $1.442695020e+00, v44  }
0x98: {  	v62 =	vand.u32 $0x7FFFFFFF, v45;
	v60 =	vsub.f32 $0.0e+00, v61;
	v61 =	vmul.f32 $1.442695020e+00, v21  }
0x99: {  	v63 =	vand.u32 $0x7FFFFFFF, v53;
	v21 =	vsub.f32 $0.0e+00, v62;
	v55 =	vmul.f32 $1.442695020e+00, v20;
	v20 =	vpop (erf)  }
0x9a: {  	v62 =	vsub.f32 $0.0e+00, v63;
	v63 =	vmul.f32 $1.442695020e+00, v57;
	v49 =	vmul.f32 v20, v49  }
0x9b: {  	v30 =	vadd.f32 v36, v30;
	v56 =	vmul.f32 $1.442695020e+00, v21;
	(erf) = vpow2.f32 v55  }
0x9c: {  	v21 =	vmax.f32 v43, $0.0e+00;
	(erf) = vpow2.f32 v61;
	v43 =	vmul.f32 v49, v49  }
0x9d: {  	v28 =	vadd.f32 v40, v28;
	v47 =	vmul.f32 $1.442695020e+00, v60;
	(erf) = vpow2.f32 v44  }
0x9e: {  	v27 =	vadd.f32 v37, v27;
	(erf) = vpow2.f32 v63;
	v55 =	vmul.f32 $1.111111120e-01, v43  }
0x9f: {  	v14 =	vadd.f32 v50, v14;
	v29 =	vadd.f32 v38, v29;
	(erf) = vpow2.f32 v47  }
0xa0: {  	vm3 =	vgt.s32 v42, $0x0;
	v48 =	vmul.f32 $1.442695020e+00, v62;
	v42 =	vadd.f32 $1.428571490e-01, v55  }
0xa1: {  	vm6 =	vgt.s32 v51, $0x0;
	vm5 =	vgt.s32 v52, $0x0;
	(erf) = vpow2.f32 v56  }
0xa2: {  	vm4 =	vgt.s32 v41, $0x0;
	(erf) = vpow2.f32 v48;
	v57 =	vmul.f32 v42, v43  }
0xa3: {  	v41 =	vsel vm1, $0x3F800000, v0;
	v22 =	vmax.f32 v23, $0.0e+00;
	v23 =	vmax.f32 v24, $0.0e+00  }
0xa4: {  	v24 =	vmax.f32 v25, $0.0e+00;
	v25 =	vmax.f32 v19, $0.0e+00;
	v58 =	vadd.f32 $2.000000030e-01, v57;
	v42 =	vpop (erf)  }
0xa5: {  	vm2 =	vgt.s32 v46, $0x0;
	v46 =	vsel vm5, $0x3F800000, v0;
	v59 =	vadd.f32 $2.000000000e+00, v42;
	v51 =	vpop (erf)  }
0xa6: {  	v50 =	vsel vm4, $0x3F800000, v0;
	v60 =	vadd.f32 $2.000000000e+00, v51;
	v39 =	vmul.f32 v58, v43;
	v52 =	vpop (erf)  }
0xa7: {  	v1 =	vadd.f32 v41, v1;
	v61 =	vadd.f32 $2.000000000e+00, v52;
	(erf) = vrcp.f32 v59;
	v36 =	vpop (erf)  }
0xa8: {  	v62 =	vadd.f32 $2.000000000e+00, v36;
	v39 =	vadd.f32 $3.333333430e-01, v39;
	(erf) = vrcp.f32 v60;
	v40 =	vpop (erf)  }
0xa9: {  	v4 =	vadd.f32 v46, v4;
	v63 =	vadd.f32 $2.000000000e+00, v40;
	(erf) = vrcp.f32 v61  }
0xaa: {  	v7 =	vadd.f32 v50, v7;
	v54 =	vpop (erf);
	v39 =	vmul.f32 v39, v43;
	(erf) = vrcp.f32 v62  }
0xab: {  	v56 =	vadd.f32 v49, v49;
	v9 =	vadd.f32 $2.000000000e+00, v54;
	v38 =	vpop (erf);
	(erf) = vrcp.f32 v63  }
0xac: {  	v19 =	vmax.f32 v53, $0.0e+00;
	v55 =	vadd.f32 $2.000000000e+00, v38;
	v39 =	vadd.f32 $1.000000000e+00, v39  }
0xad: {  	v20 =	vmax.f32 v45, $0.0e+00;
	v45 =	vsel vm6, $0x3F800000, v0;
	(erf) = vrcp.f32 v9  }
0xae: {  	v44 =	vsel vm0, $0x3F800000, v0;
	(erf) = vrcp.f32 v55;
	v9 =	vmul.f32 v39, v56  }
0xaf: {  	v3 =	vadd.f32 v45, v3;
	v2 =	vadd.f32 v44, v2;
	v57 =	vmax.f32 v35, $0.0e+00  }
0xb0: {  	v47 =	vsel vm3, $0x3F800000, v0;
	v48 =	vsel vm2, $0x3F800000, v0;
	v9 =	vadd.f32 v9, v57;
	v58 =	vpop (erf)  }
0xb1: {  	v5 =	vadd.f32 v47, v5;
	v6 =	vadd.f32 v48, v6;
	v59 =	vmul.f32 v58, v42;
	v10 =	vpop (erf)  }
0xb2: {  	v60 =	vmul.f32 v10, v51;
	v34 =	vnsel vm7, $0x0, v9;
	v10 =	vsel vm7, $0x3F800000, v0;
	v61 =	vpop (erf)  }
0xb3: {  	v42 =	vmul.f32 v59, v59;
	v41 =	vmul.f32 v61, v52;
	v8 =	vadd.f32 v34, v8;
	v62 =	vpop (erf)  }
0xb4: {  	v34 =	vadd.f32 v59, v59;
	v63 =	vmul.f32 v60, v60;
	v43 =	vmul.f32 v62, v36;
	v51 =	vpop (erf)  }
0xb5: {  	v36 =	vadd.f32 v60, v60;
	v45 =	vmul.f32 v41, v41;
	v52 =	vmul.f32 v51, v40  }
0xb6: {  	v53 =	vpop (erf);
	v35 =	vadd.f32 v41, v41;
	v56 =	vmul.f32 $1.111111120e-01, v42;
	v46 =	vmul.f32 v43, v43  }
0xb7: {  	v54 =	vmul.f32 v53, v54;
	v55 =	vpop (erf);
	v37 =	vadd.f32 v43, v43;
	v57 =	vmul.f32 $1.111111120e-01, v63  }
0xb8: {  	v49 =	vmul.f32 v52, v52;
	v40 =	vmul.f32 v55, v38;
	v38 =	vadd.f32 v52, v52  }
0xb9: {  	v43 =	vadd.f32 $1.428571490e-01, v56;
	v58 =	vmul.f32 $1.111111120e-01, v45;
	v50 =	vmul.f32 v54, v54  }
0xba: {  	v39 =	vadd.f32 v54, v54;
	v59 =	vmul.f32 $1.111111120e-01, v46;
	v47 =	vadd.f32 $1.428571490e-01, v57  }
0xbb: {  	v41 =	vmul.f32 v40, v40;
	v60 =	vmul.f32 $1.111111120e-01, v49;
	v48 =	vadd.f32 $1.428571490e-01, v58  }
0xbc: {  	v43 =	vmul.f32 v43, v42;
	v61 =	vmul.f32 $1.111111120e-01, v50;
	v51 =	vadd.f32 $1.428571490e-01, v59  }
0xbd: {  	v47 =	vmul.f32 v47, v63;
	v62 =	vmul.f32 $1.111111120e-01, v41;
	v52 =	vadd.f32 $1.428571490e-01, v60  }
0xbe: {  	v48 =	vmul.f32 v48, v45;
	v43 =	vadd.f32 $2.000000030e-01, v43;
	v53 =	vadd.f32 $1.428571490e-01, v61  }
0xbf: {  	v51 =	vmul.f32 v51, v46;
	v47 =	vadd.f32 $2.000000030e-01, v47;
	v54 =	vadd.f32 $1.428571490e-01, v62  }
0xc0: {  	v52 =	vmul.f32 v52, v49;
	v43 =	vmul.f32 v43, v42;
	v48 =	vadd.f32 $2.000000030e-01, v48  }
0xc1: {  	v53 =	vmul.f32 v53, v50;
	v51 =	vadd.f32 $2.000000030e-01, v51;
	v47 =	vmul.f32 v47, v63  }
0xc2: {  	v54 =	vmul.f32 v54, v41;
	v52 =	vadd.f32 $2.000000030e-01, v52;
	v48 =	vmul.f32 v48, v45  }
0xc3: {  	s16 =	rddreg [dreg:$0x4];
	s14 =	sadd.s32 $0x1, s14;
	v43 =	vadd.f32 $3.333333430e-01, v43;
	v53 =	vadd.f32 $2.000000030e-01, v53;
	v51 =	vmul.f32 v51, v46  }
0xc4: {  	p1 =	slt.u32 s14, s16;
	v47 =	vadd.f32 $3.333333430e-01, v47;
	v54 =	vadd.f32 $2.000000030e-01, v54;
	v52 =	vmul.f32 v52, v49  }
.Ltmp1:
0xc5: {  	v48 =	vadd.f32 $3.333333430e-01, v48;
	v42 =	vmul.f32 v43, v42;
	v53 =	vmul.f32 v53, v50;
	(pc) =	sbr.rel @p1 .LBB2_2-.Ltmp1, $4  }
0xc6: {  	v51 =	vadd.f32 $3.333333430e-01, v51;
	v63 =	vmul.f32 v47, v63;
	v52 =	vadd.f32 $3.333333430e-01, v52  }
0xc7: {  	v54 =	vmul.f32 v54, v41;
	v43 =	vadd.f32 $1.000000000e+00, v42;
	v53 =	vadd.f32 $3.333333430e-01, v53  }
0xc8: {  	v47 =	vmul.f32 v48, v45;
	v48 =	vmul.f32 v51, v46;
	v42 =	vadd.f32 $1.000000000e+00, v63  }
0xc9: {  	s15 =	sadd.s32 $0x100, s15;
	v44 =	vadd.f32 $3.333333430e-01, v54;
	v45 =	vmul.f32 v52, v49;
	v46 =	vmul.f32 v53, v50  }
.LBB2_3:
0xca: {  	[tilespmem:$0x19A70] =	vst v8  }
0xcb: {  	[tilespmem:$0x19A80] =	vst v1  }
0xcc: {  	[tilespmem:$0x19A90] =	vst v2  }
0xcd: {  	v47 =	vadd.f32 $1.000000000e+00, v47;
	[tilespmem:$0x19AA0] =	vst v3  }
0xce: {  	v48 =	vadd.f32 $1.000000000e+00, v48;
	v34 =	vmul.f32 v43, v34;
	v40 =	vadd.f32 v40, v40;
	[tilespmem:$0x19AB0] =	vst v4  }
0xcf: {  	v36 =	vmul.f32 v42, v36;
	v9 =	vadd.f32 v9, v26;
	[tilespmem:$0x19AC0] =	vst v5;
	v1 =	vadd.f32 v10, v13  }
0xd0: {  	[tilespmem:$0x19AD0] =	vst v6;
	v52 =	vadd.f32 $1.000000000e+00, v45;
	v22 =	vadd.f32 v34, v22  }
0xd1: {  	[tilespmem:$0x19AE0] =	vst v7;
	v53 =	vadd.f32 $1.000000000e+00, v46;
	v23 =	vadd.f32 v36, v23  }
0xd2: {  	v54 =	vmul.f32 v47, v35;
	v37 =	vmul.f32 v48, v37;
	[tilespmem:$0x199F0] =	vst v9;
	v33 =	vadd.f32 v22, v33  }
0xd3: {  	[tilespmem:$0x19AF0] =	vst v1;
	v56 =	vmul.f32 v52, v38;
	v32 =	vadd.f32 v23, v32;
	v22 =	vnsel vm1, $0x0, v22  }
0xd4: {  	v24 =	vadd.f32 v54, v24;
	v23 =	vnsel vm0, $0x0, v23;
	v18 =	vadd.f32 v22, v18;
	[tilespmem:$0x19980] =	vst v33  }
0xd5: {  	v57 =	vmul.f32 v53, v39;
	v25 =	vadd.f32 v37, v25;
	v17 =	vadd.f32 v23, v17;
	[tilespmem:$0x19990] =	vst v32  }
0xd6: {  	v41 =	vmul.f32 v44, v41;
	v21 =	vadd.f32 v56, v21;
	v31 =	vadd.f32 v24, v31;
	[tilespmem:$0x19A00] =	vst v18  }
0xd7: {  	v20 =	vadd.f32 v57, v20;
	v30 =	vadd.f32 v25, v30;
	[tilespmem:$0x19A10] =	vst v17  }
0xd8: {  	v55 =	vadd.f32 $1.000000000e+00, v41;
	v28 =	vadd.f32 v21, v28;
	[tilespmem:$0x199A0] =	vst v31  }
0xd9: {  	v58 =	vnsel vm6, $0x0, v24;
	v27 =	vadd.f32 v20, v27;
	[tilespmem:$0x199B0] =	vst v30  }
0xda: {  	v35 =	vmul.f32 v55, v40;
	v59 =	vnsel vm5, $0x0, v25;
	v16 =	vadd.f32 v58, v16;
	[tilespmem:$0x199C0] =	vst v28  }
0xdb: {  	v60 =	vnsel vm3, $0x0, v21;
	v9 =	vadd.f32 v59, v15;
	[tilespmem:$0x199D0] =	vst v27  }
0xdc: {  	v19 =	vadd.f32 v35, v19;
	v61 =	vnsel vm2, $0x0, v20;
	v14 =	vadd.f32 v60, v14;
	[tilespmem:$0x19A20] =	vst v16  }
0xdd: {  	v11 =	vadd.f32 v61, v11;
	[tilespmem:$0x19A30] =	vst v9  }
0xde: {  	v29 =	vadd.f32 v19, v29;
	v62 =	vnsel vm4, $0x0, v19;
	[tilespmem:$0x19A40] =	vst v14  }
0xdf: {  	s2 =	sadd.s32 $0x1, s2;
	v63 =	vadd.f32 v62, v12;
	[tilespmem:$0x19A50] =	vst v11  }
0xe0: {  	p1 =	sne.s32 s2, s8;
	[tilespmem:$0x199E0] =	vst v29  }
.Ltmp2:
0xe1: {  	[tilespmem:$0x19A60] =	vst v63;
	(pc) =	sbr.rel @p1 .LBB2_1-.Ltmp2, $4  }
0xe2: {  	[hbm4b:s7+s9] =	stream.strided.scatter [tilespmem:s11], [sflag:$0x2], $0x180, s10, s9, $0x38;
	[tilespmem:$0x19B00] =	vst v63  }
0xe3: {  	_ =	swait.ge [sflag:s12], $0x180  }
0xe4: {  	[sflag:s12] =	ssyncset.done $0x0  }
0xe5: {  	[sflag:s12] =	ssyncadd.s32 $0xFFFFFE80  }
0xe6: {  	_ =	sfence.sel $0x180000  }
0xe7: {  	[bflag:$0x0] =	sbarrier.arrive $0xFFFF  }
0xe8: {  	p0 =	sne.s32 s0, $0x0;
	_ =	strace $0x9000004A  }
0xe9: {  	s0 =	sadd.s32 @!p0 $0x100000, s1;
	[bflag:$0x2] =	sbarrier.arrive $0xFFFF  }
0xea: {  	[sflag:s0] =	ssyncadd.tile.s32 @!p0 $0x1;
	_ =	shalt  }
.Lfunc_end2:
_tile_overlayer_lowered:
.L_overlay_start_2:
0xeb: {  	(tag) =	ssettag $0x2  }
0xec: {  	s0 =	rddreg [dreg:$0x0];
	s2 =	stileid.u32  }
0xed: {  	s1 =	rddreg [dreg:$0x1];
	p0 =	sne.s32 s2, $0x0  }
0xee: {  	s3 =	rddreg [dreg:$0x2];
	[bflag:$0x3] =	sbarrier.arrive $0xFFFF;
	s2 =	simm.s32 @!p0 $0x1C02  }
0xef: {  	[timem:s3], [sflag:s2] =	dma.local @!p0 [hbm:s0], s1  }
0xf0: {  	s0 =	simm.s32 @!p0 $0x2  }
0xf1: {  	_ =	swait.ge @!p0 [sflag:s0], s1  }
0xf2: {  	s1 =	ssub.s32 @!p0 $0x0, s1;
	[sflag:s0] =	ssyncset.done @!p0 $0x0  }
0xf3: {  	[sflag:s0] =	ssyncadd.s32 @!p0 s1  }
0xf4: {  	[bflag:$0x3] =	sbarrier.arrive $0xFFFF  }
0xf5: {  	_ =	shalt  }

</sc_bundles>
